<compile_context>
chip_gen: v7x
topology: tpu7x:2x2x1
jax: 0.10.2.dev20260603
libtpu: 0.0.44.dev20260713+nightly
codegen_flags: <defaults>
</compile_context>

<pallas_src>
import functools

import jax
import jax.numpy as jnp
from jax import lax
from jax.experimental import pallas as pl
from jax.experimental.pallas import tpu as pltpu
from jax.experimental.pallas import tpu_sc as plsc

N = 10000
E = 320000
G = 64
D = 128
NUM_LAYERS = 4

NC = 2
NS = 16
NW = NC * NS
FPT = D // NW
EPT = E // NW
CH = 3200
NCH = E // CH
UNR = 4
PCH = 2000
PNCH = EPT // PCH
NB = 2048
NBLK = -(-N // NB)

_mesh = plsc.VectorSubcoreMesh(core_axis_name="c", subcore_axis_name="s")
_sc_params = pltpu.CompilerParams(needs_layout_passes=False)


@functools.partial(
    pl.kernel,
    out_type=(jax.ShapeDtypeStruct((E,), jnp.int32),
              jax.ShapeDtypeStruct((NW * N,), jnp.float32)),
    mesh=_mesh,
    compiler_params=_sc_params,
    scratch_types=[pltpu.VMEM((N,), jnp.float32),
                   pltpu.VMEM((PCH,), jnp.int32),
                   pltpu.VMEM((PCH,), jnp.int32),
                   pltpu.VMEM((PCH,), jnp.int32)],
)
def _edge_prep(edge_hbm, packed_hbm, degp_hbm, deg, srcb, dstb, pkb):
    wid = lax.axis_index("s") * NC + lax.axis_index("c")
    zero16 = jnp.zeros((16,), jnp.float32)

    def zbody(i, c):
        deg[pl.ds(i * 16, 16)] = zero16
        return c

    lax.fori_loop(0, N // 16, zbody, 0)

    ones16 = jnp.full((16,), 1.0, jnp.float32)
    base = wid * EPT
    for ci in range(PNCH):
        off = base + ci * PCH
        pltpu.sync_copy(edge_hbm.at[pl.ds(off, PCH)], srcb)
        pltpu.sync_copy(edge_hbm.at[pl.ds(E + off, PCH)], dstb)

        def gbody(g, c):
            s = srcb[pl.ds(g * 16, 16)]
            d = dstb[pl.ds(g * 16, 16)]
            pkb[pl.ds(g * 16, 16)] = (s << 14) | d
            plsc.addupdate_scatter(deg, (d,), ones16)
            return c

        lax.fori_loop(0, PCH // 16, gbody, 0)
        pltpu.sync_copy(pkb, packed_hbm.at[pl.ds(off, PCH)])
    pltpu.sync_copy(deg, degp_hbm.at[pl.ds(wid * N, N)])


@functools.partial(
    pl.kernel,
    out_type=jax.ShapeDtypeStruct((D * N,), jnp.float32),
    mesh=_mesh,
    compiler_params=_sc_params,
    scratch_types=[pltpu.VMEM((2 * N,), jnp.int32),
                   pltpu.VMEM((FPT * N,), jnp.float32),
                   pltpu.VMEM((CH,), jnp.int32),
                   pltpu.VMEM((CH,), jnp.int32),
                   pltpu.SemaphoreType.DMA,
                   pltpu.SemaphoreType.DMA],
)
def _aggregate(utp_hbm, packed_hbm, acc_hbm, utp, acc, eb0, eb1, sem0, sem1):
    wid = lax.axis_index("s") * NC + lax.axis_index("c")
    pltpu.sync_copy(utp_hbm.at[pl.ds(wid * (2 * N), 2 * N)], utp)

    zero16 = jnp.zeros((16,), jnp.float32)

    def zbody(i, c):
        acc[pl.ds(i * 16, 16)] = zero16
        return c

    lax.fori_loop(0, FPT * N // 16, zbody, 0)

    ebs = (eb0, eb1)
    sems = (sem0, sem1)
    pltpu.async_copy(packed_hbm.at[pl.ds(0, CH)], eb0, sem0)
    pltpu.async_copy(packed_hbm.at[pl.ds(CH, CH)], eb1, sem1)

    himask = jnp.full((16,), -65536, jnp.int32)

    def process(eb):
        @plsc.parallel_loop(0, CH // 16, unroll=UNR)
        def _(g):
            w = eb[pl.ds(g * 16, 16)]
            s = w >> 14
            d = w & 16383
            for r in range(2):
                wv = plsc.load_gather(utp, (s + r * N,))
                hi = plsc.bitcast(wv & himask, jnp.float32)
                lo = plsc.bitcast(wv << 16, jnp.float32)
                plsc.addupdate_scatter(acc, (d + (2 * r) * N,), hi)
                plsc.addupdate_scatter(acc, (d + (2 * r + 1) * N,), lo)

    def cbody(c2, carry):
        for b in range(2):
            ci = c2 * 2 + b
            pltpu.make_async_copy(
                packed_hbm.at[pl.ds(ci * CH, CH)], ebs[b], sems[b]).wait()
            process(ebs[b])

            @pl.when(ci + 2 < NCH)
            def _():
                pltpu.async_copy(
                    packed_hbm.at[pl.ds((ci + 2) * CH, CH)], ebs[b], sems[b])
        return carry

    lax.fori_loop(0, NCH // 2, cbody, 0)
    for r in range(2):
        pltpu.sync_copy(acc.at[pl.ds((2 * r) * N, N)],
                        acc_hbm.at[pl.ds((2 * wid + r) * N, N)])
        pltpu.sync_copy(acc.at[pl.ds((2 * r + 1) * N, N)],
                        acc_hbm.at[pl.ds((2 * wid + r + 64) * N, N)])


def _dot(a, b, dims):
    return lax.dot_general(a, b, (dims, ((), ())),
                           preferred_element_type=jnp.float32)


def _pack_pairs(u):
    bits = lax.bitcast_convert_type(u.astype(jnp.bfloat16), jnp.uint16)
    hi = bits[: D // 2].astype(jnp.uint32)
    lo = bits[D // 2:].astype(jnp.uint32)
    return lax.bitcast_convert_type((hi << 16) | lo, jnp.int32)


def _prep_body(x_ref, wp_ref, bp_ref, wc0_ref, degp_ref, ut_ref, utp_ref,
               dis_ref):
    deg = jnp.sum(degp_ref[...], axis=0, keepdims=True) + 1.0
    dis = lax.rsqrt(deg)
    dis_ref[...] = dis
    h = jax.nn.relu(_dot(wp_ref[...], x_ref[...], ((0,), (1,))) + bp_ref[...])
    u = dis * _dot(wc0_ref[...], h, ((0,), (0,)))
    ut_ref[...] = u
    utp_ref[...] = _pack_pairs(u)


def _layer_body(acc_ref, ut_ref, dis_ref, bc_ref, wc_ref, out_ref, outp_ref):
    dis = dis_ref[...]
    h = jax.nn.relu(dis * (acc_ref[...] + ut_ref[...]) + bc_ref[...])
    u = dis * _dot(wc_ref[...], h, ((0,), (0,)))
    out_ref[...] = u
    outp_ref[...] = _pack_pairs(u)


def _final_body(acc_ref, ut_ref, dis_ref, bc_ref, batch_ref, wcls_ref,
                bcls_ref, out_ref, sums_ref, cnt_ref):
    i = pl.program_id(0)

    @pl.when(i == 0)
    def _():
        sums_ref[...] = jnp.zeros_like(sums_ref)
        cnt_ref[...] = jnp.zeros_like(cnt_ref)

    dis = dis_ref[...]
    h = jax.nn.relu(dis * (acc_ref[...] + ut_ref[...]) + bc_ref[...])
    gid = lax.broadcasted_iota(jnp.int32, (G, NB), 0)
    col = lax.broadcasted_iota(jnp.int32, (G, NB), 1) + i * NB
    sel = jnp.where((gid == batch_ref[...]) & (col < N), 1.0, 0.0)
    sums_ref[...] += _dot(sel, h, ((1,), (1,)))
    cnt_ref[...] += jnp.sum(sel, axis=1, keepdims=True)

    @pl.when(i == NBLK - 1)
    def _():
        pooled = sums_ref[...] / jnp.maximum(cnt_ref[...], 1.0)
        out_ref[...] = _dot(pooled, wcls_ref[...], ((1,), (0,))) + bcls_ref[...]


def _tc_prep(x, w_proj, b_proj, wc0, degp):
    return pl.pallas_call(
        _prep_body,
        grid=(NBLK,),
        in_specs=[
            pl.BlockSpec((NB, D), lambda i: (i, 0)),
            pl.BlockSpec((D, D), lambda i: (0, 0)),
            pl.BlockSpec((D, 1), lambda i: (0, 0)),
            pl.BlockSpec((D, D), lambda i: (0, 0)),
            pl.BlockSpec((NW, NB), lambda i: (0, i)),
        ],
        out_specs=[
            pl.BlockSpec((D, NB), lambda i: (0, i)),
            pl.BlockSpec((D // 2, NB), lambda i: (0, i)),
            pl.BlockSpec((1, NB), lambda i: (0, i)),
        ],
        out_shape=[
            jax.ShapeDtypeStruct((D, N), jnp.float32),
            jax.ShapeDtypeStruct((D // 2, N), jnp.int32),
            jax.ShapeDtypeStruct((1, N), jnp.float32),
        ],
    )(x, w_proj, b_proj, wc0, degp)


def _tc_layer(acc, ut, dis, bc, wc):
    return pl.pallas_call(
        _layer_body,
        grid=(NBLK,),
        in_specs=[
            pl.BlockSpec((D, NB), lambda i: (0, i)),
            pl.BlockSpec((D, NB), lambda i: (0, i)),
            pl.BlockSpec((1, NB), lambda i: (0, i)),
            pl.BlockSpec((D, 1), lambda i: (0, 0)),
            pl.BlockSpec((D, D), lambda i: (0, 0)),
        ],
        out_specs=[
            pl.BlockSpec((D, NB), lambda i: (0, i)),
            pl.BlockSpec((D // 2, NB), lambda i: (0, i)),
        ],
        out_shape=[
            jax.ShapeDtypeStruct((D, N), jnp.float32),
            jax.ShapeDtypeStruct((D // 2, N), jnp.int32),
        ],
    )(acc, ut, dis, bc, wc)


def _tc_final(acc, ut, dis, bc, batch, w_cls, b_cls):
    return pl.pallas_call(
        _final_body,
        grid=(NBLK,),
        in_specs=[
            pl.BlockSpec((D, NB), lambda i: (0, i)),
            pl.BlockSpec((D, NB), lambda i: (0, i)),
            pl.BlockSpec((1, NB), lambda i: (0, i)),
            pl.BlockSpec((D, 1), lambda i: (0, 0)),
            pl.BlockSpec((1, NB), lambda i: (0, i)),
            pl.BlockSpec((D, 10), lambda i: (0, 0)),
            pl.BlockSpec((1, 10), lambda i: (0, 0)),
        ],
        out_specs=pl.BlockSpec((G, 10), lambda i: (0, 0)),
        out_shape=jax.ShapeDtypeStruct((G, 10), jnp.float32),
        scratch_shapes=[pltpu.VMEM((G, D), jnp.float32),
                        pltpu.VMEM((G, 1), jnp.float32)],
    )(acc, ut, dis, bc, batch, w_cls, b_cls)


def kernel(x, edge_index, batch, W_proj, b_proj, Wc, bc, W_cls, b_cls):
    packed, degp = _edge_prep(edge_index.reshape(2 * E))
    degp = degp.reshape(NW, N)

    ut, utp, dis = _tc_prep(x, W_proj, b_proj.reshape(D, 1), Wc[0], degp)
    for i in range(NUM_LAYERS):
        acc = _aggregate(utp.reshape(D // 2 * N), packed).reshape(D, N)
        if i < NUM_LAYERS - 1:
            ut, utp = _tc_layer(acc, ut, dis, bc[i].reshape(D, 1), Wc[i + 1])
        else:
            out = _tc_final(acc, ut, dis, bc[i].reshape(D, 1),
                            batch.reshape(1, N), W_cls, b_cls.reshape(1, 10))
    return out

# --- scband reference (transcript-rebuilt; emitter-appended) ---
"""Pipeline reference for scband-cgnn-model-21165598835490 (READ-ONLY COPY).

The authoritative reference and input builder live on the scoring server;
editing this copy changes nothing except your own understanding.
"""

import jax, jax.numpy as jnp
import numpy as np

N = 10000
E = 320000
G = 64
D_IN = 128
D_H = 128
D_OUT = 10
NUM_LAYERS = 4


def gcn_conv(h, src, dst, norm, W, b):
    # PyG GCNConv: linear (no bias) -> normalized scatter-add aggregation -> add bias
    m = h @ W
    msg = m[src] * norm[:, None]
    out = jnp.zeros_like(m).at[dst].add(msg)
    return out + b


def setup_inputs(seed: int = 0):
    key = jax.random.key(seed)
    ks = jax.random.split(key, 12)
    x = jax.random.normal(ks[0], (N, D_IN), dtype=jnp.float32)
    edge_index = jax.random.randint(ks[1], (2, E), 0, N, dtype=jnp.int32)
    batch = jnp.sort(jax.random.randint(ks[2], (N,), 0, G, dtype=jnp.int32))
    s_in = 1.0 / np.sqrt(D_IN)
    s_h = 1.0 / np.sqrt(D_H)
    W_proj = jax.random.uniform(ks[3], (D_IN, D_H), jnp.float32, -s_in, s_in)
    b_proj = jax.random.uniform(ks[4], (D_H,), jnp.float32, -s_in, s_in)
    Wc = jax.random.uniform(ks[5], (NUM_LAYERS, D_H, D_H), jnp.float32, -s_h, s_h)
    bc = jnp.zeros((NUM_LAYERS, D_H), jnp.float32)
    W_cls = jax.random.uniform(ks[6], (D_H, D_OUT), jnp.float32, -s_h, s_h)
    b_cls = jax.random.uniform(ks[7], (D_OUT,), jnp.float32, -s_h, s_h)
    return {"x": x, "edge_index": edge_index, "batch": batch,
            "W_proj": W_proj, "b_proj": b_proj, "Wc": Wc, "bc": bc,
            "W_cls": W_cls, "b_cls": b_cls}


def reference(x, edge_index, batch, W_proj, b_proj, Wc, bc, W_cls, b_cls):
    src0, dst0 = edge_index[0], edge_index[1]
    loop = jnp.arange(N, dtype=edge_index.dtype)
    src = jnp.concatenate([src0, loop])
    dst = jnp.concatenate([dst0, loop])
    deg = jnp.zeros((N,), jnp.float32).at[dst].add(1.0)
    dis = jnp.where(deg > 0, jax.lax.rsqrt(jnp.maximum(deg, 1e-12)), 0.0)
    norm = dis[src] * dis[dst]
    h = jax.nn.relu(x @ W_proj + b_proj)
    for i in range(NUM_LAYERS):
        h = jax.nn.relu(gcn_conv(h, src, dst, norm, Wc[i], bc[i]))
    sums = jax.ops.segment_sum(h, batch, num_segments=G)
    cnt = jax.ops.segment_sum(jnp.ones((N, 1), jnp.float32), batch, num_segments=G)
    pooled = sums / jnp.maximum(cnt, 1.0)
    return pooled @ W_cls + b_cls

if __name__ == "__main__":
    import jax
    _d = setup_inputs()
    print(jax.jit(kernel)(*tuple(_d.values())))

</pallas_src>

<mosaic_0001>
#map = affine_map<(d0, d1) -> (0)>
module attributes {stable_mosaic.version = 14 : i64} {
  func.func @_edge_prep(%arg0: i32, %arg1: i32, %arg2: memref<640000xi32, #tpu.memory_space<hbm>>, %arg3: memref<320000xi32, #tpu.memory_space<hbm>>, %arg4: memref<320000xf32, #tpu.memory_space<hbm>>, %arg5: memref<10000xf32, #tpu.memory_space<vmem>>, %arg6: memref<2000xi32, #tpu.memory_space<vmem>>, %arg7: memref<2000xi32, #tpu.memory_space<vmem>>, %arg8: memref<2000xi32, #tpu.memory_space<vmem>>) attributes {dimension_semantics = [#tpu.dimension_semantics<core_parallel>, #tpu.dimension_semantics<subcore_parallel>], iteration_bounds = array<i64: 2, 16>, scalar_prefetch = 0 : i64, scratch_operands = 4 : i64, tpu.core_type = #tpu.core_type<sc_vector_subcore>, window_params = [{transform_indices = #map}, {transform_indices = #map}, {transform_indices = #map}]} {
    %mul3A = arith.constant 2 : i32
    %mul3A_0 = arith.muli %arg1, %mul3A : i32
    %add3A = arith.addi %mul3A_0, %arg0 : i32
    %broadcast_in_dim3A = arith.constant 0.000000e+00 : f32
    %broadcast_in_dim3A_1 = vector.broadcast %broadcast_in_dim3A : f32 to vector<16xf32>
    %scan3A = arith.constant 0 : i32
    %scan3A_2 = arith.constant 0 : i32
    %scan3A_3 = arith.constant 625 : i32
    %scan3A_4 = arith.addi %scan3A_2, %scan3A_3 : i32
    %scan3A_5 = arith.constant 1 : i32
    scf.for %scan3A_63 = %scan3A_2 to %scan3A_4 step %scan3A_5  : i32 {
      %mul3A_64 = arith.constant 16 : i32
      %mul3A_65 = arith.muli %scan3A_63, %mul3A_64 : i32
      %swap3A = arith.index_cast %mul3A_65 : i32 to index
      %swap3A_66 = tpu.vector_load %arg5[%swap3A] {strides = array<i32>} : memref<10000xf32, #tpu.memory_space<vmem>>, vector<16xf32>,
      tpu.vector_store %arg5[%swap3A], %broadcast_in_dim3A_1 {strides = array<i32>} : memref<10000xf32, #tpu.memory_space<vmem>>, vector<16xf32>,
    }
    %scan3A_6 = arith.constant 625 : i32
    %broadcast_in_dim3A_7 = arith.constant 1.000000e+00 : f32
    %broadcast_in_dim3A_8 = vector.broadcast %broadcast_in_dim3A_7 : f32 to vector<16xf32>
    %mul3A_9 = arith.constant 10000 : i32
    %mul3A_10 = arith.muli %add3A, %mul3A_9 : i32
    %add3A_11 = arith.constant 0 : i32
    %add3A_12 = arith.addi %mul3A_10, %add3A_11 : i32
    "tpu.region"() ({
      %run_scoped3A = tpu.sem_alloc : memref<!tpu.dma_semaphore, #tpu.memory_space<semaphore_mem>>
      %dma_start3A = tpu.memref_slice %arg2[%add3A_12] : memref<640000xi32, #tpu.memory_space<hbm>> -> memref<2000xi32, #tpu.memory_space<hbm>>
      %dma_start3A_63 = tpu.memref_slice %arg2[%add3A_12] : memref<640000xi32, #tpu.memory_space<hbm>> -> memref<2000xi32, #tpu.memory_space<hbm>>
      tpu.enqueue_dma source(%dma_start3A_63 : memref<2000xi32, #tpu.memory_space<hbm>>) target(%arg6 : memref<2000xi32, #tpu.memory_space<vmem>>) target_semaphore(%run_scoped3A : memref<!tpu.dma_semaphore, #tpu.memory_space<semaphore_mem>>)
      %dma_wait3A = tpu.memref_slice %arg2[%add3A_12] : memref<640000xi32, #tpu.memory_space<hbm>> -> memref<2000xi32, #tpu.memory_space<hbm>>
      %dma_wait3A_64 = tpu.memref_slice %arg2[%add3A_12] : memref<640000xi32, #tpu.memory_space<hbm>> -> memref<2000xi32, #tpu.memory_space<hbm>>
      tpu.wait_dma2 semaphore(%run_scoped3A : memref<!tpu.dma_semaphore, #tpu.memory_space<semaphore_mem>>) src(%dma_wait3A_64 : memref<2000xi32, #tpu.memory_space<hbm>>) dst(%arg6 : memref<2000xi32, #tpu.memory_space<vmem>>)
      tpu.yield
    }) : () -> ()
    %add3A_13 = arith.constant 320000 : i32
    %add3A_14 = arith.addi %add3A_13, %add3A_12 : i32
    "tpu.region"() ({
      %run_scoped3A = tpu.sem_alloc : memref<!tpu.dma_semaphore, #tpu.memory_space<semaphore_mem>>
      %dma_start3A = tpu.memref_slice %arg2[%add3A_14] : memref<640000xi32, #tpu.memory_space<hbm>> -> memref<2000xi32, #tpu.memory_space<hbm>>
      %dma_start3A_63 = tpu.memref_slice %arg2[%add3A_14] : memref<640000xi32, #tpu.memory_space<hbm>> -> memref<2000xi32, #tpu.memory_space<hbm>>
      tpu.enqueue_dma source(%dma_start3A_63 : memref<2000xi32, #tpu.memory_space<hbm>>) target(%arg7 : memref<2000xi32, #tpu.memory_space<vmem>>) target_semaphore(%run_scoped3A : memref<!tpu.dma_semaphore, #tpu.memory_space<semaphore_mem>>)
      %dma_wait3A = tpu.memref_slice %arg2[%add3A_14] : memref<640000xi32, #tpu.memory_space<hbm>> -> memref<2000xi32, #tpu.memory_space<hbm>>
      %dma_wait3A_64 = tpu.memref_slice %arg2[%add3A_14] : memref<640000xi32, #tpu.memory_space<hbm>> -> memref<2000xi32, #tpu.memory_space<hbm>>
      tpu.wait_dma2 semaphore(%run_scoped3A : memref<!tpu.dma_semaphore, #tpu.memory_space<semaphore_mem>>) src(%dma_wait3A_64 : memref<2000xi32, #tpu.memory_space<hbm>>) dst(%arg7 : memref<2000xi32, #tpu.memory_space<vmem>>)
      tpu.yield
    }) : () -> ()
    %scan3A_15 = arith.constant 0 : i32
    %scan3A_16 = arith.constant 0 : i32
    %scan3A_17 = arith.constant 125 : i32
    %scan3A_18 = arith.addi %scan3A_16, %scan3A_17 : i32
    %scan3A_19 = arith.constant 1 : i32
    scf.for %scan3A_63 = %scan3A_16 to %scan3A_18 step %scan3A_19  : i32 {
      %mul3A_64 = arith.constant 16 : i32
      %mul3A_65 = arith.muli %scan3A_63, %mul3A_64 : i32
      %get3A = arith.index_cast %mul3A_65 : i32 to index
      %get3A_66 = tpu.vector_load %arg6[%get3A] {strides = array<i32>} : memref<2000xi32, #tpu.memory_space<vmem>>, vector<16xi32>,
      %mul3A_67 = arith.constant 16 : i32
      %mul3A_68 = arith.muli %scan3A_63, %mul3A_67 : i32
      %get3A_69 = arith.index_cast %mul3A_68 : i32 to index
      %get3A_70 = tpu.vector_load %arg7[%get3A_69] {strides = array<i32>} : memref<2000xi32, #tpu.memory_space<vmem>>, vector<16xi32>,
      %shift_left3A = arith.constant 14 : i32
      %shift_left3A_71 = vector.broadcast %shift_left3A : i32 to vector<16xi32>
      %shift_left3A_72 = arith.shli %get3A_66, %shift_left3A_71 : vector<16xi32>
      %or3A = arith.ori %shift_left3A_72, %get3A_70 : vector<16xi32>
      %mul3A_73 = arith.constant 16 : i32
      %mul3A_74 = arith.muli %scan3A_63, %mul3A_73 : i32
      %swap3A = arith.index_cast %mul3A_74 : i32 to index
      %swap3A_75 = tpu.vector_load %arg8[%swap3A] {strides = array<i32>} : memref<2000xi32, #tpu.memory_space<vmem>>, vector<16xi32>,
      tpu.vector_store %arg8[%swap3A], %or3A {strides = array<i32>} : memref<2000xi32, #tpu.memory_space<vmem>>, vector<16xi32>,
      tpu.vector_store_idx %arg5[%get3A_70], %broadcast_in_dim3A_8 {add = true} : memref<10000xf32, #tpu.memory_space<vmem>>[vector<16xi32>], vector<16xf32>,
    }
    %scan3A_20 = arith.constant 125 : i32
    "tpu.region"() ({
      %run_scoped3A = tpu.sem_alloc : memref<!tpu.dma_semaphore, #tpu.memory_space<semaphore_mem>>
      %dma_start3A = tpu.memref_slice %arg3[%add3A_12] : memref<320000xi32, #tpu.memory_space<hbm>> -> memref<2000xi32, #tpu.memory_space<hbm>>
      %dma_start3A_63 = tpu.memref_slice %arg3[%add3A_12] : memref<320000xi32, #tpu.memory_space<hbm>> -> memref<2000xi32, #tpu.memory_space<hbm>>
      tpu.enqueue_dma source(%arg8 : memref<2000xi32, #tpu.memory_space<vmem>>) target(%dma_start3A_63 : memref<2000xi32, #tpu.memory_space<hbm>>) target_semaphore(%run_scoped3A : memref<!tpu.dma_semaphore, #tpu.memory_space<semaphore_mem>>)
      %dma_wait3A = tpu.memref_slice %arg3[%add3A_12] : memref<320000xi32, #tpu.memory_space<hbm>> -> memref<2000xi32, #tpu.memory_space<hbm>>
      %dma_wait3A_64 = tpu.memref_slice %arg3[%add3A_12] : memref<320000xi32, #tpu.memory_space<hbm>> -> memref<2000xi32, #tpu.memory_space<hbm>>
      tpu.wait_dma2 semaphore(%run_scoped3A : memref<!tpu.dma_semaphore, #tpu.memory_space<semaphore_mem>>) src(%arg8 : memref<2000xi32, #tpu.memory_space<vmem>>) dst(%dma_wait3A_64 : memref<2000xi32, #tpu.memory_space<hbm>>)
      tpu.yield
    }) : () -> ()
    %add3A_21 = arith.constant 2000 : i32
    %add3A_22 = arith.addi %mul3A_10, %add3A_21 : i32
    "tpu.region"() ({
      %run_scoped3A = tpu.sem_alloc : memref<!tpu.dma_semaphore, #tpu.memory_space<semaphore_mem>>
      %dma_start3A = tpu.memref_slice %arg2[%add3A_22] : memref<640000xi32, #tpu.memory_space<hbm>> -> memref<2000xi32, #tpu.memory_space<hbm>>
      %dma_start3A_63 = tpu.memref_slice %arg2[%add3A_22] : memref<640000xi32, #tpu.memory_space<hbm>> -> memref<2000xi32, #tpu.memory_space<hbm>>
      tpu.enqueue_dma source(%dma_start3A_63 : memref<2000xi32, #tpu.memory_space<hbm>>) target(%arg6 : memref<2000xi32, #tpu.memory_space<vmem>>) target_semaphore(%run_scoped3A : memref<!tpu.dma_semaphore, #tpu.memory_space<semaphore_mem>>)
      %dma_wait3A = tpu.memref_slice %arg2[%add3A_22] : memref<640000xi32, #tpu.memory_space<hbm>> -> memref<2000xi32, #tpu.memory_space<hbm>>
      %dma_wait3A_64 = tpu.memref_slice %arg2[%add3A_22] : memref<640000xi32, #tpu.memory_space<hbm>> -> memref<2000xi32, #tpu.memory_space<hbm>>
      tpu.wait_dma2 semaphore(%run_scoped3A : memref<!tpu.dma_semaphore, #tpu.memory_space<semaphore_mem>>) src(%dma_wait3A_64 : memref<2000xi32, #tpu.memory_space<hbm>>) dst(%arg6 : memref<2000xi32, #tpu.memory_space<vmem>>)
      tpu.yield
    }) : () -> ()
    %add3A_23 = arith.constant 320000 : i32
    %add3A_24 = arith.addi %add3A_23, %add3A_22 : i32
    "tpu.region"() ({
      %run_scoped3A = tpu.sem_alloc : memref<!tpu.dma_semaphore, #tpu.memory_space<semaphore_mem>>
      %dma_start3A = tpu.memref_slice %arg2[%add3A_24] : memref<640000xi32, #tpu.memory_space<hbm>> -> memref<2000xi32, #tpu.memory_space<hbm>>
      %dma_start3A_63 = tpu.memref_slice %arg2[%add3A_24] : memref<640000xi32, #tpu.memory_space<hbm>> -> memref<2000xi32, #tpu.memory_space<hbm>>
      tpu.enqueue_dma source(%dma_start3A_63 : memref<2000xi32, #tpu.memory_space<hbm>>) target(%arg7 : memref<2000xi32, #tpu.memory_space<vmem>>) target_semaphore(%run_scoped3A : memref<!tpu.dma_semaphore, #tpu.memory_space<semaphore_mem>>)
      %dma_wait3A = tpu.memref_slice %arg2[%add3A_24] : memref<640000xi32, #tpu.memory_space<hbm>> -> memref<2000xi32, #tpu.memory_space<hbm>>
      %dma_wait3A_64 = tpu.memref_slice %arg2[%add3A_24] : memref<640000xi32, #tpu.memory_space<hbm>> -> memref<2000xi32, #tpu.memory_space<hbm>>
      tpu.wait_dma2 semaphore(%run_scoped3A : memref<!tpu.dma_semaphore, #tpu.memory_space<semaphore_mem>>) src(%dma_wait3A_64 : memref<2000xi32, #tpu.memory_space<hbm>>) dst(%arg7 : memref<2000xi32, #tpu.memory_space<vmem>>)
      tpu.yield
    }) : () -> ()
    %scan3A_25 = arith.constant 0 : i32
    %scan3A_26 = arith.constant 0 : i32
    %scan3A_27 = arith.constant 125 : i32
    %scan3A_28 = arith.addi %scan3A_26, %scan3A_27 : i32
    %scan3A_29 = arith.constant 1 : i32
    scf.for %scan3A_63 = %scan3A_26 to %scan3A_28 step %scan3A_29  : i32 {
      %mul3A_64 = arith.constant 16 : i32
      %mul3A_65 = arith.muli %scan3A_63, %mul3A_64 : i32
      %get3A = arith.index_cast %mul3A_65 : i32 to index
      %get3A_66 = tpu.vector_load %arg6[%get3A] {strides = array<i32>} : memref<2000xi32, #tpu.memory_space<vmem>>, vector<16xi32>,
      %mul3A_67 = arith.constant 16 : i32
      %mul3A_68 = arith.muli %scan3A_63, %mul3A_67 : i32
      %get3A_69 = arith.index_cast %mul3A_68 : i32 to index
      %get3A_70 = tpu.vector_load %arg7[%get3A_69] {strides = array<i32>} : memref<2000xi32, #tpu.memory_space<vmem>>, vector<16xi32>,
      %shift_left3A = arith.constant 14 : i32
      %shift_left3A_71 = vector.broadcast %shift_left3A : i32 to vector<16xi32>
      %shift_left3A_72 = arith.shli %get3A_66, %shift_left3A_71 : vector<16xi32>
      %or3A = arith.ori %shift_left3A_72, %get3A_70 : vector<16xi32>
      %mul3A_73 = arith.constant 16 : i32
      %mul3A_74 = arith.muli %scan3A_63, %mul3A_73 : i32
      %swap3A = arith.index_cast %mul3A_74 : i32 to index
      %swap3A_75 = tpu.vector_load %arg8[%swap3A] {strides = array<i32>} : memref<2000xi32, #tpu.memory_space<vmem>>, vector<16xi32>,
      tpu.vector_store %arg8[%swap3A], %or3A {strides = array<i32>} : memref<2000xi32, #tpu.memory_space<vmem>>, vector<16xi32>,
      tpu.vector_store_idx %arg5[%get3A_70], %broadcast_in_dim3A_8 {add = true} : memref<10000xf32, #tpu.memory_space<vmem>>[vector<16xi32>], vector<16xf32>,
    }
    %scan3A_30 = arith.constant 125 : i32
    "tpu.region"() ({
      %run_scoped3A = tpu.sem_alloc : memref<!tpu.dma_semaphore, #tpu.memory_space<semaphore_mem>>
      %dma_start3A = tpu.memref_slice %arg3[%add3A_22] : memref<320000xi32, #tpu.memory_space<hbm>> -> memref<2000xi32, #tpu.memory_space<hbm>>
      %dma_start3A_63 = tpu.memref_slice %arg3[%add3A_22] : memref<320000xi32, #tpu.memory_space<hbm>> -> memref<2000xi32, #tpu.memory_space<hbm>>
      tpu.enqueue_dma source(%arg8 : memref<2000xi32, #tpu.memory_space<vmem>>) target(%dma_start3A_63 : memref<2000xi32, #tpu.memory_space<hbm>>) target_semaphore(%run_scoped3A : memref<!tpu.dma_semaphore, #tpu.memory_space<semaphore_mem>>)
      %dma_wait3A = tpu.memref_slice %arg3[%add3A_22] : memref<320000xi32, #tpu.memory_space<hbm>> -> memref<2000xi32, #tpu.memory_space<hbm>>
      %dma_wait3A_64 = tpu.memref_slice %arg3[%add3A_22] : memref<320000xi32, #tpu.memory_space<hbm>> -> memref<2000xi32, #tpu.memory_space<hbm>>
      tpu.wait_dma2 semaphore(%run_scoped3A : memref<!tpu.dma_semaphore, #tpu.memory_space<semaphore_mem>>) src(%arg8 : memref<2000xi32, #tpu.memory_space<vmem>>) dst(%dma_wait3A_64 : memref<2000xi32, #tpu.memory_space<hbm>>)
      tpu.yield
    }) : () -> ()
    %add3A_31 = arith.constant 4000 : i32
    %add3A_32 = arith.addi %mul3A_10, %add3A_31 : i32
    "tpu.region"() ({
      %run_scoped3A = tpu.sem_alloc : memref<!tpu.dma_semaphore, #tpu.memory_space<semaphore_mem>>
      %dma_start3A = tpu.memref_slice %arg2[%add3A_32] : memref<640000xi32, #tpu.memory_space<hbm>> -> memref<2000xi32, #tpu.memory_space<hbm>>
      %dma_start3A_63 = tpu.memref_slice %arg2[%add3A_32] : memref<640000xi32, #tpu.memory_space<hbm>> -> memref<2000xi32, #tpu.memory_space<hbm>>
      tpu.enqueue_dma source(%dma_start3A_63 : memref<2000xi32, #tpu.memory_space<hbm>>) target(%arg6 : memref<2000xi32, #tpu.memory_space<vmem>>) target_semaphore(%run_scoped3A : memref<!tpu.dma_semaphore, #tpu.memory_space<semaphore_mem>>)
      %dma_wait3A = tpu.memref_slice %arg2[%add3A_32] : memref<640000xi32, #tpu.memory_space<hbm>> -> memref<2000xi32, #tpu.memory_space<hbm>>
      %dma_wait3A_64 = tpu.memref_slice %arg2[%add3A_32] : memref<640000xi32, #tpu.memory_space<hbm>> -> memref<2000xi32, #tpu.memory_space<hbm>>
      tpu.wait_dma2 semaphore(%run_scoped3A : memref<!tpu.dma_semaphore, #tpu.memory_space<semaphore_mem>>) src(%dma_wait3A_64 : memref<2000xi32, #tpu.memory_space<hbm>>) dst(%arg6 : memref<2000xi32, #tpu.memory_space<vmem>>)
      tpu.yield
    }) : () -> ()
    %add3A_33 = arith.constant 320000 : i32
    %add3A_34 = arith.addi %add3A_33, %add3A_32 : i32
    "tpu.region"() ({
      %run_scoped3A = tpu.sem_alloc : memref<!tpu.dma_semaphore, #tpu.memory_space<semaphore_mem>>
      %dma_start3A = tpu.memref_slice %arg2[%add3A_34] : memref<640000xi32, #tpu.memory_space<hbm>> -> memref<2000xi32, #tpu.memory_space<hbm>>
      %dma_start3A_63 = tpu.memref_slice %arg2[%add3A_34] : memref<640000xi32, #tpu.memory_space<hbm>> -> memref<2000xi32, #tpu.memory_space<hbm>>
      tpu.enqueue_dma source(%dma_start3A_63 : memref<2000xi32, #tpu.memory_space<hbm>>) target(%arg7 : memref<2000xi32, #tpu.memory_space<vmem>>) target_semaphore(%run_scoped3A : memref<!tpu.dma_semaphore, #tpu.memory_space<semaphore_mem>>)
      %dma_wait3A = tpu.memref_slice %arg2[%add3A_34] : memref<640000xi32, #tpu.memory_space<hbm>> -> memref<2000xi32, #tpu.memory_space<hbm>>
      %dma_wait3A_64 = tpu.memref_slice %arg2[%add3A_34] : memref<640000xi32, #tpu.memory_space<hbm>> -> memref<2000xi32, #tpu.memory_space<hbm>>
      tpu.wait_dma2 semaphore(%run_scoped3A : memref<!tpu.dma_semaphore, #tpu.memory_space<semaphore_mem>>) src(%dma_wait3A_64 : memref<2000xi32, #tpu.memory_space<hbm>>) dst(%arg7 : memref<2000xi32, #tpu.memory_space<vmem>>)
      tpu.yield
    }) : () -> ()
    %scan3A_35 = arith.constant 0 : i32
    %scan3A_36 = arith.constant 0 : i32
    %scan3A_37 = arith.constant 125 : i32
    %scan3A_38 = arith.addi %scan3A_36, %scan3A_37 : i32
    %scan3A_39 = arith.constant 1 : i32
    scf.for %scan3A_63 = %scan3A_36 to %scan3A_38 step %scan3A_39  : i32 {
      %mul3A_64 = arith.constant 16 : i32
      %mul3A_65 = arith.muli %scan3A_63, %mul3A_64 : i32
      %get3A = arith.index_cast %mul3A_65 : i32 to index
      %get3A_66 = tpu.vector_load %arg6[%get3A] {strides = array<i32>} : memref<2000xi32, #tpu.memory_space<vmem>>, vector<16xi32>,
      %mul3A_67 = arith.constant 16 : i32
      %mul3A_68 = arith.muli %scan3A_63, %mul3A_67 : i32
      %get3A_69 = arith.index_cast %mul3A_68 : i32 to index
      %get3A_70 = tpu.vector_load %arg7[%get3A_69] {strides = array<i32>} : memref<2000xi32, #tpu.memory_space<vmem>>, vector<16xi32>,
      %shift_left3A = arith.constant 14 : i32
      %shift_left3A_71 = vector.broadcast %shift_left3A : i32 to vector<16xi32>
      %shift_left3A_72 = arith.shli %get3A_66, %shift_left3A_71 : vector<16xi32>
      %or3A = arith.ori %shift_left3A_72, %get3A_70 : vector<16xi32>
      %mul3A_73 = arith.constant 16 : i32
      %mul3A_74 = arith.muli %scan3A_63, %mul3A_73 : i32
      %swap3A = arith.index_cast %mul3A_74 : i32 to index
      %swap3A_75 = tpu.vector_load %arg8[%swap3A] {strides = array<i32>} : memref<2000xi32, #tpu.memory_space<vmem>>, vector<16xi32>,
      tpu.vector_store %arg8[%swap3A], %or3A {strides = array<i32>} : memref<2000xi32, #tpu.memory_space<vmem>>, vector<16xi32>,
      tpu.vector_store_idx %arg5[%get3A_70], %broadcast_in_dim3A_8 {add = true} : memref<10000xf32, #tpu.memory_space<vmem>>[vector<16xi32>], vector<16xf32>,
    }
    %scan3A_40 = arith.constant 125 : i32
    "tpu.region"() ({
      %run_scoped3A = tpu.sem_alloc : memref<!tpu.dma_semaphore, #tpu.memory_space<semaphore_mem>>
      %dma_start3A = tpu.memref_slice %arg3[%add3A_32] : memref<320000xi32, #tpu.memory_space<hbm>> -> memref<2000xi32, #tpu.memory_space<hbm>>
      %dma_start3A_63 = tpu.memref_slice %arg3[%add3A_32] : memref<320000xi32, #tpu.memory_space<hbm>> -> memref<2000xi32, #tpu.memory_space<hbm>>
      tpu.enqueue_dma source(%arg8 : memref<2000xi32, #tpu.memory_space<vmem>>) target(%dma_start3A_63 : memref<2000xi32, #tpu.memory_space<hbm>>) target_semaphore(%run_scoped3A : memref<!tpu.dma_semaphore, #tpu.memory_space<semaphore_mem>>)
      %dma_wait3A = tpu.memref_slice %arg3[%add3A_32] : memref<320000xi32, #tpu.memory_space<hbm>> -> memref<2000xi32, #tpu.memory_space<hbm>>
      %dma_wait3A_64 = tpu.memref_slice %arg3[%add3A_32] : memref<320000xi32, #tpu.memory_space<hbm>> -> memref<2000xi32, #tpu.memory_space<hbm>>
      tpu.wait_dma2 semaphore(%run_scoped3A : memref<!tpu.dma_semaphore, #tpu.memory_space<semaphore_mem>>) src(%arg8 : memref<2000xi32, #tpu.memory_space<vmem>>) dst(%dma_wait3A_64 : memref<2000xi32, #tpu.memory_space<hbm>>)
      tpu.yield
    }) : () -> ()
    %add3A_41 = arith.constant 6000 : i32
    %add3A_42 = arith.addi %mul3A_10, %add3A_41 : i32
    "tpu.region"() ({
      %run_scoped3A = tpu.sem_alloc : memref<!tpu.dma_semaphore, #tpu.memory_space<semaphore_mem>>
      %dma_start3A = tpu.memref_slice %arg2[%add3A_42] : memref<640000xi32, #tpu.memory_space<hbm>> -> memref<2000xi32, #tpu.memory_space<hbm>>
      %dma_start3A_63 = tpu.memref_slice %arg2[%add3A_42] : memref<640000xi32, #tpu.memory_space<hbm>> -> memref<2000xi32, #tpu.memory_space<hbm>>
      tpu.enqueue_dma source(%dma_start3A_63 : memref<2000xi32, #tpu.memory_space<hbm>>) target(%arg6 : memref<2000xi32, #tpu.memory_space<vmem>>) target_semaphore(%run_scoped3A : memref<!tpu.dma_semaphore, #tpu.memory_space<semaphore_mem>>)
      %dma_wait3A = tpu.memref_slice %arg2[%add3A_42] : memref<640000xi32, #tpu.memory_space<hbm>> -> memref<2000xi32, #tpu.memory_space<hbm>>
      %dma_wait3A_64 = tpu.memref_slice %arg2[%add3A_42] : memref<640000xi32, #tpu.memory_space<hbm>> -> memref<2000xi32, #tpu.memory_space<hbm>>
      tpu.wait_dma2 semaphore(%run_scoped3A : memref<!tpu.dma_semaphore, #tpu.memory_space<semaphore_mem>>) src(%dma_wait3A_64 : memref<2000xi32, #tpu.memory_space<hbm>>) dst(%arg6 : memref<2000xi32, #tpu.memory_space<vmem>>)
      tpu.yield
    }) : () -> ()
    %add3A_43 = arith.constant 320000 : i32
    %add3A_44 = arith.addi %add3A_43, %add3A_42 : i32
    "tpu.region"() ({
      %run_scoped3A = tpu.sem_alloc : memref<!tpu.dma_semaphore, #tpu.memory_space<semaphore_mem>>
      %dma_start3A = tpu.memref_slice %arg2[%add3A_44] : memref<640000xi32, #tpu.memory_space<hbm>> -> memref<2000xi32, #tpu.memory_space<hbm>>
      %dma_start3A_63 = tpu.memref_slice %arg2[%add3A_44] : memref<640000xi32, #tpu.memory_space<hbm>> -> memref<2000xi32, #tpu.memory_space<hbm>>
      tpu.enqueue_dma source(%dma_start3A_63 : memref<2000xi32, #tpu.memory_space<hbm>>) target(%arg7 : memref<2000xi32, #tpu.memory_space<vmem>>) target_semaphore(%run_scoped3A : memref<!tpu.dma_semaphore, #tpu.memory_space<semaphore_mem>>)
      %dma_wait3A = tpu.memref_slice %arg2[%add3A_44] : memref<640000xi32, #tpu.memory_space<hbm>> -> memref<2000xi32, #tpu.memory_space<hbm>>
      %dma_wait3A_64 = tpu.memref_slice %arg2[%add3A_44] : memref<640000xi32, #tpu.memory_space<hbm>> -> memref<2000xi32, #tpu.memory_space<hbm>>
      tpu.wait_dma2 semaphore(%run_scoped3A : memref<!tpu.dma_semaphore, #tpu.memory_space<semaphore_mem>>) src(%dma_wait3A_64 : memref<2000xi32, #tpu.memory_space<hbm>>) dst(%arg7 : memref<2000xi32, #tpu.memory_space<vmem>>)
      tpu.yield
    }) : () -> ()
    %scan3A_45 = arith.constant 0 : i32
    %scan3A_46 = arith.constant 0 : i32
    %scan3A_47 = arith.constant 125 : i32
    %scan3A_48 = arith.addi %scan3A_46, %scan3A_47 : i32
    %scan3A_49 = arith.constant 1 : i32
    scf.for %scan3A_63 = %scan3A_46 to %scan3A_48 step %scan3A_49  : i32 {
      %mul3A_64 = arith.constant 16 : i32
      %mul3A_65 = arith.muli %scan3A_63, %mul3A_64 : i32
      %get3A = arith.index_cast %mul3A_65 : i32 to index
      %get3A_66 = tpu.vector_load %arg6[%get3A] {strides = array<i32>} : memref<2000xi32, #tpu.memory_space<vmem>>, vector<16xi32>,
      %mul3A_67 = arith.constant 16 : i32
      %mul3A_68 = arith.muli %scan3A_63, %mul3A_67 : i32
      %get3A_69 = arith.index_cast %mul3A_68 : i32 to index
      %get3A_70 = tpu.vector_load %arg7[%get3A_69] {strides = array<i32>} : memref<2000xi32, #tpu.memory_space<vmem>>, vector<16xi32>,
      %shift_left3A = arith.constant 14 : i32
      %shift_left3A_71 = vector.broadcast %shift_left3A : i32 to vector<16xi32>
      %shift_left3A_72 = arith.shli %get3A_66, %shift_left3A_71 : vector<16xi32>
      %or3A = arith.ori %shift_left3A_72, %get3A_70 : vector<16xi32>
      %mul3A_73 = arith.constant 16 : i32
      %mul3A_74 = arith.muli %scan3A_63, %mul3A_73 : i32
      %swap3A = arith.index_cast %mul3A_74 : i32 to index
      %swap3A_75 = tpu.vector_load %arg8[%swap3A] {strides = array<i32>} : memref<2000xi32, #tpu.memory_space<vmem>>, vector<16xi32>,
      tpu.vector_store %arg8[%swap3A], %or3A {strides = array<i32>} : memref<2000xi32, #tpu.memory_space<vmem>>, vector<16xi32>,
      tpu.vector_store_idx %arg5[%get3A_70], %broadcast_in_dim3A_8 {add = true} : memref<10000xf32, #tpu.memory_space<vmem>>[vector<16xi32>], vector<16xf32>,
    }
    %scan3A_50 = arith.constant 125 : i32
    "tpu.region"() ({
      %run_scoped3A = tpu.sem_alloc : memref<!tpu.dma_semaphore, #tpu.memory_space<semaphore_mem>>
      %dma_start3A = tpu.memref_slice %arg3[%add3A_42] : memref<320000xi32, #tpu.memory_space<hbm>> -> memref<2000xi32, #tpu.memory_space<hbm>>
      %dma_start3A_63 = tpu.memref_slice %arg3[%add3A_42] : memref<320000xi32, #tpu.memory_space<hbm>> -> memref<2000xi32, #tpu.memory_space<hbm>>
      tpu.enqueue_dma source(%arg8 : memref<2000xi32, #tpu.memory_space<vmem>>) target(%dma_start3A_63 : memref<2000xi32, #tpu.memory_space<hbm>>) target_semaphore(%run_scoped3A : memref<!tpu.dma_semaphore, #tpu.memory_space<semaphore_mem>>)
      %dma_wait3A = tpu.memref_slice %arg3[%add3A_42] : memref<320000xi32, #tpu.memory_space<hbm>> -> memref<2000xi32, #tpu.memory_space<hbm>>
      %dma_wait3A_64 = tpu.memref_slice %arg3[%add3A_42] : memref<320000xi32, #tpu.memory_space<hbm>> -> memref<2000xi32, #tpu.memory_space<hbm>>
      tpu.wait_dma2 semaphore(%run_scoped3A : memref<!tpu.dma_semaphore, #tpu.memory_space<semaphore_mem>>) src(%arg8 : memref<2000xi32, #tpu.memory_space<vmem>>) dst(%dma_wait3A_64 : memref<2000xi32, #tpu.memory_space<hbm>>)
      tpu.yield
    }) : () -> ()
    %add3A_51 = arith.constant 8000 : i32
    %add3A_52 = arith.addi %mul3A_10, %add3A_51 : i32
    "tpu.region"() ({
      %run_scoped3A = tpu.sem_alloc : memref<!tpu.dma_semaphore, #tpu.memory_space<semaphore_mem>>
      %dma_start3A = tpu.memref_slice %arg2[%add3A_52] : memref<640000xi32, #tpu.memory_space<hbm>> -> memref<2000xi32, #tpu.memory_space<hbm>>
      %dma_start3A_63 = tpu.memref_slice %arg2[%add3A_52] : memref<640000xi32, #tpu.memory_space<hbm>> -> memref<2000xi32, #tpu.memory_space<hbm>>
      tpu.enqueue_dma source(%dma_start3A_63 : memref<2000xi32, #tpu.memory_space<hbm>>) target(%arg6 : memref<2000xi32, #tpu.memory_space<vmem>>) target_semaphore(%run_scoped3A : memref<!tpu.dma_semaphore, #tpu.memory_space<semaphore_mem>>)
      %dma_wait3A = tpu.memref_slice %arg2[%add3A_52] : memref<640000xi32, #tpu.memory_space<hbm>> -> memref<2000xi32, #tpu.memory_space<hbm>>
      %dma_wait3A_64 = tpu.memref_slice %arg2[%add3A_52] : memref<640000xi32, #tpu.memory_space<hbm>> -> memref<2000xi32, #tpu.memory_space<hbm>>
      tpu.wait_dma2 semaphore(%run_scoped3A : memref<!tpu.dma_semaphore, #tpu.memory_space<semaphore_mem>>) src(%dma_wait3A_64 : memref<2000xi32, #tpu.memory_space<hbm>>) dst(%arg6 : memref<2000xi32, #tpu.memory_space<vmem>>)
      tpu.yield
    }) : () -> ()
    %add3A_53 = arith.constant 320000 : i32
    %add3A_54 = arith.addi %add3A_53, %add3A_52 : i32
    "tpu.region"() ({
      %run_scoped3A = tpu.sem_alloc : memref<!tpu.dma_semaphore, #tpu.memory_space<semaphore_mem>>
      %dma_start3A = tpu.memref_slice %arg2[%add3A_54] : memref<640000xi32, #tpu.memory_space<hbm>> -> memref<2000xi32, #tpu.memory_space<hbm>>
      %dma_start3A_63 = tpu.memref_slice %arg2[%add3A_54] : memref<640000xi32, #tpu.memory_space<hbm>> -> memref<2000xi32, #tpu.memory_space<hbm>>
      tpu.enqueue_dma source(%dma_start3A_63 : memref<2000xi32, #tpu.memory_space<hbm>>) target(%arg7 : memref<2000xi32, #tpu.memory_space<vmem>>) target_semaphore(%run_scoped3A : memref<!tpu.dma_semaphore, #tpu.memory_space<semaphore_mem>>)
      %dma_wait3A = tpu.memref_slice %arg2[%add3A_54] : memref<640000xi32, #tpu.memory_space<hbm>> -> memref<2000xi32, #tpu.memory_space<hbm>>
      %dma_wait3A_64 = tpu.memref_slice %arg2[%add3A_54] : memref<640000xi32, #tpu.memory_space<hbm>> -> memref<2000xi32, #tpu.memory_space<hbm>>
      tpu.wait_dma2 semaphore(%run_scoped3A : memref<!tpu.dma_semaphore, #tpu.memory_space<semaphore_mem>>) src(%dma_wait3A_64 : memref<2000xi32, #tpu.memory_space<hbm>>) dst(%arg7 : memref<2000xi32, #tpu.memory_space<vmem>>)
      tpu.yield
    }) : () -> ()
    %scan3A_55 = arith.constant 0 : i32
    %scan3A_56 = arith.constant 0 : i32
    %scan3A_57 = arith.constant 125 : i32
    %scan3A_58 = arith.addi %scan3A_56, %scan3A_57 : i32
    %scan3A_59 = arith.constant 1 : i32
    scf.for %scan3A_63 = %scan3A_56 to %scan3A_58 step %scan3A_59  : i32 {
      %mul3A_64 = arith.constant 16 : i32
      %mul3A_65 = arith.muli %scan3A_63, %mul3A_64 : i32
      %get3A = arith.index_cast %mul3A_65 : i32 to index
      %get3A_66 = tpu.vector_load %arg6[%get3A] {strides = array<i32>} : memref<2000xi32, #tpu.memory_space<vmem>>, vector<16xi32>,
      %mul3A_67 = arith.constant 16 : i32
      %mul3A_68 = arith.muli %scan3A_63, %mul3A_67 : i32
      %get3A_69 = arith.index_cast %mul3A_68 : i32 to index
      %get3A_70 = tpu.vector_load %arg7[%get3A_69] {strides = array<i32>} : memref<2000xi32, #tpu.memory_space<vmem>>, vector<16xi32>,
      %shift_left3A = arith.constant 14 : i32
      %shift_left3A_71 = vector.broadcast %shift_left3A : i32 to vector<16xi32>
      %shift_left3A_72 = arith.shli %get3A_66, %shift_left3A_71 : vector<16xi32>
      %or3A = arith.ori %shift_left3A_72, %get3A_70 : vector<16xi32>
      %mul3A_73 = arith.constant 16 : i32
      %mul3A_74 = arith.muli %scan3A_63, %mul3A_73 : i32
      %swap3A = arith.index_cast %mul3A_74 : i32 to index
      %swap3A_75 = tpu.vector_load %arg8[%swap3A] {strides = array<i32>} : memref<2000xi32, #tpu.memory_space<vmem>>, vector<16xi32>,
      tpu.vector_store %arg8[%swap3A], %or3A {strides = array<i32>} : memref<2000xi32, #tpu.memory_space<vmem>>, vector<16xi32>,
      tpu.vector_store_idx %arg5[%get3A_70], %broadcast_in_dim3A_8 {add = true} : memref<10000xf32, #tpu.memory_space<vmem>>[vector<16xi32>], vector<16xf32>,
    }
    %scan3A_60 = arith.constant 125 : i32
    "tpu.region"() ({
      %run_scoped3A = tpu.sem_alloc : memref<!tpu.dma_semaphore, #tpu.memory_space<semaphore_mem>>
      %dma_start3A = tpu.memref_slice %arg3[%add3A_52] : memref<320000xi32, #tpu.memory_space<hbm>> -> memref<2000xi32, #tpu.memory_space<hbm>>
      %dma_start3A_63 = tpu.memref_slice %arg3[%add3A_52] : memref<320000xi32, #tpu.memory_space<hbm>> -> memref<2000xi32, #tpu.memory_space<hbm>>
      tpu.enqueue_dma source(%arg8 : memref<2000xi32, #tpu.memory_space<vmem>>) target(%dma_start3A_63 : memref<2000xi32, #tpu.memory_space<hbm>>) target_semaphore(%run_scoped3A : memref<!tpu.dma_semaphore, #tpu.memory_space<semaphore_mem>>)
      %dma_wait3A = tpu.memref_slice %arg3[%add3A_52] : memref<320000xi32, #tpu.memory_space<hbm>> -> memref<2000xi32, #tpu.memory_space<hbm>>
      %dma_wait3A_64 = tpu.memref_slice %arg3[%add3A_52] : memref<320000xi32, #tpu.memory_space<hbm>> -> memref<2000xi32, #tpu.memory_space<hbm>>
      tpu.wait_dma2 semaphore(%run_scoped3A : memref<!tpu.dma_semaphore, #tpu.memory_space<semaphore_mem>>) src(%arg8 : memref<2000xi32, #tpu.memory_space<vmem>>) dst(%dma_wait3A_64 : memref<2000xi32, #tpu.memory_space<hbm>>)
      tpu.yield
    }) : () -> ()
    %mul3A_61 = arith.constant 10000 : i32
    %mul3A_62 = arith.muli %add3A, %mul3A_61 : i32
    "tpu.region"() ({
      %run_scoped3A = tpu.sem_alloc : memref<!tpu.dma_semaphore, #tpu.memory_space<semaphore_mem>>
      %dma_start3A = tpu.memref_slice %arg4[%mul3A_62] : memref<320000xf32, #tpu.memory_space<hbm>> -> memref<10000xf32, #tpu.memory_space<hbm>>
      %dma_start3A_63 = tpu.memref_slice %arg4[%mul3A_62] : memref<320000xf32, #tpu.memory_space<hbm>> -> memref<10000xf32, #tpu.memory_space<hbm>>
      tpu.enqueue_dma source(%arg5 : memref<10000xf32, #tpu.memory_space<vmem>>) target(%dma_start3A_63 : memref<10000xf32, #tpu.memory_space<hbm>>) target_semaphore(%run_scoped3A : memref<!tpu.dma_semaphore, #tpu.memory_space<semaphore_mem>>)
      %dma_wait3A = tpu.memref_slice %arg4[%mul3A_62] : memref<320000xf32, #tpu.memory_space<hbm>> -> memref<10000xf32, #tpu.memory_space<hbm>>
      %dma_wait3A_64 = tpu.memref_slice %arg4[%mul3A_62] : memref<320000xf32, #tpu.memory_space<hbm>> -> memref<10000xf32, #tpu.memory_space<hbm>>
      tpu.wait_dma2 semaphore(%run_scoped3A : memref<!tpu.dma_semaphore, #tpu.memory_space<semaphore_mem>>) src(%arg5 : memref<10000xf32, #tpu.memory_space<vmem>>) dst(%dma_wait3A_64 : memref<10000xf32, #tpu.memory_space<hbm>>)
      tpu.yield
    }) : () -> ()
    return
  }
}

#map = affine_map<(d0, d1) -> (0)>
module attributes {stable_mosaic.version = 14 : i64} {
  func.func @_aggregate(%arg0: i32, %arg1: i32, %arg2: memref<640000xi32, #tpu.memory_space<hbm>>, %arg3: memref<320000xi32, #tpu.memory_space<hbm>>, %arg4: memref<1280000xf32, #tpu.memory_space<hbm>>, %arg5: memref<20000xi32, #tpu.memory_space<vmem>>, %arg6: memref<40000xf32, #tpu.memory_space<vmem>>, %arg7: memref<3200xi32, #tpu.memory_space<vmem>>, %arg8: memref<3200xi32, #tpu.memory_space<vmem>>, %arg9: memref<!tpu.dma_semaphore, #tpu.memory_space<semaphore_mem>>, %arg10: memref<!tpu.dma_semaphore, #tpu.memory_space<semaphore_mem>>) attributes {dimension_semantics = [#tpu.dimension_semantics<core_parallel>, #tpu.dimension_semantics<subcore_parallel>], iteration_bounds = array<i64: 2, 16>, scalar_prefetch = 0 : i64, scratch_operands = 6 : i64, tpu.core_type = #tpu.core_type<sc_vector_subcore>, window_params = [{transform_indices = #map}, {transform_indices = #map}, {transform_indices = #map}]} {
    %mul3A = arith.constant 2 : i32
    %mul3A_0 = arith.muli %arg1, %mul3A : i32
    %add3A = arith.addi %mul3A_0, %arg0 : i32
    %mul3A_1 = arith.constant 20000 : i32
    %mul3A_2 = arith.muli %add3A, %mul3A_1 : i32
    "tpu.region"() ({
      %run_scoped3A = tpu.sem_alloc : memref<!tpu.dma_semaphore, #tpu.memory_space<semaphore_mem>>
      %dma_start3A_52 = tpu.memref_slice %arg2[%mul3A_2] : memref<640000xi32, #tpu.memory_space<hbm>> -> memref<20000xi32, #tpu.memory_space<hbm>>
      %dma_start3A_53 = tpu.memref_slice %arg2[%mul3A_2] : memref<640000xi32, #tpu.memory_space<hbm>> -> memref<20000xi32, #tpu.memory_space<hbm>>
      tpu.enqueue_dma source(%dma_start3A_53 : memref<20000xi32, #tpu.memory_space<hbm>>) target(%arg5 : memref<20000xi32, #tpu.memory_space<vmem>>) target_semaphore(%run_scoped3A : memref<!tpu.dma_semaphore, #tpu.memory_space<semaphore_mem>>)
      %dma_wait3A = tpu.memref_slice %arg2[%mul3A_2] : memref<640000xi32, #tpu.memory_space<hbm>> -> memref<20000xi32, #tpu.memory_space<hbm>>
      %dma_wait3A_54 = tpu.memref_slice %arg2[%mul3A_2] : memref<640000xi32, #tpu.memory_space<hbm>> -> memref<20000xi32, #tpu.memory_space<hbm>>
      tpu.wait_dma2 semaphore(%run_scoped3A : memref<!tpu.dma_semaphore, #tpu.memory_space<semaphore_mem>>) src(%dma_wait3A_54 : memref<20000xi32, #tpu.memory_space<hbm>>) dst(%arg5 : memref<20000xi32, #tpu.memory_space<vmem>>)
      tpu.yield
    }) : () -> ()
    %broadcast_in_dim3A = arith.constant 0.000000e+00 : f32
    %broadcast_in_dim3A_3 = vector.broadcast %broadcast_in_dim3A : f32 to vector<16xf32>
    %scan3A = arith.constant 0 : i32
    %scan3A_4 = arith.constant 0 : i32
    %scan3A_5 = arith.constant 2500 : i32
    %scan3A_6 = arith.addi %scan3A_4, %scan3A_5 : i32
    %scan3A_7 = arith.constant 1 : i32
    scf.for %scan3A_52 = %scan3A_4 to %scan3A_6 step %scan3A_7  : i32 {
      %mul3A_53 = arith.constant 16 : i32
      %mul3A_54 = arith.muli %scan3A_52, %mul3A_53 : i32
      %swap3A = arith.index_cast %mul3A_54 : i32 to index
      %swap3A_55 = tpu.vector_load %arg6[%swap3A] {strides = array<i32>} : memref<40000xf32, #tpu.memory_space<vmem>>, vector<16xf32>,
      tpu.vector_store %arg6[%swap3A], %broadcast_in_dim3A_3 {strides = array<i32>} : memref<40000xf32, #tpu.memory_space<vmem>>, vector<16xf32>,
    }
    %scan3A_8 = arith.constant 2500 : i32
    %dma_start3A = arith.constant 0 : i32
    %dma_start3A_9 = tpu.memref_slice %arg3[%dma_start3A] : memref<320000xi32, #tpu.memory_space<hbm>> -> memref<3200xi32, #tpu.memory_space<hbm>>
    %dma_start3A_10 = arith.constant 0 : i32
    %dma_start3A_11 = tpu.memref_slice %arg3[%dma_start3A_10] : memref<320000xi32, #tpu.memory_space<hbm>> -> memref<3200xi32, #tpu.memory_space<hbm>>
    tpu.enqueue_dma source(%dma_start3A_11 : memref<3200xi32, #tpu.memory_space<hbm>>) target(%arg7 : memref<3200xi32, #tpu.memory_space<vmem>>) target_semaphore(%arg9 : memref<!tpu.dma_semaphore, #tpu.memory_space<semaphore_mem>>)
    %dma_start3A_12 = arith.constant 3200 : i32
    %dma_start3A_13 = tpu.memref_slice %arg3[%dma_start3A_12] : memref<320000xi32, #tpu.memory_space<hbm>> -> memref<3200xi32, #tpu.memory_space<hbm>>
    %dma_start3A_14 = arith.constant 3200 : i32
    %dma_start3A_15 = tpu.memref_slice %arg3[%dma_start3A_14] : memref<320000xi32, #tpu.memory_space<hbm>> -> memref<3200xi32, #tpu.memory_space<hbm>>
    tpu.enqueue_dma source(%dma_start3A_15 : memref<3200xi32, #tpu.memory_space<hbm>>) target(%arg8 : memref<3200xi32, #tpu.memory_space<vmem>>) target_semaphore(%arg10 : memref<!tpu.dma_semaphore, #tpu.memory_space<semaphore_mem>>)
    %broadcast_in_dim3A_16 = arith.constant -65536 : i32
    %broadcast_in_dim3A_17 = vector.broadcast %broadcast_in_dim3A_16 : i32 to vector<16xi32>
    %scan3A_18 = arith.constant 0 : i32
    %scan3A_19 = arith.constant 0 : i32
    %scan3A_20 = arith.constant 50 : i32
    %scan3A_21 = arith.addi %scan3A_19, %scan3A_20 : i32
    %scan3A_22 = arith.constant 1 : i32
    scf.for %scan3A_52 = %scan3A_19 to %scan3A_21 step %scan3A_22  : i32 {
      %mul3A_53 = arith.constant 2 : i32
      %mul3A_54 = arith.muli %scan3A_52, %mul3A_53 : i32
      %add3A_55 = arith.constant 0 : i32
      %add3A_56 = arith.addi %mul3A_54, %add3A_55 : i32
      %mul3A_57 = arith.constant 3200 : i32
      %mul3A_58 = arith.muli %add3A_56, %mul3A_57 : i32
      %dma_wait3A = tpu.memref_slice %arg3[%mul3A_58] : memref<320000xi32, #tpu.memory_space<hbm>> -> memref<3200xi32, #tpu.memory_space<hbm>>
      %dma_wait3A_59 = tpu.memref_slice %arg3[%mul3A_58] : memref<320000xi32, #tpu.memory_space<hbm>> -> memref<3200xi32, #tpu.memory_space<hbm>>
      tpu.wait_dma2 semaphore(%arg9 : memref<!tpu.dma_semaphore, #tpu.memory_space<semaphore_mem>>) src(%dma_wait3A_59 : memref<3200xi32, #tpu.memory_space<hbm>>) dst(%arg7 : memref<3200xi32, #tpu.memory_space<vmem>>)
      %parallel_loop3A = arith.constant 0 : i32
      %parallel_loop3A_60 = arith.constant 200 : i32
      %parallel_loop3A_61 = arith.constant 1 : i32
      scf.for %parallel_loop3A_84 = %parallel_loop3A to %parallel_loop3A_60 step %parallel_loop3A_61  : i32 {
        %parallel_loop3A_85 = arith.constant 16 : i32
        %parallel_loop3A_86 = arith.muli %parallel_loop3A_84, %parallel_loop3A_85 : i32
        %parallel_loop3A_87 = arith.index_cast %parallel_loop3A_86 : i32 to index
        %parallel_loop3A_88 = tpu.vector_load %arg7[%parallel_loop3A_87] {strides = array<i32>} : memref<3200xi32, #tpu.memory_space<vmem>>, vector<16xi32>,
        %parallel_loop3A_89 = arith.constant 14 : i32
        %parallel_loop3A_90 = vector.broadcast %parallel_loop3A_89 : i32 to vector<16xi32>
        %parallel_loop3A_91 = arith.shrsi %parallel_loop3A_88, %parallel_loop3A_90 : vector<16xi32>
        %parallel_loop3A_92 = arith.constant 16383 : i32
        %parallel_loop3A_93 = vector.broadcast %parallel_loop3A_92 : i32 to vector<16xi32>
        %parallel_loop3A_94 = arith.andi %parallel_loop3A_88, %parallel_loop3A_93 : vector<16xi32>
        %parallel_loop3A_95 = arith.constant 0 : i32
        %parallel_loop3A_96 = vector.broadcast %parallel_loop3A_95 : i32 to vector<16xi32>
        %parallel_loop3A_97 = arith.addi %parallel_loop3A_91, %parallel_loop3A_96 : vector<16xi32>
        %parallel_loop3A_98 = tpu.vector_load_idx %arg5[%parallel_loop3A_97] : memref<20000xi32, #tpu.memory_space<vmem>>[vector<16xi32>], vector<16xi32>,
        %parallel_loop3A_99 = arith.andi %parallel_loop3A_98, %broadcast_in_dim3A_17 : vector<16xi32>
        %parallel_loop3A_100 = vector.bitcast %parallel_loop3A_99 : vector<16xi32> to vector<16xf32>
        %parallel_loop3A_101 = arith.constant 16 : i32
        %parallel_loop3A_102 = vector.broadcast %parallel_loop3A_101 : i32 to vector<16xi32>
        %parallel_loop3A_103 = arith.shli %parallel_loop3A_98, %parallel_loop3A_102 : vector<16xi32>
        %parallel_loop3A_104 = vector.bitcast %parallel_loop3A_103 : vector<16xi32> to vector<16xf32>
        %parallel_loop3A_105 = arith.constant 0 : i32
        %parallel_loop3A_106 = vector.broadcast %parallel_loop3A_105 : i32 to vector<16xi32>
        %parallel_loop3A_107 = arith.addi %parallel_loop3A_94, %parallel_loop3A_106 : vector<16xi32>
        tpu.vector_store_idx %arg6[%parallel_loop3A_107], %parallel_loop3A_100 {add = true} : memref<40000xf32, #tpu.memory_space<vmem>>[vector<16xi32>], vector<16xf32>,
        %parallel_loop3A_108 = arith.constant 10000 : i32
        %parallel_loop3A_109 = vector.broadcast %parallel_loop3A_108 : i32 to vector<16xi32>
        %parallel_loop3A_110 = arith.addi %parallel_loop3A_94, %parallel_loop3A_109 : vector<16xi32>
        tpu.vector_store_idx %arg6[%parallel_loop3A_110], %parallel_loop3A_104 {add = true} : memref<40000xf32, #tpu.memory_space<vmem>>[vector<16xi32>], vector<16xf32>,
        %parallel_loop3A_111 = arith.constant 10000 : i32
        %parallel_loop3A_112 = vector.broadcast %parallel_loop3A_111 : i32 to vector<16xi32>
        %parallel_loop3A_113 = arith.addi %parallel_loop3A_91, %parallel_loop3A_112 : vector<16xi32>
        %parallel_loop3A_114 = tpu.vector_load_idx %arg5[%parallel_loop3A_113] : memref<20000xi32, #tpu.memory_space<vmem>>[vector<16xi32>], vector<16xi32>,
        %parallel_loop3A_115 = arith.andi %parallel_loop3A_114, %broadcast_in_dim3A_17 : vector<16xi32>
        %parallel_loop3A_116 = vector.bitcast %parallel_loop3A_115 : vector<16xi32> to vector<16xf32>
        %parallel_loop3A_117 = arith.constant 16 : i32
        %parallel_loop3A_118 = vector.broadcast %parallel_loop3A_117 : i32 to vector<16xi32>
        %parallel_loop3A_119 = arith.shli %parallel_loop3A_114, %parallel_loop3A_118 : vector<16xi32>
        %parallel_loop3A_120 = vector.bitcast %parallel_loop3A_119 : vector<16xi32> to vector<16xf32>
        %parallel_loop3A_121 = arith.constant 20000 : i32
        %parallel_loop3A_122 = vector.broadcast %parallel_loop3A_121 : i32 to vector<16xi32>
        %parallel_loop3A_123 = arith.addi %parallel_loop3A_94, %parallel_loop3A_122 : vector<16xi32>
        tpu.vector_store_idx %arg6[%parallel_loop3A_123], %parallel_loop3A_116 {add = true} : memref<40000xf32, #tpu.memory_space<vmem>>[vector<16xi32>], vector<16xf32>,
        %parallel_loop3A_124 = arith.constant 30000 : i32
        %parallel_loop3A_125 = vector.broadcast %parallel_loop3A_124 : i32 to vector<16xi32>
        %parallel_loop3A_126 = arith.addi %parallel_loop3A_94, %parallel_loop3A_125 : vector<16xi32>
        tpu.vector_store_idx %arg6[%parallel_loop3A_126], %parallel_loop3A_120 {add = true} : memref<40000xf32, #tpu.memory_space<vmem>>[vector<16xi32>], vector<16xf32>,
      } {sc.loop_unroll_factor = 4 : i64, sc.parallel_access}
      %add3A_62 = arith.constant 2 : i32
      %add3A_63 = arith.addi %add3A_56, %add3A_62 : i32
      %lt3A = arith.constant 100 : i32
      %lt3A_64 = arith.cmpi slt, %add3A_63, %lt3A : i32
      %convert_element_type3A = arith.extui %lt3A_64 : i1 to i32
      %cond3A = arith.constant 0 : i32
      %cond3A_65 = arith.cmpi ne, %convert_element_type3A, %cond3A : i32
      scf.if %cond3A_65 {
        %add3A_84 = arith.constant 2 : i32
        %add3A_85 = arith.addi %add3A_56, %add3A_84 : i32
        %mul3A_86 = arith.constant 3200 : i32
        %mul3A_87 = arith.muli %add3A_85, %mul3A_86 : i32
        %dma_start3A_88 = tpu.memref_slice %arg3[%mul3A_87] : memref<320000xi32, #tpu.memory_space<hbm>> -> memref<3200xi32, #tpu.memory_space<hbm>>
        %dma_start3A_89 = tpu.memref_slice %arg3[%mul3A_87] : memref<320000xi32, #tpu.memory_space<hbm>> -> memref<3200xi32, #tpu.memory_space<hbm>>
        tpu.enqueue_dma source(%dma_start3A_89 : memref<3200xi32, #tpu.memory_space<hbm>>) target(%arg7 : memref<3200xi32, #tpu.memory_space<vmem>>) target_semaphore(%arg9 : memref<!tpu.dma_semaphore, #tpu.memory_space<semaphore_mem>>)
      } else {
      }
      %mul3A_66 = arith.constant 2 : i32
      %mul3A_67 = arith.muli %scan3A_52, %mul3A_66 : i32
      %add3A_68 = arith.constant 1 : i32
      %add3A_69 = arith.addi %mul3A_67, %add3A_68 : i32
      %mul3A_70 = arith.constant 3200 : i32
      %mul3A_71 = arith.muli %add3A_69, %mul3A_70 : i32
      %dma_wait3A_72 = tpu.memref_slice %arg3[%mul3A_71] : memref<320000xi32, #tpu.memory_space<hbm>> -> memref<3200xi32, #tpu.memory_space<hbm>>
      %dma_wait3A_73 = tpu.memref_slice %arg3[%mul3A_71] : memref<320000xi32, #tpu.memory_space<hbm>> -> memref<3200xi32, #tpu.memory_space<hbm>>
      tpu.wait_dma2 semaphore(%arg10 : memref<!tpu.dma_semaphore, #tpu.memory_space<semaphore_mem>>) src(%dma_wait3A_73 : memref<3200xi32, #tpu.memory_space<hbm>>) dst(%arg8 : memref<3200xi32, #tpu.memory_space<vmem>>)
      %parallel_loop3A_74 = arith.constant 0 : i32
      %parallel_loop3A_75 = arith.constant 200 : i32
      %parallel_loop3A_76 = arith.constant 1 : i32
      scf.for %parallel_loop3A_84 = %parallel_loop3A_74 to %parallel_loop3A_75 step %parallel_loop3A_76  : i32 {
        %parallel_loop3A_85 = arith.constant 16 : i32
        %parallel_loop3A_86 = arith.muli %parallel_loop3A_84, %parallel_loop3A_85 : i32
        %parallel_loop3A_87 = arith.index_cast %parallel_loop3A_86 : i32 to index
        %parallel_loop3A_88 = tpu.vector_load %arg8[%parallel_loop3A_87] {strides = array<i32>} : memref<3200xi32, #tpu.memory_space<vmem>>, vector<16xi32>,
        %parallel_loop3A_89 = arith.constant 14 : i32
        %parallel_loop3A_90 = vector.broadcast %parallel_loop3A_89 : i32 to vector<16xi32>
        %parallel_loop3A_91 = arith.shrsi %parallel_loop3A_88, %parallel_loop3A_90 : vector<16xi32>
        %parallel_loop3A_92 = arith.constant 16383 : i32
        %parallel_loop3A_93 = vector.broadcast %parallel_loop3A_92 : i32 to vector<16xi32>
        %parallel_loop3A_94 = arith.andi %parallel_loop3A_88, %parallel_loop3A_93 : vector<16xi32>
        %parallel_loop3A_95 = arith.constant 0 : i32
        %parallel_loop3A_96 = vector.broadcast %parallel_loop3A_95 : i32 to vector<16xi32>
        %parallel_loop3A_97 = arith.addi %parallel_loop3A_91, %parallel_loop3A_96 : vector<16xi32>
        %parallel_loop3A_98 = tpu.vector_load_idx %arg5[%parallel_loop3A_97] : memref<20000xi32, #tpu.memory_space<vmem>>[vector<16xi32>], vector<16xi32>,
        %parallel_loop3A_99 = arith.andi %parallel_loop3A_98, %broadcast_in_dim3A_17 : vector<16xi32>
        %parallel_loop3A_100 = vector.bitcast %parallel_loop3A_99 : vector<16xi32> to vector<16xf32>
        %parallel_loop3A_101 = arith.constant 16 : i32
        %parallel_loop3A_102 = vector.broadcast %parallel_loop3A_101 : i32 to vector<16xi32>
        %parallel_loop3A_103 = arith.shli %parallel_loop3A_98, %parallel_loop3A_102 : vector<16xi32>
        %parallel_loop3A_104 = vector.bitcast %parallel_loop3A_103 : vector<16xi32> to vector<16xf32>
        %parallel_loop3A_105 = arith.constant 0 : i32
        %parallel_loop3A_106 = vector.broadcast %parallel_loop3A_105 : i32 to vector<16xi32>
        %parallel_loop3A_107 = arith.addi %parallel_loop3A_94, %parallel_loop3A_106 : vector<16xi32>
        tpu.vector_store_idx %arg6[%parallel_loop3A_107], %parallel_loop3A_100 {add = true} : memref<40000xf32, #tpu.memory_space<vmem>>[vector<16xi32>], vector<16xf32>,
        %parallel_loop3A_108 = arith.constant 10000 : i32
        %parallel_loop3A_109 = vector.broadcast %parallel_loop3A_108 : i32 to vector<16xi32>
        %parallel_loop3A_110 = arith.addi %parallel_loop3A_94, %parallel_loop3A_109 : vector<16xi32>
        tpu.vector_store_idx %arg6[%parallel_loop3A_110], %parallel_loop3A_104 {add = true} : memref<40000xf32, #tpu.memory_space<vmem>>[vector<16xi32>], vector<16xf32>,
        %parallel_loop3A_111 = arith.constant 10000 : i32
        %parallel_loop3A_112 = vector.broadcast %parallel_loop3A_111 : i32 to vector<16xi32>
        %parallel_loop3A_113 = arith.addi %parallel_loop3A_91, %parallel_loop3A_112 : vector<16xi32>
        %parallel_loop3A_114 = tpu.vector_load_idx %arg5[%parallel_loop3A_113] : memref<20000xi32, #tpu.memory_space<vmem>>[vector<16xi32>], vector<16xi32>,
        %parallel_loop3A_115 = arith.andi %parallel_loop3A_114, %broadcast_in_dim3A_17 : vector<16xi32>
        %parallel_loop3A_116 = vector.bitcast %parallel_loop3A_115 : vector<16xi32> to vector<16xf32>
        %parallel_loop3A_117 = arith.constant 16 : i32
        %parallel_loop3A_118 = vector.broadcast %parallel_loop3A_117 : i32 to vector<16xi32>
        %parallel_loop3A_119 = arith.shli %parallel_loop3A_114, %parallel_loop3A_118 : vector<16xi32>
        %parallel_loop3A_120 = vector.bitcast %parallel_loop3A_119 : vector<16xi32> to vector<16xf32>
        %parallel_loop3A_121 = arith.constant 20000 : i32
        %parallel_loop3A_122 = vector.broadcast %parallel_loop3A_121 : i32 to vector<16xi32>
        %parallel_loop3A_123 = arith.addi %parallel_loop3A_94, %parallel_loop3A_122 : vector<16xi32>
        tpu.vector_store_idx %arg6[%parallel_loop3A_123], %parallel_loop3A_116 {add = true} : memref<40000xf32, #tpu.memory_space<vmem>>[vector<16xi32>], vector<16xf32>,
        %parallel_loop3A_124 = arith.constant 30000 : i32
        %parallel_loop3A_125 = vector.broadcast %parallel_loop3A_124 : i32 to vector<16xi32>
        %parallel_loop3A_126 = arith.addi %parallel_loop3A_94, %parallel_loop3A_125 : vector<16xi32>
        tpu.vector_store_idx %arg6[%parallel_loop3A_126], %parallel_loop3A_120 {add = true} : memref<40000xf32, #tpu.memory_space<vmem>>[vector<16xi32>], vector<16xf32>,
      } {sc.loop_unroll_factor = 4 : i64, sc.parallel_access}
      %add3A_77 = arith.constant 2 : i32
      %add3A_78 = arith.addi %add3A_69, %add3A_77 : i32
      %lt3A_79 = arith.constant 100 : i32
      %lt3A_80 = arith.cmpi slt, %add3A_78, %lt3A_79 : i32
      %convert_element_type3A_81 = arith.extui %lt3A_80 : i1 to i32
      %cond3A_82 = arith.constant 0 : i32
      %cond3A_83 = arith.cmpi ne, %convert_element_type3A_81, %cond3A_82 : i32
      scf.if %cond3A_83 {
        %add3A_84 = arith.constant 2 : i32
        %add3A_85 = arith.addi %add3A_69, %add3A_84 : i32
        %mul3A_86 = arith.constant 3200 : i32
        %mul3A_87 = arith.muli %add3A_85, %mul3A_86 : i32
        %dma_start3A_88 = tpu.memref_slice %arg3[%mul3A_87] : memref<320000xi32, #tpu.memory_space<hbm>> -> memref<3200xi32, #tpu.memory_space<hbm>>
        %dma_start3A_89 = tpu.memref_slice %arg3[%mul3A_87] : memref<320000xi32, #tpu.memory_space<hbm>> -> memref<3200xi32, #tpu.memory_space<hbm>>
        tpu.enqueue_dma source(%dma_start3A_89 : memref<3200xi32, #tpu.memory_space<hbm>>) target(%arg8 : memref<3200xi32, #tpu.memory_space<vmem>>) target_semaphore(%arg10 : memref<!tpu.dma_semaphore, #tpu.memory_space<semaphore_mem>>)
      } else {
      }
    }
    %scan3A_23 = arith.constant 50 : i32
    %mul3A_24 = arith.constant 2 : i32
    %mul3A_25 = arith.muli %mul3A_24, %add3A : i32
    %add3A_26 = arith.constant 0 : i32
    %add3A_27 = arith.addi %mul3A_25, %add3A_26 : i32
    %mul3A_28 = arith.constant 10000 : i32
    %mul3A_29 = arith.muli %add3A_27, %mul3A_28 : i32
    "tpu.region"() ({
      %run_scoped3A = tpu.sem_alloc : memref<!tpu.dma_semaphore, #tpu.memory_space<semaphore_mem>>
      %dma_start3A_52 = arith.constant 0 : i32
      %dma_start3A_53 = tpu.memref_slice %arg6[%dma_start3A_52] : memref<40000xf32, #tpu.memory_space<vmem>> -> memref<10000xf32, #tpu.memory_space<vmem>>
      %dma_start3A_54 = tpu.memref_slice %arg4[%mul3A_29] : memref<1280000xf32, #tpu.memory_space<hbm>> -> memref<10000xf32, #tpu.memory_space<hbm>>
      %dma_start3A_55 = tpu.memref_slice %arg4[%mul3A_29] : memref<1280000xf32, #tpu.memory_space<hbm>> -> memref<10000xf32, #tpu.memory_space<hbm>>
      %dma_start3A_56 = arith.constant 0 : i32
      %dma_start3A_57 = tpu.memref_slice %arg6[%dma_start3A_56] : memref<40000xf32, #tpu.memory_space<vmem>> -> memref<10000xf32, #tpu.memory_space<vmem>>
      tpu.enqueue_dma source(%dma_start3A_57 : memref<10000xf32, #tpu.memory_space<vmem>>) target(%dma_start3A_55 : memref<10000xf32, #tpu.memory_space<hbm>>) target_semaphore(%run_scoped3A : memref<!tpu.dma_semaphore, #tpu.memory_space<semaphore_mem>>)
      %dma_wait3A = arith.constant 0 : i32
      %dma_wait3A_58 = tpu.memref_slice %arg6[%dma_wait3A] : memref<40000xf32, #tpu.memory_space<vmem>> -> memref<10000xf32, #tpu.memory_space<vmem>>
      %dma_wait3A_59 = tpu.memref_slice %arg4[%mul3A_29] : memref<1280000xf32, #tpu.memory_space<hbm>> -> memref<10000xf32, #tpu.memory_space<hbm>>
      %dma_wait3A_60 = tpu.memref_slice %arg4[%mul3A_29] : memref<1280000xf32, #tpu.memory_space<hbm>> -> memref<10000xf32, #tpu.memory_space<hbm>>
      %dma_wait3A_61 = arith.constant 0 : i32
      %dma_wait3A_62 = tpu.memref_slice %arg6[%dma_wait3A_61] : memref<40000xf32, #tpu.memory_space<vmem>> -> memref<10000xf32, #tpu.memory_space<vmem>>
      tpu.wait_dma2 semaphore(%run_scoped3A : memref<!tpu.dma_semaphore, #tpu.memory_space<semaphore_mem>>) src(%dma_wait3A_62 : memref<10000xf32, #tpu.memory_space<vmem>>) dst(%dma_wait3A_60 : memref<10000xf32, #tpu.memory_space<hbm>>)
      tpu.yield
    }) : () -> ()
    %mul3A_30 = arith.constant 2 : i32
    %mul3A_31 = arith.muli %mul3A_30, %add3A : i32
    %add3A_32 = arith.constant 0 : i32
    %add3A_33 = arith.addi %mul3A_31, %add3A_32 : i32
    %add3A_34 = arith.constant 64 : i32
    %add3A_35 = arith.addi %add3A_33, %add3A_34 : i32
    %mul3A_36 = arith.constant 10000 : i32
    %mul3A_37 = arith.muli %add3A_35, %mul3A_36 : i32
    "tpu.region"() ({
      %run_scoped3A = tpu.sem_alloc : memref<!tpu.dma_semaphore, #tpu.memory_space<semaphore_mem>>
      %dma_start3A_52 = arith.constant 10000 : i32
      %dma_start3A_53 = tpu.memref_slice %arg6[%dma_start3A_52] : memref<40000xf32, #tpu.memory_space<vmem>> -> memref<10000xf32, #tpu.memory_space<vmem>>
      %dma_start3A_54 = tpu.memref_slice %arg4[%mul3A_37] : memref<1280000xf32, #tpu.memory_space<hbm>> -> memref<10000xf32, #tpu.memory_space<hbm>>
      %dma_start3A_55 = tpu.memref_slice %arg4[%mul3A_37] : memref<1280000xf32, #tpu.memory_space<hbm>> -> memref<10000xf32, #tpu.memory_space<hbm>>
      %dma_start3A_56 = arith.constant 10000 : i32
      %dma_start3A_57 = tpu.memref_slice %arg6[%dma_start3A_56] : memref<40000xf32, #tpu.memory_space<vmem>> -> memref<10000xf32, #tpu.memory_space<vmem>>
      tpu.enqueue_dma source(%dma_start3A_57 : memref<10000xf32, #tpu.memory_space<vmem>>) target(%dma_start3A_55 : memref<10000xf32, #tpu.memory_space<hbm>>) target_semaphore(%run_scoped3A : memref<!tpu.dma_semaphore, #tpu.memory_space<semaphore_mem>>)
      %dma_wait3A = arith.constant 10000 : i32
      %dma_wait3A_58 = tpu.memref_slice %arg6[%dma_wait3A] : memref<40000xf32, #tpu.memory_space<vmem>> -> memref<10000xf32, #tpu.memory_space<vmem>>
      %dma_wait3A_59 = tpu.memref_slice %arg4[%mul3A_37] : memref<1280000xf32, #tpu.memory_space<hbm>> -> memref<10000xf32, #tpu.memory_space<hbm>>
      %dma_wait3A_60 = tpu.memref_slice %arg4[%mul3A_37] : memref<1280000xf32, #tpu.memory_space<hbm>> -> memref<10000xf32, #tpu.memory_space<hbm>>
      %dma_wait3A_61 = arith.constant 10000 : i32
      %dma_wait3A_62 = tpu.memref_slice %arg6[%dma_wait3A_61] : memref<40000xf32, #tpu.memory_space<vmem>> -> memref<10000xf32, #tpu.memory_space<vmem>>
      tpu.wait_dma2 semaphore(%run_scoped3A : memref<!tpu.dma_semaphore, #tpu.memory_space<semaphore_mem>>) src(%dma_wait3A_62 : memref<10000xf32, #tpu.memory_space<vmem>>) dst(%dma_wait3A_60 : memref<10000xf32, #tpu.memory_space<hbm>>)
      tpu.yield
    }) : () -> ()
    %mul3A_38 = arith.constant 2 : i32
    %mul3A_39 = arith.muli %mul3A_38, %add3A : i32
    %add3A_40 = arith.constant 1 : i32
    %add3A_41 = arith.addi %mul3A_39, %add3A_40 : i32
    %mul3A_42 = arith.constant 10000 : i32
    %mul3A_43 = arith.muli %add3A_41, %mul3A_42 : i32
    "tpu.region"() ({
      %run_scoped3A = tpu.sem_alloc : memref<!tpu.dma_semaphore, #tpu.memory_space<semaphore_mem>>
      %dma_start3A_52 = arith.constant 20000 : i32
      %dma_start3A_53 = tpu.memref_slice %arg6[%dma_start3A_52] : memref<40000xf32, #tpu.memory_space<vmem>> -> memref<10000xf32, #tpu.memory_space<vmem>>
      %dma_start3A_54 = tpu.memref_slice %arg4[%mul3A_43] : memref<1280000xf32, #tpu.memory_space<hbm>> -> memref<10000xf32, #tpu.memory_space<hbm>>
      %dma_start3A_55 = tpu.memref_slice %arg4[%mul3A_43] : memref<1280000xf32, #tpu.memory_space<hbm>> -> memref<10000xf32, #tpu.memory_space<hbm>>
      %dma_start3A_56 = arith.constant 20000 : i32
      %dma_start3A_57 = tpu.memref_slice %arg6[%dma_start3A_56] : memref<40000xf32, #tpu.memory_space<vmem>> -> memref<10000xf32, #tpu.memory_space<vmem>>
      tpu.enqueue_dma source(%dma_start3A_57 : memref<10000xf32, #tpu.memory_space<vmem>>) target(%dma_start3A_55 : memref<10000xf32, #tpu.memory_space<hbm>>) target_semaphore(%run_scoped3A : memref<!tpu.dma_semaphore, #tpu.memory_space<semaphore_mem>>)
      %dma_wait3A = arith.constant 20000 : i32
      %dma_wait3A_58 = tpu.memref_slice %arg6[%dma_wait3A] : memref<40000xf32, #tpu.memory_space<vmem>> -> memref<10000xf32, #tpu.memory_space<vmem>>
      %dma_wait3A_59 = tpu.memref_slice %arg4[%mul3A_43] : memref<1280000xf32, #tpu.memory_space<hbm>> -> memref<10000xf32, #tpu.memory_space<hbm>>
      %dma_wait3A_60 = tpu.memref_slice %arg4[%mul3A_43] : memref<1280000xf32, #tpu.memory_space<hbm>> -> memref<10000xf32, #tpu.memory_space<hbm>>
      %dma_wait3A_61 = arith.constant 20000 : i32
      %dma_wait3A_62 = tpu.memref_slice %arg6[%dma_wait3A_61] : memref<40000xf32, #tpu.memory_space<vmem>> -> memref<10000xf32, #tpu.memory_space<vmem>>
      tpu.wait_dma2 semaphore(%run_scoped3A : memref<!tpu.dma_semaphore, #tpu.memory_space<semaphore_mem>>) src(%dma_wait3A_62 : memref<10000xf32, #tpu.memory_space<vmem>>) dst(%dma_wait3A_60 : memref<10000xf32, #tpu.memory_space<hbm>>)
      tpu.yield
    }) : () -> ()
    %mul3A_44 = arith.constant 2 : i32
    %mul3A_45 = arith.muli %mul3A_44, %add3A : i32
    %add3A_46 = arith.constant 1 : i32
    %add3A_47 = arith.addi %mul3A_45, %add3A_46 : i32
    %add3A_48 = arith.constant 64 : i32
    %add3A_49 = arith.addi %add3A_47, %add3A_48 : i32
    %mul3A_50 = arith.constant 10000 : i32
    %mul3A_51 = arith.muli %add3A_49, %mul3A_50 : i32
    "tpu.region"() ({
      %run_scoped3A = tpu.sem_alloc : memref<!tpu.dma_semaphore, #tpu.memory_space<semaphore_mem>>
      %dma_start3A_52 = arith.constant 30000 : i32
      %dma_start3A_53 = tpu.memref_slice %arg6[%dma_start3A_52] : memref<40000xf32, #tpu.memory_space<vmem>> -> memref<10000xf32, #tpu.memory_space<vmem>>
      %dma_start3A_54 = tpu.memref_slice %arg4[%mul3A_51] : memref<1280000xf32, #tpu.memory_space<hbm>> -> memref<10000xf32, #tpu.memory_space<hbm>>
      %dma_start3A_55 = tpu.memref_slice %arg4[%mul3A_51] : memref<1280000xf32, #tpu.memory_space<hbm>> -> memref<10000xf32, #tpu.memory_space<hbm>>
      %dma_start3A_56 = arith.constant 30000 : i32
      %dma_start3A_57 = tpu.memref_slice %arg6[%dma_start3A_56] : memref<40000xf32, #tpu.memory_space<vmem>> -> memref<10000xf32, #tpu.memory_space<vmem>>
      tpu.enqueue_dma source(%dma_start3A_57 : memref<10000xf32, #tpu.memory_space<vmem>>) target(%dma_start3A_55 : memref<10000xf32, #tpu.memory_space<hbm>>) target_semaphore(%run_scoped3A : memref<!tpu.dma_semaphore, #tpu.memory_space<semaphore_mem>>)
      %dma_wait3A = arith.constant 30000 : i32
      %dma_wait3A_58 = tpu.memref_slice %arg6[%dma_wait3A] : memref<40000xf32, #tpu.memory_space<vmem>> -> memref<10000xf32, #tpu.memory_space<vmem>>
      %dma_wait3A_59 = tpu.memref_slice %arg4[%mul3A_51] : memref<1280000xf32, #tpu.memory_space<hbm>> -> memref<10000xf32, #tpu.memory_space<hbm>>
      %dma_wait3A_60 = tpu.memref_slice %arg4[%mul3A_51] : memref<1280000xf32, #tpu.memory_space<hbm>> -> memref<10000xf32, #tpu.memory_space<hbm>>
      %dma_wait3A_61 = arith.constant 30000 : i32
      %dma_wait3A_62 = tpu.memref_slice %arg6[%dma_wait3A_61] : memref<40000xf32, #tpu.memory_space<vmem>> -> memref<10000xf32, #tpu.memory_space<vmem>>
      tpu.wait_dma2 semaphore(%run_scoped3A : memref<!tpu.dma_semaphore, #tpu.memory_space<semaphore_mem>>) src(%dma_wait3A_62 : memref<10000xf32, #tpu.memory_space<vmem>>) dst(%dma_wait3A_60 : memref<10000xf32, #tpu.memory_space<hbm>>)
      tpu.yield
    }) : () -> ()
    return
  }
}

#map = affine_map<(d0, d1) -> (0)>
module attributes {stable_mosaic.version = 14 : i64} {
  func.func @_aggregate(%arg0: i32, %arg1: i32, %arg2: memref<640000xi32, #tpu.memory_space<hbm>>, %arg3: memref<320000xi32, #tpu.memory_space<hbm>>, %arg4: memref<1280000xf32, #tpu.memory_space<hbm>>, %arg5: memref<20000xi32, #tpu.memory_space<vmem>>, %arg6: memref<40000xf32, #tpu.memory_space<vmem>>, %arg7: memref<3200xi32, #tpu.memory_space<vmem>>, %arg8: memref<3200xi32, #tpu.memory_space<vmem>>, %arg9: memref<!tpu.dma_semaphore, #tpu.memory_space<semaphore_mem>>, %arg10: memref<!tpu.dma_semaphore, #tpu.memory_space<semaphore_mem>>) attributes {dimension_semantics = [#tpu.dimension_semantics<core_parallel>, #tpu.dimension_semantics<subcore_parallel>], iteration_bounds = array<i64: 2, 16>, scalar_prefetch = 0 : i64, scratch_operands = 6 : i64, tpu.core_type = #tpu.core_type<sc_vector_subcore>, window_params = [{transform_indices = #map}, {transform_indices = #map}, {transform_indices = #map}]} {
    %mul3A = arith.constant 2 : i32
    %mul3A_0 = arith.muli %arg1, %mul3A : i32
    %add3A = arith.addi %mul3A_0, %arg0 : i32
    %mul3A_1 = arith.constant 20000 : i32
    %mul3A_2 = arith.muli %add3A, %mul3A_1 : i32
    "tpu.region"() ({
      %run_scoped3A = tpu.sem_alloc : memref<!tpu.dma_semaphore, #tpu.memory_space<semaphore_mem>>
      %dma_start3A_52 = tpu.memref_slice %arg2[%mul3A_2] : memref<640000xi32, #tpu.memory_space<hbm>> -> memref<20000xi32, #tpu.memory_space<hbm>>
      %dma_start3A_53 = tpu.memref_slice %arg2[%mul3A_2] : memref<640000xi32, #tpu.memory_space<hbm>> -> memref<20000xi32, #tpu.memory_space<hbm>>
      tpu.enqueue_dma source(%dma_start3A_53 : memref<20000xi32, #tpu.memory_space<hbm>>) target(%arg5 : memref<20000xi32, #tpu.memory_space<vmem>>) target_semaphore(%run_scoped3A : memref<!tpu.dma_semaphore, #tpu.memory_space<semaphore_mem>>)
      %dma_wait3A = tpu.memref_slice %arg2[%mul3A_2] : memref<640000xi32, #tpu.memory_space<hbm>> -> memref<20000xi32, #tpu.memory_space<hbm>>
      %dma_wait3A_54 = tpu.memref_slice %arg2[%mul3A_2] : memref<640000xi32, #tpu.memory_space<hbm>> -> memref<20000xi32, #tpu.memory_space<hbm>>
      tpu.wait_dma2 semaphore(%run_scoped3A : memref<!tpu.dma_semaphore, #tpu.memory_space<semaphore_mem>>) src(%dma_wait3A_54 : memref<20000xi32, #tpu.memory_space<hbm>>) dst(%arg5 : memref<20000xi32, #tpu.memory_space<vmem>>)
      tpu.yield
    }) : () -> ()
    %broadcast_in_dim3A = arith.constant 0.000000e+00 : f32
    %broadcast_in_dim3A_3 = vector.broadcast %broadcast_in_dim3A : f32 to vector<16xf32>
    %scan3A = arith.constant 0 : i32
    %scan3A_4 = arith.constant 0 : i32
    %scan3A_5 = arith.constant 2500 : i32
    %scan3A_6 = arith.addi %scan3A_4, %scan3A_5 : i32
    %scan3A_7 = arith.constant 1 : i32
    scf.for %scan3A_52 = %scan3A_4 to %scan3A_6 step %scan3A_7  : i32 {
      %mul3A_53 = arith.constant 16 : i32
      %mul3A_54 = arith.muli %scan3A_52, %mul3A_53 : i32
      %swap3A = arith.index_cast %mul3A_54 : i32 to index
      %swap3A_55 = tpu.vector_load %arg6[%swap3A] {strides = array<i32>} : memref<40000xf32, #tpu.memory_space<vmem>>, vector<16xf32>,
      tpu.vector_store %arg6[%swap3A], %broadcast_in_dim3A_3 {strides = array<i32>} : memref<40000xf32, #tpu.memory_space<vmem>>, vector<16xf32>,
    }
    %scan3A_8 = arith.constant 2500 : i32
    %dma_start3A = arith.constant 0 : i32
    %dma_start3A_9 = tpu.memref_slice %arg3[%dma_start3A] : memref<320000xi32, #tpu.memory_space<hbm>> -> memref<3200xi32, #tpu.memory_space<hbm>>
    %dma_start3A_10 = arith.constant 0 : i32
    %dma_start3A_11 = tpu.memref_slice %arg3[%dma_start3A_10] : memref<320000xi32, #tpu.memory_space<hbm>> -> memref<3200xi32, #tpu.memory_space<hbm>>
    tpu.enqueue_dma source(%dma_start3A_11 : memref<3200xi32, #tpu.memory_space<hbm>>) target(%arg7 : memref<3200xi32, #tpu.memory_space<vmem>>) target_semaphore(%arg9 : memref<!tpu.dma_semaphore, #tpu.memory_space<semaphore_mem>>)
    %dma_start3A_12 = arith.constant 3200 : i32
    %dma_start3A_13 = tpu.memref_slice %arg3[%dma_start3A_12] : memref<320000xi32, #tpu.memory_space<hbm>> -> memref<3200xi32, #tpu.memory_space<hbm>>
    %dma_start3A_14 = arith.constant 3200 : i32
    %dma_start3A_15 = tpu.memref_slice %arg3[%dma_start3A_14] : memref<320000xi32, #tpu.memory_space<hbm>> -> memref<3200xi32, #tpu.memory_space<hbm>>
    tpu.enqueue_dma source(%dma_start3A_15 : memref<3200xi32, #tpu.memory_space<hbm>>) target(%arg8 : memref<3200xi32, #tpu.memory_space<vmem>>) target_semaphore(%arg10 : memref<!tpu.dma_semaphore, #tpu.memory_space<semaphore_mem>>)
    %broadcast_in_dim3A_16 = arith.constant -65536 : i32
    %broadcast_in_dim3A_17 = vector.broadcast %broadcast_in_dim3A_16 : i32 to vector<16xi32>
    %scan3A_18 = arith.constant 0 : i32
    %scan3A_19 = arith.constant 0 : i32
    %scan3A_20 = arith.constant 50 : i32
    %scan3A_21 = arith.addi %scan3A_19, %scan3A_20 : i32
    %scan3A_22 = arith.constant 1 : i32
    scf.for %scan3A_52 = %scan3A_19 to %scan3A_21 step %scan3A_22  : i32 {
      %mul3A_53 = arith.constant 2 : i32
      %mul3A_54 = arith.muli %scan3A_52, %mul3A_53 : i32
      %add3A_55 = arith.constant 0 : i32
      %add3A_56 = arith.addi %mul3A_54, %add3A_55 : i32
      %mul3A_57 = arith.constant 3200 : i32
      %mul3A_58 = arith.muli %add3A_56, %mul3A_57 : i32
      %dma_wait3A = tpu.memref_slice %arg3[%mul3A_58] : memref<320000xi32, #tpu.memory_space<hbm>> -> memref<3200xi32, #tpu.memory_space<hbm>>
      %dma_wait3A_59 = tpu.memref_slice %arg3[%mul3A_58] : memref<320000xi32, #tpu.memory_space<hbm>> -> memref<3200xi32, #tpu.memory_space<hbm>>
      tpu.wait_dma2 semaphore(%arg9 : memref<!tpu.dma_semaphore, #tpu.memory_space<semaphore_mem>>) src(%dma_wait3A_59 : memref<3200xi32, #tpu.memory_space<hbm>>) dst(%arg7 : memref<3200xi32, #tpu.memory_space<vmem>>)
      %parallel_loop3A = arith.constant 0 : i32
      %parallel_loop3A_60 = arith.constant 200 : i32
      %parallel_loop3A_61 = arith.constant 1 : i32
      scf.for %parallel_loop3A_84 = %parallel_loop3A to %parallel_loop3A_60 step %parallel_loop3A_61  : i32 {
        %parallel_loop3A_85 = arith.constant 16 : i32
        %parallel_loop3A_86 = arith.muli %parallel_loop3A_84, %parallel_loop3A_85 : i32
        %parallel_loop3A_87 = arith.index_cast %parallel_loop3A_86 : i32 to index
        %parallel_loop3A_88 = tpu.vector_load %arg7[%parallel_loop3A_87] {strides = array<i32>} : memref<3200xi32, #tpu.memory_space<vmem>>, vector<16xi32>,
        %parallel_loop3A_89 = arith.constant 14 : i32
        %parallel_loop3A_90 = vector.broadcast %parallel_loop3A_89 : i32 to vector<16xi32>
        %parallel_loop3A_91 = arith.shrsi %parallel_loop3A_88, %parallel_loop3A_90 : vector<16xi32>
        %parallel_loop3A_92 = arith.constant 16383 : i32
        %parallel_loop3A_93 = vector.broadcast %parallel_loop3A_92 : i32 to vector<16xi32>
        %parallel_loop3A_94 = arith.andi %parallel_loop3A_88, %parallel_loop3A_93 : vector<16xi32>
        %parallel_loop3A_95 = arith.constant 0 : i32
        %parallel_loop3A_96 = vector.broadcast %parallel_loop3A_95 : i32 to vector<16xi32>
        %parallel_loop3A_97 = arith.addi %parallel_loop3A_91, %parallel_loop3A_96 : vector<16xi32>
        %parallel_loop3A_98 = tpu.vector_load_idx %arg5[%parallel_loop3A_97] : memref<20000xi32, #tpu.memory_space<vmem>>[vector<16xi32>], vector<16xi32>,
        %parallel_loop3A_99 = arith.andi %parallel_loop3A_98, %broadcast_in_dim3A_17 : vector<16xi32>
        %parallel_loop3A_100 = vector.bitcast %parallel_loop3A_99 : vector<16xi32> to vector<16xf32>
        %parallel_loop3A_101 = arith.constant 16 : i32
        %parallel_loop3A_102 = vector.broadcast %parallel_loop3A_101 : i32 to vector<16xi32>
        %parallel_loop3A_103 = arith.shli %parallel_loop3A_98, %parallel_loop3A_102 : vector<16xi32>
        %parallel_loop3A_104 = vector.bitcast %parallel_loop3A_103 : vector<16xi32> to vector<16xf32>
        %parallel_loop3A_105 = arith.constant 0 : i32
        %parallel_loop3A_106 = vector.broadcast %parallel_loop3A_105 : i32 to vector<16xi32>
        %parallel_loop3A_107 = arith.addi %parallel_loop3A_94, %parallel_loop3A_106 : vector<16xi32>
        tpu.vector_store_idx %arg6[%parallel_loop3A_107], %parallel_loop3A_100 {add = true} : memref<40000xf32, #tpu.memory_space<vmem>>[vector<16xi32>], vector<16xf32>,
        %parallel_loop3A_108 = arith.constant 10000 : i32
        %parallel_loop3A_109 = vector.broadcast %parallel_loop3A_108 : i32 to vector<16xi32>
        %parallel_loop3A_110 = arith.addi %parallel_loop3A_94, %parallel_loop3A_109 : vector<16xi32>
        tpu.vector_store_idx %arg6[%parallel_loop3A_110], %parallel_loop3A_104 {add = true} : memref<40000xf32, #tpu.memory_space<vmem>>[vector<16xi32>], vector<16xf32>,
        %parallel_loop3A_111 = arith.constant 10000 : i32
        %parallel_loop3A_112 = vector.broadcast %parallel_loop3A_111 : i32 to vector<16xi32>
        %parallel_loop3A_113 = arith.addi %parallel_loop3A_91, %parallel_loop3A_112 : vector<16xi32>
        %parallel_loop3A_114 = tpu.vector_load_idx %arg5[%parallel_loop3A_113] : memref<20000xi32, #tpu.memory_space<vmem>>[vector<16xi32>], vector<16xi32>,
        %parallel_loop3A_115 = arith.andi %parallel_loop3A_114, %broadcast_in_dim3A_17 : vector<16xi32>
        %parallel_loop3A_116 = vector.bitcast %parallel_loop3A_115 : vector<16xi32> to vector<16xf32>
        %parallel_loop3A_117 = arith.constant 16 : i32
        %parallel_loop3A_118 = vector.broadcast %parallel_loop3A_117 : i32 to vector<16xi32>
        %parallel_loop3A_119 = arith.shli %parallel_loop3A_114, %parallel_loop3A_118 : vector<16xi32>
        %parallel_loop3A_120 = vector.bitcast %parallel_loop3A_119 : vector<16xi32> to vector<16xf32>
        %parallel_loop3A_121 = arith.constant 20000 : i32
        %parallel_loop3A_122 = vector.broadcast %parallel_loop3A_121 : i32 to vector<16xi32>
        %parallel_loop3A_123 = arith.addi %parallel_loop3A_94, %parallel_loop3A_122 : vector<16xi32>
        tpu.vector_store_idx %arg6[%parallel_loop3A_123], %parallel_loop3A_116 {add = true} : memref<40000xf32, #tpu.memory_space<vmem>>[vector<16xi32>], vector<16xf32>,
        %parallel_loop3A_124 = arith.constant 30000 : i32
        %parallel_loop3A_125 = vector.broadcast %parallel_loop3A_124 : i32 to vector<16xi32>
        %parallel_loop3A_126 = arith.addi %parallel_loop3A_94, %parallel_loop3A_125 : vector<16xi32>
        tpu.vector_store_idx %arg6[%parallel_loop3A_126], %parallel_loop3A_120 {add = true} : memref<40000xf32, #tpu.memory_space<vmem>>[vector<16xi32>], vector<16xf32>,
      } {sc.loop_unroll_factor = 4 : i64, sc.parallel_access}
      %add3A_62 = arith.constant 2 : i32
      %add3A_63 = arith.addi %add3A_56, %add3A_62 : i32
      %lt3A = arith.constant 100 : i32
      %lt3A_64 = arith.cmpi slt, %add3A_63, %lt3A : i32
      %convert_element_type3A = arith.extui %lt3A_64 : i1 to i32
      %cond3A = arith.constant 0 : i32
      %cond3A_65 = arith.cmpi ne, %convert_element_type3A, %cond3A : i32
      scf.if %cond3A_65 {
        %add3A_84 = arith.constant 2 : i32
        %add3A_85 = arith.addi %add3A_56, %add3A_84 : i32
        %mul3A_86 = arith.constant 3200 : i32
        %mul3A_87 = arith.muli %add3A_85, %mul3A_86 : i32
        %dma_start3A_88 = tpu.memref_slice %arg3[%mul3A_87] : memref<320000xi32, #tpu.memory_space<hbm>> -> memref<3200xi32, #tpu.memory_space<hbm>>
        %dma_start3A_89 = tpu.memref_slice %arg3[%mul3A_87] : memref<320000xi32, #tpu.memory_space<hbm>> -> memref<3200xi32, #tpu.memory_space<hbm>>
        tpu.enqueue_dma source(%dma_start3A_89 : memref<3200xi32, #tpu.memory_space<hbm>>) target(%arg7 : memref<3200xi32, #tpu.memory_space<vmem>>) target_semaphore(%arg9 : memref<!tpu.dma_semaphore, #tpu.memory_space<semaphore_mem>>)
      } else {
      }
      %mul3A_66 = arith.constant 2 : i32
      %mul3A_67 = arith.muli %scan3A_52, %mul3A_66 : i32
      %add3A_68 = arith.constant 1 : i32
      %add3A_69 = arith.addi %mul3A_67, %add3A_68 : i32
      %mul3A_70 = arith.constant 3200 : i32
      %mul3A_71 = arith.muli %add3A_69, %mul3A_70 : i32
      %dma_wait3A_72 = tpu.memref_slice %arg3[%mul3A_71] : memref<320000xi32, #tpu.memory_space<hbm>> -> memref<3200xi32, #tpu.memory_space<hbm>>
      %dma_wait3A_73 = tpu.memref_slice %arg3[%mul3A_71] : memref<320000xi32, #tpu.memory_space<hbm>> -> memref<3200xi32, #tpu.memory_space<hbm>>
      tpu.wait_dma2 semaphore(%arg10 : memref<!tpu.dma_semaphore, #tpu.memory_space<semaphore_mem>>) src(%dma_wait3A_73 : memref<3200xi32, #tpu.memory_space<hbm>>) dst(%arg8 : memref<3200xi32, #tpu.memory_space<vmem>>)
      %parallel_loop3A_74 = arith.constant 0 : i32
      %parallel_loop3A_75 = arith.constant 200 : i32
      %parallel_loop3A_76 = arith.constant 1 : i32
      scf.for %parallel_loop3A_84 = %parallel_loop3A_74 to %parallel_loop3A_75 step %parallel_loop3A_76  : i32 {
        %parallel_loop3A_85 = arith.constant 16 : i32
        %parallel_loop3A_86 = arith.muli %parallel_loop3A_84, %parallel_loop3A_85 : i32
        %parallel_loop3A_87 = arith.index_cast %parallel_loop3A_86 : i32 to index
        %parallel_loop3A_88 = tpu.vector_load %arg8[%parallel_loop3A_87] {strides = array<i32>} : memref<3200xi32, #tpu.memory_space<vmem>>, vector<16xi32>,
        %parallel_loop3A_89 = arith.constant 14 : i32
        %parallel_loop3A_90 = vector.broadcast %parallel_loop3A_89 : i32 to vector<16xi32>
        %parallel_loop3A_91 = arith.shrsi %parallel_loop3A_88, %parallel_loop3A_90 : vector<16xi32>
        %parallel_loop3A_92 = arith.constant 16383 : i32
        %parallel_loop3A_93 = vector.broadcast %parallel_loop3A_92 : i32 to vector<16xi32>
        %parallel_loop3A_94 = arith.andi %parallel_loop3A_88, %parallel_loop3A_93 : vector<16xi32>
        %parallel_loop3A_95 = arith.constant 0 : i32
        %parallel_loop3A_96 = vector.broadcast %parallel_loop3A_95 : i32 to vector<16xi32>
        %parallel_loop3A_97 = arith.addi %parallel_loop3A_91, %parallel_loop3A_96 : vector<16xi32>
        %parallel_loop3A_98 = tpu.vector_load_idx %arg5[%parallel_loop3A_97] : memref<20000xi32, #tpu.memory_space<vmem>>[vector<16xi32>], vector<16xi32>,
        %parallel_loop3A_99 = arith.andi %parallel_loop3A_98, %broadcast_in_dim3A_17 : vector<16xi32>
        %parallel_loop3A_100 = vector.bitcast %parallel_loop3A_99 : vector<16xi32> to vector<16xf32>
        %parallel_loop3A_101 = arith.constant 16 : i32
        %parallel_loop3A_102 = vector.broadcast %parallel_loop3A_101 : i32 to vector<16xi32>
        %parallel_loop3A_103 = arith.shli %parallel_loop3A_98, %parallel_loop3A_102 : vector<16xi32>
        %parallel_loop3A_104 = vector.bitcast %parallel_loop3A_103 : vector<16xi32> to vector<16xf32>
        %parallel_loop3A_105 = arith.constant 0 : i32
        %parallel_loop3A_106 = vector.broadcast %parallel_loop3A_105 : i32 to vector<16xi32>
        %parallel_loop3A_107 = arith.addi %parallel_loop3A_94, %parallel_loop3A_106 : vector<16xi32>
        tpu.vector_store_idx %arg6[%parallel_loop3A_107], %parallel_loop3A_100 {add = true} : memref<40000xf32, #tpu.memory_space<vmem>>[vector<16xi32>], vector<16xf32>,
        %parallel_loop3A_108 = arith.constant 10000 : i32
        %parallel_loop3A_109 = vector.broadcast %parallel_loop3A_108 : i32 to vector<16xi32>
        %parallel_loop3A_110 = arith.addi %parallel_loop3A_94, %parallel_loop3A_109 : vector<16xi32>
        tpu.vector_store_idx %arg6[%parallel_loop3A_110], %parallel_loop3A_104 {add = true} : memref<40000xf32, #tpu.memory_space<vmem>>[vector<16xi32>], vector<16xf32>,
        %parallel_loop3A_111 = arith.constant 10000 : i32
        %parallel_loop3A_112 = vector.broadcast %parallel_loop3A_111 : i32 to vector<16xi32>
        %parallel_loop3A_113 = arith.addi %parallel_loop3A_91, %parallel_loop3A_112 : vector<16xi32>
        %parallel_loop3A_114 = tpu.vector_load_idx %arg5[%parallel_loop3A_113] : memref<20000xi32, #tpu.memory_space<vmem>>[vector<16xi32>], vector<16xi32>,
        %parallel_loop3A_115 = arith.andi %parallel_loop3A_114, %broadcast_in_dim3A_17 : vector<16xi32>
        %parallel_loop3A_116 = vector.bitcast %parallel_loop3A_115 : vector<16xi32> to vector<16xf32>
        %parallel_loop3A_117 = arith.constant 16 : i32
        %parallel_loop3A_118 = vector.broadcast %parallel_loop3A_117 : i32 to vector<16xi32>
        %parallel_loop3A_119 = arith.shli %parallel_loop3A_114, %parallel_loop3A_118 : vector<16xi32>
        %parallel_loop3A_120 = vector.bitcast %parallel_loop3A_119 : vector<16xi32> to vector<16xf32>
        %parallel_loop3A_121 = arith.constant 20000 : i32
        %parallel_loop3A_122 = vector.broadcast %parallel_loop3A_121 : i32 to vector<16xi32>
        %parallel_loop3A_123 = arith.addi %parallel_loop3A_94, %parallel_loop3A_122 : vector<16xi32>
        tpu.vector_store_idx %arg6[%parallel_loop3A_123], %parallel_loop3A_116 {add = true} : memref<40000xf32, #tpu.memory_space<vmem>>[vector<16xi32>], vector<16xf32>,
        %parallel_loop3A_124 = arith.constant 30000 : i32
        %parallel_loop3A_125 = vector.broadcast %parallel_loop3A_124 : i32 to vector<16xi32>
        %parallel_loop3A_126 = arith.addi %parallel_loop3A_94, %parallel_loop3A_125 : vector<16xi32>
        tpu.vector_store_idx %arg6[%parallel_loop3A_126], %parallel_loop3A_120 {add = true} : memref<40000xf32, #tpu.memory_space<vmem>>[vector<16xi32>], vector<16xf32>,
      } {sc.loop_unroll_factor = 4 : i64, sc.parallel_access}
      %add3A_77 = arith.constant 2 : i32
      %add3A_78 = arith.addi %add3A_69, %add3A_77 : i32
      %lt3A_79 = arith.constant 100 : i32
      %lt3A_80 = arith.cmpi slt, %add3A_78, %lt3A_79 : i32
      %convert_element_type3A_81 = arith.extui %lt3A_80 : i1 to i32
      %cond3A_82 = arith.constant 0 : i32
      %cond3A_83 = arith.cmpi ne, %convert_element_type3A_81, %cond3A_82 : i32
      scf.if %cond3A_83 {
        %add3A_84 = arith.constant 2 : i32
        %add3A_85 = arith.addi %add3A_69, %add3A_84 : i32
        %mul3A_86 = arith.constant 3200 : i32
        %mul3A_87 = arith.muli %add3A_85, %mul3A_86 : i32
        %dma_start3A_88 = tpu.memref_slice %arg3[%mul3A_87] : memref<320000xi32, #tpu.memory_space<hbm>> -> memref<3200xi32, #tpu.memory_space<hbm>>
        %dma_start3A_89 = tpu.memref_slice %arg3[%mul3A_87] : memref<320000xi32, #tpu.memory_space<hbm>> -> memref<3200xi32, #tpu.memory_space<hbm>>
        tpu.enqueue_dma source(%dma_start3A_89 : memref<3200xi32, #tpu.memory_space<hbm>>) target(%arg8 : memref<3200xi32, #tpu.memory_space<vmem>>) target_semaphore(%arg10 : memref<!tpu.dma_semaphore, #tpu.memory_space<semaphore_mem>>)
      } else {
      }
    }
    %scan3A_23 = arith.constant 50 : i32
    %mul3A_24 = arith.constant 2 : i32
    %mul3A_25 = arith.muli %mul3A_24, %add3A : i32
    %add3A_26 = arith.constant 0 : i32
    %add3A_27 = arith.addi %mul3A_25, %add3A_26 : i32
    %mul3A_28 = arith.constant 10000 : i32
    %mul3A_29 = arith.muli %add3A_27, %mul3A_28 : i32
    "tpu.region"() ({
      %run_scoped3A = tpu.sem_alloc : memref<!tpu.dma_semaphore, #tpu.memory_space<semaphore_mem>>
      %dma_start3A_52 = arith.constant 0 : i32
      %dma_start3A_53 = tpu.memref_slice %arg6[%dma_start3A_52] : memref<40000xf32, #tpu.memory_space<vmem>> -> memref<10000xf32, #tpu.memory_space<vmem>>
      %dma_start3A_54 = tpu.memref_slice %arg4[%mul3A_29] : memref<1280000xf32, #tpu.memory_space<hbm>> -> memref<10000xf32, #tpu.memory_space<hbm>>
      %dma_start3A_55 = tpu.memref_slice %arg4[%mul3A_29] : memref<1280000xf32, #tpu.memory_space<hbm>> -> memref<10000xf32, #tpu.memory_space<hbm>>
      %dma_start3A_56 = arith.constant 0 : i32
      %dma_start3A_57 = tpu.memref_slice %arg6[%dma_start3A_56] : memref<40000xf32, #tpu.memory_space<vmem>> -> memref<10000xf32, #tpu.memory_space<vmem>>
      tpu.enqueue_dma source(%dma_start3A_57 : memref<10000xf32, #tpu.memory_space<vmem>>) target(%dma_start3A_55 : memref<10000xf32, #tpu.memory_space<hbm>>) target_semaphore(%run_scoped3A : memref<!tpu.dma_semaphore, #tpu.memory_space<semaphore_mem>>)
      %dma_wait3A = arith.constant 0 : i32
      %dma_wait3A_58 = tpu.memref_slice %arg6[%dma_wait3A] : memref<40000xf32, #tpu.memory_space<vmem>> -> memref<10000xf32, #tpu.memory_space<vmem>>
      %dma_wait3A_59 = tpu.memref_slice %arg4[%mul3A_29] : memref<1280000xf32, #tpu.memory_space<hbm>> -> memref<10000xf32, #tpu.memory_space<hbm>>
      %dma_wait3A_60 = tpu.memref_slice %arg4[%mul3A_29] : memref<1280000xf32, #tpu.memory_space<hbm>> -> memref<10000xf32, #tpu.memory_space<hbm>>
      %dma_wait3A_61 = arith.constant 0 : i32
      %dma_wait3A_62 = tpu.memref_slice %arg6[%dma_wait3A_61] : memref<40000xf32, #tpu.memory_space<vmem>> -> memref<10000xf32, #tpu.memory_space<vmem>>
      tpu.wait_dma2 semaphore(%run_scoped3A : memref<!tpu.dma_semaphore, #tpu.memory_space<semaphore_mem>>) src(%dma_wait3A_62 : memref<10000xf32, #tpu.memory_space<vmem>>) dst(%dma_wait3A_60 : memref<10000xf32, #tpu.memory_space<hbm>>)
      tpu.yield
    }) : () -> ()
    %mul3A_30 = arith.constant 2 : i32
    %mul3A_31 = arith.muli %mul3A_30, %add3A : i32
    %add3A_32 = arith.constant 0 : i32
    %add3A_33 = arith.addi %mul3A_31, %add3A_32 : i32
    %add3A_34 = arith.constant 64 : i32
    %add3A_35 = arith.addi %add3A_33, %add3A_34 : i32
    %mul3A_36 = arith.constant 10000 : i32
    %mul3A_37 = arith.muli %add3A_35, %mul3A_36 : i32
    "tpu.region"() ({
      %run_scoped3A = tpu.sem_alloc : memref<!tpu.dma_semaphore, #tpu.memory_space<semaphore_mem>>
      %dma_start3A_52 = arith.constant 10000 : i32
      %dma_start3A_53 = tpu.memref_slice %arg6[%dma_start3A_52] : memref<40000xf32, #tpu.memory_space<vmem>> -> memref<10000xf32, #tpu.memory_space<vmem>>
      %dma_start3A_54 = tpu.memref_slice %arg4[%mul3A_37] : memref<1280000xf32, #tpu.memory_space<hbm>> -> memref<10000xf32, #tpu.memory_space<hbm>>
      %dma_start3A_55 = tpu.memref_slice %arg4[%mul3A_37] : memref<1280000xf32, #tpu.memory_space<hbm>> -> memref<10000xf32, #tpu.memory_space<hbm>>
      %dma_start3A_56 = arith.constant 10000 : i32
      %dma_start3A_57 = tpu.memref_slice %arg6[%dma_start3A_56] : memref<40000xf32, #tpu.memory_space<vmem>> -> memref<10000xf32, #tpu.memory_space<vmem>>
      tpu.enqueue_dma source(%dma_start3A_57 : memref<10000xf32, #tpu.memory_space<vmem>>) target(%dma_start3A_55 : memref<10000xf32, #tpu.memory_space<hbm>>) target_semaphore(%run_scoped3A : memref<!tpu.dma_semaphore, #tpu.memory_space<semaphore_mem>>)
      %dma_wait3A = arith.constant 10000 : i32
      %dma_wait3A_58 = tpu.memref_slice %arg6[%dma_wait3A] : memref<40000xf32, #tpu.memory_space<vmem>> -> memref<10000xf32, #tpu.memory_space<vmem>>
      %dma_wait3A_59 = tpu.memref_slice %arg4[%mul3A_37] : memref<1280000xf32, #tpu.memory_space<hbm>> -> memref<10000xf32, #tpu.memory_space<hbm>>
      %dma_wait3A_60 = tpu.memref_slice %arg4[%mul3A_37] : memref<1280000xf32, #tpu.memory_space<hbm>> -> memref<10000xf32, #tpu.memory_space<hbm>>
      %dma_wait3A_61 = arith.constant 10000 : i32
      %dma_wait3A_62 = tpu.memref_slice %arg6[%dma_wait3A_61] : memref<40000xf32, #tpu.memory_space<vmem>> -> memref<10000xf32, #tpu.memory_space<vmem>>
      tpu.wait_dma2 semaphore(%run_scoped3A : memref<!tpu.dma_semaphore, #tpu.memory_space<semaphore_mem>>) src(%dma_wait3A_62 : memref<10000xf32, #tpu.memory_space<vmem>>) dst(%dma_wait3A_60 : memref<10000xf32, #tpu.memory_space<hbm>>)
      tpu.yield
    }) : () -> ()
    %mul3A_38 = arith.constant 2 : i32
    %mul3A_39 = arith.muli %mul3A_38, %add3A : i32
    %add3A_40 = arith.constant 1 : i32
    %add3A_41 = arith.addi %mul3A_39, %add3A_40 : i32
    %mul3A_42 = arith.constant 10000 : i32
    %mul3A_43 = arith.muli %add3A_41, %mul3A_42 : i32
    "tpu.region"() ({
      %run_scoped3A = tpu.sem_alloc : memref<!tpu.dma_semaphore, #tpu.memory_space<semaphore_mem>>
      %dma_start3A_52 = arith.constant 20000 : i32
      %dma_start3A_53 = tpu.memref_slice %arg6[%dma_start3A_52] : memref<40000xf32, #tpu.memory_space<vmem>> -> memref<10000xf32, #tpu.memory_space<vmem>>
      %dma_start3A_54 = tpu.memref_slice %arg4[%mul3A_43] : memref<1280000xf32, #tpu.memory_space<hbm>> -> memref<10000xf32, #tpu.memory_space<hbm>>
      %dma_start3A_55 = tpu.memref_slice %arg4[%mul3A_43] : memref<1280000xf32, #tpu.memory_space<hbm>> -> memref<10000xf32, #tpu.memory_space<hbm>>
      %dma_start3A_56 = arith.constant 20000 : i32
      %dma_start3A_57 = tpu.memref_slice %arg6[%dma_start3A_56] : memref<40000xf32, #tpu.memory_space<vmem>> -> memref<10000xf32, #tpu.memory_space<vmem>>
      tpu.enqueue_dma source(%dma_start3A_57 : memref<10000xf32, #tpu.memory_space<vmem>>) target(%dma_start3A_55 : memref<10000xf32, #tpu.memory_space<hbm>>) target_semaphore(%run_scoped3A : memref<!tpu.dma_semaphore, #tpu.memory_space<semaphore_mem>>)
      %dma_wait3A = arith.constant 20000 : i32
      %dma_wait3A_58 = tpu.memref_slice %arg6[%dma_wait3A] : memref<40000xf32, #tpu.memory_space<vmem>> -> memref<10000xf32, #tpu.memory_space<vmem>>
      %dma_wait3A_59 = tpu.memref_slice %arg4[%mul3A_43] : memref<1280000xf32, #tpu.memory_space<hbm>> -> memref<10000xf32, #tpu.memory_space<hbm>>
      %dma_wait3A_60 = tpu.memref_slice %arg4[%mul3A_43] : memref<1280000xf32, #tpu.memory_space<hbm>> -> memref<10000xf32, #tpu.memory_space<hbm>>
      %dma_wait3A_61 = arith.constant 20000 : i32
      %dma_wait3A_62 = tpu.memref_slice %arg6[%dma_wait3A_61] : memref<40000xf32, #tpu.memory_space<vmem>> -> memref<10000xf32, #tpu.memory_space<vmem>>
      tpu.wait_dma2 semaphore(%run_scoped3A : memref<!tpu.dma_semaphore, #tpu.memory_space<semaphore_mem>>) src(%dma_wait3A_62 : memref<10000xf32, #tpu.memory_space<vmem>>) dst(%dma_wait3A_60 : memref<10000xf32, #tpu.memory_space<hbm>>)
      tpu.yield
    }) : () -> ()
    %mul3A_44 = arith.constant 2 : i32
    %mul3A_45 = arith.muli %mul3A_44, %add3A : i32
    %add3A_46 = arith.constant 1 : i32
    %add3A_47 = arith.addi %mul3A_45, %add3A_46 : i32
    %add3A_48 = arith.constant 64 : i32
    %add3A_49 = arith.addi %add3A_47, %add3A_48 : i32
    %mul3A_50 = arith.constant 10000 : i32
    %mul3A_51 = arith.muli %add3A_49, %mul3A_50 : i32
    "tpu.region"() ({
      %run_scoped3A = tpu.sem_alloc : memref<!tpu.dma_semaphore, #tpu.memory_space<semaphore_mem>>
      %dma_start3A_52 = arith.constant 30000 : i32
      %dma_start3A_53 = tpu.memref_slice %arg6[%dma_start3A_52] : memref<40000xf32, #tpu.memory_space<vmem>> -> memref<10000xf32, #tpu.memory_space<vmem>>
      %dma_start3A_54 = tpu.memref_slice %arg4[%mul3A_51] : memref<1280000xf32, #tpu.memory_space<hbm>> -> memref<10000xf32, #tpu.memory_space<hbm>>
      %dma_start3A_55 = tpu.memref_slice %arg4[%mul3A_51] : memref<1280000xf32, #tpu.memory_space<hbm>> -> memref<10000xf32, #tpu.memory_space<hbm>>
      %dma_start3A_56 = arith.constant 30000 : i32
      %dma_start3A_57 = tpu.memref_slice %arg6[%dma_start3A_56] : memref<40000xf32, #tpu.memory_space<vmem>> -> memref<10000xf32, #tpu.memory_space<vmem>>
      tpu.enqueue_dma source(%dma_start3A_57 : memref<10000xf32, #tpu.memory_space<vmem>>) target(%dma_start3A_55 : memref<10000xf32, #tpu.memory_space<hbm>>) target_semaphore(%run_scoped3A : memref<!tpu.dma_semaphore, #tpu.memory_space<semaphore_mem>>)
      %dma_wait3A = arith.constant 30000 : i32
      %dma_wait3A_58 = tpu.memref_slice %arg6[%dma_wait3A] : memref<40000xf32, #tpu.memory_space<vmem>> -> memref<10000xf32, #tpu.memory_space<vmem>>
      %dma_wait3A_59 = tpu.memref_slice %arg4[%mul3A_51] : memref<1280000xf32, #tpu.memory_space<hbm>> -> memref<10000xf32, #tpu.memory_space<hbm>>
      %dma_wait3A_60 = tpu.memref_slice %arg4[%mul3A_51] : memref<1280000xf32, #tpu.memory_space<hbm>> -> memref<10000xf32, #tpu.memory_space<hbm>>
      %dma_wait3A_61 = arith.constant 30000 : i32
      %dma_wait3A_62 = tpu.memref_slice %arg6[%dma_wait3A_61] : memref<40000xf32, #tpu.memory_space<vmem>> -> memref<10000xf32, #tpu.memory_space<vmem>>
      tpu.wait_dma2 semaphore(%run_scoped3A : memref<!tpu.dma_semaphore, #tpu.memory_space<semaphore_mem>>) src(%dma_wait3A_62 : memref<10000xf32, #tpu.memory_space<vmem>>) dst(%dma_wait3A_60 : memref<10000xf32, #tpu.memory_space<hbm>>)
      tpu.yield
    }) : () -> ()
    return
  }
}

#map = affine_map<(d0, d1) -> (0)>
module attributes {stable_mosaic.version = 14 : i64} {
  func.func @_aggregate(%arg0: i32, %arg1: i32, %arg2: memref<640000xi32, #tpu.memory_space<hbm>>, %arg3: memref<320000xi32, #tpu.memory_space<hbm>>, %arg4: memref<1280000xf32, #tpu.memory_space<hbm>>, %arg5: memref<20000xi32, #tpu.memory_space<vmem>>, %arg6: memref<40000xf32, #tpu.memory_space<vmem>>, %arg7: memref<3200xi32, #tpu.memory_space<vmem>>, %arg8: memref<3200xi32, #tpu.memory_space<vmem>>, %arg9: memref<!tpu.dma_semaphore, #tpu.memory_space<semaphore_mem>>, %arg10: memref<!tpu.dma_semaphore, #tpu.memory_space<semaphore_mem>>) attributes {dimension_semantics = [#tpu.dimension_semantics<core_parallel>, #tpu.dimension_semantics<subcore_parallel>], iteration_bounds = array<i64: 2, 16>, scalar_prefetch = 0 : i64, scratch_operands = 6 : i64, tpu.core_type = #tpu.core_type<sc_vector_subcore>, window_params = [{transform_indices = #map}, {transform_indices = #map}, {transform_indices = #map}]} {
    %mul3A = arith.constant 2 : i32
    %mul3A_0 = arith.muli %arg1, %mul3A : i32
    %add3A = arith.addi %mul3A_0, %arg0 : i32
    %mul3A_1 = arith.constant 20000 : i32
    %mul3A_2 = arith.muli %add3A, %mul3A_1 : i32
    "tpu.region"() ({
      %run_scoped3A = tpu.sem_alloc : memref<!tpu.dma_semaphore, #tpu.memory_space<semaphore_mem>>
      %dma_start3A_52 = tpu.memref_slice %arg2[%mul3A_2] : memref<640000xi32, #tpu.memory_space<hbm>> -> memref<20000xi32, #tpu.memory_space<hbm>>
      %dma_start3A_53 = tpu.memref_slice %arg2[%mul3A_2] : memref<640000xi32, #tpu.memory_space<hbm>> -> memref<20000xi32, #tpu.memory_space<hbm>>
      tpu.enqueue_dma source(%dma_start3A_53 : memref<20000xi32, #tpu.memory_space<hbm>>) target(%arg5 : memref<20000xi32, #tpu.memory_space<vmem>>) target_semaphore(%run_scoped3A : memref<!tpu.dma_semaphore, #tpu.memory_space<semaphore_mem>>)
      %dma_wait3A = tpu.memref_slice %arg2[%mul3A_2] : memref<640000xi32, #tpu.memory_space<hbm>> -> memref<20000xi32, #tpu.memory_space<hbm>>
      %dma_wait3A_54 = tpu.memref_slice %arg2[%mul3A_2] : memref<640000xi32, #tpu.memory_space<hbm>> -> memref<20000xi32, #tpu.memory_space<hbm>>
      tpu.wait_dma2 semaphore(%run_scoped3A : memref<!tpu.dma_semaphore, #tpu.memory_space<semaphore_mem>>) src(%dma_wait3A_54 : memref<20000xi32, #tpu.memory_space<hbm>>) dst(%arg5 : memref<20000xi32, #tpu.memory_space<vmem>>)
      tpu.yield
    }) : () -> ()
    %broadcast_in_dim3A = arith.constant 0.000000e+00 : f32
    %broadcast_in_dim3A_3 = vector.broadcast %broadcast_in_dim3A : f32 to vector<16xf32>
    %scan3A = arith.constant 0 : i32
    %scan3A_4 = arith.constant 0 : i32
    %scan3A_5 = arith.constant 2500 : i32
    %scan3A_6 = arith.addi %scan3A_4, %scan3A_5 : i32
    %scan3A_7 = arith.constant 1 : i32
    scf.for %scan3A_52 = %scan3A_4 to %scan3A_6 step %scan3A_7  : i32 {
      %mul3A_53 = arith.constant 16 : i32
      %mul3A_54 = arith.muli %scan3A_52, %mul3A_53 : i32
      %swap3A = arith.index_cast %mul3A_54 : i32 to index
      %swap3A_55 = tpu.vector_load %arg6[%swap3A] {strides = array<i32>} : memref<40000xf32, #tpu.memory_space<vmem>>, vector<16xf32>,
      tpu.vector_store %arg6[%swap3A], %broadcast_in_dim3A_3 {strides = array<i32>} : memref<40000xf32, #tpu.memory_space<vmem>>, vector<16xf32>,
    }
    %scan3A_8 = arith.constant 2500 : i32
    %dma_start3A = arith.constant 0 : i32
    %dma_start3A_9 = tpu.memref_slice %arg3[%dma_start3A] : memref<320000xi32, #tpu.memory_space<hbm>> -> memref<3200xi32, #tpu.memory_space<hbm>>
    %dma_start3A_10 = arith.constant 0 : i32
    %dma_start3A_11 = tpu.memref_slice %arg3[%dma_start3A_10] : memref<320000xi32, #tpu.memory_space<hbm>> -> memref<3200xi32, #tpu.memory_space<hbm>>
    tpu.enqueue_dma source(%dma_start3A_11 : memref<3200xi32, #tpu.memory_space<hbm>>) target(%arg7 : memref<3200xi32, #tpu.memory_space<vmem>>) target_semaphore(%arg9 : memref<!tpu.dma_semaphore, #tpu.memory_space<semaphore_mem>>)
    %dma_start3A_12 = arith.constant 3200 : i32
    %dma_start3A_13 = tpu.memref_slice %arg3[%dma_start3A_12] : memref<320000xi32, #tpu.memory_space<hbm>> -> memref<3200xi32, #tpu.memory_space<hbm>>
    %dma_start3A_14 = arith.constant 3200 : i32
    %dma_start3A_15 = tpu.memref_slice %arg3[%dma_start3A_14] : memref<320000xi32, #tpu.memory_space<hbm>> -> memref<3200xi32, #tpu.memory_space<hbm>>
    tpu.enqueue_dma source(%dma_start3A_15 : memref<3200xi32, #tpu.memory_space<hbm>>) target(%arg8 : memref<3200xi32, #tpu.memory_space<vmem>>) target_semaphore(%arg10 : memref<!tpu.dma_semaphore, #tpu.memory_space<semaphore_mem>>)
    %broadcast_in_dim3A_16 = arith.constant -65536 : i32
    %broadcast_in_dim3A_17 = vector.broadcast %broadcast_in_dim3A_16 : i32 to vector<16xi32>
    %scan3A_18 = arith.constant 0 : i32
    %scan3A_19 = arith.constant 0 : i32
    %scan3A_20 = arith.constant 50 : i32
    %scan3A_21 = arith.addi %scan3A_19, %scan3A_20 : i32
    %scan3A_22 = arith.constant 1 : i32
    scf.for %scan3A_52 = %scan3A_19 to %scan3A_21 step %scan3A_22  : i32 {
      %mul3A_53 = arith.constant 2 : i32
      %mul3A_54 = arith.muli %scan3A_52, %mul3A_53 : i32
      %add3A_55 = arith.constant 0 : i32
      %add3A_56 = arith.addi %mul3A_54, %add3A_55 : i32
      %mul3A_57 = arith.constant 3200 : i32
      %mul3A_58 = arith.muli %add3A_56, %mul3A_57 : i32
      %dma_wait3A = tpu.memref_slice %arg3[%mul3A_58] : memref<320000xi32, #tpu.memory_space<hbm>> -> memref<3200xi32, #tpu.memory_space<hbm>>
      %dma_wait3A_59 = tpu.memref_slice %arg3[%mul3A_58] : memref<320000xi32, #tpu.memory_space<hbm>> -> memref<3200xi32, #tpu.memory_space<hbm>>
      tpu.wait_dma2 semaphore(%arg9 : memref<!tpu.dma_semaphore, #tpu.memory_space<semaphore_mem>>) src(%dma_wait3A_59 : memref<3200xi32, #tpu.memory_space<hbm>>) dst(%arg7 : memref<3200xi32, #tpu.memory_space<vmem>>)
      %parallel_loop3A = arith.constant 0 : i32
      %parallel_loop3A_60 = arith.constant 200 : i32
      %parallel_loop3A_61 = arith.constant 1 : i32
      scf.for %parallel_loop3A_84 = %parallel_loop3A to %parallel_loop3A_60 step %parallel_loop3A_61  : i32 {
        %parallel_loop3A_85 = arith.constant 16 : i32
        %parallel_loop3A_86 = arith.muli %parallel_loop3A_84, %parallel_loop3A_85 : i32
        %parallel_loop3A_87 = arith.index_cast %parallel_loop3A_86 : i32 to index
        %parallel_loop3A_88 = tpu.vector_load %arg7[%parallel_loop3A_87] {strides = array<i32>} : memref<3200xi32, #tpu.memory_space<vmem>>, vector<16xi32>,
        %parallel_loop3A_89 = arith.constant 14 : i32
        %parallel_loop3A_90 = vector.broadcast %parallel_loop3A_89 : i32 to vector<16xi32>
        %parallel_loop3A_91 = arith.shrsi %parallel_loop3A_88, %parallel_loop3A_90 : vector<16xi32>
        %parallel_loop3A_92 = arith.constant 16383 : i32
        %parallel_loop3A_93 = vector.broadcast %parallel_loop3A_92 : i32 to vector<16xi32>
        %parallel_loop3A_94 = arith.andi %parallel_loop3A_88, %parallel_loop3A_93 : vector<16xi32>
        %parallel_loop3A_95 = arith.constant 0 : i32
        %parallel_loop3A_96 = vector.broadcast %parallel_loop3A_95 : i32 to vector<16xi32>
        %parallel_loop3A_97 = arith.addi %parallel_loop3A_91, %parallel_loop3A_96 : vector<16xi32>
        %parallel_loop3A_98 = tpu.vector_load_idx %arg5[%parallel_loop3A_97] : memref<20000xi32, #tpu.memory_space<vmem>>[vector<16xi32>], vector<16xi32>,
        %parallel_loop3A_99 = arith.andi %parallel_loop3A_98, %broadcast_in_dim3A_17 : vector<16xi32>
        %parallel_loop3A_100 = vector.bitcast %parallel_loop3A_99 : vector<16xi32> to vector<16xf32>
        %parallel_loop3A_101 = arith.constant 16 : i32
        %parallel_loop3A_102 = vector.broadcast %parallel_loop3A_101 : i32 to vector<16xi32>
        %parallel_loop3A_103 = arith.shli %parallel_loop3A_98, %parallel_loop3A_102 : vector<16xi32>
        %parallel_loop3A_104 = vector.bitcast %parallel_loop3A_103 : vector<16xi32> to vector<16xf32>
        %parallel_loop3A_105 = arith.constant 0 : i32
        %parallel_loop3A_106 = vector.broadcast %parallel_loop3A_105 : i32 to vector<16xi32>
        %parallel_loop3A_107 = arith.addi %parallel_loop3A_94, %parallel_loop3A_106 : vector<16xi32>
        tpu.vector_store_idx %arg6[%parallel_loop3A_107], %parallel_loop3A_100 {add = true} : memref<40000xf32, #tpu.memory_space<vmem>>[vector<16xi32>], vector<16xf32>,
        %parallel_loop3A_108 = arith.constant 10000 : i32
        %parallel_loop3A_109 = vector.broadcast %parallel_loop3A_108 : i32 to vector<16xi32>
        %parallel_loop3A_110 = arith.addi %parallel_loop3A_94, %parallel_loop3A_109 : vector<16xi32>
        tpu.vector_store_idx %arg6[%parallel_loop3A_110], %parallel_loop3A_104 {add = true} : memref<40000xf32, #tpu.memory_space<vmem>>[vector<16xi32>], vector<16xf32>,
        %parallel_loop3A_111 = arith.constant 10000 : i32
        %parallel_loop3A_112 = vector.broadcast %parallel_loop3A_111 : i32 to vector<16xi32>
        %parallel_loop3A_113 = arith.addi %parallel_loop3A_91, %parallel_loop3A_112 : vector<16xi32>
        %parallel_loop3A_114 = tpu.vector_load_idx %arg5[%parallel_loop3A_113] : memref<20000xi32, #tpu.memory_space<vmem>>[vector<16xi32>], vector<16xi32>,
        %parallel_loop3A_115 = arith.andi %parallel_loop3A_114, %broadcast_in_dim3A_17 : vector<16xi32>
        %parallel_loop3A_116 = vector.bitcast %parallel_loop3A_115 : vector<16xi32> to vector<16xf32>
        %parallel_loop3A_117 = arith.constant 16 : i32
        %parallel_loop3A_118 = vector.broadcast %parallel_loop3A_117 : i32 to vector<16xi32>
        %parallel_loop3A_119 = arith.shli %parallel_loop3A_114, %parallel_loop3A_118 : vector<16xi32>
        %parallel_loop3A_120 = vector.bitcast %parallel_loop3A_119 : vector<16xi32> to vector<16xf32>
        %parallel_loop3A_121 = arith.constant 20000 : i32
        %parallel_loop3A_122 = vector.broadcast %parallel_loop3A_121 : i32 to vector<16xi32>
        %parallel_loop3A_123 = arith.addi %parallel_loop3A_94, %parallel_loop3A_122 : vector<16xi32>
        tpu.vector_store_idx %arg6[%parallel_loop3A_123], %parallel_loop3A_116 {add = true} : memref<40000xf32, #tpu.memory_space<vmem>>[vector<16xi32>], vector<16xf32>,
        %parallel_loop3A_124 = arith.constant 30000 : i32
        %parallel_loop3A_125 = vector.broadcast %parallel_loop3A_124 : i32 to vector<16xi32>
        %parallel_loop3A_126 = arith.addi %parallel_loop3A_94, %parallel_loop3A_125 : vector<16xi32>
        tpu.vector_store_idx %arg6[%parallel_loop3A_126], %parallel_loop3A_120 {add = true} : memref<40000xf32, #tpu.memory_space<vmem>>[vector<16xi32>], vector<16xf32>,
      } {sc.loop_unroll_factor = 4 : i64, sc.parallel_access}
      %add3A_62 = arith.constant 2 : i32
      %add3A_63 = arith.addi %add3A_56, %add3A_62 : i32
      %lt3A = arith.constant 100 : i32
      %lt3A_64 = arith.cmpi slt, %add3A_63, %lt3A : i32
      %convert_element_type3A = arith.extui %lt3A_64 : i1 to i32
      %cond3A = arith.constant 0 : i32
      %cond3A_65 = arith.cmpi ne, %convert_element_type3A, %cond3A : i32
      scf.if %cond3A_65 {
        %add3A_84 = arith.constant 2 : i32
        %add3A_85 = arith.addi %add3A_56, %add3A_84 : i32
        %mul3A_86 = arith.constant 3200 : i32
        %mul3A_87 = arith.muli %add3A_85, %mul3A_86 : i32
        %dma_start3A_88 = tpu.memref_slice %arg3[%mul3A_87] : memref<320000xi32, #tpu.memory_space<hbm>> -> memref<3200xi32, #tpu.memory_space<hbm>>
        %dma_start3A_89 = tpu.memref_slice %arg3[%mul3A_87] : memref<320000xi32, #tpu.memory_space<hbm>> -> memref<3200xi32, #tpu.memory_space<hbm>>
        tpu.enqueue_dma source(%dma_start3A_89 : memref<3200xi32, #tpu.memory_space<hbm>>) target(%arg7 : memref<3200xi32, #tpu.memory_space<vmem>>) target_semaphore(%arg9 : memref<!tpu.dma_semaphore, #tpu.memory_space<semaphore_mem>>)
      } else {
      }
      %mul3A_66 = arith.constant 2 : i32
      %mul3A_67 = arith.muli %scan3A_52, %mul3A_66 : i32
      %add3A_68 = arith.constant 1 : i32
      %add3A_69 = arith.addi %mul3A_67, %add3A_68 : i32
      %mul3A_70 = arith.constant 3200 : i32
      %mul3A_71 = arith.muli %add3A_69, %mul3A_70 : i32
      %dma_wait3A_72 = tpu.memref_slice %arg3[%mul3A_71] : memref<320000xi32, #tpu.memory_space<hbm>> -> memref<3200xi32, #tpu.memory_space<hbm>>
      %dma_wait3A_73 = tpu.memref_slice %arg3[%mul3A_71] : memref<320000xi32, #tpu.memory_space<hbm>> -> memref<3200xi32, #tpu.memory_space<hbm>>
      tpu.wait_dma2 semaphore(%arg10 : memref<!tpu.dma_semaphore, #tpu.memory_space<semaphore_mem>>) src(%dma_wait3A_73 : memref<3200xi32, #tpu.memory_space<hbm>>) dst(%arg8 : memref<3200xi32, #tpu.memory_space<vmem>>)
      %parallel_loop3A_74 = arith.constant 0 : i32
      %parallel_loop3A_75 = arith.constant 200 : i32
      %parallel_loop3A_76 = arith.constant 1 : i32
      scf.for %parallel_loop3A_84 = %parallel_loop3A_74 to %parallel_loop3A_75 step %parallel_loop3A_76  : i32 {
        %parallel_loop3A_85 = arith.constant 16 : i32
        %parallel_loop3A_86 = arith.muli %parallel_loop3A_84, %parallel_loop3A_85 : i32
        %parallel_loop3A_87 = arith.index_cast %parallel_loop3A_86 : i32 to index
        %parallel_loop3A_88 = tpu.vector_load %arg8[%parallel_loop3A_87] {strides = array<i32>} : memref<3200xi32, #tpu.memory_space<vmem>>, vector<16xi32>,
        %parallel_loop3A_89 = arith.constant 14 : i32
        %parallel_loop3A_90 = vector.broadcast %parallel_loop3A_89 : i32 to vector<16xi32>
        %parallel_loop3A_91 = arith.shrsi %parallel_loop3A_88, %parallel_loop3A_90 : vector<16xi32>
        %parallel_loop3A_92 = arith.constant 16383 : i32
        %parallel_loop3A_93 = vector.broadcast %parallel_loop3A_92 : i32 to vector<16xi32>
        %parallel_loop3A_94 = arith.andi %parallel_loop3A_88, %parallel_loop3A_93 : vector<16xi32>
        %parallel_loop3A_95 = arith.constant 0 : i32
        %parallel_loop3A_96 = vector.broadcast %parallel_loop3A_95 : i32 to vector<16xi32>
        %parallel_loop3A_97 = arith.addi %parallel_loop3A_91, %parallel_loop3A_96 : vector<16xi32>
        %parallel_loop3A_98 = tpu.vector_load_idx %arg5[%parallel_loop3A_97] : memref<20000xi32, #tpu.memory_space<vmem>>[vector<16xi32>], vector<16xi32>,
        %parallel_loop3A_99 = arith.andi %parallel_loop3A_98, %broadcast_in_dim3A_17 : vector<16xi32>
        %parallel_loop3A_100 = vector.bitcast %parallel_loop3A_99 : vector<16xi32> to vector<16xf32>
        %parallel_loop3A_101 = arith.constant 16 : i32
        %parallel_loop3A_102 = vector.broadcast %parallel_loop3A_101 : i32 to vector<16xi32>
        %parallel_loop3A_103 = arith.shli %parallel_loop3A_98, %parallel_loop3A_102 : vector<16xi32>
        %parallel_loop3A_104 = vector.bitcast %parallel_loop3A_103 : vector<16xi32> to vector<16xf32>
        %parallel_loop3A_105 = arith.constant 0 : i32
        %parallel_loop3A_106 = vector.broadcast %parallel_loop3A_105 : i32 to vector<16xi32>
        %parallel_loop3A_107 = arith.addi %parallel_loop3A_94, %parallel_loop3A_106 : vector<16xi32>
        tpu.vector_store_idx %arg6[%parallel_loop3A_107], %parallel_loop3A_100 {add = true} : memref<40000xf32, #tpu.memory_space<vmem>>[vector<16xi32>], vector<16xf32>,
        %parallel_loop3A_108 = arith.constant 10000 : i32
        %parallel_loop3A_109 = vector.broadcast %parallel_loop3A_108 : i32 to vector<16xi32>
        %parallel_loop3A_110 = arith.addi %parallel_loop3A_94, %parallel_loop3A_109 : vector<16xi32>
        tpu.vector_store_idx %arg6[%parallel_loop3A_110], %parallel_loop3A_104 {add = true} : memref<40000xf32, #tpu.memory_space<vmem>>[vector<16xi32>], vector<16xf32>,
        %parallel_loop3A_111 = arith.constant 10000 : i32
        %parallel_loop3A_112 = vector.broadcast %parallel_loop3A_111 : i32 to vector<16xi32>
        %parallel_loop3A_113 = arith.addi %parallel_loop3A_91, %parallel_loop3A_112 : vector<16xi32>
        %parallel_loop3A_114 = tpu.vector_load_idx %arg5[%parallel_loop3A_113] : memref<20000xi32, #tpu.memory_space<vmem>>[vector<16xi32>], vector<16xi32>,
        %parallel_loop3A_115 = arith.andi %parallel_loop3A_114, %broadcast_in_dim3A_17 : vector<16xi32>
        %parallel_loop3A_116 = vector.bitcast %parallel_loop3A_115 : vector<16xi32> to vector<16xf32>
        %parallel_loop3A_117 = arith.constant 16 : i32
        %parallel_loop3A_118 = vector.broadcast %parallel_loop3A_117 : i32 to vector<16xi32>
        %parallel_loop3A_119 = arith.shli %parallel_loop3A_114, %parallel_loop3A_118 : vector<16xi32>
        %parallel_loop3A_120 = vector.bitcast %parallel_loop3A_119 : vector<16xi32> to vector<16xf32>
        %parallel_loop3A_121 = arith.constant 20000 : i32
        %parallel_loop3A_122 = vector.broadcast %parallel_loop3A_121 : i32 to vector<16xi32>
        %parallel_loop3A_123 = arith.addi %parallel_loop3A_94, %parallel_loop3A_122 : vector<16xi32>
        tpu.vector_store_idx %arg6[%parallel_loop3A_123], %parallel_loop3A_116 {add = true} : memref<40000xf32, #tpu.memory_space<vmem>>[vector<16xi32>], vector<16xf32>,
        %parallel_loop3A_124 = arith.constant 30000 : i32
        %parallel_loop3A_125 = vector.broadcast %parallel_loop3A_124 : i32 to vector<16xi32>
        %parallel_loop3A_126 = arith.addi %parallel_loop3A_94, %parallel_loop3A_125 : vector<16xi32>
        tpu.vector_store_idx %arg6[%parallel_loop3A_126], %parallel_loop3A_120 {add = true} : memref<40000xf32, #tpu.memory_space<vmem>>[vector<16xi32>], vector<16xf32>,
      } {sc.loop_unroll_factor = 4 : i64, sc.parallel_access}
      %add3A_77 = arith.constant 2 : i32
      %add3A_78 = arith.addi %add3A_69, %add3A_77 : i32
      %lt3A_79 = arith.constant 100 : i32
      %lt3A_80 = arith.cmpi slt, %add3A_78, %lt3A_79 : i32
      %convert_element_type3A_81 = arith.extui %lt3A_80 : i1 to i32
      %cond3A_82 = arith.constant 0 : i32
      %cond3A_83 = arith.cmpi ne, %convert_element_type3A_81, %cond3A_82 : i32
      scf.if %cond3A_83 {
        %add3A_84 = arith.constant 2 : i32
        %add3A_85 = arith.addi %add3A_69, %add3A_84 : i32
        %mul3A_86 = arith.constant 3200 : i32
        %mul3A_87 = arith.muli %add3A_85, %mul3A_86 : i32
        %dma_start3A_88 = tpu.memref_slice %arg3[%mul3A_87] : memref<320000xi32, #tpu.memory_space<hbm>> -> memref<3200xi32, #tpu.memory_space<hbm>>
        %dma_start3A_89 = tpu.memref_slice %arg3[%mul3A_87] : memref<320000xi32, #tpu.memory_space<hbm>> -> memref<3200xi32, #tpu.memory_space<hbm>>
        tpu.enqueue_dma source(%dma_start3A_89 : memref<3200xi32, #tpu.memory_space<hbm>>) target(%arg8 : memref<3200xi32, #tpu.memory_space<vmem>>) target_semaphore(%arg10 : memref<!tpu.dma_semaphore, #tpu.memory_space<semaphore_mem>>)
      } else {
      }
    }
    %scan3A_23 = arith.constant 50 : i32
    %mul3A_24 = arith.constant 2 : i32
    %mul3A_25 = arith.muli %mul3A_24, %add3A : i32
    %add3A_26 = arith.constant 0 : i32
    %add3A_27 = arith.addi %mul3A_25, %add3A_26 : i32
    %mul3A_28 = arith.constant 10000 : i32
    %mul3A_29 = arith.muli %add3A_27, %mul3A_28 : i32
    "tpu.region"() ({
      %run_scoped3A = tpu.sem_alloc : memref<!tpu.dma_semaphore, #tpu.memory_space<semaphore_mem>>
      %dma_start3A_52 = arith.constant 0 : i32
      %dma_start3A_53 = tpu.memref_slice %arg6[%dma_start3A_52] : memref<40000xf32, #tpu.memory_space<vmem>> -> memref<10000xf32, #tpu.memory_space<vmem>>
      %dma_start3A_54 = tpu.memref_slice %arg4[%mul3A_29] : memref<1280000xf32, #tpu.memory_space<hbm>> -> memref<10000xf32, #tpu.memory_space<hbm>>
      %dma_start3A_55 = tpu.memref_slice %arg4[%mul3A_29] : memref<1280000xf32, #tpu.memory_space<hbm>> -> memref<10000xf32, #tpu.memory_space<hbm>>
      %dma_start3A_56 = arith.constant 0 : i32
      %dma_start3A_57 = tpu.memref_slice %arg6[%dma_start3A_56] : memref<40000xf32, #tpu.memory_space<vmem>> -> memref<10000xf32, #tpu.memory_space<vmem>>
      tpu.enqueue_dma source(%dma_start3A_57 : memref<10000xf32, #tpu.memory_space<vmem>>) target(%dma_start3A_55 : memref<10000xf32, #tpu.memory_space<hbm>>) target_semaphore(%run_scoped3A : memref<!tpu.dma_semaphore, #tpu.memory_space<semaphore_mem>>)
      %dma_wait3A = arith.constant 0 : i32
      %dma_wait3A_58 = tpu.memref_slice %arg6[%dma_wait3A] : memref<40000xf32, #tpu.memory_space<vmem>> -> memref<10000xf32, #tpu.memory_space<vmem>>
      %dma_wait3A_59 = tpu.memref_slice %arg4[%mul3A_29] : memref<1280000xf32, #tpu.memory_space<hbm>> -> memref<10000xf32, #tpu.memory_space<hbm>>
      %dma_wait3A_60 = tpu.memref_slice %arg4[%mul3A_29] : memref<1280000xf32, #tpu.memory_space<hbm>> -> memref<10000xf32, #tpu.memory_space<hbm>>
      %dma_wait3A_61 = arith.constant 0 : i32
      %dma_wait3A_62 = tpu.memref_slice %arg6[%dma_wait3A_61] : memref<40000xf32, #tpu.memory_space<vmem>> -> memref<10000xf32, #tpu.memory_space<vmem>>
      tpu.wait_dma2 semaphore(%run_scoped3A : memref<!tpu.dma_semaphore, #tpu.memory_space<semaphore_mem>>) src(%dma_wait3A_62 : memref<10000xf32, #tpu.memory_space<vmem>>) dst(%dma_wait3A_60 : memref<10000xf32, #tpu.memory_space<hbm>>)
      tpu.yield
    }) : () -> ()
    %mul3A_30 = arith.constant 2 : i32
    %mul3A_31 = arith.muli %mul3A_30, %add3A : i32
    %add3A_32 = arith.constant 0 : i32
    %add3A_33 = arith.addi %mul3A_31, %add3A_32 : i32
    %add3A_34 = arith.constant 64 : i32
    %add3A_35 = arith.addi %add3A_33, %add3A_34 : i32
    %mul3A_36 = arith.constant 10000 : i32
    %mul3A_37 = arith.muli %add3A_35, %mul3A_36 : i32
    "tpu.region"() ({
      %run_scoped3A = tpu.sem_alloc : memref<!tpu.dma_semaphore, #tpu.memory_space<semaphore_mem>>
      %dma_start3A_52 = arith.constant 10000 : i32
      %dma_start3A_53 = tpu.memref_slice %arg6[%dma_start3A_52] : memref<40000xf32, #tpu.memory_space<vmem>> -> memref<10000xf32, #tpu.memory_space<vmem>>
      %dma_start3A_54 = tpu.memref_slice %arg4[%mul3A_37] : memref<1280000xf32, #tpu.memory_space<hbm>> -> memref<10000xf32, #tpu.memory_space<hbm>>
      %dma_start3A_55 = tpu.memref_slice %arg4[%mul3A_37] : memref<1280000xf32, #tpu.memory_space<hbm>> -> memref<10000xf32, #tpu.memory_space<hbm>>
      %dma_start3A_56 = arith.constant 10000 : i32
      %dma_start3A_57 = tpu.memref_slice %arg6[%dma_start3A_56] : memref<40000xf32, #tpu.memory_space<vmem>> -> memref<10000xf32, #tpu.memory_space<vmem>>
      tpu.enqueue_dma source(%dma_start3A_57 : memref<10000xf32, #tpu.memory_space<vmem>>) target(%dma_start3A_55 : memref<10000xf32, #tpu.memory_space<hbm>>) target_semaphore(%run_scoped3A : memref<!tpu.dma_semaphore, #tpu.memory_space<semaphore_mem>>)
      %dma_wait3A = arith.constant 10000 : i32
      %dma_wait3A_58 = tpu.memref_slice %arg6[%dma_wait3A] : memref<40000xf32, #tpu.memory_space<vmem>> -> memref<10000xf32, #tpu.memory_space<vmem>>
      %dma_wait3A_59 = tpu.memref_slice %arg4[%mul3A_37] : memref<1280000xf32, #tpu.memory_space<hbm>> -> memref<10000xf32, #tpu.memory_space<hbm>>
      %dma_wait3A_60 = tpu.memref_slice %arg4[%mul3A_37] : memref<1280000xf32, #tpu.memory_space<hbm>> -> memref<10000xf32, #tpu.memory_space<hbm>>
      %dma_wait3A_61 = arith.constant 10000 : i32
      %dma_wait3A_62 = tpu.memref_slice %arg6[%dma_wait3A_61] : memref<40000xf32, #tpu.memory_space<vmem>> -> memref<10000xf32, #tpu.memory_space<vmem>>
      tpu.wait_dma2 semaphore(%run_scoped3A : memref<!tpu.dma_semaphore, #tpu.memory_space<semaphore_mem>>) src(%dma_wait3A_62 : memref<10000xf32, #tpu.memory_space<vmem>>) dst(%dma_wait3A_60 : memref<10000xf32, #tpu.memory_space<hbm>>)
      tpu.yield
    }) : () -> ()
    %mul3A_38 = arith.constant 2 : i32
    %mul3A_39 = arith.muli %mul3A_38, %add3A : i32
    %add3A_40 = arith.constant 1 : i32
    %add3A_41 = arith.addi %mul3A_39, %add3A_40 : i32
    %mul3A_42 = arith.constant 10000 : i32
    %mul3A_43 = arith.muli %add3A_41, %mul3A_42 : i32
    "tpu.region"() ({
      %run_scoped3A = tpu.sem_alloc : memref<!tpu.dma_semaphore, #tpu.memory_space<semaphore_mem>>
      %dma_start3A_52 = arith.constant 20000 : i32
      %dma_start3A_53 = tpu.memref_slice %arg6[%dma_start3A_52] : memref<40000xf32, #tpu.memory_space<vmem>> -> memref<10000xf32, #tpu.memory_space<vmem>>
      %dma_start3A_54 = tpu.memref_slice %arg4[%mul3A_43] : memref<1280000xf32, #tpu.memory_space<hbm>> -> memref<10000xf32, #tpu.memory_space<hbm>>
      %dma_start3A_55 = tpu.memref_slice %arg4[%mul3A_43] : memref<1280000xf32, #tpu.memory_space<hbm>> -> memref<10000xf32, #tpu.memory_space<hbm>>
      %dma_start3A_56 = arith.constant 20000 : i32
      %dma_start3A_57 = tpu.memref_slice %arg6[%dma_start3A_56] : memref<40000xf32, #tpu.memory_space<vmem>> -> memref<10000xf32, #tpu.memory_space<vmem>>
      tpu.enqueue_dma source(%dma_start3A_57 : memref<10000xf32, #tpu.memory_space<vmem>>) target(%dma_start3A_55 : memref<10000xf32, #tpu.memory_space<hbm>>) target_semaphore(%run_scoped3A : memref<!tpu.dma_semaphore, #tpu.memory_space<semaphore_mem>>)
      %dma_wait3A = arith.constant 20000 : i32
      %dma_wait3A_58 = tpu.memref_slice %arg6[%dma_wait3A] : memref<40000xf32, #tpu.memory_space<vmem>> -> memref<10000xf32, #tpu.memory_space<vmem>>
      %dma_wait3A_59 = tpu.memref_slice %arg4[%mul3A_43] : memref<1280000xf32, #tpu.memory_space<hbm>> -> memref<10000xf32, #tpu.memory_space<hbm>>
      %dma_wait3A_60 = tpu.memref_slice %arg4[%mul3A_43] : memref<1280000xf32, #tpu.memory_space<hbm>> -> memref<10000xf32, #tpu.memory_space<hbm>>
      %dma_wait3A_61 = arith.constant 20000 : i32
      %dma_wait3A_62 = tpu.memref_slice %arg6[%dma_wait3A_61] : memref<40000xf32, #tpu.memory_space<vmem>> -> memref<10000xf32, #tpu.memory_space<vmem>>
      tpu.wait_dma2 semaphore(%run_scoped3A : memref<!tpu.dma_semaphore, #tpu.memory_space<semaphore_mem>>) src(%dma_wait3A_62 : memref<10000xf32, #tpu.memory_space<vmem>>) dst(%dma_wait3A_60 : memref<10000xf32, #tpu.memory_space<hbm>>)
      tpu.yield
    }) : () -> ()
    %mul3A_44 = arith.constant 2 : i32
    %mul3A_45 = arith.muli %mul3A_44, %add3A : i32
    %add3A_46 = arith.constant 1 : i32
    %add3A_47 = arith.addi %mul3A_45, %add3A_46 : i32
    %add3A_48 = arith.constant 64 : i32
    %add3A_49 = arith.addi %add3A_47, %add3A_48 : i32
    %mul3A_50 = arith.constant 10000 : i32
    %mul3A_51 = arith.muli %add3A_49, %mul3A_50 : i32
    "tpu.region"() ({
      %run_scoped3A = tpu.sem_alloc : memref<!tpu.dma_semaphore, #tpu.memory_space<semaphore_mem>>
      %dma_start3A_52 = arith.constant 30000 : i32
      %dma_start3A_53 = tpu.memref_slice %arg6[%dma_start3A_52] : memref<40000xf32, #tpu.memory_space<vmem>> -> memref<10000xf32, #tpu.memory_space<vmem>>
      %dma_start3A_54 = tpu.memref_slice %arg4[%mul3A_51] : memref<1280000xf32, #tpu.memory_space<hbm>> -> memref<10000xf32, #tpu.memory_space<hbm>>
      %dma_start3A_55 = tpu.memref_slice %arg4[%mul3A_51] : memref<1280000xf32, #tpu.memory_space<hbm>> -> memref<10000xf32, #tpu.memory_space<hbm>>
      %dma_start3A_56 = arith.constant 30000 : i32
      %dma_start3A_57 = tpu.memref_slice %arg6[%dma_start3A_56] : memref<40000xf32, #tpu.memory_space<vmem>> -> memref<10000xf32, #tpu.memory_space<vmem>>
      tpu.enqueue_dma source(%dma_start3A_57 : memref<10000xf32, #tpu.memory_space<vmem>>) target(%dma_start3A_55 : memref<10000xf32, #tpu.memory_space<hbm>>) target_semaphore(%run_scoped3A : memref<!tpu.dma_semaphore, #tpu.memory_space<semaphore_mem>>)
      %dma_wait3A = arith.constant 30000 : i32
      %dma_wait3A_58 = tpu.memref_slice %arg6[%dma_wait3A] : memref<40000xf32, #tpu.memory_space<vmem>> -> memref<10000xf32, #tpu.memory_space<vmem>>
      %dma_wait3A_59 = tpu.memref_slice %arg4[%mul3A_51] : memref<1280000xf32, #tpu.memory_space<hbm>> -> memref<10000xf32, #tpu.memory_space<hbm>>
      %dma_wait3A_60 = tpu.memref_slice %arg4[%mul3A_51] : memref<1280000xf32, #tpu.memory_space<hbm>> -> memref<10000xf32, #tpu.memory_space<hbm>>
      %dma_wait3A_61 = arith.constant 30000 : i32
      %dma_wait3A_62 = tpu.memref_slice %arg6[%dma_wait3A_61] : memref<40000xf32, #tpu.memory_space<vmem>> -> memref<10000xf32, #tpu.memory_space<vmem>>
      tpu.wait_dma2 semaphore(%run_scoped3A : memref<!tpu.dma_semaphore, #tpu.memory_space<semaphore_mem>>) src(%dma_wait3A_62 : memref<10000xf32, #tpu.memory_space<vmem>>) dst(%dma_wait3A_60 : memref<10000xf32, #tpu.memory_space<hbm>>)
      tpu.yield
    }) : () -> ()
    return
  }
}

#map = affine_map<(d0, d1) -> (0)>
module attributes {stable_mosaic.version = 14 : i64} {
  func.func @_aggregate(%arg0: i32, %arg1: i32, %arg2: memref<640000xi32, #tpu.memory_space<hbm>>, %arg3: memref<320000xi32, #tpu.memory_space<hbm>>, %arg4: memref<1280000xf32, #tpu.memory_space<hbm>>, %arg5: memref<20000xi32, #tpu.memory_space<vmem>>, %arg6: memref<40000xf32, #tpu.memory_space<vmem>>, %arg7: memref<3200xi32, #tpu.memory_space<vmem>>, %arg8: memref<3200xi32, #tpu.memory_space<vmem>>, %arg9: memref<!tpu.dma_semaphore, #tpu.memory_space<semaphore_mem>>, %arg10: memref<!tpu.dma_semaphore, #tpu.memory_space<semaphore_mem>>) attributes {dimension_semantics = [#tpu.dimension_semantics<core_parallel>, #tpu.dimension_semantics<subcore_parallel>], iteration_bounds = array<i64: 2, 16>, scalar_prefetch = 0 : i64, scratch_operands = 6 : i64, tpu.core_type = #tpu.core_type<sc_vector_subcore>, window_params = [{transform_indices = #map}, {transform_indices = #map}, {transform_indices = #map}]} {
    %mul3A = arith.constant 2 : i32
    %mul3A_0 = arith.muli %arg1, %mul3A : i32
    %add3A = arith.addi %mul3A_0, %arg0 : i32
    %mul3A_1 = arith.constant 20000 : i32
    %mul3A_2 = arith.muli %add3A, %mul3A_1 : i32
    "tpu.region"() ({
      %run_scoped3A = tpu.sem_alloc : memref<!tpu.dma_semaphore, #tpu.memory_space<semaphore_mem>>
      %dma_start3A_52 = tpu.memref_slice %arg2[%mul3A_2] : memref<640000xi32, #tpu.memory_space<hbm>> -> memref<20000xi32, #tpu.memory_space<hbm>>
      %dma_start3A_53 = tpu.memref_slice %arg2[%mul3A_2] : memref<640000xi32, #tpu.memory_space<hbm>> -> memref<20000xi32, #tpu.memory_space<hbm>>
      tpu.enqueue_dma source(%dma_start3A_53 : memref<20000xi32, #tpu.memory_space<hbm>>) target(%arg5 : memref<20000xi32, #tpu.memory_space<vmem>>) target_semaphore(%run_scoped3A : memref<!tpu.dma_semaphore, #tpu.memory_space<semaphore_mem>>)
      %dma_wait3A = tpu.memref_slice %arg2[%mul3A_2] : memref<640000xi32, #tpu.memory_space<hbm>> -> memref<20000xi32, #tpu.memory_space<hbm>>
      %dma_wait3A_54 = tpu.memref_slice %arg2[%mul3A_2] : memref<640000xi32, #tpu.memory_space<hbm>> -> memref<20000xi32, #tpu.memory_space<hbm>>
      tpu.wait_dma2 semaphore(%run_scoped3A : memref<!tpu.dma_semaphore, #tpu.memory_space<semaphore_mem>>) src(%dma_wait3A_54 : memref<20000xi32, #tpu.memory_space<hbm>>) dst(%arg5 : memref<20000xi32, #tpu.memory_space<vmem>>)
      tpu.yield
    }) : () -> ()
    %broadcast_in_dim3A = arith.constant 0.000000e+00 : f32
    %broadcast_in_dim3A_3 = vector.broadcast %broadcast_in_dim3A : f32 to vector<16xf32>
    %scan3A = arith.constant 0 : i32
    %scan3A_4 = arith.constant 0 : i32
    %scan3A_5 = arith.constant 2500 : i32
    %scan3A_6 = arith.addi %scan3A_4, %scan3A_5 : i32
    %scan3A_7 = arith.constant 1 : i32
    scf.for %scan3A_52 = %scan3A_4 to %scan3A_6 step %scan3A_7  : i32 {
      %mul3A_53 = arith.constant 16 : i32
      %mul3A_54 = arith.muli %scan3A_52, %mul3A_53 : i32
      %swap3A = arith.index_cast %mul3A_54 : i32 to index
      %swap3A_55 = tpu.vector_load %arg6[%swap3A] {strides = array<i32>} : memref<40000xf32, #tpu.memory_space<vmem>>, vector<16xf32>,
      tpu.vector_store %arg6[%swap3A], %broadcast_in_dim3A_3 {strides = array<i32>} : memref<40000xf32, #tpu.memory_space<vmem>>, vector<16xf32>,
    }
    %scan3A_8 = arith.constant 2500 : i32
    %dma_start3A = arith.constant 0 : i32
    %dma_start3A_9 = tpu.memref_slice %arg3[%dma_start3A] : memref<320000xi32, #tpu.memory_space<hbm>> -> memref<3200xi32, #tpu.memory_space<hbm>>
    %dma_start3A_10 = arith.constant 0 : i32
    %dma_start3A_11 = tpu.memref_slice %arg3[%dma_start3A_10] : memref<320000xi32, #tpu.memory_space<hbm>> -> memref<3200xi32, #tpu.memory_space<hbm>>
    tpu.enqueue_dma source(%dma_start3A_11 : memref<3200xi32, #tpu.memory_space<hbm>>) target(%arg7 : memref<3200xi32, #tpu.memory_space<vmem>>) target_semaphore(%arg9 : memref<!tpu.dma_semaphore, #tpu.memory_space<semaphore_mem>>)
    %dma_start3A_12 = arith.constant 3200 : i32
    %dma_start3A_13 = tpu.memref_slice %arg3[%dma_start3A_12] : memref<320000xi32, #tpu.memory_space<hbm>> -> memref<3200xi32, #tpu.memory_space<hbm>>
    %dma_start3A_14 = arith.constant 3200 : i32
    %dma_start3A_15 = tpu.memref_slice %arg3[%dma_start3A_14] : memref<320000xi32, #tpu.memory_space<hbm>> -> memref<3200xi32, #tpu.memory_space<hbm>>
    tpu.enqueue_dma source(%dma_start3A_15 : memref<3200xi32, #tpu.memory_space<hbm>>) target(%arg8 : memref<3200xi32, #tpu.memory_space<vmem>>) target_semaphore(%arg10 : memref<!tpu.dma_semaphore, #tpu.memory_space<semaphore_mem>>)
    %broadcast_in_dim3A_16 = arith.constant -65536 : i32
    %broadcast_in_dim3A_17 = vector.broadcast %broadcast_in_dim3A_16 : i32 to vector<16xi32>
    %scan3A_18 = arith.constant 0 : i32
    %scan3A_19 = arith.constant 0 : i32
    %scan3A_20 = arith.constant 50 : i32
    %scan3A_21 = arith.addi %scan3A_19, %scan3A_20 : i32
    %scan3A_22 = arith.constant 1 : i32
    scf.for %scan3A_52 = %scan3A_19 to %scan3A_21 step %scan3A_22  : i32 {
      %mul3A_53 = arith.constant 2 : i32
      %mul3A_54 = arith.muli %scan3A_52, %mul3A_53 : i32
      %add3A_55 = arith.constant 0 : i32
      %add3A_56 = arith.addi %mul3A_54, %add3A_55 : i32
      %mul3A_57 = arith.constant 3200 : i32
      %mul3A_58 = arith.muli %add3A_56, %mul3A_57 : i32
      %dma_wait3A = tpu.memref_slice %arg3[%mul3A_58] : memref<320000xi32, #tpu.memory_space<hbm>> -> memref<3200xi32, #tpu.memory_space<hbm>>
      %dma_wait3A_59 = tpu.memref_slice %arg3[%mul3A_58] : memref<320000xi32, #tpu.memory_space<hbm>> -> memref<3200xi32, #tpu.memory_space<hbm>>
      tpu.wait_dma2 semaphore(%arg9 : memref<!tpu.dma_semaphore, #tpu.memory_space<semaphore_mem>>) src(%dma_wait3A_59 : memref<3200xi32, #tpu.memory_space<hbm>>) dst(%arg7 : memref<3200xi32, #tpu.memory_space<vmem>>)
      %parallel_loop3A = arith.constant 0 : i32
      %parallel_loop3A_60 = arith.constant 200 : i32
      %parallel_loop3A_61 = arith.constant 1 : i32
      scf.for %parallel_loop3A_84 = %parallel_loop3A to %parallel_loop3A_60 step %parallel_loop3A_61  : i32 {
        %parallel_loop3A_85 = arith.constant 16 : i32
        %parallel_loop3A_86 = arith.muli %parallel_loop3A_84, %parallel_loop3A_85 : i32
        %parallel_loop3A_87 = arith.index_cast %parallel_loop3A_86 : i32 to index
        %parallel_loop3A_88 = tpu.vector_load %arg7[%parallel_loop3A_87] {strides = array<i32>} : memref<3200xi32, #tpu.memory_space<vmem>>, vector<16xi32>,
        %parallel_loop3A_89 = arith.constant 14 : i32
        %parallel_loop3A_90 = vector.broadcast %parallel_loop3A_89 : i32 to vector<16xi32>
        %parallel_loop3A_91 = arith.shrsi %parallel_loop3A_88, %parallel_loop3A_90 : vector<16xi32>
        %parallel_loop3A_92 = arith.constant 16383 : i32
        %parallel_loop3A_93 = vector.broadcast %parallel_loop3A_92 : i32 to vector<16xi32>
        %parallel_loop3A_94 = arith.andi %parallel_loop3A_88, %parallel_loop3A_93 : vector<16xi32>
        %parallel_loop3A_95 = arith.constant 0 : i32
        %parallel_loop3A_96 = vector.broadcast %parallel_loop3A_95 : i32 to vector<16xi32>
        %parallel_loop3A_97 = arith.addi %parallel_loop3A_91, %parallel_loop3A_96 : vector<16xi32>
        %parallel_loop3A_98 = tpu.vector_load_idx %arg5[%parallel_loop3A_97] : memref<20000xi32, #tpu.memory_space<vmem>>[vector<16xi32>], vector<16xi32>,
        %parallel_loop3A_99 = arith.andi %parallel_loop3A_98, %broadcast_in_dim3A_17 : vector<16xi32>
        %parallel_loop3A_100 = vector.bitcast %parallel_loop3A_99 : vector<16xi32> to vector<16xf32>
        %parallel_loop3A_101 = arith.constant 16 : i32
        %parallel_loop3A_102 = vector.broadcast %parallel_loop3A_101 : i32 to vector<16xi32>
        %parallel_loop3A_103 = arith.shli %parallel_loop3A_98, %parallel_loop3A_102 : vector<16xi32>
        %parallel_loop3A_104 = vector.bitcast %parallel_loop3A_103 : vector<16xi32> to vector<16xf32>
        %parallel_loop3A_105 = arith.constant 0 : i32
        %parallel_loop3A_106 = vector.broadcast %parallel_loop3A_105 : i32 to vector<16xi32>
        %parallel_loop3A_107 = arith.addi %parallel_loop3A_94, %parallel_loop3A_106 : vector<16xi32>
        tpu.vector_store_idx %arg6[%parallel_loop3A_107], %parallel_loop3A_100 {add = true} : memref<40000xf32, #tpu.memory_space<vmem>>[vector<16xi32>], vector<16xf32>,
        %parallel_loop3A_108 = arith.constant 10000 : i32
        %parallel_loop3A_109 = vector.broadcast %parallel_loop3A_108 : i32 to vector<16xi32>
        %parallel_loop3A_110 = arith.addi %parallel_loop3A_94, %parallel_loop3A_109 : vector<16xi32>
        tpu.vector_store_idx %arg6[%parallel_loop3A_110], %parallel_loop3A_104 {add = true} : memref<40000xf32, #tpu.memory_space<vmem>>[vector<16xi32>], vector<16xf32>,
        %parallel_loop3A_111 = arith.constant 10000 : i32
        %parallel_loop3A_112 = vector.broadcast %parallel_loop3A_111 : i32 to vector<16xi32>
        %parallel_loop3A_113 = arith.addi %parallel_loop3A_91, %parallel_loop3A_112 : vector<16xi32>
        %parallel_loop3A_114 = tpu.vector_load_idx %arg5[%parallel_loop3A_113] : memref<20000xi32, #tpu.memory_space<vmem>>[vector<16xi32>], vector<16xi32>,
        %parallel_loop3A_115 = arith.andi %parallel_loop3A_114, %broadcast_in_dim3A_17 : vector<16xi32>
        %parallel_loop3A_116 = vector.bitcast %parallel_loop3A_115 : vector<16xi32> to vector<16xf32>
        %parallel_loop3A_117 = arith.constant 16 : i32
        %parallel_loop3A_118 = vector.broadcast %parallel_loop3A_117 : i32 to vector<16xi32>
        %parallel_loop3A_119 = arith.shli %parallel_loop3A_114, %parallel_loop3A_118 : vector<16xi32>
        %parallel_loop3A_120 = vector.bitcast %parallel_loop3A_119 : vector<16xi32> to vector<16xf32>
        %parallel_loop3A_121 = arith.constant 20000 : i32
        %parallel_loop3A_122 = vector.broadcast %parallel_loop3A_121 : i32 to vector<16xi32>
        %parallel_loop3A_123 = arith.addi %parallel_loop3A_94, %parallel_loop3A_122 : vector<16xi32>
        tpu.vector_store_idx %arg6[%parallel_loop3A_123], %parallel_loop3A_116 {add = true} : memref<40000xf32, #tpu.memory_space<vmem>>[vector<16xi32>], vector<16xf32>,
        %parallel_loop3A_124 = arith.constant 30000 : i32
        %parallel_loop3A_125 = vector.broadcast %parallel_loop3A_124 : i32 to vector<16xi32>
        %parallel_loop3A_126 = arith.addi %parallel_loop3A_94, %parallel_loop3A_125 : vector<16xi32>
        tpu.vector_store_idx %arg6[%parallel_loop3A_126], %parallel_loop3A_120 {add = true} : memref<40000xf32, #tpu.memory_space<vmem>>[vector<16xi32>], vector<16xf32>,
      } {sc.loop_unroll_factor = 4 : i64, sc.parallel_access}
      %add3A_62 = arith.constant 2 : i32
      %add3A_63 = arith.addi %add3A_56, %add3A_62 : i32
      %lt3A = arith.constant 100 : i32
      %lt3A_64 = arith.cmpi slt, %add3A_63, %lt3A : i32
      %convert_element_type3A = arith.extui %lt3A_64 : i1 to i32
      %cond3A = arith.constant 0 : i32
      %cond3A_65 = arith.cmpi ne, %convert_element_type3A, %cond3A : i32
      scf.if %cond3A_65 {
        %add3A_84 = arith.constant 2 : i32
        %add3A_85 = arith.addi %add3A_56, %add3A_84 : i32
        %mul3A_86 = arith.constant 3200 : i32
        %mul3A_87 = arith.muli %add3A_85, %mul3A_86 : i32
        %dma_start3A_88 = tpu.memref_slice %arg3[%mul3A_87] : memref<320000xi32, #tpu.memory_space<hbm>> -> memref<3200xi32, #tpu.memory_space<hbm>>
        %dma_start3A_89 = tpu.memref_slice %arg3[%mul3A_87] : memref<320000xi32, #tpu.memory_space<hbm>> -> memref<3200xi32, #tpu.memory_space<hbm>>
        tpu.enqueue_dma source(%dma_start3A_89 : memref<3200xi32, #tpu.memory_space<hbm>>) target(%arg7 : memref<3200xi32, #tpu.memory_space<vmem>>) target_semaphore(%arg9 : memref<!tpu.dma_semaphore, #tpu.memory_space<semaphore_mem>>)
      } else {
      }
      %mul3A_66 = arith.constant 2 : i32
      %mul3A_67 = arith.muli %scan3A_52, %mul3A_66 : i32
      %add3A_68 = arith.constant 1 : i32
      %add3A_69 = arith.addi %mul3A_67, %add3A_68 : i32
      %mul3A_70 = arith.constant 3200 : i32
      %mul3A_71 = arith.muli %add3A_69, %mul3A_70 : i32
      %dma_wait3A_72 = tpu.memref_slice %arg3[%mul3A_71] : memref<320000xi32, #tpu.memory_space<hbm>> -> memref<3200xi32, #tpu.memory_space<hbm>>
      %dma_wait3A_73 = tpu.memref_slice %arg3[%mul3A_71] : memref<320000xi32, #tpu.memory_space<hbm>> -> memref<3200xi32, #tpu.memory_space<hbm>>
      tpu.wait_dma2 semaphore(%arg10 : memref<!tpu.dma_semaphore, #tpu.memory_space<semaphore_mem>>) src(%dma_wait3A_73 : memref<3200xi32, #tpu.memory_space<hbm>>) dst(%arg8 : memref<3200xi32, #tpu.memory_space<vmem>>)
      %parallel_loop3A_74 = arith.constant 0 : i32
      %parallel_loop3A_75 = arith.constant 200 : i32
      %parallel_loop3A_76 = arith.constant 1 : i32
      scf.for %parallel_loop3A_84 = %parallel_loop3A_74 to %parallel_loop3A_75 step %parallel_loop3A_76  : i32 {
        %parallel_loop3A_85 = arith.constant 16 : i32
        %parallel_loop3A_86 = arith.muli %parallel_loop3A_84, %parallel_loop3A_85 : i32
        %parallel_loop3A_87 = arith.index_cast %parallel_loop3A_86 : i32 to index
        %parallel_loop3A_88 = tpu.vector_load %arg8[%parallel_loop3A_87] {strides = array<i32>} : memref<3200xi32, #tpu.memory_space<vmem>>, vector<16xi32>,
        %parallel_loop3A_89 = arith.constant 14 : i32
        %parallel_loop3A_90 = vector.broadcast %parallel_loop3A_89 : i32 to vector<16xi32>
        %parallel_loop3A_91 = arith.shrsi %parallel_loop3A_88, %parallel_loop3A_90 : vector<16xi32>
        %parallel_loop3A_92 = arith.constant 16383 : i32
        %parallel_loop3A_93 = vector.broadcast %parallel_loop3A_92 : i32 to vector<16xi32>
        %parallel_loop3A_94 = arith.andi %parallel_loop3A_88, %parallel_loop3A_93 : vector<16xi32>
        %parallel_loop3A_95 = arith.constant 0 : i32
        %parallel_loop3A_96 = vector.broadcast %parallel_loop3A_95 : i32 to vector<16xi32>
        %parallel_loop3A_97 = arith.addi %parallel_loop3A_91, %parallel_loop3A_96 : vector<16xi32>
        %parallel_loop3A_98 = tpu.vector_load_idx %arg5[%parallel_loop3A_97] : memref<20000xi32, #tpu.memory_space<vmem>>[vector<16xi32>], vector<16xi32>,
        %parallel_loop3A_99 = arith.andi %parallel_loop3A_98, %broadcast_in_dim3A_17 : vector<16xi32>
        %parallel_loop3A_100 = vector.bitcast %parallel_loop3A_99 : vector<16xi32> to vector<16xf32>
        %parallel_loop3A_101 = arith.constant 16 : i32
        %parallel_loop3A_102 = vector.broadcast %parallel_loop3A_101 : i32 to vector<16xi32>
        %parallel_loop3A_103 = arith.shli %parallel_loop3A_98, %parallel_loop3A_102 : vector<16xi32>
        %parallel_loop3A_104 = vector.bitcast %parallel_loop3A_103 : vector<16xi32> to vector<16xf32>
        %parallel_loop3A_105 = arith.constant 0 : i32
        %parallel_loop3A_106 = vector.broadcast %parallel_loop3A_105 : i32 to vector<16xi32>
        %parallel_loop3A_107 = arith.addi %parallel_loop3A_94, %parallel_loop3A_106 : vector<16xi32>
        tpu.vector_store_idx %arg6[%parallel_loop3A_107], %parallel_loop3A_100 {add = true} : memref<40000xf32, #tpu.memory_space<vmem>>[vector<16xi32>], vector<16xf32>,
        %parallel_loop3A_108 = arith.constant 10000 : i32
        %parallel_loop3A_109 = vector.broadcast %parallel_loop3A_108 : i32 to vector<16xi32>
        %parallel_loop3A_110 = arith.addi %parallel_loop3A_94, %parallel_loop3A_109 : vector<16xi32>
        tpu.vector_store_idx %arg6[%parallel_loop3A_110], %parallel_loop3A_104 {add = true} : memref<40000xf32, #tpu.memory_space<vmem>>[vector<16xi32>], vector<16xf32>,
        %parallel_loop3A_111 = arith.constant 10000 : i32
        %parallel_loop3A_112 = vector.broadcast %parallel_loop3A_111 : i32 to vector<16xi32>
        %parallel_loop3A_113 = arith.addi %parallel_loop3A_91, %parallel_loop3A_112 : vector<16xi32>
        %parallel_loop3A_114 = tpu.vector_load_idx %arg5[%parallel_loop3A_113] : memref<20000xi32, #tpu.memory_space<vmem>>[vector<16xi32>], vector<16xi32>,
        %parallel_loop3A_115 = arith.andi %parallel_loop3A_114, %broadcast_in_dim3A_17 : vector<16xi32>
        %parallel_loop3A_116 = vector.bitcast %parallel_loop3A_115 : vector<16xi32> to vector<16xf32>
        %parallel_loop3A_117 = arith.constant 16 : i32
        %parallel_loop3A_118 = vector.broadcast %parallel_loop3A_117 : i32 to vector<16xi32>
        %parallel_loop3A_119 = arith.shli %parallel_loop3A_114, %parallel_loop3A_118 : vector<16xi32>
        %parallel_loop3A_120 = vector.bitcast %parallel_loop3A_119 : vector<16xi32> to vector<16xf32>
        %parallel_loop3A_121 = arith.constant 20000 : i32
        %parallel_loop3A_122 = vector.broadcast %parallel_loop3A_121 : i32 to vector<16xi32>
        %parallel_loop3A_123 = arith.addi %parallel_loop3A_94, %parallel_loop3A_122 : vector<16xi32>
        tpu.vector_store_idx %arg6[%parallel_loop3A_123], %parallel_loop3A_116 {add = true} : memref<40000xf32, #tpu.memory_space<vmem>>[vector<16xi32>], vector<16xf32>,
        %parallel_loop3A_124 = arith.constant 30000 : i32
        %parallel_loop3A_125 = vector.broadcast %parallel_loop3A_124 : i32 to vector<16xi32>
        %parallel_loop3A_126 = arith.addi %parallel_loop3A_94, %parallel_loop3A_125 : vector<16xi32>
        tpu.vector_store_idx %arg6[%parallel_loop3A_126], %parallel_loop3A_120 {add = true} : memref<40000xf32, #tpu.memory_space<vmem>>[vector<16xi32>], vector<16xf32>,
      } {sc.loop_unroll_factor = 4 : i64, sc.parallel_access}
      %add3A_77 = arith.constant 2 : i32
      %add3A_78 = arith.addi %add3A_69, %add3A_77 : i32
      %lt3A_79 = arith.constant 100 : i32
      %lt3A_80 = arith.cmpi slt, %add3A_78, %lt3A_79 : i32
      %convert_element_type3A_81 = arith.extui %lt3A_80 : i1 to i32
      %cond3A_82 = arith.constant 0 : i32
      %cond3A_83 = arith.cmpi ne, %convert_element_type3A_81, %cond3A_82 : i32
      scf.if %cond3A_83 {
        %add3A_84 = arith.constant 2 : i32
        %add3A_85 = arith.addi %add3A_69, %add3A_84 : i32
        %mul3A_86 = arith.constant 3200 : i32
        %mul3A_87 = arith.muli %add3A_85, %mul3A_86 : i32
        %dma_start3A_88 = tpu.memref_slice %arg3[%mul3A_87] : memref<320000xi32, #tpu.memory_space<hbm>> -> memref<3200xi32, #tpu.memory_space<hbm>>
        %dma_start3A_89 = tpu.memref_slice %arg3[%mul3A_87] : memref<320000xi32, #tpu.memory_space<hbm>> -> memref<3200xi32, #tpu.memory_space<hbm>>
        tpu.enqueue_dma source(%dma_start3A_89 : memref<3200xi32, #tpu.memory_space<hbm>>) target(%arg8 : memref<3200xi32, #tpu.memory_space<vmem>>) target_semaphore(%arg10 : memref<!tpu.dma_semaphore, #tpu.memory_space<semaphore_mem>>)
      } else {
      }
    }
    %scan3A_23 = arith.constant 50 : i32
    %mul3A_24 = arith.constant 2 : i32
    %mul3A_25 = arith.muli %mul3A_24, %add3A : i32
    %add3A_26 = arith.constant 0 : i32
    %add3A_27 = arith.addi %mul3A_25, %add3A_26 : i32
    %mul3A_28 = arith.constant 10000 : i32
    %mul3A_29 = arith.muli %add3A_27, %mul3A_28 : i32
    "tpu.region"() ({
      %run_scoped3A = tpu.sem_alloc : memref<!tpu.dma_semaphore, #tpu.memory_space<semaphore_mem>>
      %dma_start3A_52 = arith.constant 0 : i32
      %dma_start3A_53 = tpu.memref_slice %arg6[%dma_start3A_52] : memref<40000xf32, #tpu.memory_space<vmem>> -> memref<10000xf32, #tpu.memory_space<vmem>>
      %dma_start3A_54 = tpu.memref_slice %arg4[%mul3A_29] : memref<1280000xf32, #tpu.memory_space<hbm>> -> memref<10000xf32, #tpu.memory_space<hbm>>
      %dma_start3A_55 = tpu.memref_slice %arg4[%mul3A_29] : memref<1280000xf32, #tpu.memory_space<hbm>> -> memref<10000xf32, #tpu.memory_space<hbm>>
      %dma_start3A_56 = arith.constant 0 : i32
      %dma_start3A_57 = tpu.memref_slice %arg6[%dma_start3A_56] : memref<40000xf32, #tpu.memory_space<vmem>> -> memref<10000xf32, #tpu.memory_space<vmem>>
      tpu.enqueue_dma source(%dma_start3A_57 : memref<10000xf32, #tpu.memory_space<vmem>>) target(%dma_start3A_55 : memref<10000xf32, #tpu.memory_space<hbm>>) target_semaphore(%run_scoped3A : memref<!tpu.dma_semaphore, #tpu.memory_space<semaphore_mem>>)
      %dma_wait3A = arith.constant 0 : i32
      %dma_wait3A_58 = tpu.memref_slice %arg6[%dma_wait3A] : memref<40000xf32, #tpu.memory_space<vmem>> -> memref<10000xf32, #tpu.memory_space<vmem>>
      %dma_wait3A_59 = tpu.memref_slice %arg4[%mul3A_29] : memref<1280000xf32, #tpu.memory_space<hbm>> -> memref<10000xf32, #tpu.memory_space<hbm>>
      %dma_wait3A_60 = tpu.memref_slice %arg4[%mul3A_29] : memref<1280000xf32, #tpu.memory_space<hbm>> -> memref<10000xf32, #tpu.memory_space<hbm>>
      %dma_wait3A_61 = arith.constant 0 : i32
      %dma_wait3A_62 = tpu.memref_slice %arg6[%dma_wait3A_61] : memref<40000xf32, #tpu.memory_space<vmem>> -> memref<10000xf32, #tpu.memory_space<vmem>>
      tpu.wait_dma2 semaphore(%run_scoped3A : memref<!tpu.dma_semaphore, #tpu.memory_space<semaphore_mem>>) src(%dma_wait3A_62 : memref<10000xf32, #tpu.memory_space<vmem>>) dst(%dma_wait3A_60 : memref<10000xf32, #tpu.memory_space<hbm>>)
      tpu.yield
    }) : () -> ()
    %mul3A_30 = arith.constant 2 : i32
    %mul3A_31 = arith.muli %mul3A_30, %add3A : i32
    %add3A_32 = arith.constant 0 : i32
    %add3A_33 = arith.addi %mul3A_31, %add3A_32 : i32
    %add3A_34 = arith.constant 64 : i32
    %add3A_35 = arith.addi %add3A_33, %add3A_34 : i32
    %mul3A_36 = arith.constant 10000 : i32
    %mul3A_37 = arith.muli %add3A_35, %mul3A_36 : i32
    "tpu.region"() ({
      %run_scoped3A = tpu.sem_alloc : memref<!tpu.dma_semaphore, #tpu.memory_space<semaphore_mem>>
      %dma_start3A_52 = arith.constant 10000 : i32
      %dma_start3A_53 = tpu.memref_slice %arg6[%dma_start3A_52] : memref<40000xf32, #tpu.memory_space<vmem>> -> memref<10000xf32, #tpu.memory_space<vmem>>
      %dma_start3A_54 = tpu.memref_slice %arg4[%mul3A_37] : memref<1280000xf32, #tpu.memory_space<hbm>> -> memref<10000xf32, #tpu.memory_space<hbm>>
      %dma_start3A_55 = tpu.memref_slice %arg4[%mul3A_37] : memref<1280000xf32, #tpu.memory_space<hbm>> -> memref<10000xf32, #tpu.memory_space<hbm>>
      %dma_start3A_56 = arith.constant 10000 : i32
      %dma_start3A_57 = tpu.memref_slice %arg6[%dma_start3A_56] : memref<40000xf32, #tpu.memory_space<vmem>> -> memref<10000xf32, #tpu.memory_space<vmem>>
      tpu.enqueue_dma source(%dma_start3A_57 : memref<10000xf32, #tpu.memory_space<vmem>>) target(%dma_start3A_55 : memref<10000xf32, #tpu.memory_space<hbm>>) target_semaphore(%run_scoped3A : memref<!tpu.dma_semaphore, #tpu.memory_space<semaphore_mem>>)
      %dma_wait3A = arith.constant 10000 : i32
      %dma_wait3A_58 = tpu.memref_slice %arg6[%dma_wait3A] : memref<40000xf32, #tpu.memory_space<vmem>> -> memref<10000xf32, #tpu.memory_space<vmem>>
      %dma_wait3A_59 = tpu.memref_slice %arg4[%mul3A_37] : memref<1280000xf32, #tpu.memory_space<hbm>> -> memref<10000xf32, #tpu.memory_space<hbm>>
      %dma_wait3A_60 = tpu.memref_slice %arg4[%mul3A_37] : memref<1280000xf32, #tpu.memory_space<hbm>> -> memref<10000xf32, #tpu.memory_space<hbm>>
      %dma_wait3A_61 = arith.constant 10000 : i32
      %dma_wait3A_62 = tpu.memref_slice %arg6[%dma_wait3A_61] : memref<40000xf32, #tpu.memory_space<vmem>> -> memref<10000xf32, #tpu.memory_space<vmem>>
      tpu.wait_dma2 semaphore(%run_scoped3A : memref<!tpu.dma_semaphore, #tpu.memory_space<semaphore_mem>>) src(%dma_wait3A_62 : memref<10000xf32, #tpu.memory_space<vmem>>) dst(%dma_wait3A_60 : memref<10000xf32, #tpu.memory_space<hbm>>)
      tpu.yield
    }) : () -> ()
    %mul3A_38 = arith.constant 2 : i32
    %mul3A_39 = arith.muli %mul3A_38, %add3A : i32
    %add3A_40 = arith.constant 1 : i32
    %add3A_41 = arith.addi %mul3A_39, %add3A_40 : i32
    %mul3A_42 = arith.constant 10000 : i32
    %mul3A_43 = arith.muli %add3A_41, %mul3A_42 : i32
    "tpu.region"() ({
      %run_scoped3A = tpu.sem_alloc : memref<!tpu.dma_semaphore, #tpu.memory_space<semaphore_mem>>
      %dma_start3A_52 = arith.constant 20000 : i32
      %dma_start3A_53 = tpu.memref_slice %arg6[%dma_start3A_52] : memref<40000xf32, #tpu.memory_space<vmem>> -> memref<10000xf32, #tpu.memory_space<vmem>>
      %dma_start3A_54 = tpu.memref_slice %arg4[%mul3A_43] : memref<1280000xf32, #tpu.memory_space<hbm>> -> memref<10000xf32, #tpu.memory_space<hbm>>
      %dma_start3A_55 = tpu.memref_slice %arg4[%mul3A_43] : memref<1280000xf32, #tpu.memory_space<hbm>> -> memref<10000xf32, #tpu.memory_space<hbm>>
      %dma_start3A_56 = arith.constant 20000 : i32
      %dma_start3A_57 = tpu.memref_slice %arg6[%dma_start3A_56] : memref<40000xf32, #tpu.memory_space<vmem>> -> memref<10000xf32, #tpu.memory_space<vmem>>
      tpu.enqueue_dma source(%dma_start3A_57 : memref<10000xf32, #tpu.memory_space<vmem>>) target(%dma_start3A_55 : memref<10000xf32, #tpu.memory_space<hbm>>) target_semaphore(%run_scoped3A : memref<!tpu.dma_semaphore, #tpu.memory_space<semaphore_mem>>)
      %dma_wait3A = arith.constant 20000 : i32
      %dma_wait3A_58 = tpu.memref_slice %arg6[%dma_wait3A] : memref<40000xf32, #tpu.memory_space<vmem>> -> memref<10000xf32, #tpu.memory_space<vmem>>
      %dma_wait3A_59 = tpu.memref_slice %arg4[%mul3A_43] : memref<1280000xf32, #tpu.memory_space<hbm>> -> memref<10000xf32, #tpu.memory_space<hbm>>
      %dma_wait3A_60 = tpu.memref_slice %arg4[%mul3A_43] : memref<1280000xf32, #tpu.memory_space<hbm>> -> memref<10000xf32, #tpu.memory_space<hbm>>
      %dma_wait3A_61 = arith.constant 20000 : i32
      %dma_wait3A_62 = tpu.memref_slice %arg6[%dma_wait3A_61] : memref<40000xf32, #tpu.memory_space<vmem>> -> memref<10000xf32, #tpu.memory_space<vmem>>
      tpu.wait_dma2 semaphore(%run_scoped3A : memref<!tpu.dma_semaphore, #tpu.memory_space<semaphore_mem>>) src(%dma_wait3A_62 : memref<10000xf32, #tpu.memory_space<vmem>>) dst(%dma_wait3A_60 : memref<10000xf32, #tpu.memory_space<hbm>>)
      tpu.yield
    }) : () -> ()
    %mul3A_44 = arith.constant 2 : i32
    %mul3A_45 = arith.muli %mul3A_44, %add3A : i32
    %add3A_46 = arith.constant 1 : i32
    %add3A_47 = arith.addi %mul3A_45, %add3A_46 : i32
    %add3A_48 = arith.constant 64 : i32
    %add3A_49 = arith.addi %add3A_47, %add3A_48 : i32
    %mul3A_50 = arith.constant 10000 : i32
    %mul3A_51 = arith.muli %add3A_49, %mul3A_50 : i32
    "tpu.region"() ({
      %run_scoped3A = tpu.sem_alloc : memref<!tpu.dma_semaphore, #tpu.memory_space<semaphore_mem>>
      %dma_start3A_52 = arith.constant 30000 : i32
      %dma_start3A_53 = tpu.memref_slice %arg6[%dma_start3A_52] : memref<40000xf32, #tpu.memory_space<vmem>> -> memref<10000xf32, #tpu.memory_space<vmem>>
      %dma_start3A_54 = tpu.memref_slice %arg4[%mul3A_51] : memref<1280000xf32, #tpu.memory_space<hbm>> -> memref<10000xf32, #tpu.memory_space<hbm>>
      %dma_start3A_55 = tpu.memref_slice %arg4[%mul3A_51] : memref<1280000xf32, #tpu.memory_space<hbm>> -> memref<10000xf32, #tpu.memory_space<hbm>>
      %dma_start3A_56 = arith.constant 30000 : i32
      %dma_start3A_57 = tpu.memref_slice %arg6[%dma_start3A_56] : memref<40000xf32, #tpu.memory_space<vmem>> -> memref<10000xf32, #tpu.memory_space<vmem>>
      tpu.enqueue_dma source(%dma_start3A_57 : memref<10000xf32, #tpu.memory_space<vmem>>) target(%dma_start3A_55 : memref<10000xf32, #tpu.memory_space<hbm>>) target_semaphore(%run_scoped3A : memref<!tpu.dma_semaphore, #tpu.memory_space<semaphore_mem>>)
      %dma_wait3A = arith.constant 30000 : i32
      %dma_wait3A_58 = tpu.memref_slice %arg6[%dma_wait3A] : memref<40000xf32, #tpu.memory_space<vmem>> -> memref<10000xf32, #tpu.memory_space<vmem>>
      %dma_wait3A_59 = tpu.memref_slice %arg4[%mul3A_51] : memref<1280000xf32, #tpu.memory_space<hbm>> -> memref<10000xf32, #tpu.memory_space<hbm>>
      %dma_wait3A_60 = tpu.memref_slice %arg4[%mul3A_51] : memref<1280000xf32, #tpu.memory_space<hbm>> -> memref<10000xf32, #tpu.memory_space<hbm>>
      %dma_wait3A_61 = arith.constant 30000 : i32
      %dma_wait3A_62 = tpu.memref_slice %arg6[%dma_wait3A_61] : memref<40000xf32, #tpu.memory_space<vmem>> -> memref<10000xf32, #tpu.memory_space<vmem>>
      tpu.wait_dma2 semaphore(%run_scoped3A : memref<!tpu.dma_semaphore, #tpu.memory_space<semaphore_mem>>) src(%dma_wait3A_62 : memref<10000xf32, #tpu.memory_space<vmem>>) dst(%dma_wait3A_60 : memref<10000xf32, #tpu.memory_space<hbm>>)
      tpu.yield
    }) : () -> ()
    return
  }
}

module attributes {stable_mosaic.version = 14 : i64} {
  func.func @_prep_body(%arg0: i32, %arg1: memref<2048x128xf32, #tpu.memory_space<vmem>>, %arg2: memref<128x128xf32, #tpu.memory_space<vmem>>, %arg3: memref<128x1xf32, #tpu.memory_space<vmem>>, %arg4: memref<128x128xf32, #tpu.memory_space<vmem>>, %arg5: memref<32x2048xf32, #tpu.memory_space<vmem>>, %arg6: memref<128x2048xf32, #tpu.memory_space<vmem>>, %arg7: memref<64x2048xi32, #tpu.memory_space<vmem>>, %arg8: memref<1x2048xf32, #tpu.memory_space<vmem>>) attributes {dimension_semantics = [#tpu.dimension_semantics<arbitrary>], iteration_bounds = array<i64: 5>, scalar_prefetch = 0 : i64, scratch_operands = 0 : i64, tpu.core_type = #tpu.core_type<tc>, window_params = [{transform_indices = @transform_0, window_bounds = array<i64: 2048, 128>}, {pipeline_mode = #tpu.pipeline_mode<synchronous>, transform_indices = @transform_1, window_bounds = array<i64: 128, 128>}, {pipeline_mode = #tpu.pipeline_mode<synchronous>, transform_indices = @transform_2, window_bounds = array<i64: 128, 1>}, {pipeline_mode = #tpu.pipeline_mode<synchronous>, transform_indices = @transform_3, window_bounds = array<i64: 128, 128>}, {transform_indices = @transform_4, window_bounds = array<i64: 32, 2048>}, {transform_indices = @transform_5, window_bounds = array<i64: 128, 2048>}, {transform_indices = @transform_6, window_bounds = array<i64: 64, 2048>}, {transform_indices = @transform_7, window_bounds = array<i64: 1, 2048>}]} {
    %get3A = arith.constant 0 : index
    %get3A_0 = arith.constant 0 : index
    %get3A_1 = vector.load %arg5[%get3A, %get3A_0] : memref<32x2048xf32, #tpu.memory_space<vmem>>, vector<32x2048xf32>
    %reduce_sum3A = arith.constant dense<0.000000e+00> : vector<2048xf32>
    %reduce_sum3A_2 = vector.multi_reduction <add>, %get3A_1, %reduce_sum3A [0] : vector<32x2048xf32> to vector<2048xf32>
    %broadcast_in_dim3A = vector.shape_cast %reduce_sum3A_2 : vector<2048xf32> to vector<1x2048xf32>
    %add3A = arith.constant 1.000000e+00 : f32
    %add3A_3 = vector.broadcast %add3A : f32 to vector<1x2048xf32>
    %add3A_4 = arith.addf %broadcast_in_dim3A, %add3A_3 : vector<1x2048xf32>
    %rsqrt3A = math.rsqrt %add3A_4 : vector<1x2048xf32>
    %swap3A = arith.constant 0 : index
    %swap3A_5 = arith.constant 0 : index
    %swap3A_6 = vector.load %arg8[%swap3A, %swap3A_5] : memref<1x2048xf32, #tpu.memory_space<vmem>>, vector<1x2048xf32>
    tpu.vector_store %arg8[%swap3A, %swap3A_5], %rsqrt3A {strides = array<i32>} : memref<1x2048xf32, #tpu.memory_space<vmem>>, vector<1x2048xf32>,
    %get3A_7 = arith.constant 0 : index
    %get3A_8 = arith.constant 0 : index
    %get3A_9 = vector.load %arg2[%get3A_7, %get3A_8] : memref<128x128xf32, #tpu.memory_space<vmem>>, vector<128x128xf32>
    %get3A_10 = arith.constant 0 : index
    %get3A_11 = arith.constant 0 : index
    %get3A_12 = vector.load %arg1[%get3A_10, %get3A_11] : memref<2048x128xf32, #tpu.memory_space<vmem>>, vector<2048x128xf32>
    %dot_general3A = arith.constant dense<0.000000e+00> : vector<128x2048xf32>
    %dot_general3A_13 = tpu.matmul %get3A_9, %get3A_12, %dot_general3A {dimension_numbers = #tpu.dot_dimension_numbers<[0], [1], [1], [0], [0, 1, 1, 0], [], []>, transpose_lhs_hint = false} : vector<128x128xf32>, vector<2048x128xf32>, vector<128x2048xf32> -> vector<128x2048xf32>
    %get3A_14 = arith.constant 0 : index
    %get3A_15 = arith.constant 0 : index
    %get3A_16 = vector.load %arg3[%get3A_14, %get3A_15] : memref<128x1xf32, #tpu.memory_space<vmem>>, vector<128x1xf32>
    %add3A_17 = vector.broadcast %get3A_16 : vector<128x1xf32> to vector<128x2048xf32>
    %add3A_18 = arith.addf %dot_general3A_13, %add3A_17 : vector<128x2048xf32>
    %max3A = arith.constant 0.000000e+00 : f32
    %max3A_19 = vector.broadcast %max3A : f32 to vector<128x2048xf32>
    %max3A_20 = arith.maximumf %add3A_18, %max3A_19 : vector<128x2048xf32>
    %get3A_21 = arith.constant 0 : index
    %get3A_22 = arith.constant 0 : index
    %get3A_23 = vector.load %arg4[%get3A_21, %get3A_22] : memref<128x128xf32, #tpu.memory_space<vmem>>, vector<128x128xf32>
    %dot_general3A_24 = arith.constant dense<0.000000e+00> : vector<128x2048xf32>
    %dot_general3A_25 = tpu.matmul %get3A_23, %max3A_20, %dot_general3A_24 {dimension_numbers = #tpu.dot_dimension_numbers<[0], [0], [1], [1], [0, 1, 1, 1], [], []>, transpose_lhs_hint = false} : vector<128x128xf32>, vector<128x2048xf32>, vector<128x2048xf32> -> vector<128x2048xf32>
    %mul3A = vector.broadcast %rsqrt3A : vector<1x2048xf32> to vector<128x2048xf32>
    %mul3A_26 = arith.mulf %mul3A, %dot_general3A_25 : vector<128x2048xf32>
    %swap3A_27 = arith.constant 0 : index
    %swap3A_28 = arith.constant 0 : index
    %swap3A_29 = vector.load %arg6[%swap3A_27, %swap3A_28] : memref<128x2048xf32, #tpu.memory_space<vmem>>, vector<128x2048xf32>
    tpu.vector_store %arg6[%swap3A_27, %swap3A_28], %mul3A_26 {strides = array<i32>} : memref<128x2048xf32, #tpu.memory_space<vmem>>, vector<128x2048xf32>,
    %convert_element_type3A = arith.truncf %mul3A_26 : vector<128x2048xf32> to vector<128x2048xbf16>
    %bitcast_convert_type3A = tpu.bitcast %convert_element_type3A : vector<128x2048xbf16> -> vector<128x2048xi16>
    %slice3A = vector.extract_strided_slice %bitcast_convert_type3A {offsets = [0, 0], sizes = [64, 2048], strides = [1, 1]} : vector<128x2048xi16> to vector<64x2048xi16>
    %convert_element_type3A_30 = arith.extui %slice3A : vector<64x2048xi16> to vector<64x2048xi32>
    %slice3A_31 = vector.extract_strided_slice %bitcast_convert_type3A {offsets = [64, 0], sizes = [64, 2048], strides = [1, 1]} : vector<128x2048xi16> to vector<64x2048xi16>
    %convert_element_type3A_32 = arith.extui %slice3A_31 : vector<64x2048xi16> to vector<64x2048xi32>
    %shift_left3A = arith.constant 16 : i32
    %shift_left3A_33 = vector.broadcast %shift_left3A : i32 to vector<64x2048xi32>
    %shift_left3A_34 = arith.shli %convert_element_type3A_30, %shift_left3A_33 : vector<64x2048xi32>
    %or3A = arith.ori %shift_left3A_34, %convert_element_type3A_32 : vector<64x2048xi32>
    %bitcast_convert_type3A_35 = tpu.bitcast %or3A : vector<64x2048xi32> -> vector<64x2048xi32>
    %swap3A_36 = arith.constant 0 : index
    %swap3A_37 = arith.constant 0 : index
    %swap3A_38 = vector.load %arg7[%swap3A_36, %swap3A_37] : memref<64x2048xi32, #tpu.memory_space<vmem>>, vector<64x2048xi32>
    tpu.vector_store %arg7[%swap3A_36, %swap3A_37], %bitcast_convert_type3A_35 {strides = array<i32>} : memref<64x2048xi32, #tpu.memory_space<vmem>>, vector<64x2048xi32>,
    return
  }
  func.func @transform_0(%arg0: i32) -> (i32, i32) {
    %c0_i32 = arith.constant 0 : i32
    %c0_i32_0 = arith.constant 0 : i32
    return %arg0, %c0_i32 : i32, i32
  }
  func.func @transform_1(%arg0: i32) -> (i32, i32) {
    %c0_i32 = arith.constant 0 : i32
    %c0_i32_0 = arith.constant 0 : i32
    %c0_i32_1 = arith.constant 0 : i32
    return %c0_i32, %c0_i32_0 : i32, i32
  }
  func.func @transform_2(%arg0: i32) -> (i32, i32) {
    %c0_i32 = arith.constant 0 : i32
    %c0_i32_0 = arith.constant 0 : i32
    %c0_i32_1 = arith.constant 0 : i32
    return %c0_i32, %c0_i32_0 : i32, i32
  }
  func.func @transform_3(%arg0: i32) -> (i32, i32) {
    %c0_i32 = arith.constant 0 : i32
    %c0_i32_0 = arith.constant 0 : i32
    %c0_i32_1 = arith.constant 0 : i32
    return %c0_i32, %c0_i32_0 : i32, i32
  }
  func.func @transform_4(%arg0: i32) -> (i32, i32) {
    %c0_i32 = arith.constant 0 : i32
    %c0_i32_0 = arith.constant 0 : i32
    return %c0_i32, %arg0 : i32, i32
  }
  func.func @transform_5(%arg0: i32) -> (i32, i32) {
    %c0_i32 = arith.constant 0 : i32
    %c0_i32_0 = arith.constant 0 : i32
    return %c0_i32, %arg0 : i32, i32
  }
  func.func @transform_6(%arg0: i32) -> (i32, i32) {
    %c0_i32 = arith.constant 0 : i32
    %c0_i32_0 = arith.constant 0 : i32
    return %c0_i32, %arg0 : i32, i32
  }
  func.func @transform_7(%arg0: i32) -> (i32, i32) {
    %c0_i32 = arith.constant 0 : i32
    %c0_i32_0 = arith.constant 0 : i32
    return %c0_i32, %arg0 : i32, i32
  }
}

module attributes {stable_mosaic.version = 14 : i64} {
  func.func @_layer_body(%arg0: i32, %arg1: memref<128x2048xf32, #tpu.memory_space<vmem>>, %arg2: memref<128x2048xf32, #tpu.memory_space<vmem>>, %arg3: memref<1x2048xf32, #tpu.memory_space<vmem>>, %arg4: memref<128x1xf32, #tpu.memory_space<vmem>>, %arg5: memref<128x128xf32, #tpu.memory_space<vmem>>, %arg6: memref<128x2048xf32, #tpu.memory_space<vmem>>, %arg7: memref<64x2048xi32, #tpu.memory_space<vmem>>) attributes {dimension_semantics = [#tpu.dimension_semantics<arbitrary>], iteration_bounds = array<i64: 5>, scalar_prefetch = 0 : i64, scratch_operands = 0 : i64, tpu.core_type = #tpu.core_type<tc>, window_params = [{transform_indices = @transform_0, window_bounds = array<i64: 128, 2048>}, {transform_indices = @transform_1, window_bounds = array<i64: 128, 2048>}, {transform_indices = @transform_2, window_bounds = array<i64: 1, 2048>}, {pipeline_mode = #tpu.pipeline_mode<synchronous>, transform_indices = @transform_3, window_bounds = array<i64: 128, 1>}, {pipeline_mode = #tpu.pipeline_mode<synchronous>, transform_indices = @transform_4, window_bounds = array<i64: 128, 128>}, {transform_indices = @transform_5, window_bounds = array<i64: 128, 2048>}, {transform_indices = @transform_6, window_bounds = array<i64: 64, 2048>}]} {
    %get3A = arith.constant 0 : index
    %get3A_0 = arith.constant 0 : index
    %get3A_1 = vector.load %arg3[%get3A, %get3A_0] : memref<1x2048xf32, #tpu.memory_space<vmem>>, vector<1x2048xf32>
    %get3A_2 = arith.constant 0 : index
    %get3A_3 = arith.constant 0 : index
    %get3A_4 = vector.load %arg1[%get3A_2, %get3A_3] : memref<128x2048xf32, #tpu.memory_space<vmem>>, vector<128x2048xf32>
    %get3A_5 = arith.constant 0 : index
    %get3A_6 = arith.constant 0 : index
    %get3A_7 = vector.load %arg2[%get3A_5, %get3A_6] : memref<128x2048xf32, #tpu.memory_space<vmem>>, vector<128x2048xf32>
    %add3A = arith.addf %get3A_4, %get3A_7 : vector<128x2048xf32>
    %mul3A = vector.broadcast %get3A_1 : vector<1x2048xf32> to vector<128x2048xf32>
    %mul3A_8 = arith.mulf %mul3A, %add3A : vector<128x2048xf32>
    %get3A_9 = arith.constant 0 : index
    %get3A_10 = arith.constant 0 : index
    %get3A_11 = vector.load %arg4[%get3A_9, %get3A_10] : memref<128x1xf32, #tpu.memory_space<vmem>>, vector<128x1xf32>
    %add3A_12 = vector.broadcast %get3A_11 : vector<128x1xf32> to vector<128x2048xf32>
    %add3A_13 = arith.addf %mul3A_8, %add3A_12 : vector<128x2048xf32>
    %max3A = arith.constant 0.000000e+00 : f32
    %max3A_14 = vector.broadcast %max3A : f32 to vector<128x2048xf32>
    %max3A_15 = arith.maximumf %add3A_13, %max3A_14 : vector<128x2048xf32>
    %get3A_16 = arith.constant 0 : index
    %get3A_17 = arith.constant 0 : index
    %get3A_18 = vector.load %arg5[%get3A_16, %get3A_17] : memref<128x128xf32, #tpu.memory_space<vmem>>, vector<128x128xf32>
    %dot_general3A = arith.constant dense<0.000000e+00> : vector<128x2048xf32>
    %dot_general3A_19 = tpu.matmul %get3A_18, %max3A_15, %dot_general3A {dimension_numbers = #tpu.dot_dimension_numbers<[0], [0], [1], [1], [0, 1, 1, 1], [], []>, transpose_lhs_hint = false} : vector<128x128xf32>, vector<128x2048xf32>, vector<128x2048xf32> -> vector<128x2048xf32>
    %mul3A_20 = vector.broadcast %get3A_1 : vector<1x2048xf32> to vector<128x2048xf32>
    %mul3A_21 = arith.mulf %mul3A_20, %dot_general3A_19 : vector<128x2048xf32>
    %swap3A = arith.constant 0 : index
    %swap3A_22 = arith.constant 0 : index
    %swap3A_23 = vector.load %arg6[%swap3A, %swap3A_22] : memref<128x2048xf32, #tpu.memory_space<vmem>>, vector<128x2048xf32>
    tpu.vector_store %arg6[%swap3A, %swap3A_22], %mul3A_21 {strides = array<i32>} : memref<128x2048xf32, #tpu.memory_space<vmem>>, vector<128x2048xf32>,
    %convert_element_type3A = arith.truncf %mul3A_21 : vector<128x2048xf32> to vector<128x2048xbf16>
    %bitcast_convert_type3A = tpu.bitcast %convert_element_type3A : vector<128x2048xbf16> -> vector<128x2048xi16>
    %slice3A = vector.extract_strided_slice %bitcast_convert_type3A {offsets = [0, 0], sizes = [64, 2048], strides = [1, 1]} : vector<128x2048xi16> to vector<64x2048xi16>
    %convert_element_type3A_24 = arith.extui %slice3A : vector<64x2048xi16> to vector<64x2048xi32>
    %slice3A_25 = vector.extract_strided_slice %bitcast_convert_type3A {offsets = [64, 0], sizes = [64, 2048], strides = [1, 1]} : vector<128x2048xi16> to vector<64x2048xi16>
    %convert_element_type3A_26 = arith.extui %slice3A_25 : vector<64x2048xi16> to vector<64x2048xi32>
    %shift_left3A = arith.constant 16 : i32
    %shift_left3A_27 = vector.broadcast %shift_left3A : i32 to vector<64x2048xi32>
    %shift_left3A_28 = arith.shli %convert_element_type3A_24, %shift_left3A_27 : vector<64x2048xi32>
    %or3A = arith.ori %shift_left3A_28, %convert_element_type3A_26 : vector<64x2048xi32>
    %bitcast_convert_type3A_29 = tpu.bitcast %or3A : vector<64x2048xi32> -> vector<64x2048xi32>
    %swap3A_30 = arith.constant 0 : index
    %swap3A_31 = arith.constant 0 : index
    %swap3A_32 = vector.load %arg7[%swap3A_30, %swap3A_31] : memref<64x2048xi32, #tpu.memory_space<vmem>>, vector<64x2048xi32>
    tpu.vector_store %arg7[%swap3A_30, %swap3A_31], %bitcast_convert_type3A_29 {strides = array<i32>} : memref<64x2048xi32, #tpu.memory_space<vmem>>, vector<64x2048xi32>,
    return
  }
  func.func @transform_0(%arg0: i32) -> (i32, i32) {
    %c0_i32 = arith.constant 0 : i32
    %c0_i32_0 = arith.constant 0 : i32
    return %c0_i32, %arg0 : i32, i32
  }
  func.func @transform_1(%arg0: i32) -> (i32, i32) {
    %c0_i32 = arith.constant 0 : i32
    %c0_i32_0 = arith.constant 0 : i32
    return %c0_i32, %arg0 : i32, i32
  }
  func.func @transform_2(%arg0: i32) -> (i32, i32) {
    %c0_i32 = arith.constant 0 : i32
    %c0_i32_0 = arith.constant 0 : i32
    return %c0_i32, %arg0 : i32, i32
  }
  func.func @transform_3(%arg0: i32) -> (i32, i32) {
    %c0_i32 = arith.constant 0 : i32
    %c0_i32_0 = arith.constant 0 : i32
    %c0_i32_1 = arith.constant 0 : i32
    return %c0_i32, %c0_i32_0 : i32, i32
  }
  func.func @transform_4(%arg0: i32) -> (i32, i32) {
    %c0_i32 = arith.constant 0 : i32
    %c0_i32_0 = arith.constant 0 : i32
    %c0_i32_1 = arith.constant 0 : i32
    return %c0_i32, %c0_i32_0 : i32, i32
  }
  func.func @transform_5(%arg0: i32) -> (i32, i32) {
    %c0_i32 = arith.constant 0 : i32
    %c0_i32_0 = arith.constant 0 : i32
    return %c0_i32, %arg0 : i32, i32
  }
  func.func @transform_6(%arg0: i32) -> (i32, i32) {
    %c0_i32 = arith.constant 0 : i32
    %c0_i32_0 = arith.constant 0 : i32
    return %c0_i32, %arg0 : i32, i32
  }
}

module attributes {stable_mosaic.version = 14 : i64} {
  func.func @_final_body(%arg0: i32, %arg1: memref<128x2048xf32, #tpu.memory_space<vmem>>, %arg2: memref<128x2048xf32, #tpu.memory_space<vmem>>, %arg3: memref<1x2048xf32, #tpu.memory_space<vmem>>, %arg4: memref<128x1xf32, #tpu.memory_space<vmem>>, %arg5: memref<1x2048xi32, #tpu.memory_space<vmem>>, %arg6: memref<128x10xf32, #tpu.memory_space<vmem>>, %arg7: memref<1x10xf32, #tpu.memory_space<vmem>>, %arg8: memref<64x10xf32, #tpu.memory_space<vmem>>, %arg9: memref<64x128xf32, #tpu.memory_space<vmem>>, %arg10: memref<64x1xf32, #tpu.memory_space<vmem>>) attributes {dimension_semantics = [#tpu.dimension_semantics<arbitrary>], iteration_bounds = array<i64: 5>, scalar_prefetch = 0 : i64, scratch_operands = 2 : i64, tpu.core_type = #tpu.core_type<tc>, window_params = [{transform_indices = @transform_0, window_bounds = array<i64: 128, 2048>}, {transform_indices = @transform_1, window_bounds = array<i64: 128, 2048>}, {transform_indices = @transform_2, window_bounds = array<i64: 1, 2048>}, {pipeline_mode = #tpu.pipeline_mode<synchronous>, transform_indices = @transform_3, window_bounds = array<i64: 128, 1>}, {transform_indices = @transform_4, window_bounds = array<i64: 1, 2048>}, {pipeline_mode = #tpu.pipeline_mode<synchronous>, transform_indices = @transform_5, window_bounds = array<i64: 128, 10>}, {pipeline_mode = #tpu.pipeline_mode<synchronous>, transform_indices = @transform_6, window_bounds = array<i64: 1, 10>}, {pipeline_mode = #tpu.pipeline_mode<synchronous>, transform_indices = @transform_7, window_bounds = array<i64: 64, 10>}]} {
    %eq3A = arith.constant 0 : i32
    %eq3A_0 = arith.cmpi eq, %arg0, %eq3A : i32
    %convert_element_type3A = arith.extui %eq3A_0 : i1 to i32
    %cond3A = arith.constant 0 : i32
    %cond3A_1 = arith.cmpi ne, %convert_element_type3A, %cond3A : i32
    scf.if %cond3A_1 {
      %broadcast_in_dim3A_53 = arith.constant 0.000000e+00 : f32
      %broadcast_in_dim3A_54 = vector.broadcast %broadcast_in_dim3A_53 : f32 to vector<64x128xf32>
      %swap3A_55 = arith.constant 0 : index
      %swap3A_56 = arith.constant 0 : index
      %swap3A_57 = vector.load %arg9[%swap3A_55, %swap3A_56] : memref<64x128xf32, #tpu.memory_space<vmem>>, vector<64x128xf32>
      tpu.vector_store %arg9[%swap3A_55, %swap3A_56], %broadcast_in_dim3A_54 {strides = array<i32>} : memref<64x128xf32, #tpu.memory_space<vmem>>, vector<64x128xf32>,
      %broadcast_in_dim3A_58 = arith.constant 0.000000e+00 : f32
      %broadcast_in_dim3A_59 = vector.broadcast %broadcast_in_dim3A_58 : f32 to vector<64x1xf32>
      %swap3A_60 = arith.constant 0 : index
      %swap3A_61 = arith.constant 0 : index
      %swap3A_62 = vector.load %arg10[%swap3A_60, %swap3A_61] : memref<64x1xf32, #tpu.memory_space<vmem>>, vector<64x1xf32>
      tpu.vector_store %arg10[%swap3A_60, %swap3A_61], %broadcast_in_dim3A_59 {strides = array<i32>} : memref<64x1xf32, #tpu.memory_space<vmem>>, vector<64x1xf32>,
    } else {
    }
    %get3A = arith.constant 0 : index
    %get3A_2 = arith.constant 0 : index
    %get3A_3 = vector.load %arg3[%get3A, %get3A_2] : memref<1x2048xf32, #tpu.memory_space<vmem>>, vector<1x2048xf32>
    %get3A_4 = arith.constant 0 : index
    %get3A_5 = arith.constant 0 : index
    %get3A_6 = vector.load %arg1[%get3A_4, %get3A_5] : memref<128x2048xf32, #tpu.memory_space<vmem>>, vector<128x2048xf32>
    %get3A_7 = arith.constant 0 : index
    %get3A_8 = arith.constant 0 : index
    %get3A_9 = vector.load %arg2[%get3A_7, %get3A_8] : memref<128x2048xf32, #tpu.memory_space<vmem>>, vector<128x2048xf32>
    %add3A = arith.addf %get3A_6, %get3A_9 : vector<128x2048xf32>
    %mul3A = vector.broadcast %get3A_3 : vector<1x2048xf32> to vector<128x2048xf32>
    %mul3A_10 = arith.mulf %mul3A, %add3A : vector<128x2048xf32>
    %get3A_11 = arith.constant 0 : index
    %get3A_12 = arith.constant 0 : index
    %get3A_13 = vector.load %arg4[%get3A_11, %get3A_12] : memref<128x1xf32, #tpu.memory_space<vmem>>, vector<128x1xf32>
    %add3A_14 = vector.broadcast %get3A_13 : vector<128x1xf32> to vector<128x2048xf32>
    %add3A_15 = arith.addf %mul3A_10, %add3A_14 : vector<128x2048xf32>
    %max3A = arith.constant 0.000000e+00 : f32
    %max3A_16 = vector.broadcast %max3A : f32 to vector<128x2048xf32>
    %max3A_17 = arith.maximumf %add3A_15, %max3A_16 : vector<128x2048xf32>
    %iota3A = tpu.iota {dimensions = array<i32: 0>} : vector<64x2048xi32>
    %iota3A_18 = tpu.iota {dimensions = array<i32: 1>} : vector<64x2048xi32>
    %mul3A_19 = arith.constant 2048 : i32
    %mul3A_20 = arith.muli %arg0, %mul3A_19 : i32
    %add3A_21 = vector.broadcast %mul3A_20 : i32 to vector<64x2048xi32>
    %add3A_22 = arith.addi %iota3A_18, %add3A_21 : vector<64x2048xi32>
    %get3A_23 = arith.constant 0 : index
    %get3A_24 = arith.constant 0 : index
    %get3A_25 = vector.load %arg5[%get3A_23, %get3A_24] : memref<1x2048xi32, #tpu.memory_space<vmem>>, vector<1x2048xi32>
    %eq3A_26 = vector.broadcast %get3A_25 : vector<1x2048xi32> to vector<64x2048xi32>
    %eq3A_27 = arith.cmpi eq, %iota3A, %eq3A_26 : vector<64x2048xi32>
    %lt3A = arith.constant 10000 : i32
    %lt3A_28 = vector.broadcast %lt3A : i32 to vector<64x2048xi32>
    %lt3A_29 = arith.cmpi slt, %add3A_22, %lt3A_28 : vector<64x2048xi32>
    %and3A = arith.andi %eq3A_27, %lt3A_29 : vector<64x2048xi1>
    %jit3A = arith.constant 1.000000e+00 : f32
    %jit3A_30 = arith.constant 0.000000e+00 : f32
    %broadcast_in_dim3A = vector.broadcast %jit3A : f32 to vector<64x2048xf32>
    %broadcast_in_dim3A_31 = vector.broadcast %jit3A_30 : f32 to vector<64x2048xf32>
    %select_n3A = arith.select %and3A, %broadcast_in_dim3A, %broadcast_in_dim3A_31 : vector<64x2048xi1>, vector<64x2048xf32>
    %get3A_32 = arith.constant 0 : index
    %get3A_33 = arith.constant 0 : index
    %get3A_34 = vector.load %arg9[%get3A_32, %get3A_33] : memref<64x128xf32, #tpu.memory_space<vmem>>, vector<64x128xf32>
    %dot_general3A = arith.constant dense<0.000000e+00> : vector<64x128xf32>
    %dot_general3A_35 = tpu.matmul %select_n3A, %max3A_17, %dot_general3A {dimension_numbers = #tpu.dot_dimension_numbers<[1], [1], [0], [0], [0, 0, 1, 0], [], []>, transpose_lhs_hint = false} : vector<64x2048xf32>, vector<128x2048xf32>, vector<64x128xf32> -> vector<64x128xf32>
    %add3A_36 = arith.addf %get3A_34, %dot_general3A_35 : vector<64x128xf32>
    %swap3A = arith.constant 0 : index
    %swap3A_37 = arith.constant 0 : index
    %swap3A_38 = vector.load %arg9[%swap3A, %swap3A_37] : memref<64x128xf32, #tpu.memory_space<vmem>>, vector<64x128xf32>
    tpu.vector_store %arg9[%swap3A, %swap3A_37], %add3A_36 {strides = array<i32>} : memref<64x128xf32, #tpu.memory_space<vmem>>, vector<64x128xf32>,
    %get3A_39 = arith.constant 0 : index
    %get3A_40 = arith.constant 0 : index
    %get3A_41 = vector.load %arg10[%get3A_39, %get3A_40] : memref<64x1xf32, #tpu.memory_space<vmem>>, vector<64x1xf32>
    %reduce_sum3A = arith.constant dense<0.000000e+00> : vector<64xf32>
    %reduce_sum3A_42 = vector.multi_reduction <add>, %select_n3A, %reduce_sum3A [1] : vector<64x2048xf32> to vector<64xf32>
    %broadcast_in_dim3A_43 = vector.shape_cast %reduce_sum3A_42 : vector<64xf32> to vector<64x1xf32>
    %add3A_44 = arith.addf %get3A_41, %broadcast_in_dim3A_43 : vector<64x1xf32>
    %swap3A_45 = arith.constant 0 : index
    %swap3A_46 = arith.constant 0 : index
    %swap3A_47 = vector.load %arg10[%swap3A_45, %swap3A_46] : memref<64x1xf32, #tpu.memory_space<vmem>>, vector<64x1xf32>
    tpu.vector_store %arg10[%swap3A_45, %swap3A_46], %add3A_44 {strides = array<i32>} : memref<64x1xf32, #tpu.memory_space<vmem>>, vector<64x1xf32>,
    %eq3A_48 = arith.constant 4 : i32
    %eq3A_49 = arith.cmpi eq, %arg0, %eq3A_48 : i32
    %convert_element_type3A_50 = arith.extui %eq3A_49 : i1 to i32
    %cond3A_51 = arith.constant 0 : i32
    %cond3A_52 = arith.cmpi ne, %convert_element_type3A_50, %cond3A_51 : i32
    scf.if %cond3A_52 {
      %get3A_53 = arith.constant 0 : index
      %get3A_54 = arith.constant 0 : index
      %get3A_55 = vector.load %arg9[%get3A_53, %get3A_54] : memref<64x128xf32, #tpu.memory_space<vmem>>, vector<64x128xf32>
      %get3A_56 = arith.constant 0 : index
      %get3A_57 = arith.constant 0 : index
      %get3A_58 = vector.load %arg10[%get3A_56, %get3A_57] : memref<64x1xf32, #tpu.memory_space<vmem>>, vector<64x1xf32>
      %max3A_59 = arith.constant 1.000000e+00 : f32
      %max3A_60 = vector.broadcast %max3A_59 : f32 to vector<64x1xf32>
      %max3A_61 = arith.maximumf %get3A_58, %max3A_60 : vector<64x1xf32>
      %div3A = vector.broadcast %max3A_61 : vector<64x1xf32> to vector<64x128xf32>
      %div3A_62 = arith.divf %get3A_55, %div3A : vector<64x128xf32>
      %get3A_63 = arith.constant 0 : index
      %get3A_64 = arith.constant 0 : index
      %get3A_65 = vector.load %arg6[%get3A_63, %get3A_64] : memref<128x10xf32, #tpu.memory_space<vmem>>, vector<128x10xf32>
      %dot_general3A_66 = arith.constant dense<0.000000e+00> : vector<64x10xf32>
      %dot_general3A_67 = tpu.matmul %div3A_62, %get3A_65, %dot_general3A_66 {dimension_numbers = #tpu.dot_dimension_numbers<[1], [0], [0], [1], [0, 0, 1, 1], [], []>, transpose_lhs_hint = false} : vector<64x128xf32>, vector<128x10xf32>, vector<64x10xf32> -> vector<64x10xf32>
      %get3A_68 = arith.constant 0 : index
      %get3A_69 = arith.constant 0 : index
      %get3A_70 = vector.load %arg7[%get3A_68, %get3A_69] : memref<1x10xf32, #tpu.memory_space<vmem>>, vector<1x10xf32>
      %add3A_71 = vector.broadcast %get3A_70 : vector<1x10xf32> to vector<64x10xf32>
      %add3A_72 = arith.addf %dot_general3A_67, %add3A_71 : vector<64x10xf32>
      %swap3A_73 = arith.constant 0 : index
      %swap3A_74 = arith.constant 0 : index
      %swap3A_75 = vector.load %arg8[%swap3A_73, %swap3A_74] : memref<64x10xf32, #tpu.memory_space<vmem>>, vector<64x10xf32>
      tpu.vector_store %arg8[%swap3A_73, %swap3A_74], %add3A_72 {strides = array<i32>} : memref<64x10xf32, #tpu.memory_space<vmem>>, vector<64x10xf32>,
    } else {
    }
    return
  }
  func.func @transform_0(%arg0: i32) -> (i32, i32) {
    %c0_i32 = arith.constant 0 : i32
    %c0_i32_0 = arith.constant 0 : i32
    return %c0_i32, %arg0 : i32, i32
  }
  func.func @transform_1(%arg0: i32) -> (i32, i32) {
    %c0_i32 = arith.constant 0 : i32
    %c0_i32_0 = arith.constant 0 : i32
    return %c0_i32, %arg0 : i32, i32
  }
  func.func @transform_2(%arg0: i32) -> (i32, i32) {
    %c0_i32 = arith.constant 0 : i32
    %c0_i32_0 = arith.constant 0 : i32
    return %c0_i32, %arg0 : i32, i32
  }
  func.func @transform_3(%arg0: i32) -> (i32, i32) {
    %c0_i32 = arith.constant 0 : i32
    %c0_i32_0 = arith.constant 0 : i32
    %c0_i32_1 = arith.constant 0 : i32
    return %c0_i32, %c0_i32_0 : i32, i32
  }
  func.func @transform_4(%arg0: i32) -> (i32, i32) {
    %c0_i32 = arith.constant 0 : i32
    %c0_i32_0 = arith.constant 0 : i32
    return %c0_i32, %arg0 : i32, i32
  }
  func.func @transform_5(%arg0: i32) -> (i32, i32) {
    %c0_i32 = arith.constant 0 : i32
    %c0_i32_0 = arith.constant 0 : i32
    %c0_i32_1 = arith.constant 0 : i32
    return %c0_i32, %c0_i32_0 : i32, i32
  }
  func.func @transform_6(%arg0: i32) -> (i32, i32) {
    %c0_i32 = arith.constant 0 : i32
    %c0_i32_0 = arith.constant 0 : i32
    %c0_i32_1 = arith.constant 0 : i32
    return %c0_i32, %c0_i32_0 : i32, i32
  }
  func.func @transform_7(%arg0: i32) -> (i32, i32) {
    %c0_i32 = arith.constant 0 : i32
    %c0_i32_0 = arith.constant 0 : i32
    %c0_i32_1 = arith.constant 0 : i32
    return %c0_i32, %c0_i32_0 : i32, i32
  }
}

</mosaic_0001>

<sc_bundles>
// kernel: kernel.12.cloned.1.call-start
scs
__scs_entry_jumppad:
0x0: {  	(pc) =	sbr.rel $0x88, $3  }
0x1: {  	(tag) =	ssettag $0x0;
	lr =	simm.s32 $0x1  }
0x2: {  	[smem:$0x3F98] =	sst lr;
	_ =	strace $0xD0000000  }
0x3: {  	_ = 	snop  }
0x4: {  	_ = 	snop  }
0x5: {  	_ = 	snop  }
0x6: {  	_ = 	snop  }
0x7: {  	_ = 	snop  }
__scs_overlays_trampoline_lowered:
0x8: {  	[smem:$0x3FA7] =	sst s0  }
0x9: {  	[smem:$0x3FA8] =	sst s1  }
0xa: {  	[smem:$0x3FA9] =	sst s2  }
0xb: {  	[smem:$0x3FAA] =	sst s3  }
0xc: {  	[smem:$0x3FAB] =	sst s4  }
0xd: {  	[smem:$0x3FAC] =	sst s5  }
0xe: {  	[smem:$0x3FAD] =	sst s6  }
0xf: {  	[smem:$0x3FAE] =	sst s7  }
0x10: {  	[smem:$0x3FAF] =	sst s8  }
0x11: {  	[smem:$0x3FB0] =	sst s9;
	s0 =	simm.s32 @!p0 $0x0  }
0x12: {  	s1 =	sld [smem:$0x3F96];
	s0 =	simm.s32 @p0 $0x1  }
0x13: {  	[smem:$0x3FB1] =	sst s0;
	s0 =	simm.s32 @!p1 $0x0  }
0x14: {  	s2 =	sld [smem:$0x3F95];
	s0 =	simm.s32 @p1 $0x1  }
0x15: {  	[smem:$0x3FB2] =	sst s0;
	s0 =	simm.s32 @!p2 $0x0  }
0x16: {  	s3 =	sld [smem:$0x3FDB];
	s0 =	simm.s32 @p2 $0x1  }
0x17: {  	s4 =	simm.s32 $0x1BF5;
	[smem:$0x3FB4] =	sst s0  }
0x18: {  	s0 =	sld [smem:$0x3F97];
	_ =	swait.ge [sflag:s4], $0x0  }
0x19: {  	s7 =	sld [smem:$0x3F98]  }
0x1a: {  	s8 =	sadd.s32 $0xFFFFE003, lr  }
0x1b: {  	s9 =	sadd.s32 $0xFFFFFEF7, lr;
	s5 =	simm.s32 $0xFFFFFFFF;
	p2 =	slt.u32 s8, $0xFFFFF086  }
0x1c: {  	p1 =	slt.u32 s9, $0xF7A;
	s5 =	simm.s32 @!p2 $0x0  }
0x1d: {  	s5 =	simm.s32 @p1 $0x1;
	p0 =	seq.s32 s7, s2  }
0x1e: {  	s7 =	smul.u32 @!p0 $0xF7A, s2;
	p2 =	seq.s32 @!p0 s5, $0x0  }
0x1f: {  	s9 =	smul.u32 $0xF7A, s1;
	s8 =	simm.s32 @!p0 $0x1BF5;
	p2 =	por !p2, p0  }
0x20: {  	[sflag:s8] =	ssyncset.s32 @!p0 $0xFFFFF086;
	s6 =	sadd.s32 @!p0 s3, s7;
	s7 =	simm.s32 @!p0 $0x108  }
0x21: {  	s3 =	sadd.s32 s3, s9;
	s6 =	sadd.s32 @!p0 $0x88, s6;
	s7 =	simm.s32 @p2 $0x1082  }
0x22: {  	[simem:s7], [sflag:s8] =	dma.local @!p0 [hbm:s6], $0xF7A  }
0x23: {  	s9 =	sor.u32 $0xD0000000, s2;
	s6 =	simm.s32 $0x108;
	_ =	swait.ge @!p0 [sflag:s8], $0x0  }
0x24: {  	s3 =	sadd.s32 $0x88, s3;
	s6 =	simm.s32 @!p1 $0x1082;
	[sflag:s4] =	ssyncset.s32 $0xFFFFF086  }
0x25: {  	[simem:s6], [sflag:s4] =	dma.local [hbm:s3], $0xF7A  }
0x26: {  	[smem:$0x3F98] =	sst s1;
	(tag) =	ssettag s2;
	_ =	strace s9  }
0x27: {  	s1 =	sld [smem:$0x3FA8]  }
0x28: {  	s2 =	sld [smem:$0x3FA9]  }
0x29: {  	s4 =	sld [smem:$0x3FAB]  }
0x2a: {  	p0 =	seq.s32 s5, $0x0;
	s5 =	sld [smem:$0x3FAC]  }
0x2b: {  	s6 =	sld [smem:$0x3FAD]  }
0x2c: {  	s7 =	sld [smem:$0x3FAE]  }
0x2d: {  	s3 =	simm.s32 $0x108;
	s8 =	sld [smem:$0x3FAF]  }
0x2e: {  	s3 =	simm.s32 @!p0 $0x1082;
	s9 =	sld [smem:$0x3FB0]  }
0x2f: {  	lr =	sadd.s32 s0, s3;
	s0 =	sld [smem:$0x3FA7]  }
0x30: {  	s3 =	sld [smem:$0x3FAA]  }
0x31: {  	[smem:$0x3FB3] =	sst s10  }
0x32: {  	s10 =	sld [smem:$0x3FB1];
	_ =	sdelay $0x3  }
0x33: {  	p0 =	seq.s32 s10, $0x1;
	s10 =	sld [smem:$0x3FB3];
	_ =	sdelay $0x3  }
0x34: {  	[smem:$0x3FB3] =	sst s10  }
0x35: {  	s10 =	sld [smem:$0x3FB2];
	_ =	sdelay $0x3  }
0x36: {  	p1 =	seq.s32 s10, $0x1;
	s10 =	sld [smem:$0x3FB3];
	_ =	sdelay $0x3  }
0x37: {  	[smem:$0x3FB3] =	sst s10  }
0x38: {  	s10 =	sld [smem:$0x3FB4]  }
0x39: {  	_ = 	snop;
	(pc) =	sbr.ind lr, $3  }
0x3a: {  	_ = 	snop  }
0x3b: {  	_ = 	snop  }
0x3c: {  	p2 =	seq.s32 s10, $0x1;
	s10 =	sld [smem:$0x3FB3]  }
0x3d: {  	_ =	shalt  }
0x3e: {  	_ =	shalt  }
0x3f: {  	_ =	shalt  }
0x40: {  	_ =	shalt  }
0x41: {  	_ =	shalt  }
0x42: {  	_ =	shalt  }
0x43: {  	_ =	shalt  }
0x44: {  	_ =	shalt  }
0x45: {  	_ =	shalt  }
0x46: {  	_ =	shalt  }
0x47: {  	_ =	shalt  }
0x48: {  	_ =	shalt  }
0x49: {  	_ =	shalt  }
0x4a: {  	_ =	shalt  }
0x4b: {  	_ =	shalt  }
0x4c: {  	_ =	shalt  }
0x4d: {  	_ =	shalt  }
0x4e: {  	_ =	shalt  }
0x4f: {  	_ =	shalt  }
0x50: {  	_ =	shalt  }
0x51: {  	_ =	shalt  }
0x52: {  	_ =	shalt  }
0x53: {  	_ =	shalt  }
0x54: {  	_ =	shalt  }
0x55: {  	_ =	shalt  }
0x56: {  	_ =	shalt  }
0x57: {  	_ =	shalt  }
0x58: {  	_ =	shalt  }
0x59: {  	_ =	shalt  }
0x5a: {  	_ =	shalt  }
0x5b: {  	_ =	shalt  }
0x5c: {  	_ =	shalt  }
0x5d: {  	_ =	shalt  }
0x5e: {  	_ =	shalt  }
0x5f: {  	_ =	shalt  }
0x60: {  	_ =	shalt  }
0x61: {  	_ =	shalt  }
0x62: {  	_ =	shalt  }
0x63: {  	_ =	shalt  }
0x64: {  	_ =	shalt  }
0x65: {  	_ =	shalt  }
0x66: {  	_ =	shalt  }
0x67: {  	_ =	shalt  }
0x68: {  	_ =	shalt  }
0x69: {  	_ =	shalt  }
0x6a: {  	_ =	shalt  }
0x6b: {  	_ =	shalt  }
0x6c: {  	_ =	shalt  }
0x6d: {  	_ =	shalt  }
0x6e: {  	_ =	shalt  }
0x6f: {  	_ =	shalt  }
0x70: {  	_ =	shalt  }
0x71: {  	_ =	shalt  }
0x72: {  	_ =	shalt  }
0x73: {  	_ =	shalt  }
0x74: {  	_ =	shalt  }
0x75: {  	_ =	shalt  }
0x76: {  	_ =	shalt  }
0x77: {  	_ =	shalt  }
0x78: {  	_ =	shalt  }
0x79: {  	_ =	shalt  }
0x7a: {  	_ =	shalt  }
0x7b: {  	_ =	shalt  }
0x7c: {  	_ =	shalt  }
0x7d: {  	_ =	shalt  }
0x7e: {  	_ =	shalt  }
0x7f: {  	_ =	shalt  }
0x80: {  	_ =	shalt  }
0x81: {  	_ =	shalt  }
0x82: {  	_ =	shalt  }
0x83: {  	_ =	shalt  }
0x84: {  	_ =	shalt  }
0x85: {  	_ =	shalt  }
0x86: {  	_ =	shalt  }
0x87: {  	_ =	shalt  }
.Lfunc_end0:
.L_simem_size_0:
called_computation_lowered:
.L_overlay_start_0:
0x88: {  	s2 =	sld [smem:$0x3FD9]  }
0x89: {  	s3 =	sld [smem:$0x3FFE];
	_ =	sdelay $0x1  }
0x8a: {  	s1 =	srdreg.scid  }
0x8b: {  	s0 =	sand.u32 $0x1, s1  }
0x8c: {  	s16 =	sshll.u32 s0, $0xA;
	s2 =	sadd.s32 s3, s2  }
0x8d: {  	s2 =	sadd.s32 s2, s16  }
0x8e: {  	[smem:$0x3FBF] =	sst s2  }
0x8f: {  	_ = 	snop  }
0x90: {  	(tm) =	ssettm $0x1  }
0x91: {  	s17 =	sld [smem:$0x3FFB];
	_ =	sdelay $0x3  }
0x92: {  	_ =	strace s17  }
0x93: {  	s2 =	sld [smem:$0x3FFC];
	_ =	sdelay $0x3  }
0x94: {  	_ =	strace s2  }
0x95: {  	s2 =	sld [smem:$0x3FFD];
	_ =	sdelay $0x3  }
0x96: {  	_ =	strace s2  }
0x97: {  	_ =	strace $0x8FFFFFFF  }
0x98: {  	s18 =	sld [smem:$0x3FDB];
	_ =	sdelay $0x1  }
0x99: {  	s19 =	simm.s32 $_scs_section_size  }
0x9a: {  	s4 =	simm.s32 $_size__tile_overlayer_lowered;
	s5 =	simm.s32 $_tile_overlayer_lowered  }
0x9b: {  	s22 =	simm.s32 $0x1BFF;
	s21 =	sshll.u32 s5, $0x1;
	s2 =	sadd.s32 s19, s18  }
0x9c: {  	s6 =	simm.s32 $0x0;
	s20 =	sshll.u32 s4, $0x1;
	s4 =	sadd.s32 s21, s2  }
0x9d: {  	[timem:s6], [sflag:s22] =	dma.local [hbm:s4], s20  }
0x9e: {  	_ =	swait.ge [sflag:s22], s20  }
0x9f: {  	s3 =	ssub.s32 $0x0, s20;
	[sflag:s22] =	ssyncset.done $0x0  }
0xa0: {  	[sflag:s22] =	ssyncadd.s32 s3;
	_ =	sdelay $0x1  }
0xa1: {  	s23 =	simm.s32 $0x1B8B  }
0xa2: {  	_ =	swait.ge [sflag:s23], $0x1  }
0xa3: {  	[sflag:s23] =	ssyncset.done $0x0  }
0xa4: {  	s25 =	simm.s32 $0x1B8E;
	s24 =	sld [smem:$0x3FFE];
	[sflag:s23] =	ssyncadd.s32 $0xFFFFFFFF  }
0xa5: {  	s26 =	simm.s32 $execute0_lowered;
	[smem:$0x3FD2] =	sst s25  }
0xa6: {  	s4 =	sshll.u32 s26, $0x1;
	_ =	strace $0x80000046;
	[dreg:$0x1] =	wrdreg $0xFFFFFFFF  }
0xa7: {  	s28 =	simm.s32 $_size_execute0_lowered;
	s2 =	sadd.s32 s2, s4;
	[dreg:$0x0] =	wrdreg $0x0  }
0xa8: {  	s4 =	sshll.u32 s28, $0x1;
	[dreg:$0x2] =	wrdreg s2  }
0xa9: {  	[dreg:$0x3] =	wrdreg s4  }
0xaa: {  	[dreg:$0x4] =	wrdreg $0xC0  }
0xab: {  	_ =	task [dreg:s6], $0x5FFFF  }
0xac: {  	[dreg:$0x1] =	wrdreg $0xFFFFFFFF  }
0xad: {  	[dreg:$0x0] =	wrdreg $0x60  }
0xae: {  	[dreg:$0x2] =	wrdreg s24  }
0xaf: {  	[dreg:$0x3] =	wrdreg $0x9  }
0xb0: {  	_ =	task.clear_ibuf [dreg:s6], $0x4FFFF;
	_ =	strace $0x90000046  }
0xb1: {  	s29 =	simm.s32 $0x9;
	_ =	strace $0x80000048  }
0xb2: {  	_ =	swait.ge [sflag:s29], $0x1  }
0xb3: {  	[sflag:s29] =	ssyncadd.s32 $0xFFFFFFFF  }
0xb4: {  	_ =	strace $0x90000048  }
0xb5: {  	_ =	sfence  }
0xb6: {  	s30 =	sld [smem:$0x0];
	_ =	sdelay $0x2  }
0xb7: {  	s31 =	sshll.u32 s1, $0xD;
	s1 =	sshrl.u32 s1, $0x2  }
0xb8: {  	s3 =	sand.u32 $0x4000, s31;
	s1 =	sadd.s32 s1, s30  }
0xb9: {  	s0 =	sor.u32 s3, s0;
	s1 =	sshll.u32 s1, $0x11  }
0xba: {  	s0 =	sor.u32 s1, s0  }
0xbb: {  	s0 =	sadd.s32 $0x8F2B, s0  }
0xbc: {  	[sflag:s0] =	ssyncadd.remote.s32 $0x1  }
0xbd: {  	_ =	sfence.sel $0xFFFF  }
0xbe: {  	[dreg:$0x0] =	wrdreg $0xFFFFFFFF;
	(pc) =	sbr.abs _section_cstart, $3  }
0xbf: {  	[dreg:$0x1] =	wrdreg $0xFFFFFFFF  }
0xc0: {  	_ =	task.clear_ibuf [dreg:s6], $0x2FFFF;
	_ =	strace $0x9FFFFFFF  }
0xc1: {  	(tm) =	ssettm $0x7FFFFFFF  }
tec
execute0_lowered:
.L_overlay_start_1:
0x0: {  	(tag) =	ssettag $0x1  }
0x1: {  	s1 =	srdreg.scid;
	s0 =	stileid.u32  }
0x2: {  	s3 =	rddreg [dreg:$0x0];
	s2 =	simm.s32 $0x0;
	s21 =	simm.s32 $0x1  }
0x3: {  	s22 =	simm.s32 $0x2F80;
	s4 =	sand.u32 $0x1, s1;
	s5 =	sshll.u32 s0, $0x1  }
0x4: {  	s23 =	simm.s32 $0x3780;
	s24 =	simm.s32 $0x0;
	s5 =	sor.u32 s4, s5  }
0x5: {  	s1 =	rddreg [dreg:$0x1];
	s4 =	ssub.s32 $0x2, s4;
	s5 =	smul.u32 $0x2710, s5  }
0x6: {  	[smem:$0x7FF] =	sst s2;
	s15 =	sadd.s32 $0x3A00, s3;
	s31 =	sshrl.u32 s4, $0x1  }
0x7: {  	s17 =	sadd.s32 $0x21200, s3;
	s19 =	ssub.s32 s4, s31;
	s13 =	sshrl.u32 s5, $0x3  }
0x8: {  	_ =	strace $0x80000047;
	s19 =	smax.u32 s19, $0x1;
	s18 =	sadd.s32 s13, s3  }
0x9: {  	s3 =	sadd.s32 s15, s13;
	s8 =	sadd.s32 $0xFA, s13;
	s5 =	sadd.s32 s17, s13  }
0xa: {  	s11 =	sadd.s32 $0x1F4, s13;
	s14 =	sadd.s32 $0x2EE, s13;
	s20 =	sadd.s32 $0x3E8, s13  }
0xb: {  	s4 =	sadd.s32 $0x9C40, s3;
	s6 =	sadd.s32 s15, s8;
	s7 =	sadd.s32 $0x9D3A, s3  }
0xc: {  	s8 =	sadd.s32 s17, s8;
	s9 =	sadd.s32 s15, s11;
	s10 =	sadd.s32 $0x9E34, s3  }
0xd: {  	s11 =	sadd.s32 s17, s11;
	s12 =	sadd.s32 s15, s14;
	s13 =	sadd.s32 $0x9F2E, s3  }
0xe: {  	s14 =	sadd.s32 s17, s14;
	s15 =	sadd.s32 s15, s20;
	s16 =	sadd.s32 $0xA028, s3  }
0xf: {  	v0 =	vimm.f32 $0.0e+00;
	v1 =	vimm.f32 $1.000000000e+00;
	s17 =	sadd.s32 s17, s20;
	s18 =	sadd.s32 $0x17400, s18;
	s20 =	simm.s32 $0x2780  }
.LBB2_1:
0x10: {  	s25 =	simm.s32 $0x40;
	s26 =	simm.s32 $0x0  }
.LBB2_2:
0x11: {  	p0 =	sne.s32 s25, $0x9C00;
	[tilespmem:s26+$0x0] =	vst v0;
	s26 =	smov.u32 s25;
	s25 =	sadd.s32 $0x40, s25  }
.Ltmp0:
0x12: {  	(pc) =	sbr.rel @p0 .LBB2_2-.Ltmp0, $2  }
0x13: {  	_ =	sdelay $0x2  }
0x14: {  	s26 =	sshra.s32 s26, $0x2  }
0x15: {  	[tilespmem:s26+$0x0] =	vst v0;
	s25 =	simm.s32 $0x0  }
0x16: {  	[tilespmem:s20], [sflag:$0x1] =	stream.linear.gather [hbm4b:s3+s25], $0x7D0, $0x38;
	[tilespmem:$0x3F80] =	vst v63  }
0x17: {  	_ =	swait.ge [sflag:s21], $0x7D0  }
0x18: {  	[sflag:s21] =	ssyncset.done $0x0  }
0x19: {  	[sflag:s21] =	ssyncadd.s32 $0xFFFFF830  }
0x1a: {  	[tilespmem:s22], [sflag:$0x1] =	stream.linear.gather [hbm4b:s4+s25], $0x7D0, $0x38;
	[tilespmem:$0x3F80] =	vst v63  }
0x1b: {  	_ =	swait.ge [sflag:s21], $0x7D0  }
0x1c: {  	[sflag:s21] =	ssyncset.done $0x0  }
0x1d: {  	s25 =	simm.s32 $0x0;
	[sflag:s21] =	ssyncadd.s32 $0xFFFFF830  }
0x1e: {  	s26 =	simm.s32 $0x40;
	v2 =	vld [tilespmem:s25+$0x2F80]  }
.LBB2_4:
0x1f: {  	p0 =	sne.s32 s26, $0x1F00;
	v3 =	vld [tilespmem:s25+$0x2780];
	_ =	sdelay $0x4  }
.Ltmp1:
0x20: {  	v3 =	vshll.u32 v3, $0xE;
	(pc) =	sbr.rel @p0 .LBB2_4-.Ltmp1, $4  }
0x21: {  	v3 =	vor.u32 v2, v3  }
0x22: {  	[tilespmem:s25+$0x3780] =	vst v3  }
0x23: {  	s25 =	sshra.s32 s26, $0x2;
	[tilespmem:v2+s2+$0x0] =	vst.idx.add.f32.msk $0xffff, v1  }
0x24: {  	s26 =	sadd.s32 $0x40, s26;
	v2 =	vld [tilespmem:s25+$0x2F80]  }
0x25: {  	v3 =	vld [tilespmem:s25+$0x2780];
	_ =	sdelay $0x4  }
0x26: {  	v3 =	vshll.u32 v3, $0xE  }
0x27: {  	v3 =	vor.u32 v2, v3  }
0x28: {  	[tilespmem:s25+$0x3780] =	vst v3  }
0x29: {  	s31 =	simm.s32 $0x0;
	[tilespmem:v2+s2+$0x0] =	vst.idx.add.f32.msk $0xffff, v1  }
0x2a: {  	[hbm4b:s5+s31] =	stream.linear.scatter [tilespmem:s23], [sflag:$0x1], $0x7D0, $0x38;
	[tilespmem:$0x3F80] =	vst v63  }
0x2b: {  	_ =	swait.ge [sflag:s21], $0x7D0  }
0x2c: {  	[sflag:s21] =	ssyncset.done $0x0  }
0x2d: {  	[sflag:s21] =	ssyncadd.s32 $0xFFFFF830  }
0x2e: {  	[tilespmem:s20], [sflag:$0x1] =	stream.linear.gather [hbm4b:s6+s31], $0x7D0, $0x38;
	[tilespmem:$0x3F80] =	vst v63  }
0x2f: {  	_ =	swait.ge [sflag:s21], $0x7D0  }
0x30: {  	[sflag:s21] =	ssyncset.done $0x0  }
0x31: {  	[sflag:s21] =	ssyncadd.s32 $0xFFFFF830  }
0x32: {  	[tilespmem:s22], [sflag:$0x1] =	stream.linear.gather [hbm4b:s7+s31], $0x7D0, $0x38;
	[tilespmem:$0x3F80] =	vst v63  }
0x33: {  	_ =	swait.ge [sflag:s21], $0x7D0  }
0x34: {  	[sflag:s21] =	ssyncset.done $0x0  }
0x35: {  	s25 =	simm.s32 $0x0;
	[sflag:s21] =	ssyncadd.s32 $0xFFFFF830  }
0x36: {  	s26 =	simm.s32 $0x40;
	v2 =	vld [tilespmem:s25+$0x2F80]  }
.LBB2_6:
0x37: {  	p0 =	sne.s32 s26, $0x1F00;
	v3 =	vld [tilespmem:s25+$0x2780];
	_ =	sdelay $0x4  }
.Ltmp2:
0x38: {  	v3 =	vshll.u32 v3, $0xE;
	(pc) =	sbr.rel @p0 .LBB2_6-.Ltmp2, $4  }
0x39: {  	v3 =	vor.u32 v2, v3  }
0x3a: {  	[tilespmem:s25+$0x3780] =	vst v3  }
0x3b: {  	s25 =	sshra.s32 s26, $0x2;
	[tilespmem:v2+s2+$0x0] =	vst.idx.add.f32.msk $0xffff, v1  }
0x3c: {  	s26 =	sadd.s32 $0x40, s26;
	v2 =	vld [tilespmem:s25+$0x2F80]  }
0x3d: {  	v3 =	vld [tilespmem:s25+$0x2780];
	_ =	sdelay $0x4  }
0x3e: {  	v3 =	vshll.u32 v3, $0xE  }
0x3f: {  	v3 =	vor.u32 v2, v3  }
0x40: {  	[tilespmem:s25+$0x3780] =	vst v3  }
0x41: {  	s31 =	simm.s32 $0x0;
	[tilespmem:v2+s2+$0x0] =	vst.idx.add.f32.msk $0xffff, v1  }
0x42: {  	[hbm4b:s8+s31] =	stream.linear.scatter [tilespmem:s23], [sflag:$0x1], $0x7D0, $0x38;
	[tilespmem:$0x3F80] =	vst v63  }
0x43: {  	_ =	swait.ge [sflag:s21], $0x7D0  }
0x44: {  	[sflag:s21] =	ssyncset.done $0x0  }
0x45: {  	[sflag:s21] =	ssyncadd.s32 $0xFFFFF830  }
0x46: {  	[tilespmem:s20], [sflag:$0x1] =	stream.linear.gather [hbm4b:s9+s31], $0x7D0, $0x38;
	[tilespmem:$0x3F80] =	vst v63  }
0x47: {  	_ =	swait.ge [sflag:s21], $0x7D0  }
0x48: {  	[sflag:s21] =	ssyncset.done $0x0  }
0x49: {  	[sflag:s21] =	ssyncadd.s32 $0xFFFFF830  }
0x4a: {  	[tilespmem:s22], [sflag:$0x1] =	stream.linear.gather [hbm4b:s10+s31], $0x7D0, $0x38;
	[tilespmem:$0x3F80] =	vst v63  }
0x4b: {  	_ =	swait.ge [sflag:s21], $0x7D0  }
0x4c: {  	[sflag:s21] =	ssyncset.done $0x0  }
0x4d: {  	s25 =	simm.s32 $0x0;
	[sflag:s21] =	ssyncadd.s32 $0xFFFFF830  }
0x4e: {  	s26 =	simm.s32 $0x40;
	v2 =	vld [tilespmem:s25+$0x2F80]  }
.LBB2_8:
0x4f: {  	p0 =	sne.s32 s26, $0x1F00;
	v3 =	vld [tilespmem:s25+$0x2780];
	_ =	sdelay $0x4  }
.Ltmp3:
0x50: {  	v3 =	vshll.u32 v3, $0xE;
	(pc) =	sbr.rel @p0 .LBB2_8-.Ltmp3, $4  }
0x51: {  	v3 =	vor.u32 v2, v3  }
0x52: {  	[tilespmem:s25+$0x3780] =	vst v3  }
0x53: {  	s25 =	sshra.s32 s26, $0x2;
	[tilespmem:v2+s2+$0x0] =	vst.idx.add.f32.msk $0xffff, v1  }
0x54: {  	s26 =	sadd.s32 $0x40, s26;
	v2 =	vld [tilespmem:s25+$0x2F80]  }
0x55: {  	v3 =	vld [tilespmem:s25+$0x2780];
	_ =	sdelay $0x4  }
0x56: {  	v3 =	vshll.u32 v3, $0xE  }
0x57: {  	v3 =	vor.u32 v2, v3  }
0x58: {  	[tilespmem:s25+$0x3780] =	vst v3  }
0x59: {  	s31 =	simm.s32 $0x0;
	[tilespmem:v2+s2+$0x0] =	vst.idx.add.f32.msk $0xffff, v1  }
0x5a: {  	[hbm4b:s11+s31] =	stream.linear.scatter [tilespmem:s23], [sflag:$0x1], $0x7D0, $0x38;
	[tilespmem:$0x3F80] =	vst v63  }
0x5b: {  	_ =	swait.ge [sflag:s21], $0x7D0  }
0x5c: {  	[sflag:s21] =	ssyncset.done $0x0  }
0x5d: {  	[sflag:s21] =	ssyncadd.s32 $0xFFFFF830  }
0x5e: {  	[tilespmem:s20], [sflag:$0x1] =	stream.linear.gather [hbm4b:s12+s31], $0x7D0, $0x38;
	[tilespmem:$0x3F80] =	vst v63  }
0x5f: {  	_ =	swait.ge [sflag:s21], $0x7D0  }
0x60: {  	[sflag:s21] =	ssyncset.done $0x0  }
0x61: {  	[sflag:s21] =	ssyncadd.s32 $0xFFFFF830  }
0x62: {  	[tilespmem:s22], [sflag:$0x1] =	stream.linear.gather [hbm4b:s13+s31], $0x7D0, $0x38;
	[tilespmem:$0x3F80] =	vst v63  }
0x63: {  	_ =	swait.ge [sflag:s21], $0x7D0  }
0x64: {  	[sflag:s21] =	ssyncset.done $0x0  }
0x65: {  	s25 =	simm.s32 $0x0;
	[sflag:s21] =	ssyncadd.s32 $0xFFFFF830  }
0x66: {  	s26 =	simm.s32 $0x40;
	v2 =	vld [tilespmem:s25+$0x2F80]  }
.LBB2_10:
0x67: {  	p0 =	sne.s32 s26, $0x1F00;
	v3 =	vld [tilespmem:s25+$0x2780];
	_ =	sdelay $0x4  }
.Ltmp4:
0x68: {  	v3 =	vshll.u32 v3, $0xE;
	(pc) =	sbr.rel @p0 .LBB2_10-.Ltmp4, $4  }
0x69: {  	v3 =	vor.u32 v2, v3  }
0x6a: {  	[tilespmem:s25+$0x3780] =	vst v3  }
0x6b: {  	s25 =	sshra.s32 s26, $0x2;
	[tilespmem:v2+s2+$0x0] =	vst.idx.add.f32.msk $0xffff, v1  }
0x6c: {  	s26 =	sadd.s32 $0x40, s26;
	v2 =	vld [tilespmem:s25+$0x2F80]  }
0x6d: {  	v3 =	vld [tilespmem:s25+$0x2780];
	_ =	sdelay $0x4  }
0x6e: {  	v3 =	vshll.u32 v3, $0xE  }
0x6f: {  	v3 =	vor.u32 v2, v3  }
0x70: {  	[tilespmem:s25+$0x3780] =	vst v3  }
0x71: {  	s31 =	simm.s32 $0x0;
	[tilespmem:v2+s2+$0x0] =	vst.idx.add.f32.msk $0xffff, v1  }
0x72: {  	[hbm4b:s14+s31] =	stream.linear.scatter [tilespmem:s23], [sflag:$0x1], $0x7D0, $0x38;
	[tilespmem:$0x3F80] =	vst v63  }
0x73: {  	_ =	swait.ge [sflag:s21], $0x7D0  }
0x74: {  	[sflag:s21] =	ssyncset.done $0x0  }
0x75: {  	[sflag:s21] =	ssyncadd.s32 $0xFFFFF830  }
0x76: {  	[tilespmem:s20], [sflag:$0x1] =	stream.linear.gather [hbm4b:s15+s31], $0x7D0, $0x38;
	[tilespmem:$0x3F80] =	vst v63  }
0x77: {  	_ =	swait.ge [sflag:s21], $0x7D0  }
0x78: {  	[sflag:s21] =	ssyncset.done $0x0  }
0x79: {  	[sflag:s21] =	ssyncadd.s32 $0xFFFFF830  }
0x7a: {  	[tilespmem:s22], [sflag:$0x1] =	stream.linear.gather [hbm4b:s16+s31], $0x7D0, $0x38;
	[tilespmem:$0x3F80] =	vst v63  }
0x7b: {  	_ =	swait.ge [sflag:s21], $0x7D0  }
0x7c: {  	[sflag:s21] =	ssyncset.done $0x0  }
0x7d: {  	s25 =	simm.s32 $0x0;
	[sflag:s21] =	ssyncadd.s32 $0xFFFFF830  }
0x7e: {  	s26 =	simm.s32 $0x40;
	v2 =	vld [tilespmem:s25+$0x2F80]  }
.LBB2_12:
0x7f: {  	p0 =	sne.s32 s26, $0x1F00;
	v3 =	vld [tilespmem:s25+$0x2780];
	_ =	sdelay $0x4  }
.Ltmp5:
0x80: {  	v3 =	vshll.u32 v3, $0xE;
	(pc) =	sbr.rel @p0 .LBB2_12-.Ltmp5, $4  }
0x81: {  	v3 =	vor.u32 v2, v3  }
0x82: {  	[tilespmem:s25+$0x3780] =	vst v3  }
0x83: {  	s25 =	sshra.s32 s26, $0x2;
	[tilespmem:v2+s2+$0x0] =	vst.idx.add.f32.msk $0xffff, v1  }
0x84: {  	s26 =	sadd.s32 $0x40, s26;
	v2 =	vld [tilespmem:s25+$0x2F80]  }
0x85: {  	v3 =	vld [tilespmem:s25+$0x2780];
	_ =	sdelay $0x4  }
0x86: {  	v3 =	vshll.u32 v3, $0xE  }
0x87: {  	v3 =	vor.u32 v2, v3  }
0x88: {  	[tilespmem:s25+$0x3780] =	vst v3  }
0x89: {  	[tilespmem:v2+s2+$0x0] =	vst.idx.add.f32.msk $0xffff, v1  }
0x8a: {  	[hbm4b:s17+s2] =	stream.linear.scatter [tilespmem:s23], [sflag:$0x1], $0x7D0, $0x38;
	[tilespmem:$0x3F80] =	vst v63  }
0x8b: {  	s24 =	sadd.s32 $0x1, s24;
	_ =	swait.ge [sflag:s21], $0x7D0  }
0x8c: {  	p0 =	sne.s32 s24, s19;
	[sflag:s21] =	ssyncset.done $0x0  }
.Ltmp6:
0x8d: {  	[sflag:s21] =	ssyncadd.s32 $0xFFFFF830;
	(pc) =	sbr.rel @p0 .LBB2_1-.Ltmp6, $4  }
0x8e: {  	[hbm4b:s18+s2] =	stream.linear.scatter [tilespmem:s2], [sflag:$0x1], $0x2710, $0x38;
	[tilespmem:$0x3F80] =	vst v63  }
0x8f: {  	_ =	swait.ge [sflag:s21], $0x2710  }
0x90: {  	[sflag:s21] =	ssyncset.done $0x0  }
0x91: {  	[sflag:s21] =	ssyncadd.s32 $0xFFFFD8F0  }
0x92: {  	_ =	sfence.sel $0x180000  }
0x93: {  	[bflag:$0x0] =	sbarrier.arrive $0xFFFF  }
0x94: {  	p0 =	sne.s32 s0, $0x0;
	_ =	strace $0x90000047  }
0x95: {  	s0 =	sadd.s32 @!p0 $0x100000, s1;
	[bflag:$0x2] =	sbarrier.arrive $0xFFFF  }
0x96: {  	[sflag:s0] =	ssyncadd.tile.s32 @!p0 $0x1;
	_ =	shalt  }
.Lfunc_end2:
_tile_overlayer_lowered:
.L_overlay_start_2:
0x97: {  	(tag) =	ssettag $0x2  }
0x98: {  	s0 =	rddreg [dreg:$0x0];
	s2 =	stileid.u32  }
0x99: {  	s1 =	rddreg [dreg:$0x1];
	p0 =	sne.s32 s2, $0x0  }
0x9a: {  	s3 =	rddreg [dreg:$0x2];
	[bflag:$0x3] =	sbarrier.arrive $0xFFFF;
	s2 =	simm.s32 @!p0 $0x1C01  }
0x9b: {  	[timem:s3], [sflag:s2] =	dma.local @!p0 [hbm:s0], s1  }
0x9c: {  	s0 =	simm.s32 @!p0 $0x1  }
0x9d: {  	_ =	swait.ge @!p0 [sflag:s0], s1  }
0x9e: {  	s1 =	ssub.s32 @!p0 $0x0, s1;
	[sflag:s0] =	ssyncset.done @!p0 $0x0  }
0x9f: {  	[sflag:s0] =	ssyncadd.s32 @!p0 s1  }
0xa0: {  	[bflag:$0x3] =	sbarrier.arrive $0xFFFF  }
0xa1: {  	_ =	shalt  }

// kernel: kernel.15.cloned.1.call-start
scs
__scs_entry_jumppad:
0x0: {  	(pc) =	sbr.rel $0x88, $3  }
0x1: {  	(tag) =	ssettag $0x0;
	lr =	simm.s32 $0x1  }
0x2: {  	[smem:$0x3F98] =	sst lr;
	_ =	strace $0xD0000000  }
0x3: {  	_ = 	snop  }
0x4: {  	_ = 	snop  }
0x5: {  	_ = 	snop  }
0x6: {  	_ = 	snop  }
0x7: {  	_ = 	snop  }
__scs_overlays_trampoline_lowered:
0x8: {  	[smem:$0x3FA7] =	sst s0  }
0x9: {  	[smem:$0x3FA8] =	sst s1  }
0xa: {  	[smem:$0x3FA9] =	sst s2  }
0xb: {  	[smem:$0x3FAA] =	sst s3  }
0xc: {  	[smem:$0x3FAB] =	sst s4  }
0xd: {  	[smem:$0x3FAC] =	sst s5  }
0xe: {  	[smem:$0x3FAD] =	sst s6  }
0xf: {  	[smem:$0x3FAE] =	sst s7  }
0x10: {  	[smem:$0x3FAF] =	sst s8  }
0x11: {  	[smem:$0x3FB0] =	sst s9;
	s0 =	simm.s32 @!p0 $0x0  }
0x12: {  	s1 =	sld [smem:$0x3F96];
	s0 =	simm.s32 @p0 $0x1  }
0x13: {  	[smem:$0x3FB1] =	sst s0;
	s0 =	simm.s32 @!p1 $0x0  }
0x14: {  	s2 =	sld [smem:$0x3F95];
	s0 =	simm.s32 @p1 $0x1  }
0x15: {  	[smem:$0x3FB2] =	sst s0;
	s0 =	simm.s32 @!p2 $0x0  }
0x16: {  	s3 =	sld [smem:$0x3FDB];
	s0 =	simm.s32 @p2 $0x1  }
0x17: {  	s4 =	simm.s32 $0x1BF5;
	[smem:$0x3FB4] =	sst s0  }
0x18: {  	s0 =	sld [smem:$0x3F97];
	_ =	swait.ge [sflag:s4], $0x0  }
0x19: {  	s7 =	sld [smem:$0x3F98]  }
0x1a: {  	s8 =	sadd.s32 $0xFFFFE003, lr  }
0x1b: {  	s9 =	sadd.s32 $0xFFFFFEF7, lr;
	s5 =	simm.s32 $0xFFFFFFFF;
	p2 =	slt.u32 s8, $0xFFFFF086  }
0x1c: {  	p1 =	slt.u32 s9, $0xF7A;
	s5 =	simm.s32 @!p2 $0x0  }
0x1d: {  	s5 =	simm.s32 @p1 $0x1;
	p0 =	seq.s32 s7, s2  }
0x1e: {  	s7 =	smul.u32 @!p0 $0xF7A, s2;
	p2 =	seq.s32 @!p0 s5, $0x0  }
0x1f: {  	s9 =	smul.u32 $0xF7A, s1;
	s8 =	simm.s32 @!p0 $0x1BF5;
	p2 =	por !p2, p0  }
0x20: {  	[sflag:s8] =	ssyncset.s32 @!p0 $0xFFFFF086;
	s6 =	sadd.s32 @!p0 s3, s7;
	s7 =	simm.s32 @!p0 $0x108  }
0x21: {  	s3 =	sadd.s32 s3, s9;
	s6 =	sadd.s32 @!p0 $0x88, s6;
	s7 =	simm.s32 @p2 $0x1082  }
0x22: {  	[simem:s7], [sflag:s8] =	dma.local @!p0 [hbm:s6], $0xF7A  }
0x23: {  	s9 =	sor.u32 $0xD0000000, s2;
	s6 =	simm.s32 $0x108;
	_ =	swait.ge @!p0 [sflag:s8], $0x0  }
0x24: {  	s3 =	sadd.s32 $0x88, s3;
	s6 =	simm.s32 @!p1 $0x1082;
	[sflag:s4] =	ssyncset.s32 $0xFFFFF086  }
0x25: {  	[simem:s6], [sflag:s4] =	dma.local [hbm:s3], $0xF7A  }
0x26: {  	[smem:$0x3F98] =	sst s1;
	(tag) =	ssettag s2;
	_ =	strace s9  }
0x27: {  	s1 =	sld [smem:$0x3FA8]  }
0x28: {  	s2 =	sld [smem:$0x3FA9]  }
0x29: {  	s4 =	sld [smem:$0x3FAB]  }
0x2a: {  	p0 =	seq.s32 s5, $0x0;
	s5 =	sld [smem:$0x3FAC]  }
0x2b: {  	s6 =	sld [smem:$0x3FAD]  }
0x2c: {  	s7 =	sld [smem:$0x3FAE]  }
0x2d: {  	s3 =	simm.s32 $0x108;
	s8 =	sld [smem:$0x3FAF]  }
0x2e: {  	s3 =	simm.s32 @!p0 $0x1082;
	s9 =	sld [smem:$0x3FB0]  }
0x2f: {  	lr =	sadd.s32 s0, s3;
	s0 =	sld [smem:$0x3FA7]  }
0x30: {  	s3 =	sld [smem:$0x3FAA]  }
0x31: {  	[smem:$0x3FB3] =	sst s10  }
0x32: {  	s10 =	sld [smem:$0x3FB1];
	_ =	sdelay $0x3  }
0x33: {  	p0 =	seq.s32 s10, $0x1;
	s10 =	sld [smem:$0x3FB3];
	_ =	sdelay $0x3  }
0x34: {  	[smem:$0x3FB3] =	sst s10  }
0x35: {  	s10 =	sld [smem:$0x3FB2];
	_ =	sdelay $0x3  }
0x36: {  	p1 =	seq.s32 s10, $0x1;
	s10 =	sld [smem:$0x3FB3];
	_ =	sdelay $0x3  }
0x37: {  	[smem:$0x3FB3] =	sst s10  }
0x38: {  	s10 =	sld [smem:$0x3FB4]  }
0x39: {  	_ = 	snop;
	(pc) =	sbr.ind lr, $3  }
0x3a: {  	_ = 	snop  }
0x3b: {  	_ = 	snop  }
0x3c: {  	p2 =	seq.s32 s10, $0x1;
	s10 =	sld [smem:$0x3FB3]  }
0x3d: {  	_ =	shalt  }
0x3e: {  	_ =	shalt  }
0x3f: {  	_ =	shalt  }
0x40: {  	_ =	shalt  }
0x41: {  	_ =	shalt  }
0x42: {  	_ =	shalt  }
0x43: {  	_ =	shalt  }
0x44: {  	_ =	shalt  }
0x45: {  	_ =	shalt  }
0x46: {  	_ =	shalt  }
0x47: {  	_ =	shalt  }
0x48: {  	_ =	shalt  }
0x49: {  	_ =	shalt  }
0x4a: {  	_ =	shalt  }
0x4b: {  	_ =	shalt  }
0x4c: {  	_ =	shalt  }
0x4d: {  	_ =	shalt  }
0x4e: {  	_ =	shalt  }
0x4f: {  	_ =	shalt  }
0x50: {  	_ =	shalt  }
0x51: {  	_ =	shalt  }
0x52: {  	_ =	shalt  }
0x53: {  	_ =	shalt  }
0x54: {  	_ =	shalt  }
0x55: {  	_ =	shalt  }
0x56: {  	_ =	shalt  }
0x57: {  	_ =	shalt  }
0x58: {  	_ =	shalt  }
0x59: {  	_ =	shalt  }
0x5a: {  	_ =	shalt  }
0x5b: {  	_ =	shalt  }
0x5c: {  	_ =	shalt  }
0x5d: {  	_ =	shalt  }
0x5e: {  	_ =	shalt  }
0x5f: {  	_ =	shalt  }
0x60: {  	_ =	shalt  }
0x61: {  	_ =	shalt  }
0x62: {  	_ =	shalt  }
0x63: {  	_ =	shalt  }
0x64: {  	_ =	shalt  }
0x65: {  	_ =	shalt  }
0x66: {  	_ =	shalt  }
0x67: {  	_ =	shalt  }
0x68: {  	_ =	shalt  }
0x69: {  	_ =	shalt  }
0x6a: {  	_ =	shalt  }
0x6b: {  	_ =	shalt  }
0x6c: {  	_ =	shalt  }
0x6d: {  	_ =	shalt  }
0x6e: {  	_ =	shalt  }
0x6f: {  	_ =	shalt  }
0x70: {  	_ =	shalt  }
0x71: {  	_ =	shalt  }
0x72: {  	_ =	shalt  }
0x73: {  	_ =	shalt  }
0x74: {  	_ =	shalt  }
0x75: {  	_ =	shalt  }
0x76: {  	_ =	shalt  }
0x77: {  	_ =	shalt  }
0x78: {  	_ =	shalt  }
0x79: {  	_ =	shalt  }
0x7a: {  	_ =	shalt  }
0x7b: {  	_ =	shalt  }
0x7c: {  	_ =	shalt  }
0x7d: {  	_ =	shalt  }
0x7e: {  	_ =	shalt  }
0x7f: {  	_ =	shalt  }
0x80: {  	_ =	shalt  }
0x81: {  	_ =	shalt  }
0x82: {  	_ =	shalt  }
0x83: {  	_ =	shalt  }
0x84: {  	_ =	shalt  }
0x85: {  	_ =	shalt  }
0x86: {  	_ =	shalt  }
0x87: {  	_ =	shalt  }
.Lfunc_end0:
.L_simem_size_0:
called_computation.1_lowered:
.L_overlay_start_0:
0x88: {  	s2 =	sld [smem:$0x3FD9]  }
0x89: {  	s3 =	sld [smem:$0x3FFE];
	_ =	sdelay $0x1  }
0x8a: {  	s1 =	srdreg.scid  }
0x8b: {  	s0 =	sand.u32 $0x1, s1  }
0x8c: {  	s16 =	sshll.u32 s0, $0xA;
	s2 =	sadd.s32 s3, s2  }
0x8d: {  	s2 =	sadd.s32 s2, s16  }
0x8e: {  	[smem:$0x3FBF] =	sst s2  }
0x8f: {  	_ = 	snop  }
0x90: {  	(tm) =	ssettm $0x1  }
0x91: {  	s17 =	sld [smem:$0x3FFB];
	_ =	sdelay $0x3  }
0x92: {  	_ =	strace s17  }
0x93: {  	s2 =	sld [smem:$0x3FFC];
	_ =	sdelay $0x3  }
0x94: {  	_ =	strace s2  }
0x95: {  	s2 =	sld [smem:$0x3FFD];
	_ =	sdelay $0x3  }
0x96: {  	_ =	strace s2  }
0x97: {  	_ =	strace $0x8FFFFFFF  }
0x98: {  	s18 =	sld [smem:$0x3FDB];
	_ =	sdelay $0x1  }
0x99: {  	s19 =	simm.s32 $_scs_section_size  }
0x9a: {  	s4 =	simm.s32 $_size__tile_overlayer_lowered;
	s5 =	simm.s32 $_tile_overlayer_lowered  }
0x9b: {  	s22 =	simm.s32 $0x1BFF;
	s21 =	sshll.u32 s5, $0x1;
	s2 =	sadd.s32 s19, s18  }
0x9c: {  	s6 =	simm.s32 $0x0;
	s20 =	sshll.u32 s4, $0x1;
	s4 =	sadd.s32 s21, s2  }
0x9d: {  	[timem:s6], [sflag:s22] =	dma.local [hbm:s4], s20  }
0x9e: {  	_ =	swait.ge [sflag:s22], s20  }
0x9f: {  	s3 =	ssub.s32 $0x0, s20;
	[sflag:s22] =	ssyncset.done $0x0  }
0xa0: {  	[sflag:s22] =	ssyncadd.s32 s3;
	_ =	sdelay $0x1  }
0xa1: {  	s23 =	simm.s32 $0x1B8B  }
0xa2: {  	_ =	swait.ge [sflag:s23], $0x1  }
0xa3: {  	[sflag:s23] =	ssyncset.done $0x0  }
0xa4: {  	s25 =	simm.s32 $0x1B8E;
	s24 =	sld [smem:$0x3FFE];
	[sflag:s23] =	ssyncadd.s32 $0xFFFFFFFF  }
0xa5: {  	s26 =	simm.s32 $execute0_lowered;
	[smem:$0x3FD2] =	sst s25  }
0xa6: {  	s4 =	sshll.u32 s26, $0x1;
	_ =	strace $0x80000049;
	[dreg:$0x1] =	wrdreg $0xFFFFFFFF  }
0xa7: {  	s28 =	simm.s32 $_size_execute0_lowered;
	s2 =	sadd.s32 s2, s4;
	[dreg:$0x0] =	wrdreg $0x0  }
0xa8: {  	s4 =	sshll.u32 s28, $0x1;
	[dreg:$0x2] =	wrdreg s2  }
0xa9: {  	[dreg:$0x3] =	wrdreg s4  }
0xaa: {  	[dreg:$0x4] =	wrdreg $0xC0  }
0xab: {  	_ =	task [dreg:s6], $0x5FFFF  }
0xac: {  	[dreg:$0x1] =	wrdreg $0xFFFFFFFF  }
0xad: {  	[dreg:$0x0] =	wrdreg $0x60  }
0xae: {  	[dreg:$0x2] =	wrdreg s24  }
0xaf: {  	[dreg:$0x3] =	wrdreg $0x9  }
0xb0: {  	_ =	task.clear_ibuf [dreg:s6], $0x4FFFF;
	_ =	strace $0x90000049  }
0xb1: {  	s29 =	simm.s32 $0x9;
	_ =	strace $0x8000004B  }
0xb2: {  	_ =	swait.ge [sflag:s29], $0x1  }
0xb3: {  	[sflag:s29] =	ssyncadd.s32 $0xFFFFFFFF  }
0xb4: {  	_ =	strace $0x9000004B  }
0xb5: {  	_ =	sfence  }
0xb6: {  	s30 =	sld [smem:$0x0];
	_ =	sdelay $0x2  }
0xb7: {  	s31 =	sshll.u32 s1, $0xD;
	s1 =	sshrl.u32 s1, $0x2  }
0xb8: {  	s3 =	sand.u32 $0x4000, s31;
	s1 =	sadd.s32 s1, s30  }
0xb9: {  	s0 =	sor.u32 s3, s0;
	s1 =	sshll.u32 s1, $0x11  }
0xba: {  	s0 =	sor.u32 s1, s0  }
0xbb: {  	s0 =	sadd.s32 $0x8F2B, s0  }
0xbc: {  	[sflag:s0] =	ssyncadd.remote.s32 $0x1  }
0xbd: {  	_ =	sfence.sel $0xFFFF  }
0xbe: {  	[dreg:$0x0] =	wrdreg $0xFFFFFFFF;
	(pc) =	sbr.abs _section_cstart, $3  }
0xbf: {  	[dreg:$0x1] =	wrdreg $0xFFFFFFFF  }
0xc0: {  	_ =	task.clear_ibuf [dreg:s6], $0x2FFFF;
	_ =	strace $0x9FFFFFFF  }
0xc1: {  	(tm) =	ssettm $0x7FFFFFFF  }
tec
execute0_lowered:
.L_overlay_start_1:
0x0: {  	(tag) =	ssettag $0x1  }
0x1: {  	s1 =	srdreg.scid;
	s0 =	stileid.u32  }
0x2: {  	s5 =	rddreg [dreg:$0x0];
	s2 =	simm.s32 $0x0;
	s12 =	simm.s32 $0xEB00  }
0x3: {  	s13 =	simm.s32 $0xF780;
	s14 =	simm.s32 $0x1;
	s15 =	simm.s32 $0x4E80  }
0x4: {  	s16 =	simm.s32 $0x2;
	s17 =	simm.s32 $0x7590;
	s18 =	simm.s32 $0x9CA0  }
0x5: {  	s19 =	simm.s32 $0xC3B0;
	s3 =	sand.u32 $0x1, s1;
	s4 =	sshll.u32 s0, $0x1  }
0x6: {  	s20 =	simm.s32 $0x0;
	s1 =	rddreg [dreg:$0x1];
	s4 =	sor.u32 s3, s4  }
0x7: {  	[smem:$0x7FF] =	sst s2;
	s10 =	sadd.s32 $0x2B000, s5;
	s6 =	smul.u32 $0x9C4, s4  }
0x8: {  	_ =	strace $0x8000004A;
	s7 =	ssub.s32 $0x2, s3;
	s4 =	smul.u32 $0x4E20, s4  }
.Ltmp0:
0x9: {  	s3 =	sadd.s32 $0x21200, s5;
	s9 =	sshrl.u32 s7, $0x1;
	(pc) =	sbr.rel .LBB2_1-.Ltmp0, $4  }
0xa: {  	s11 =	ssub.s32 s7, s9;
	s8 =	sadd.s32 s6, s5;
	s30 =	sshrl.u32 s4, $0x3  }
0xb: {  	s5 =	sadd.s32 $0x21390, s5;
	s6 =	sadd.s32 s10, s6;
	s4 =	sadd.s32 $0x3A00, s8  }
0xc: {  	s31 =	sadd.s32 s10, s30;
	s10 =	smax.u32 s11, $0x1;
	s11 =	simm.s32 $0x3  }
0xd: {  	v0 =	vimm.f32 $0.0e+00;
	s7 =	sadd.s32 $0x13880, s31;
	s8 =	sadd.s32 $0x4E2, s31;
	s9 =	sadd.s32 $0x13D62, s31  }
.LBB2_10:
0xe: {  	[hbm4b:s6+s2] =	stream.linear.scatter [tilespmem:s15], [sflag:$0x3], $0x2710, $0x38;
	[tilespmem:$0x10400] =	vst v63  }
0xf: {  	_ =	swait.ge [sflag:s11], $0x2710  }
0x10: {  	[sflag:s11] =	ssyncset.done $0x0  }
0x11: {  	[sflag:s11] =	ssyncadd.s32 $0xFFFFD8F0  }
0x12: {  	[hbm4b:s7+s2] =	stream.linear.scatter [tilespmem:s17], [sflag:$0x3], $0x2710, $0x38;
	[tilespmem:$0x10400] =	vst v63  }
0x13: {  	_ =	swait.ge [sflag:s11], $0x2710  }
0x14: {  	[sflag:s11] =	ssyncset.done $0x0  }
0x15: {  	[sflag:s11] =	ssyncadd.s32 $0xFFFFD8F0  }
0x16: {  	[hbm4b:s8+s2] =	stream.linear.scatter [tilespmem:s18], [sflag:$0x3], $0x2710, $0x38;
	[tilespmem:$0x10400] =	vst v63  }
0x17: {  	s20 =	sadd.s32 $0x1, s20;
	_ =	swait.ge [sflag:s11], $0x2710  }
0x18: {  	p0 =	sne.s32 s20, s10;
	[sflag:s11] =	ssyncset.done $0x0  }
.Ltmp1:
0x19: {  	[sflag:s11] =	ssyncadd.s32 $0xFFFFD8F0;
	(pc) =	sbr.rel @!p0 .LBB2_11-.Ltmp1, $4  }
0x1a: {  	[hbm4b:s9+s2] =	stream.linear.scatter [tilespmem:s19], [sflag:$0x3], $0x2710, $0x38;
	[tilespmem:$0x10400] =	vst v63  }
0x1b: {  	_ =	swait.ge [sflag:s11], $0x2710  }
0x1c: {  	[sflag:s11] =	ssyncset.done $0x0  }
0x1d: {  	[sflag:s11] =	ssyncadd.s32 $0xFFFFD8F0  }
.LBB2_1:
0x1e: {  	[tilespmem:s2], [sflag:$0x3] =	stream.linear.gather [hbm4b:s4+s2], $0x4E20, $0x38;
	[tilespmem:$0x10400] =	vst v63  }
0x1f: {  	_ =	swait.ge [sflag:s11], $0x4E20  }
0x20: {  	[sflag:s11] =	ssyncset.done $0x0  }
0x21: {  	s21 =	simm.s32 $0x40;
	s22 =	simm.s32 $0x0;
	[sflag:s11] =	ssyncadd.s32 $0xFFFFB1E0  }
.LBB2_2:
0x22: {  	p0 =	sne.s32 s21, $0x270C0;
	[tilespmem:s22+$0x4E80] =	vst v0;
	s22 =	smov.u32 s21;
	s21 =	sadd.s32 $0x40, s21  }
.Ltmp2:
0x23: {  	(pc) =	sbr.rel @p0 .LBB2_2-.Ltmp2, $2  }
0x24: {  	_ =	sdelay $0x2  }
0x25: {  	s22 =	sshra.s32 s22, $0x2  }
0x26: {  	[tilespmem:s22+$0x4E80] =	vst v0;
	s21 =	simm.s32 $0x0  }
0x27: {  	[tilespmem:s12], [sflag:$0x1] =	stream.linear.gather [hbm4b:s3+s21], $0xC80, $0x38;
	[tilespmem:$0x10400] =	vst v63  }
0x28: {  	_ = 	snop  }
0x29: {  	[tilespmem:s13], [sflag:$0x2] =	stream.linear.gather [hbm4b:s5+s21], $0xC80, $0x38;
	[tilespmem:$0x10400] =	vst v63  }
.LBB2_4:
0x2a: {  	_ =	swait.ge [sflag:s14], $0xC80  }
0x2b: {  	[sflag:s14] =	ssyncset.done $0x0  }
0x2c: {  	s22 =	simm.s32 $0xEB20;
	[sflag:s14] =	ssyncadd.s32 $0xFFFFF380  }
0x2d: {  	v1 =	vld [tilespmem:s22+$0x10];
	_ =	sdelay $0x2  }
0x2e: {  	v2 =	vld [tilespmem:s22+$0xFFFFFFE0]  }
0x2f: {  	v3 =	vld [tilespmem:s22+$0xFFFFFFF0]  }
0x30: {  	v4 =	vld [tilespmem:s22+$0x0];
	v5 =	vshra.s32 v1, $0xE;
	_ =	sdelay $0x2  }
0x31: {  	v6 =	vshra.s32 v2, $0xE  }
0x32: {  	v7 =	vshra.s32 v3, $0xE  }
0x33: {  	v8 =	vshra.s32 v4, $0xE;
	v9 =	vld.idx.msk [tilespmem:v5+s2+$0x0], $0xffff  }
0x34: {  	v1 =	vand.u32 $0x3FFF, v1  }
0x35: {  	v10 =	vadd.s32 $0x2710, v1  }
0x36: {  	v11 =	vld.idx.msk [tilespmem:v6+s2+$0x0], $0xffff  }
0x37: {  	v5 =	vadd.s32 $0x2710, v5;
	v12 =	vld.idx.msk [tilespmem:v7+s2+$0x0], $0xffff  }
0x38: {  	v2 =	vand.u32 $0x3FFF, v2;
	v14 =	vld.idx.msk [tilespmem:v8+s2+$0x0], $0xffff;
	v15 =	vand.u32 $0xFFFF0000, v9  }
0x39: {  	v13 =	vadd.s32 $0x2710, v2;
	v9 =	vshll.u32 v9, $0x10;
	[tilespmem:v1+s15+$0x0] =	vst.idx.add.f32.msk $0xffff, v15  }
0x3a: {  	s31 =	simm.s32 $0xEB60;
	v3 =	vand.u32 $0x3FFF, v3;
	[tilespmem:v10+s15+$0x0] =	vst.idx.add.f32.msk $0xffff, v9  }
0x3b: {  	v15 =	vadd.s32 $0x2710, v3;
	v9 =	vand.u32 $0xFFFF0000, v11;
	v10 =	vshll.u32 v11, $0x10;
	v11 =	vld [tilespmem:s31+$0x10]  }
0x3c: {  	v4 =	vand.u32 $0x3FFF, v4;
	v5 =	vld.idx.msk [tilespmem:v5+s2+$0x0], $0xffff  }
0x3d: {  	[tilespmem:v2+s15+$0x0] =	vst.idx.add.f32.msk $0xffff, v9  }
0x3e: {  	v9 =	vand.u32 $0xFFFF0000, v12;
	[tilespmem:v13+s15+$0x0] =	vst.idx.add.f32.msk $0xffff, v10  }
0x3f: {  	v10 =	vshll.u32 v12, $0x10;
	[tilespmem:v3+s15+$0x0] =	vst.idx.add.f32.msk $0xffff, v9  }
0x40: {  	v9 =	vand.u32 $0xFFFF0000, v14;
	[tilespmem:v15+s15+$0x0] =	vst.idx.add.f32.msk $0xffff, v10;
	v10 =	vadd.s32 $0x2710, v4  }
0x41: {  	[tilespmem:v4+s15+$0x0] =	vst.idx.add.f32.msk $0xffff, v9;
	v9 =	vadd.s32 $0x4E20, v1  }
0x42: {  	v7 =	vadd.s32 $0x2710, v7;
	v15 =	vld [tilespmem:s31+$0xFFFFFFE0]  }
0x43: {  	v12 =	vld [tilespmem:s31+$0xFFFFFFF0];
	v1 =	vadd.s32 $0x7530, v1  }
0x44: {  	v6 =	vadd.s32 $0x2710, v6;
	v13 =	vld [tilespmem:s31+$0x0];
	v14 =	vshll.u32 v14, $0x10  }
0x45: {  	v8 =	vadd.s32 $0x2710, v8;
	[tilespmem:v10+s15+$0x0] =	vst.idx.add.f32.msk $0xffff, v14;
	v10 =	vand.u32 $0xFFFF0000, v5  }
0x46: {  	[tilespmem:v9+s15+$0x0] =	vst.idx.add.f32.msk $0xffff, v10;
	v9 =	vshra.s32 v11, $0xE  }
0x47: {  	v5 =	vshll.u32 v5, $0x10;
	v10 =	vld.idx.msk [tilespmem:v7+s2+$0x0], $0xffff;
	v7 =	vshra.s32 v15, $0xE  }
0x48: {  	[tilespmem:v1+s15+$0x0] =	vst.idx.add.f32.msk $0xffff, v5;
	v5 =	vshra.s32 v12, $0xE  }
0x49: {  	v1 =	vld.idx.msk [tilespmem:v6+s2+$0x0], $0xffff;
	v6 =	vshra.s32 v13, $0xE  }
0x4a: {  	v14 =	vadd.s32 $0x4E20, v2;
	v16 =	vld.idx.msk [tilespmem:v8+s2+$0x0], $0xffff  }
0x4b: {  	v2 =	vadd.s32 $0x7530, v2;
	v8 =	vld.idx.msk [tilespmem:v9+s2+$0x0], $0xffff  }
0x4c: {  	v17 =	vadd.s32 $0x4E20, v3;
	v21 =	vld.idx.msk [tilespmem:v7+s2+$0x0], $0xffff  }
0x4d: {  	v11 =	vand.u32 $0x3FFF, v11;
	v18 =	vld.idx.msk [tilespmem:v5+s2+$0x0], $0xffff  }
0x4e: {  	v22 =	vadd.s32 $0x2710, v11;
	v19 =	vld.idx.msk [tilespmem:v6+s2+$0x0], $0xffff;
	v20 =	vand.u32 $0xFFFF0000, v1  }
0x4f: {  	v1 =	vshll.u32 v1, $0x10;
	[tilespmem:v14+s15+$0x0] =	vst.idx.add.f32.msk $0xffff, v20;
	v14 =	vand.u32 $0x3FFF, v15  }
0x50: {  	v9 =	vadd.s32 $0x2710, v9;
	v15 =	vand.u32 $0xFFFF0000, v10;
	[tilespmem:v2+s15+$0x0] =	vst.idx.add.f32.msk $0xffff, v1  }
0x51: {  	v60 =	vadd.s32 $0x2710, v14;
	[tilespmem:v17+s15+$0x0] =	vst.idx.add.f32.msk $0xffff, v15;
	v1 =	vand.u32 $0xFFFF0000, v8  }
0x52: {  	v15 =	vand.u32 $0x3FFF, v12;
	v2 =	vshll.u32 v8, $0x10;
	[tilespmem:v11+s15+$0x0] =	vst.idx.add.f32.msk $0xffff, v1  }
0x53: {  	v12 =	vadd.s32 $0x2710, v15;
	v1 =	vadd.s32 $0x7530, v3;
	v3 =	vand.u32 $0xFFFF0000, v21;
	[tilespmem:v22+s15+$0x0] =	vst.idx.add.f32.msk $0xffff, v2  }
0x54: {  	v13 =	vand.u32 $0x3FFF, v13;
	[tilespmem:v14+s15+$0x0] =	vst.idx.add.f32.msk $0xffff, v3  }
0x55: {  	v62 =	vadd.s32 $0x4E20, v11;
	v61 =	vadd.s32 $0x2710, v13;
	v8 =	vshll.u32 v21, $0x10;
	v17 =	vld.idx.msk [tilespmem:v9+s2+$0x0], $0xffff  }
0x56: {  	v2 =	vadd.s32 $0x4E20, v4;
	v3 =	vadd.s32 $0x7530, v4;
	v4 =	vand.u32 $0xFFFF0000, v18;
	[tilespmem:v60+s15+$0x0] =	vst.idx.add.f32.msk $0xffff, v8  }
0x57: {  	v63 =	vadd.s32 $0x7530, v11;
	v7 =	vadd.s32 $0x2710, v7;
	v18 =	vshll.u32 v18, $0x10;
	[tilespmem:v15+s15+$0x0] =	vst.idx.add.f32.msk $0xffff, v4  }
0x58: {  	v11 =	vshll.u32 v10, $0x10;
	v8 =	vadd.s32 $0x2710, v5;
	v5 =	vand.u32 $0xFFFF0000, v19;
	[tilespmem:v12+s15+$0x0] =	vst.idx.add.f32.msk $0xffff, v18  }
0x59: {  	v10 =	vshll.u32 v16, $0x10;
	v9 =	vadd.s32 $0x2710, v6;
	v6 =	vshll.u32 v19, $0x10;
	[tilespmem:v13+s15+$0x0] =	vst.idx.add.f32.msk $0xffff, v5  }
0x5a: {  	v4 =	vadd.s32 $0x4E20, v14;
	v12 =	vand.u32 $0xFFFF0000, v16;
	[tilespmem:v61+s15+$0x0] =	vst.idx.add.f32.msk $0xffff, v6;
	v16 =	vand.u32 $0xFFFF0000, v17  }
0x5b: {  	v5 =	vadd.s32 $0x4E20, v15;
	v15 =	vadd.s32 $0x7530, v15;
	v17 =	vshll.u32 v17, $0x10;
	[tilespmem:v62+s15+$0x0] =	vst.idx.add.f32.msk $0xffff, v16  }
0x5c: {  	s23 =	simm.s32 $0xEBA0;
	s22 =	simm.s32 $0x4;
	v6 =	vadd.s32 $0x7530, v14;
	v14 =	vadd.s32 $0x4E20, v13;
	v13 =	vadd.s32 $0x7530, v13;
	[tilespmem:v63+s15+$0x0] =	vst.idx.add.f32.msk $0xffff, v17  }
.LBB2_5:
0x5d: {  	v16 =	vld [tilespmem:s23+$0x10]  }
0x5e: {  	v17 =	vld [tilespmem:s23+$0xFFFFFFF0]  }
0x5f: {  	s22 =	sadd.s32 $0x4, s22;
	v18 =	vld [tilespmem:s23+$0x0]  }
0x60: {  	p0 =	slt.u32 s22, $0xC4;
	v19 =	vld [tilespmem:s23+$0xFFFFFFE0]  }
0x61: {  	v20 =	vld.idx.msk [tilespmem:v7+s2+$0x0], $0xffff  }
0x62: {  	v21 =	vshra.s32 v16, $0xE;
	v22 =	vld.idx.msk [tilespmem:v8+s2+$0x0], $0xffff  }
0x63: {  	v23 =	vshra.s32 v17, $0xE;
	v17 =	vand.u32 $0x3FFF, v17;
	v24 =	vld.idx.msk [tilespmem:v9+s2+$0x0], $0xffff  }
0x64: {  	v25 =	vadd.s32 $0x2710, v17;
	v26 =	vshra.s32 v18, $0xE;
	v18 =	vand.u32 $0x3FFF, v18;
	[tilespmem:v1+s15+$0x0] =	vst.idx.add.f32.msk $0xffff, v11;
	v1 =	vmovc v15  }
0x65: {  	v15 =	vshra.s32 v19, $0xE;
	v19 =	vand.u32 $0x3FFF, v19;
	v27 =	vadd.s32 $0x2710, v18;
	[tilespmem:v2+s15+$0x0] =	vst.idx.add.f32.msk $0xffff, v12;
	v2 =	vmovc v14  }
0x66: {  	v8 =	vadd.s32 $0x2710, v23;
	v28 =	vadd.s32 $0x2710, v19;
	v7 =	vadd.s32 $0x2710, v15;
	[tilespmem:v3+s15+$0x0] =	vst.idx.add.f32.msk $0xffff, v10;
	v3 =	vmovc v13  }
0x67: {  	v9 =	vadd.s32 $0x2710, v26;
	v13 =	vand.u32 $0xFFFF0000, v20;
	v20 =	vshll.u32 v20, $0x10;
	v29 =	vld.idx.msk [tilespmem:v21+s2+$0x0], $0xffff  }
0x68: {  	v30 =	vadd.s32 $0x4E20, v19;
	v31 =	vand.u32 $0xFFFF0000, v22;
	v11 =	vshll.u32 v22, $0x10;
	v23 =	vld.idx.msk [tilespmem:v23+s2+$0x0], $0xffff  }
0x69: {  	v16 =	vand.u32 $0x3FFF, v16;
	v12 =	vand.u32 $0xFFFF0000, v24;
	v10 =	vshll.u32 v24, $0x10;
	v22 =	vld.idx.msk [tilespmem:v26+s2+$0x0], $0xffff  }
0x6a: {  	v33 =	vadd.s32 $0x2710, v16;
	v32 =	vadd.s32 $0x4E20, v17;
	v26 =	vadd.s32 $0x7530, v19;
	v24 =	vld.idx.msk [tilespmem:v15+s2+$0x0], $0xffff  }
0x6b: {  	v14 =	vadd.s32 $0x4E20, v18;
	v21 =	vadd.s32 $0x2710, v21;
	v15 =	vadd.s32 $0x7530, v17;
	[tilespmem:v4+s15+$0x0] =	vst.idx.add.f32.msk $0xffff, v13;
	v4 =	vmovc v30  }
0x6c: {  	v13 =	vadd.s32 $0x7530, v18;
	[tilespmem:v6+s15+$0x0] =	vst.idx.add.f32.msk $0xffff, v20;
	v6 =	vmov v26  }
0x6d: {  	v20 =	vand.u32 $0xFFFF0000, v29;
	[tilespmem:v5+s15+$0x0] =	vst.idx.add.f32.msk $0xffff, v31;
	v5 =	vmov v32  }
0x6e: {  	v29 =	vshll.u32 v29, $0x10;
	v26 =	vand.u32 $0xFFFF0000, v23;
	v23 =	vshll.u32 v23, $0x10;
	[tilespmem:v16+s15+$0x0] =	vst.idx.add.f32.msk $0xffff, v20  }
0x6f: {  	v20 =	vand.u32 $0xFFFF0000, v22;
	v22 =	vshll.u32 v22, $0x10;
	[tilespmem:v33+s15+$0x0] =	vst.idx.add.f32.msk $0xffff, v29  }
0x70: {  	v29 =	vand.u32 $0xFFFF0000, v24;
	v24 =	vshll.u32 v24, $0x10;
	v21 =	vld.idx.msk [tilespmem:v21+s2+$0x0], $0xffff  }
0x71: {  	[tilespmem:v19+s15+$0x0] =	vst.idx.add.f32.msk $0xffff, v29  }
0x72: {  	v19 =	vadd.s32 $0x4E20, v16;
	[tilespmem:v28+s15+$0x0] =	vst.idx.add.f32.msk $0xffff, v24  }
0x73: {  	v16 =	vadd.s32 $0x7530, v16;
	[tilespmem:v17+s15+$0x0] =	vst.idx.add.f32.msk $0xffff, v26  }
.Ltmp3:
0x74: {  	[tilespmem:v25+s15+$0x0] =	vst.idx.add.f32.msk $0xffff, v23;
	(pc) =	sbr.rel @p0 .LBB2_5-.Ltmp3, $4  }
0x75: {  	[tilespmem:v18+s15+$0x0] =	vst.idx.add.f32.msk $0xffff, v20  }
0x76: {  	v17 =	vand.u32 $0xFFFF0000, v21;
	[tilespmem:v27+s15+$0x0] =	vst.idx.add.f32.msk $0xffff, v22  }
0x77: {  	v18 =	vshll.u32 v21, $0x10;
	[tilespmem:v19+s15+$0x0] =	vst.idx.add.f32.msk $0xffff, v17  }
0x78: {  	s23 =	sadd.s32 $0x40, s23;
	[tilespmem:v16+s15+$0x0] =	vst.idx.add.f32.msk $0xffff, v18  }
0x79: {  	_ =	sdelay $0x3  }
0x7a: {  	v7 =	vld.idx.msk [tilespmem:v7+s2+$0x0], $0xffff  }
0x7b: {  	v8 =	vld.idx.msk [tilespmem:v8+s2+$0x0], $0xffff  }
0x7c: {  	v9 =	vld.idx.msk [tilespmem:v9+s2+$0x0], $0xffff  }
0x7d: {  	[tilespmem:v1+s15+$0x0] =	vst.idx.add.f32.msk $0xffff, v11  }
0x7e: {  	[tilespmem:v2+s15+$0x0] =	vst.idx.add.f32.msk $0xffff, v12  }
0x7f: {  	[tilespmem:v3+s15+$0x0] =	vst.idx.add.f32.msk $0xffff, v10;
	v1 =	vand.u32 $0xFFFF0000, v7  }
0x80: {  	p0 =	seq.s32 s21, $0x31;
	v2 =	vshll.u32 v7, $0x10;
	[tilespmem:v4+s15+$0x0] =	vst.idx.add.f32.msk $0xffff, v1  }
0x81: {  	s22 =	smul.u32 @!p0 $0x1900, s21;
	v1 =	vand.u32 $0xFFFF0000, v8;
	[tilespmem:v6+s15+$0x0] =	vst.idx.add.f32.msk $0xffff, v2  }
0x82: {  	v2 =	vshll.u32 v8, $0x10;
	[tilespmem:v5+s15+$0x0] =	vst.idx.add.f32.msk $0xffff, v1  }
0x83: {  	s22 =	sshrl.u32 @!p0 s22, $0x3;
	v1 =	vand.u32 $0xFFFF0000, v9;
	[tilespmem:v15+s15+$0x0] =	vst.idx.add.f32.msk $0xffff, v2  }
0x84: {  	s22 =	sadd.s32 @!p0 s3, s22;
	v2 =	vshll.u32 v9, $0x10;
	[tilespmem:v14+s15+$0x0] =	vst.idx.add.f32.msk $0xffff, v1  }
0x85: {  	s23 =	simm.s32 @!p0 $0x0;
	s24 =	simm.s32 @!p0 $0xEB00;
	s22 =	sadd.s32 @!p0 $0x320, s22;
	[tilespmem:v13+s15+$0x0] =	vst.idx.add.f32.msk $0xffff, v2  }
0x86: {  	[tilespmem:s24], [sflag:$0x1] =	stream.linear.gather @!p0 [hbm4b:s22+s23], $0xC80, $0x38;
	[tilespmem:$0x10400] =	vst v63  }
0x87: {  	_ =	swait.ge [sflag:s16], $0xC80  }
0x88: {  	[sflag:s16] =	ssyncset.done $0x0  }
0x89: {  	s30 =	simm.s32 $0xF7A0;
	[sflag:s16] =	ssyncadd.s32 $0xFFFFF380  }
0x8a: {  	v1 =	vld [tilespmem:s30+$0x10];
	_ =	sdelay $0x2  }
0x8b: {  	v2 =	vld [tilespmem:s30+$0xFFFFFFE0]  }
0x8c: {  	v3 =	vld [tilespmem:s30+$0xFFFFFFF0]  }
0x8d: {  	v4 =	vld [tilespmem:s30+$0x0];
	v5 =	vshra.s32 v1, $0xE;
	_ =	sdelay $0x2  }
0x8e: {  	v6 =	vshra.s32 v2, $0xE  }
0x8f: {  	v7 =	vshra.s32 v3, $0xE  }
0x90: {  	v8 =	vshra.s32 v4, $0xE;
	v9 =	vld.idx.msk [tilespmem:v5+s2+$0x0], $0xffff  }
0x91: {  	v1 =	vand.u32 $0x3FFF, v1  }
0x92: {  	v10 =	vadd.s32 $0x2710, v1  }
0x93: {  	v11 =	vld.idx.msk [tilespmem:v6+s2+$0x0], $0xffff  }
0x94: {  	v5 =	vadd.s32 $0x2710, v5;
	v12 =	vld.idx.msk [tilespmem:v7+s2+$0x0], $0xffff  }
0x95: {  	v2 =	vand.u32 $0x3FFF, v2;
	v14 =	vld.idx.msk [tilespmem:v8+s2+$0x0], $0xffff;
	v15 =	vand.u32 $0xFFFF0000, v9  }
0x96: {  	v13 =	vadd.s32 $0x2710, v2;
	v9 =	vshll.u32 v9, $0x10;
	[tilespmem:v1+s15+$0x0] =	vst.idx.add.f32.msk $0xffff, v15  }
0x97: {  	s31 =	simm.s32 $0xF7E0;
	v3 =	vand.u32 $0x3FFF, v3;
	[tilespmem:v10+s15+$0x0] =	vst.idx.add.f32.msk $0xffff, v9  }
0x98: {  	v15 =	vadd.s32 $0x2710, v3;
	v9 =	vand.u32 $0xFFFF0000, v11;
	v10 =	vshll.u32 v11, $0x10;
	v11 =	vld [tilespmem:s31+$0x10]  }
0x99: {  	v4 =	vand.u32 $0x3FFF, v4;
	v5 =	vld.idx.msk [tilespmem:v5+s2+$0x0], $0xffff  }
0x9a: {  	[tilespmem:v2+s15+$0x0] =	vst.idx.add.f32.msk $0xffff, v9  }
0x9b: {  	v9 =	vand.u32 $0xFFFF0000, v12;
	[tilespmem:v13+s15+$0x0] =	vst.idx.add.f32.msk $0xffff, v10  }
0x9c: {  	v10 =	vshll.u32 v12, $0x10;
	[tilespmem:v3+s15+$0x0] =	vst.idx.add.f32.msk $0xffff, v9  }
0x9d: {  	v9 =	vand.u32 $0xFFFF0000, v14;
	[tilespmem:v15+s15+$0x0] =	vst.idx.add.f32.msk $0xffff, v10;
	v10 =	vadd.s32 $0x2710, v4  }
0x9e: {  	[tilespmem:v4+s15+$0x0] =	vst.idx.add.f32.msk $0xffff, v9;
	v9 =	vadd.s32 $0x4E20, v1  }
0x9f: {  	v7 =	vadd.s32 $0x2710, v7;
	v15 =	vld [tilespmem:s31+$0xFFFFFFE0]  }
0xa0: {  	v12 =	vld [tilespmem:s31+$0xFFFFFFF0];
	v1 =	vadd.s32 $0x7530, v1  }
0xa1: {  	v6 =	vadd.s32 $0x2710, v6;
	v13 =	vld [tilespmem:s31+$0x0];
	v14 =	vshll.u32 v14, $0x10  }
0xa2: {  	v8 =	vadd.s32 $0x2710, v8;
	[tilespmem:v10+s15+$0x0] =	vst.idx.add.f32.msk $0xffff, v14;
	v10 =	vand.u32 $0xFFFF0000, v5  }
0xa3: {  	[tilespmem:v9+s15+$0x0] =	vst.idx.add.f32.msk $0xffff, v10;
	v9 =	vshra.s32 v11, $0xE  }
0xa4: {  	v5 =	vshll.u32 v5, $0x10;
	v10 =	vld.idx.msk [tilespmem:v7+s2+$0x0], $0xffff;
	v7 =	vshra.s32 v15, $0xE  }
0xa5: {  	[tilespmem:v1+s15+$0x0] =	vst.idx.add.f32.msk $0xffff, v5;
	v5 =	vshra.s32 v12, $0xE  }
0xa6: {  	v1 =	vld.idx.msk [tilespmem:v6+s2+$0x0], $0xffff;
	v6 =	vshra.s32 v13, $0xE  }
0xa7: {  	v14 =	vadd.s32 $0x4E20, v2;
	v16 =	vld.idx.msk [tilespmem:v8+s2+$0x0], $0xffff  }
0xa8: {  	v2 =	vadd.s32 $0x7530, v2;
	v8 =	vld.idx.msk [tilespmem:v9+s2+$0x0], $0xffff  }
0xa9: {  	v17 =	vadd.s32 $0x4E20, v3;
	v21 =	vld.idx.msk [tilespmem:v7+s2+$0x0], $0xffff  }
0xaa: {  	v11 =	vand.u32 $0x3FFF, v11;
	v18 =	vld.idx.msk [tilespmem:v5+s2+$0x0], $0xffff  }
0xab: {  	v22 =	vadd.s32 $0x2710, v11;
	v19 =	vld.idx.msk [tilespmem:v6+s2+$0x0], $0xffff;
	v20 =	vand.u32 $0xFFFF0000, v1  }
0xac: {  	v1 =	vshll.u32 v1, $0x10;
	[tilespmem:v14+s15+$0x0] =	vst.idx.add.f32.msk $0xffff, v20;
	v14 =	vand.u32 $0x3FFF, v15  }
0xad: {  	v9 =	vadd.s32 $0x2710, v9;
	v15 =	vand.u32 $0xFFFF0000, v10;
	[tilespmem:v2+s15+$0x0] =	vst.idx.add.f32.msk $0xffff, v1  }
0xae: {  	v60 =	vadd.s32 $0x2710, v14;
	[tilespmem:v17+s15+$0x0] =	vst.idx.add.f32.msk $0xffff, v15;
	v1 =	vand.u32 $0xFFFF0000, v8  }
0xaf: {  	v15 =	vand.u32 $0x3FFF, v12;
	v2 =	vshll.u32 v8, $0x10;
	[tilespmem:v11+s15+$0x0] =	vst.idx.add.f32.msk $0xffff, v1  }
0xb0: {  	v12 =	vadd.s32 $0x2710, v15;
	v1 =	vadd.s32 $0x7530, v3;
	v3 =	vand.u32 $0xFFFF0000, v21;
	[tilespmem:v22+s15+$0x0] =	vst.idx.add.f32.msk $0xffff, v2  }
0xb1: {  	v13 =	vand.u32 $0x3FFF, v13;
	[tilespmem:v14+s15+$0x0] =	vst.idx.add.f32.msk $0xffff, v3  }
0xb2: {  	v62 =	vadd.s32 $0x4E20, v11;
	v61 =	vadd.s32 $0x2710, v13;
	v8 =	vshll.u32 v21, $0x10;
	v17 =	vld.idx.msk [tilespmem:v9+s2+$0x0], $0xffff  }
0xb3: {  	v2 =	vadd.s32 $0x4E20, v4;
	v3 =	vadd.s32 $0x7530, v4;
	v4 =	vand.u32 $0xFFFF0000, v18;
	[tilespmem:v60+s15+$0x0] =	vst.idx.add.f32.msk $0xffff, v8  }
0xb4: {  	v63 =	vadd.s32 $0x7530, v11;
	v7 =	vadd.s32 $0x2710, v7;
	v18 =	vshll.u32 v18, $0x10;
	[tilespmem:v15+s15+$0x0] =	vst.idx.add.f32.msk $0xffff, v4  }
0xb5: {  	v11 =	vshll.u32 v10, $0x10;
	v8 =	vadd.s32 $0x2710, v5;
	v5 =	vand.u32 $0xFFFF0000, v19;
	[tilespmem:v12+s15+$0x0] =	vst.idx.add.f32.msk $0xffff, v18  }
0xb6: {  	v10 =	vshll.u32 v16, $0x10;
	v9 =	vadd.s32 $0x2710, v6;
	v6 =	vshll.u32 v19, $0x10;
	[tilespmem:v13+s15+$0x0] =	vst.idx.add.f32.msk $0xffff, v5  }
0xb7: {  	v4 =	vadd.s32 $0x4E20, v14;
	v12 =	vand.u32 $0xFFFF0000, v16;
	[tilespmem:v61+s15+$0x0] =	vst.idx.add.f32.msk $0xffff, v6;
	v16 =	vand.u32 $0xFFFF0000, v17  }
0xb8: {  	v5 =	vadd.s32 $0x4E20, v15;
	v15 =	vadd.s32 $0x7530, v15;
	v17 =	vshll.u32 v17, $0x10;
	[tilespmem:v62+s15+$0x0] =	vst.idx.add.f32.msk $0xffff, v16  }
0xb9: {  	s22 =	simm.s32 $0x4;
	s23 =	simm.s32 $0xF820;
	v6 =	vadd.s32 $0x7530, v14;
	v14 =	vadd.s32 $0x4E20, v13;
	v13 =	vadd.s32 $0x7530, v13;
	[tilespmem:v63+s15+$0x0] =	vst.idx.add.f32.msk $0xffff, v17  }
.LBB2_7:
0xba: {  	v16 =	vld [tilespmem:s23+$0x10]  }
0xbb: {  	v17 =	vld [tilespmem:s23+$0xFFFFFFF0]  }
0xbc: {  	s22 =	sadd.s32 $0x4, s22;
	v18 =	vld [tilespmem:s23+$0x0]  }
0xbd: {  	p1 =	slt.u32 s22, $0xC4;
	v19 =	vld [tilespmem:s23+$0xFFFFFFE0]  }
0xbe: {  	v20 =	vld.idx.msk [tilespmem:v7+s2+$0x0], $0xffff  }
0xbf: {  	v21 =	vshra.s32 v16, $0xE;
	v22 =	vld.idx.msk [tilespmem:v8+s2+$0x0], $0xffff  }
0xc0: {  	v23 =	vshra.s32 v17, $0xE;
	v17 =	vand.u32 $0x3FFF, v17;
	v24 =	vld.idx.msk [tilespmem:v9+s2+$0x0], $0xffff  }
0xc1: {  	v25 =	vadd.s32 $0x2710, v17;
	v26 =	vshra.s32 v18, $0xE;
	v18 =	vand.u32 $0x3FFF, v18;
	[tilespmem:v1+s15+$0x0] =	vst.idx.add.f32.msk $0xffff, v11;
	v1 =	vmovc v15  }
0xc2: {  	v15 =	vshra.s32 v19, $0xE;
	v19 =	vand.u32 $0x3FFF, v19;
	v27 =	vadd.s32 $0x2710, v18;
	[tilespmem:v2+s15+$0x0] =	vst.idx.add.f32.msk $0xffff, v12;
	v2 =	vmovc v14  }
0xc3: {  	v8 =	vadd.s32 $0x2710, v23;
	v28 =	vadd.s32 $0x2710, v19;
	v7 =	vadd.s32 $0x2710, v15;
	[tilespmem:v3+s15+$0x0] =	vst.idx.add.f32.msk $0xffff, v10;
	v3 =	vmovc v13  }
0xc4: {  	v9 =	vadd.s32 $0x2710, v26;
	v13 =	vand.u32 $0xFFFF0000, v20;
	v20 =	vshll.u32 v20, $0x10;
	v29 =	vld.idx.msk [tilespmem:v21+s2+$0x0], $0xffff  }
0xc5: {  	v30 =	vadd.s32 $0x4E20, v19;
	v31 =	vand.u32 $0xFFFF0000, v22;
	v11 =	vshll.u32 v22, $0x10;
	v23 =	vld.idx.msk [tilespmem:v23+s2+$0x0], $0xffff  }
0xc6: {  	v16 =	vand.u32 $0x3FFF, v16;
	v12 =	vand.u32 $0xFFFF0000, v24;
	v10 =	vshll.u32 v24, $0x10;
	v22 =	vld.idx.msk [tilespmem:v26+s2+$0x0], $0xffff  }
0xc7: {  	v33 =	vadd.s32 $0x2710, v16;
	v32 =	vadd.s32 $0x4E20, v17;
	v26 =	vadd.s32 $0x7530, v19;
	v24 =	vld.idx.msk [tilespmem:v15+s2+$0x0], $0xffff  }
0xc8: {  	v14 =	vadd.s32 $0x4E20, v18;
	v21 =	vadd.s32 $0x2710, v21;
	v15 =	vadd.s32 $0x7530, v17;
	[tilespmem:v4+s15+$0x0] =	vst.idx.add.f32.msk $0xffff, v13;
	v4 =	vmovc v30  }
0xc9: {  	v13 =	vadd.s32 $0x7530, v18;
	[tilespmem:v6+s15+$0x0] =	vst.idx.add.f32.msk $0xffff, v20;
	v6 =	vmov v26  }
0xca: {  	v20 =	vand.u32 $0xFFFF0000, v29;
	[tilespmem:v5+s15+$0x0] =	vst.idx.add.f32.msk $0xffff, v31;
	v5 =	vmov v32  }
0xcb: {  	v29 =	vshll.u32 v29, $0x10;
	v26 =	vand.u32 $0xFFFF0000, v23;
	v23 =	vshll.u32 v23, $0x10;
	[tilespmem:v16+s15+$0x0] =	vst.idx.add.f32.msk $0xffff, v20  }
0xcc: {  	v20 =	vand.u32 $0xFFFF0000, v22;
	v22 =	vshll.u32 v22, $0x10;
	[tilespmem:v33+s15+$0x0] =	vst.idx.add.f32.msk $0xffff, v29  }
0xcd: {  	v29 =	vand.u32 $0xFFFF0000, v24;
	v24 =	vshll.u32 v24, $0x10;
	v21 =	vld.idx.msk [tilespmem:v21+s2+$0x0], $0xffff  }
0xce: {  	[tilespmem:v19+s15+$0x0] =	vst.idx.add.f32.msk $0xffff, v29  }
0xcf: {  	v19 =	vadd.s32 $0x4E20, v16;
	[tilespmem:v28+s15+$0x0] =	vst.idx.add.f32.msk $0xffff, v24  }
0xd0: {  	v16 =	vadd.s32 $0x7530, v16;
	[tilespmem:v17+s15+$0x0] =	vst.idx.add.f32.msk $0xffff, v26  }
.Ltmp4:
0xd1: {  	[tilespmem:v25+s15+$0x0] =	vst.idx.add.f32.msk $0xffff, v23;
	(pc) =	sbr.rel @p1 .LBB2_7-.Ltmp4, $4  }
0xd2: {  	[tilespmem:v18+s15+$0x0] =	vst.idx.add.f32.msk $0xffff, v20  }
0xd3: {  	v17 =	vand.u32 $0xFFFF0000, v21;
	[tilespmem:v27+s15+$0x0] =	vst.idx.add.f32.msk $0xffff, v22  }
0xd4: {  	v18 =	vshll.u32 v21, $0x10;
	[tilespmem:v19+s15+$0x0] =	vst.idx.add.f32.msk $0xffff, v17  }
0xd5: {  	s23 =	sadd.s32 $0x40, s23;
	[tilespmem:v16+s15+$0x0] =	vst.idx.add.f32.msk $0xffff, v18  }
0xd6: {  	_ =	sdelay $0x3  }
0xd7: {  	v7 =	vld.idx.msk [tilespmem:v7+s2+$0x0], $0xffff  }
0xd8: {  	v8 =	vld.idx.msk [tilespmem:v8+s2+$0x0], $0xffff  }
0xd9: {  	v9 =	vld.idx.msk [tilespmem:v9+s2+$0x0], $0xffff  }
0xda: {  	[tilespmem:v1+s15+$0x0] =	vst.idx.add.f32.msk $0xffff, v11  }
0xdb: {  	[tilespmem:v2+s15+$0x0] =	vst.idx.add.f32.msk $0xffff, v12  }
0xdc: {  	[tilespmem:v3+s15+$0x0] =	vst.idx.add.f32.msk $0xffff, v10;
	v1 =	vand.u32 $0xFFFF0000, v7  }
0xdd: {  	v2 =	vshll.u32 v7, $0x10;
	[tilespmem:v4+s15+$0x0] =	vst.idx.add.f32.msk $0xffff, v1  }
.Ltmp5:
0xde: {  	v1 =	vand.u32 $0xFFFF0000, v8;
	[tilespmem:v6+s15+$0x0] =	vst.idx.add.f32.msk $0xffff, v2;
	(pc) =	sbr.rel @p0 .LBB2_10-.Ltmp5, $4  }
0xdf: {  	v2 =	vshll.u32 v8, $0x10;
	[tilespmem:v5+s15+$0x0] =	vst.idx.add.f32.msk $0xffff, v1  }
0xe0: {  	v1 =	vand.u32 $0xFFFF0000, v9;
	[tilespmem:v15+s15+$0x0] =	vst.idx.add.f32.msk $0xffff, v2  }
0xe1: {  	v2 =	vshll.u32 v9, $0x10;
	[tilespmem:v14+s15+$0x0] =	vst.idx.add.f32.msk $0xffff, v1  }
0xe2: {  	[tilespmem:v13+s15+$0x0] =	vst.idx.add.f32.msk $0xffff, v2  }
0xe3: {  	s22 =	smul.u32 $0x1900, s21  }
.Ltmp6:
0xe4: {  	_ = 	snop;
	(pc) =	sbr.rel .LBB2_4-.Ltmp6, $4  }
0xe5: {  	s22 =	sshrl.u32 s22, $0x3  }
0xe6: {  	s22 =	sadd.s32 s3, s22  }
0xe7: {  	s21 =	sadd.s32 $0x1, s21;
	s22 =	sadd.s32 $0x4B0, s22  }
0xe8: {  	[tilespmem:s13], [sflag:$0x2] =	stream.linear.gather [hbm4b:s22+s2], $0xC80, $0x38;
	[tilespmem:$0x10400] =	vst v63  }
.LBB2_11:
0xe9: {  	_ =	sfence.sel $0x180000  }
0xea: {  	[bflag:$0x0] =	sbarrier.arrive $0xFFFF  }
0xeb: {  	p0 =	sne.s32 s0, $0x0;
	_ =	strace $0x9000004A  }
0xec: {  	s0 =	sadd.s32 @!p0 $0x100000, s1;
	[bflag:$0x2] =	sbarrier.arrive $0xFFFF  }
0xed: {  	[sflag:s0] =	ssyncadd.tile.s32 @!p0 $0x1;
	_ =	shalt  }
.Lfunc_end2:
_tile_overlayer_lowered:
.L_overlay_start_2:
0xee: {  	(tag) =	ssettag $0x2  }
0xef: {  	s0 =	rddreg [dreg:$0x0];
	s2 =	stileid.u32  }
0xf0: {  	s1 =	rddreg [dreg:$0x1];
	p0 =	sne.s32 s2, $0x0  }
0xf1: {  	s3 =	rddreg [dreg:$0x2];
	[bflag:$0x3] =	sbarrier.arrive $0xFFFF;
	s2 =	simm.s32 @!p0 $0x1C03  }
0xf2: {  	[timem:s3], [sflag:s2] =	dma.local @!p0 [hbm:s0], s1  }
0xf3: {  	s0 =	simm.s32 @!p0 $0x3  }
0xf4: {  	_ =	swait.ge @!p0 [sflag:s0], s1  }
0xf5: {  	s1 =	ssub.s32 @!p0 $0x0, s1;
	[sflag:s0] =	ssyncset.done @!p0 $0x0  }
0xf6: {  	[sflag:s0] =	ssyncadd.s32 @!p0 s1  }
0xf7: {  	[bflag:$0x3] =	sbarrier.arrive $0xFFFF  }
0xf8: {  	_ =	shalt  }

// kernel: kernel.18.cloned.1.call-start
scs
__scs_entry_jumppad:
0x0: {  	(pc) =	sbr.rel $0x88, $3  }
0x1: {  	(tag) =	ssettag $0x0;
	lr =	simm.s32 $0x1  }
0x2: {  	[smem:$0x3F98] =	sst lr;
	_ =	strace $0xD0000000  }
0x3: {  	_ = 	snop  }
0x4: {  	_ = 	snop  }
0x5: {  	_ = 	snop  }
0x6: {  	_ = 	snop  }
0x7: {  	_ = 	snop  }
__scs_overlays_trampoline_lowered:
0x8: {  	[smem:$0x3FA7] =	sst s0  }
0x9: {  	[smem:$0x3FA8] =	sst s1  }
0xa: {  	[smem:$0x3FA9] =	sst s2  }
0xb: {  	[smem:$0x3FAA] =	sst s3  }
0xc: {  	[smem:$0x3FAB] =	sst s4  }
0xd: {  	[smem:$0x3FAC] =	sst s5  }
0xe: {  	[smem:$0x3FAD] =	sst s6  }
0xf: {  	[smem:$0x3FAE] =	sst s7  }
0x10: {  	[smem:$0x3FAF] =	sst s8  }
0x11: {  	[smem:$0x3FB0] =	sst s9;
	s0 =	simm.s32 @!p0 $0x0  }
0x12: {  	s1 =	sld [smem:$0x3F96];
	s0 =	simm.s32 @p0 $0x1  }
0x13: {  	[smem:$0x3FB1] =	sst s0;
	s0 =	simm.s32 @!p1 $0x0  }
0x14: {  	s2 =	sld [smem:$0x3F95];
	s0 =	simm.s32 @p1 $0x1  }
0x15: {  	[smem:$0x3FB2] =	sst s0;
	s0 =	simm.s32 @!p2 $0x0  }
0x16: {  	s3 =	sld [smem:$0x3FDB];
	s0 =	simm.s32 @p2 $0x1  }
0x17: {  	s4 =	simm.s32 $0x1BF5;
	[smem:$0x3FB4] =	sst s0  }
0x18: {  	s0 =	sld [smem:$0x3F97];
	_ =	swait.ge [sflag:s4], $0x0  }
0x19: {  	s7 =	sld [smem:$0x3F98]  }
0x1a: {  	s8 =	sadd.s32 $0xFFFFE003, lr  }
0x1b: {  	s9 =	sadd.s32 $0xFFFFFEF7, lr;
	s5 =	simm.s32 $0xFFFFFFFF;
	p2 =	slt.u32 s8, $0xFFFFF086  }
0x1c: {  	p1 =	slt.u32 s9, $0xF7A;
	s5 =	simm.s32 @!p2 $0x0  }
0x1d: {  	s5 =	simm.s32 @p1 $0x1;
	p0 =	seq.s32 s7, s2  }
0x1e: {  	s7 =	smul.u32 @!p0 $0xF7A, s2;
	p2 =	seq.s32 @!p0 s5, $0x0  }
0x1f: {  	s9 =	smul.u32 $0xF7A, s1;
	s8 =	simm.s32 @!p0 $0x1BF5;
	p2 =	por !p2, p0  }
0x20: {  	[sflag:s8] =	ssyncset.s32 @!p0 $0xFFFFF086;
	s6 =	sadd.s32 @!p0 s3, s7;
	s7 =	simm.s32 @!p0 $0x108  }
0x21: {  	s3 =	sadd.s32 s3, s9;
	s6 =	sadd.s32 @!p0 $0x88, s6;
	s7 =	simm.s32 @p2 $0x1082  }
0x22: {  	[simem:s7], [sflag:s8] =	dma.local @!p0 [hbm:s6], $0xF7A  }
0x23: {  	s9 =	sor.u32 $0xD0000000, s2;
	s6 =	simm.s32 $0x108;
	_ =	swait.ge @!p0 [sflag:s8], $0x0  }
0x24: {  	s3 =	sadd.s32 $0x88, s3;
	s6 =	simm.s32 @!p1 $0x1082;
	[sflag:s4] =	ssyncset.s32 $0xFFFFF086  }
0x25: {  	[simem:s6], [sflag:s4] =	dma.local [hbm:s3], $0xF7A  }
0x26: {  	[smem:$0x3F98] =	sst s1;
	(tag) =	ssettag s2;
	_ =	strace s9  }
0x27: {  	s1 =	sld [smem:$0x3FA8]  }
0x28: {  	s2 =	sld [smem:$0x3FA9]  }
0x29: {  	s4 =	sld [smem:$0x3FAB]  }
0x2a: {  	p0 =	seq.s32 s5, $0x0;
	s5 =	sld [smem:$0x3FAC]  }
0x2b: {  	s6 =	sld [smem:$0x3FAD]  }
0x2c: {  	s7 =	sld [smem:$0x3FAE]  }
0x2d: {  	s3 =	simm.s32 $0x108;
	s8 =	sld [smem:$0x3FAF]  }
0x2e: {  	s3 =	simm.s32 @!p0 $0x1082;
	s9 =	sld [smem:$0x3FB0]  }
0x2f: {  	lr =	sadd.s32 s0, s3;
	s0 =	sld [smem:$0x3FA7]  }
0x30: {  	s3 =	sld [smem:$0x3FAA]  }
0x31: {  	[smem:$0x3FB3] =	sst s10  }
0x32: {  	s10 =	sld [smem:$0x3FB1];
	_ =	sdelay $0x3  }
0x33: {  	p0 =	seq.s32 s10, $0x1;
	s10 =	sld [smem:$0x3FB3];
	_ =	sdelay $0x3  }
0x34: {  	[smem:$0x3FB3] =	sst s10  }
0x35: {  	s10 =	sld [smem:$0x3FB2];
	_ =	sdelay $0x3  }
0x36: {  	p1 =	seq.s32 s10, $0x1;
	s10 =	sld [smem:$0x3FB3];
	_ =	sdelay $0x3  }
0x37: {  	[smem:$0x3FB3] =	sst s10  }
0x38: {  	s10 =	sld [smem:$0x3FB4]  }
0x39: {  	_ = 	snop;
	(pc) =	sbr.ind lr, $3  }
0x3a: {  	_ = 	snop  }
0x3b: {  	_ = 	snop  }
0x3c: {  	p2 =	seq.s32 s10, $0x1;
	s10 =	sld [smem:$0x3FB3]  }
0x3d: {  	_ =	shalt  }
0x3e: {  	_ =	shalt  }
0x3f: {  	_ =	shalt  }
0x40: {  	_ =	shalt  }
0x41: {  	_ =	shalt  }
0x42: {  	_ =	shalt  }
0x43: {  	_ =	shalt  }
0x44: {  	_ =	shalt  }
0x45: {  	_ =	shalt  }
0x46: {  	_ =	shalt  }
0x47: {  	_ =	shalt  }
0x48: {  	_ =	shalt  }
0x49: {  	_ =	shalt  }
0x4a: {  	_ =	shalt  }
0x4b: {  	_ =	shalt  }
0x4c: {  	_ =	shalt  }
0x4d: {  	_ =	shalt  }
0x4e: {  	_ =	shalt  }
0x4f: {  	_ =	shalt  }
0x50: {  	_ =	shalt  }
0x51: {  	_ =	shalt  }
0x52: {  	_ =	shalt  }
0x53: {  	_ =	shalt  }
0x54: {  	_ =	shalt  }
0x55: {  	_ =	shalt  }
0x56: {  	_ =	shalt  }
0x57: {  	_ =	shalt  }
0x58: {  	_ =	shalt  }
0x59: {  	_ =	shalt  }
0x5a: {  	_ =	shalt  }
0x5b: {  	_ =	shalt  }
0x5c: {  	_ =	shalt  }
0x5d: {  	_ =	shalt  }
0x5e: {  	_ =	shalt  }
0x5f: {  	_ =	shalt  }
0x60: {  	_ =	shalt  }
0x61: {  	_ =	shalt  }
0x62: {  	_ =	shalt  }
0x63: {  	_ =	shalt  }
0x64: {  	_ =	shalt  }
0x65: {  	_ =	shalt  }
0x66: {  	_ =	shalt  }
0x67: {  	_ =	shalt  }
0x68: {  	_ =	shalt  }
0x69: {  	_ =	shalt  }
0x6a: {  	_ =	shalt  }
0x6b: {  	_ =	shalt  }
0x6c: {  	_ =	shalt  }
0x6d: {  	_ =	shalt  }
0x6e: {  	_ =	shalt  }
0x6f: {  	_ =	shalt  }
0x70: {  	_ =	shalt  }
0x71: {  	_ =	shalt  }
0x72: {  	_ =	shalt  }
0x73: {  	_ =	shalt  }
0x74: {  	_ =	shalt  }
0x75: {  	_ =	shalt  }
0x76: {  	_ =	shalt  }
0x77: {  	_ =	shalt  }
0x78: {  	_ =	shalt  }
0x79: {  	_ =	shalt  }
0x7a: {  	_ =	shalt  }
0x7b: {  	_ =	shalt  }
0x7c: {  	_ =	shalt  }
0x7d: {  	_ =	shalt  }
0x7e: {  	_ =	shalt  }
0x7f: {  	_ =	shalt  }
0x80: {  	_ =	shalt  }
0x81: {  	_ =	shalt  }
0x82: {  	_ =	shalt  }
0x83: {  	_ =	shalt  }
0x84: {  	_ =	shalt  }
0x85: {  	_ =	shalt  }
0x86: {  	_ =	shalt  }
0x87: {  	_ =	shalt  }
.Lfunc_end0:
.L_simem_size_0:
called_computation.2_lowered:
.L_overlay_start_0:
0x88: {  	s2 =	sld [smem:$0x3FD9]  }
0x89: {  	s3 =	sld [smem:$0x3FFE];
	_ =	sdelay $0x1  }
0x8a: {  	s1 =	srdreg.scid  }
0x8b: {  	s0 =	sand.u32 $0x1, s1  }
0x8c: {  	s16 =	sshll.u32 s0, $0xA;
	s2 =	sadd.s32 s3, s2  }
0x8d: {  	s2 =	sadd.s32 s2, s16  }
0x8e: {  	[smem:$0x3FBF] =	sst s2  }
0x8f: {  	_ = 	snop  }
0x90: {  	(tm) =	ssettm $0x1  }
0x91: {  	s17 =	sld [smem:$0x3FFB];
	_ =	sdelay $0x3  }
0x92: {  	_ =	strace s17  }
0x93: {  	s2 =	sld [smem:$0x3FFC];
	_ =	sdelay $0x3  }
0x94: {  	_ =	strace s2  }
0x95: {  	s2 =	sld [smem:$0x3FFD];
	_ =	sdelay $0x3  }
0x96: {  	_ =	strace s2  }
0x97: {  	_ =	strace $0x8FFFFFFF  }
0x98: {  	s18 =	sld [smem:$0x3FDB];
	_ =	sdelay $0x1  }
0x99: {  	s19 =	simm.s32 $_scs_section_size  }
0x9a: {  	s4 =	simm.s32 $_size__tile_overlayer_lowered;
	s5 =	simm.s32 $_tile_overlayer_lowered  }
0x9b: {  	s22 =	simm.s32 $0x1BFF;
	s21 =	sshll.u32 s5, $0x1;
	s2 =	sadd.s32 s19, s18  }
0x9c: {  	s6 =	simm.s32 $0x0;
	s20 =	sshll.u32 s4, $0x1;
	s4 =	sadd.s32 s21, s2  }
0x9d: {  	[timem:s6], [sflag:s22] =	dma.local [hbm:s4], s20  }
0x9e: {  	_ =	swait.ge [sflag:s22], s20  }
0x9f: {  	s3 =	ssub.s32 $0x0, s20;
	[sflag:s22] =	ssyncset.done $0x0  }
0xa0: {  	[sflag:s22] =	ssyncadd.s32 s3;
	_ =	sdelay $0x1  }
0xa1: {  	s23 =	simm.s32 $0x1B8B  }
0xa2: {  	_ =	swait.ge [sflag:s23], $0x1  }
0xa3: {  	[sflag:s23] =	ssyncset.done $0x0  }
0xa4: {  	s25 =	simm.s32 $0x1B8E;
	s24 =	sld [smem:$0x3FFE];
	[sflag:s23] =	ssyncadd.s32 $0xFFFFFFFF  }
0xa5: {  	s26 =	simm.s32 $execute0_lowered;
	[smem:$0x3FD2] =	sst s25  }
0xa6: {  	s4 =	sshll.u32 s26, $0x1;
	_ =	strace $0x8000004C;
	[dreg:$0x1] =	wrdreg $0xFFFFFFFF  }
0xa7: {  	s28 =	simm.s32 $_size_execute0_lowered;
	s2 =	sadd.s32 s2, s4;
	[dreg:$0x0] =	wrdreg $0x0  }
0xa8: {  	s4 =	sshll.u32 s28, $0x1;
	[dreg:$0x2] =	wrdreg s2  }
0xa9: {  	[dreg:$0x3] =	wrdreg s4  }
0xaa: {  	[dreg:$0x4] =	wrdreg $0xC0  }
0xab: {  	_ =	task [dreg:s6], $0x5FFFF  }
0xac: {  	[dreg:$0x1] =	wrdreg $0xFFFFFFFF  }
0xad: {  	[dreg:$0x0] =	wrdreg $0x60  }
0xae: {  	[dreg:$0x2] =	wrdreg s24  }
0xaf: {  	[dreg:$0x3] =	wrdreg $0x9  }
0xb0: {  	_ =	task.clear_ibuf [dreg:s6], $0x4FFFF;
	_ =	strace $0x9000004C  }
0xb1: {  	s29 =	simm.s32 $0x9;
	_ =	strace $0x8000004E  }
0xb2: {  	_ =	swait.ge [sflag:s29], $0x1  }
0xb3: {  	[sflag:s29] =	ssyncadd.s32 $0xFFFFFFFF  }
0xb4: {  	_ =	strace $0x9000004E  }
0xb5: {  	_ =	sfence  }
0xb6: {  	s30 =	sld [smem:$0x0];
	_ =	sdelay $0x2  }
0xb7: {  	s31 =	sshll.u32 s1, $0xD;
	s1 =	sshrl.u32 s1, $0x2  }
0xb8: {  	s3 =	sand.u32 $0x4000, s31;
	s1 =	sadd.s32 s1, s30  }
0xb9: {  	s0 =	sor.u32 s3, s0;
	s1 =	sshll.u32 s1, $0x11  }
0xba: {  	s0 =	sor.u32 s1, s0  }
0xbb: {  	s0 =	sadd.s32 $0x8F2B, s0  }
0xbc: {  	[sflag:s0] =	ssyncadd.remote.s32 $0x1  }
0xbd: {  	_ =	sfence.sel $0xFFFF  }
0xbe: {  	[dreg:$0x0] =	wrdreg $0xFFFFFFFF;
	(pc) =	sbr.abs _section_cstart, $3  }
0xbf: {  	[dreg:$0x1] =	wrdreg $0xFFFFFFFF  }
0xc0: {  	_ =	task.clear_ibuf [dreg:s6], $0x2FFFF;
	_ =	strace $0x9FFFFFFF  }
0xc1: {  	(tm) =	ssettm $0x7FFFFFFF  }
tec
execute0_lowered:
.L_overlay_start_1:
0x0: {  	(tag) =	ssettag $0x1  }
0x1: {  	s1 =	srdreg.scid;
	s0 =	stileid.u32  }
0x2: {  	s5 =	rddreg [dreg:$0x0];
	s2 =	simm.s32 $0x0;
	s12 =	simm.s32 $0xEB00  }
0x3: {  	s13 =	simm.s32 $0xF780;
	s14 =	simm.s32 $0x1;
	s15 =	simm.s32 $0x4E80  }
0x4: {  	s16 =	simm.s32 $0x2;
	s17 =	simm.s32 $0x7590;
	s18 =	simm.s32 $0x9CA0  }
0x5: {  	s19 =	simm.s32 $0xC3B0;
	s3 =	sand.u32 $0x1, s1;
	s4 =	sshll.u32 s0, $0x1  }
0x6: {  	s20 =	simm.s32 $0x0;
	s1 =	rddreg [dreg:$0x1];
	s4 =	sor.u32 s3, s4  }
0x7: {  	[smem:$0x7FF] =	sst s2;
	s10 =	sadd.s32 $0x2B000, s5;
	s6 =	smul.u32 $0x9C4, s4  }
0x8: {  	_ =	strace $0x8000004D;
	s7 =	ssub.s32 $0x2, s3;
	s4 =	smul.u32 $0x4E20, s4  }
.Ltmp0:
0x9: {  	s3 =	sadd.s32 $0x21200, s5;
	s9 =	sshrl.u32 s7, $0x1;
	(pc) =	sbr.rel .LBB2_1-.Ltmp0, $4  }
0xa: {  	s11 =	ssub.s32 s7, s9;
	s8 =	sadd.s32 s6, s5;
	s30 =	sshrl.u32 s4, $0x3  }
0xb: {  	s5 =	sadd.s32 $0x21390, s5;
	s6 =	sadd.s32 s10, s6;
	s4 =	sadd.s32 $0x3A00, s8  }
0xc: {  	s31 =	sadd.s32 s10, s30;
	s10 =	smax.u32 s11, $0x1;
	s11 =	simm.s32 $0x3  }
0xd: {  	v0 =	vimm.f32 $0.0e+00;
	s7 =	sadd.s32 $0x13880, s31;
	s8 =	sadd.s32 $0x4E2, s31;
	s9 =	sadd.s32 $0x13D62, s31  }
.LBB2_10:
0xe: {  	[hbm4b:s6+s2] =	stream.linear.scatter [tilespmem:s15], [sflag:$0x3], $0x2710, $0x38;
	[tilespmem:$0x10400] =	vst v63  }
0xf: {  	_ =	swait.ge [sflag:s11], $0x2710  }
0x10: {  	[sflag:s11] =	ssyncset.done $0x0  }
0x11: {  	[sflag:s11] =	ssyncadd.s32 $0xFFFFD8F0  }
0x12: {  	[hbm4b:s7+s2] =	stream.linear.scatter [tilespmem:s17], [sflag:$0x3], $0x2710, $0x38;
	[tilespmem:$0x10400] =	vst v63  }
0x13: {  	_ =	swait.ge [sflag:s11], $0x2710  }
0x14: {  	[sflag:s11] =	ssyncset.done $0x0  }
0x15: {  	[sflag:s11] =	ssyncadd.s32 $0xFFFFD8F0  }
0x16: {  	[hbm4b:s8+s2] =	stream.linear.scatter [tilespmem:s18], [sflag:$0x3], $0x2710, $0x38;
	[tilespmem:$0x10400] =	vst v63  }
0x17: {  	s20 =	sadd.s32 $0x1, s20;
	_ =	swait.ge [sflag:s11], $0x2710  }
0x18: {  	p0 =	sne.s32 s20, s10;
	[sflag:s11] =	ssyncset.done $0x0  }
.Ltmp1:
0x19: {  	[sflag:s11] =	ssyncadd.s32 $0xFFFFD8F0;
	(pc) =	sbr.rel @!p0 .LBB2_11-.Ltmp1, $4  }
0x1a: {  	[hbm4b:s9+s2] =	stream.linear.scatter [tilespmem:s19], [sflag:$0x3], $0x2710, $0x38;
	[tilespmem:$0x10400] =	vst v63  }
0x1b: {  	_ =	swait.ge [sflag:s11], $0x2710  }
0x1c: {  	[sflag:s11] =	ssyncset.done $0x0  }
0x1d: {  	[sflag:s11] =	ssyncadd.s32 $0xFFFFD8F0  }
.LBB2_1:
0x1e: {  	[tilespmem:s2], [sflag:$0x3] =	stream.linear.gather [hbm4b:s4+s2], $0x4E20, $0x38;
	[tilespmem:$0x10400] =	vst v63  }
0x1f: {  	_ =	swait.ge [sflag:s11], $0x4E20  }
0x20: {  	[sflag:s11] =	ssyncset.done $0x0  }
0x21: {  	s21 =	simm.s32 $0x40;
	s22 =	simm.s32 $0x0;
	[sflag:s11] =	ssyncadd.s32 $0xFFFFB1E0  }
.LBB2_2:
0x22: {  	p0 =	sne.s32 s21, $0x270C0;
	[tilespmem:s22+$0x4E80] =	vst v0;
	s22 =	smov.u32 s21;
	s21 =	sadd.s32 $0x40, s21  }
.Ltmp2:
0x23: {  	(pc) =	sbr.rel @p0 .LBB2_2-.Ltmp2, $2  }
0x24: {  	_ =	sdelay $0x2  }
0x25: {  	s22 =	sshra.s32 s22, $0x2  }
0x26: {  	[tilespmem:s22+$0x4E80] =	vst v0;
	s21 =	simm.s32 $0x0  }
0x27: {  	[tilespmem:s12], [sflag:$0x1] =	stream.linear.gather [hbm4b:s3+s21], $0xC80, $0x38;
	[tilespmem:$0x10400] =	vst v63  }
0x28: {  	_ = 	snop  }
0x29: {  	[tilespmem:s13], [sflag:$0x2] =	stream.linear.gather [hbm4b:s5+s21], $0xC80, $0x38;
	[tilespmem:$0x10400] =	vst v63  }
.LBB2_4:
0x2a: {  	_ =	swait.ge [sflag:s14], $0xC80  }
0x2b: {  	[sflag:s14] =	ssyncset.done $0x0  }
0x2c: {  	s22 =	simm.s32 $0xEB20;
	[sflag:s14] =	ssyncadd.s32 $0xFFFFF380  }
0x2d: {  	v1 =	vld [tilespmem:s22+$0x10];
	_ =	sdelay $0x2  }
0x2e: {  	v2 =	vld [tilespmem:s22+$0xFFFFFFE0]  }
0x2f: {  	v3 =	vld [tilespmem:s22+$0xFFFFFFF0]  }
0x30: {  	v4 =	vld [tilespmem:s22+$0x0];
	v5 =	vshra.s32 v1, $0xE;
	_ =	sdelay $0x2  }
0x31: {  	v6 =	vshra.s32 v2, $0xE  }
0x32: {  	v7 =	vshra.s32 v3, $0xE  }
0x33: {  	v8 =	vshra.s32 v4, $0xE;
	v9 =	vld.idx.msk [tilespmem:v5+s2+$0x0], $0xffff  }
0x34: {  	v1 =	vand.u32 $0x3FFF, v1  }
0x35: {  	v10 =	vadd.s32 $0x2710, v1  }
0x36: {  	v11 =	vld.idx.msk [tilespmem:v6+s2+$0x0], $0xffff  }
0x37: {  	v5 =	vadd.s32 $0x2710, v5;
	v12 =	vld.idx.msk [tilespmem:v7+s2+$0x0], $0xffff  }
0x38: {  	v2 =	vand.u32 $0x3FFF, v2;
	v14 =	vld.idx.msk [tilespmem:v8+s2+$0x0], $0xffff;
	v15 =	vand.u32 $0xFFFF0000, v9  }
0x39: {  	v13 =	vadd.s32 $0x2710, v2;
	v9 =	vshll.u32 v9, $0x10;
	[tilespmem:v1+s15+$0x0] =	vst.idx.add.f32.msk $0xffff, v15  }
0x3a: {  	s31 =	simm.s32 $0xEB60;
	v3 =	vand.u32 $0x3FFF, v3;
	[tilespmem:v10+s15+$0x0] =	vst.idx.add.f32.msk $0xffff, v9  }
0x3b: {  	v15 =	vadd.s32 $0x2710, v3;
	v9 =	vand.u32 $0xFFFF0000, v11;
	v10 =	vshll.u32 v11, $0x10;
	v11 =	vld [tilespmem:s31+$0x10]  }
0x3c: {  	v4 =	vand.u32 $0x3FFF, v4;
	v5 =	vld.idx.msk [tilespmem:v5+s2+$0x0], $0xffff  }
0x3d: {  	[tilespmem:v2+s15+$0x0] =	vst.idx.add.f32.msk $0xffff, v9  }
0x3e: {  	v9 =	vand.u32 $0xFFFF0000, v12;
	[tilespmem:v13+s15+$0x0] =	vst.idx.add.f32.msk $0xffff, v10  }
0x3f: {  	v10 =	vshll.u32 v12, $0x10;
	[tilespmem:v3+s15+$0x0] =	vst.idx.add.f32.msk $0xffff, v9  }
0x40: {  	v9 =	vand.u32 $0xFFFF0000, v14;
	[tilespmem:v15+s15+$0x0] =	vst.idx.add.f32.msk $0xffff, v10;
	v10 =	vadd.s32 $0x2710, v4  }
0x41: {  	[tilespmem:v4+s15+$0x0] =	vst.idx.add.f32.msk $0xffff, v9;
	v9 =	vadd.s32 $0x4E20, v1  }
0x42: {  	v7 =	vadd.s32 $0x2710, v7;
	v15 =	vld [tilespmem:s31+$0xFFFFFFE0]  }
0x43: {  	v12 =	vld [tilespmem:s31+$0xFFFFFFF0];
	v1 =	vadd.s32 $0x7530, v1  }
0x44: {  	v6 =	vadd.s32 $0x2710, v6;
	v13 =	vld [tilespmem:s31+$0x0];
	v14 =	vshll.u32 v14, $0x10  }
0x45: {  	v8 =	vadd.s32 $0x2710, v8;
	[tilespmem:v10+s15+$0x0] =	vst.idx.add.f32.msk $0xffff, v14;
	v10 =	vand.u32 $0xFFFF0000, v5  }
0x46: {  	[tilespmem:v9+s15+$0x0] =	vst.idx.add.f32.msk $0xffff, v10;
	v9 =	vshra.s32 v11, $0xE  }
0x47: {  	v5 =	vshll.u32 v5, $0x10;
	v10 =	vld.idx.msk [tilespmem:v7+s2+$0x0], $0xffff;
	v7 =	vshra.s32 v15, $0xE  }
0x48: {  	[tilespmem:v1+s15+$0x0] =	vst.idx.add.f32.msk $0xffff, v5;
	v5 =	vshra.s32 v12, $0xE  }
0x49: {  	v1 =	vld.idx.msk [tilespmem:v6+s2+$0x0], $0xffff;
	v6 =	vshra.s32 v13, $0xE  }
0x4a: {  	v14 =	vadd.s32 $0x4E20, v2;
	v16 =	vld.idx.msk [tilespmem:v8+s2+$0x0], $0xffff  }
0x4b: {  	v2 =	vadd.s32 $0x7530, v2;
	v8 =	vld.idx.msk [tilespmem:v9+s2+$0x0], $0xffff  }
0x4c: {  	v17 =	vadd.s32 $0x4E20, v3;
	v21 =	vld.idx.msk [tilespmem:v7+s2+$0x0], $0xffff  }
0x4d: {  	v11 =	vand.u32 $0x3FFF, v11;
	v18 =	vld.idx.msk [tilespmem:v5+s2+$0x0], $0xffff  }
0x4e: {  	v22 =	vadd.s32 $0x2710, v11;
	v19 =	vld.idx.msk [tilespmem:v6+s2+$0x0], $0xffff;
	v20 =	vand.u32 $0xFFFF0000, v1  }
0x4f: {  	v1 =	vshll.u32 v1, $0x10;
	[tilespmem:v14+s15+$0x0] =	vst.idx.add.f32.msk $0xffff, v20;
	v14 =	vand.u32 $0x3FFF, v15  }
0x50: {  	v9 =	vadd.s32 $0x2710, v9;
	v15 =	vand.u32 $0xFFFF0000, v10;
	[tilespmem:v2+s15+$0x0] =	vst.idx.add.f32.msk $0xffff, v1  }
0x51: {  	v60 =	vadd.s32 $0x2710, v14;
	[tilespmem:v17+s15+$0x0] =	vst.idx.add.f32.msk $0xffff, v15;
	v1 =	vand.u32 $0xFFFF0000, v8  }
0x52: {  	v15 =	vand.u32 $0x3FFF, v12;
	v2 =	vshll.u32 v8, $0x10;
	[tilespmem:v11+s15+$0x0] =	vst.idx.add.f32.msk $0xffff, v1  }
0x53: {  	v12 =	vadd.s32 $0x2710, v15;
	v1 =	vadd.s32 $0x7530, v3;
	v3 =	vand.u32 $0xFFFF0000, v21;
	[tilespmem:v22+s15+$0x0] =	vst.idx.add.f32.msk $0xffff, v2  }
0x54: {  	v13 =	vand.u32 $0x3FFF, v13;
	[tilespmem:v14+s15+$0x0] =	vst.idx.add.f32.msk $0xffff, v3  }
0x55: {  	v62 =	vadd.s32 $0x4E20, v11;
	v61 =	vadd.s32 $0x2710, v13;
	v8 =	vshll.u32 v21, $0x10;
	v17 =	vld.idx.msk [tilespmem:v9+s2+$0x0], $0xffff  }
0x56: {  	v2 =	vadd.s32 $0x4E20, v4;
	v3 =	vadd.s32 $0x7530, v4;
	v4 =	vand.u32 $0xFFFF0000, v18;
	[tilespmem:v60+s15+$0x0] =	vst.idx.add.f32.msk $0xffff, v8  }
0x57: {  	v63 =	vadd.s32 $0x7530, v11;
	v7 =	vadd.s32 $0x2710, v7;
	v18 =	vshll.u32 v18, $0x10;
	[tilespmem:v15+s15+$0x0] =	vst.idx.add.f32.msk $0xffff, v4  }
0x58: {  	v11 =	vshll.u32 v10, $0x10;
	v8 =	vadd.s32 $0x2710, v5;
	v5 =	vand.u32 $0xFFFF0000, v19;
	[tilespmem:v12+s15+$0x0] =	vst.idx.add.f32.msk $0xffff, v18  }
0x59: {  	v10 =	vshll.u32 v16, $0x10;
	v9 =	vadd.s32 $0x2710, v6;
	v6 =	vshll.u32 v19, $0x10;
	[tilespmem:v13+s15+$0x0] =	vst.idx.add.f32.msk $0xffff, v5  }
0x5a: {  	v4 =	vadd.s32 $0x4E20, v14;
	v12 =	vand.u32 $0xFFFF0000, v16;
	[tilespmem:v61+s15+$0x0] =	vst.idx.add.f32.msk $0xffff, v6;
	v16 =	vand.u32 $0xFFFF0000, v17  }
0x5b: {  	v5 =	vadd.s32 $0x4E20, v15;
	v15 =	vadd.s32 $0x7530, v15;
	v17 =	vshll.u32 v17, $0x10;
	[tilespmem:v62+s15+$0x0] =	vst.idx.add.f32.msk $0xffff, v16  }
0x5c: {  	s23 =	simm.s32 $0xEBA0;
	s22 =	simm.s32 $0x4;
	v6 =	vadd.s32 $0x7530, v14;
	v14 =	vadd.s32 $0x4E20, v13;
	v13 =	vadd.s32 $0x7530, v13;
	[tilespmem:v63+s15+$0x0] =	vst.idx.add.f32.msk $0xffff, v17  }
.LBB2_5:
0x5d: {  	v16 =	vld [tilespmem:s23+$0x10]  }
0x5e: {  	v17 =	vld [tilespmem:s23+$0xFFFFFFF0]  }
0x5f: {  	s22 =	sadd.s32 $0x4, s22;
	v18 =	vld [tilespmem:s23+$0x0]  }
0x60: {  	p0 =	slt.u32 s22, $0xC4;
	v19 =	vld [tilespmem:s23+$0xFFFFFFE0]  }
0x61: {  	v20 =	vld.idx.msk [tilespmem:v7+s2+$0x0], $0xffff  }
0x62: {  	v21 =	vshra.s32 v16, $0xE;
	v22 =	vld.idx.msk [tilespmem:v8+s2+$0x0], $0xffff  }
0x63: {  	v23 =	vshra.s32 v17, $0xE;
	v17 =	vand.u32 $0x3FFF, v17;
	v24 =	vld.idx.msk [tilespmem:v9+s2+$0x0], $0xffff  }
0x64: {  	v25 =	vadd.s32 $0x2710, v17;
	v26 =	vshra.s32 v18, $0xE;
	v18 =	vand.u32 $0x3FFF, v18;
	[tilespmem:v1+s15+$0x0] =	vst.idx.add.f32.msk $0xffff, v11;
	v1 =	vmovc v15  }
0x65: {  	v15 =	vshra.s32 v19, $0xE;
	v19 =	vand.u32 $0x3FFF, v19;
	v27 =	vadd.s32 $0x2710, v18;
	[tilespmem:v2+s15+$0x0] =	vst.idx.add.f32.msk $0xffff, v12;
	v2 =	vmovc v14  }
0x66: {  	v8 =	vadd.s32 $0x2710, v23;
	v28 =	vadd.s32 $0x2710, v19;
	v7 =	vadd.s32 $0x2710, v15;
	[tilespmem:v3+s15+$0x0] =	vst.idx.add.f32.msk $0xffff, v10;
	v3 =	vmovc v13  }
0x67: {  	v9 =	vadd.s32 $0x2710, v26;
	v13 =	vand.u32 $0xFFFF0000, v20;
	v20 =	vshll.u32 v20, $0x10;
	v29 =	vld.idx.msk [tilespmem:v21+s2+$0x0], $0xffff  }
0x68: {  	v30 =	vadd.s32 $0x4E20, v19;
	v31 =	vand.u32 $0xFFFF0000, v22;
	v11 =	vshll.u32 v22, $0x10;
	v23 =	vld.idx.msk [tilespmem:v23+s2+$0x0], $0xffff  }
0x69: {  	v16 =	vand.u32 $0x3FFF, v16;
	v12 =	vand.u32 $0xFFFF0000, v24;
	v10 =	vshll.u32 v24, $0x10;
	v22 =	vld.idx.msk [tilespmem:v26+s2+$0x0], $0xffff  }
0x6a: {  	v33 =	vadd.s32 $0x2710, v16;
	v32 =	vadd.s32 $0x4E20, v17;
	v26 =	vadd.s32 $0x7530, v19;
	v24 =	vld.idx.msk [tilespmem:v15+s2+$0x0], $0xffff  }
0x6b: {  	v14 =	vadd.s32 $0x4E20, v18;
	v21 =	vadd.s32 $0x2710, v21;
	v15 =	vadd.s32 $0x7530, v17;
	[tilespmem:v4+s15+$0x0] =	vst.idx.add.f32.msk $0xffff, v13;
	v4 =	vmovc v30  }
0x6c: {  	v13 =	vadd.s32 $0x7530, v18;
	[tilespmem:v6+s15+$0x0] =	vst.idx.add.f32.msk $0xffff, v20;
	v6 =	vmov v26  }
0x6d: {  	v20 =	vand.u32 $0xFFFF0000, v29;
	[tilespmem:v5+s15+$0x0] =	vst.idx.add.f32.msk $0xffff, v31;
	v5 =	vmov v32  }
0x6e: {  	v29 =	vshll.u32 v29, $0x10;
	v26 =	vand.u32 $0xFFFF0000, v23;
	v23 =	vshll.u32 v23, $0x10;
	[tilespmem:v16+s15+$0x0] =	vst.idx.add.f32.msk $0xffff, v20  }
0x6f: {  	v20 =	vand.u32 $0xFFFF0000, v22;
	v22 =	vshll.u32 v22, $0x10;
	[tilespmem:v33+s15+$0x0] =	vst.idx.add.f32.msk $0xffff, v29  }
0x70: {  	v29 =	vand.u32 $0xFFFF0000, v24;
	v24 =	vshll.u32 v24, $0x10;
	v21 =	vld.idx.msk [tilespmem:v21+s2+$0x0], $0xffff  }
0x71: {  	[tilespmem:v19+s15+$0x0] =	vst.idx.add.f32.msk $0xffff, v29  }
0x72: {  	v19 =	vadd.s32 $0x4E20, v16;
	[tilespmem:v28+s15+$0x0] =	vst.idx.add.f32.msk $0xffff, v24  }
0x73: {  	v16 =	vadd.s32 $0x7530, v16;
	[tilespmem:v17+s15+$0x0] =	vst.idx.add.f32.msk $0xffff, v26  }
.Ltmp3:
0x74: {  	[tilespmem:v25+s15+$0x0] =	vst.idx.add.f32.msk $0xffff, v23;
	(pc) =	sbr.rel @p0 .LBB2_5-.Ltmp3, $4  }
0x75: {  	[tilespmem:v18+s15+$0x0] =	vst.idx.add.f32.msk $0xffff, v20  }
0x76: {  	v17 =	vand.u32 $0xFFFF0000, v21;
	[tilespmem:v27+s15+$0x0] =	vst.idx.add.f32.msk $0xffff, v22  }
0x77: {  	v18 =	vshll.u32 v21, $0x10;
	[tilespmem:v19+s15+$0x0] =	vst.idx.add.f32.msk $0xffff, v17  }
0x78: {  	s23 =	sadd.s32 $0x40, s23;
	[tilespmem:v16+s15+$0x0] =	vst.idx.add.f32.msk $0xffff, v18  }
0x79: {  	_ =	sdelay $0x3  }
0x7a: {  	v7 =	vld.idx.msk [tilespmem:v7+s2+$0x0], $0xffff  }
0x7b: {  	v8 =	vld.idx.msk [tilespmem:v8+s2+$0x0], $0xffff  }
0x7c: {  	v9 =	vld.idx.msk [tilespmem:v9+s2+$0x0], $0xffff  }
0x7d: {  	[tilespmem:v1+s15+$0x0] =	vst.idx.add.f32.msk $0xffff, v11  }
0x7e: {  	[tilespmem:v2+s15+$0x0] =	vst.idx.add.f32.msk $0xffff, v12  }
0x7f: {  	[tilespmem:v3+s15+$0x0] =	vst.idx.add.f32.msk $0xffff, v10;
	v1 =	vand.u32 $0xFFFF0000, v7  }
0x80: {  	p0 =	seq.s32 s21, $0x31;
	v2 =	vshll.u32 v7, $0x10;
	[tilespmem:v4+s15+$0x0] =	vst.idx.add.f32.msk $0xffff, v1  }
0x81: {  	s22 =	smul.u32 @!p0 $0x1900, s21;
	v1 =	vand.u32 $0xFFFF0000, v8;
	[tilespmem:v6+s15+$0x0] =	vst.idx.add.f32.msk $0xffff, v2  }
0x82: {  	v2 =	vshll.u32 v8, $0x10;
	[tilespmem:v5+s15+$0x0] =	vst.idx.add.f32.msk $0xffff, v1  }
0x83: {  	s22 =	sshrl.u32 @!p0 s22, $0x3;
	v1 =	vand.u32 $0xFFFF0000, v9;
	[tilespmem:v15+s15+$0x0] =	vst.idx.add.f32.msk $0xffff, v2  }
0x84: {  	s22 =	sadd.s32 @!p0 s3, s22;
	v2 =	vshll.u32 v9, $0x10;
	[tilespmem:v14+s15+$0x0] =	vst.idx.add.f32.msk $0xffff, v1  }
0x85: {  	s23 =	simm.s32 @!p0 $0x0;
	s24 =	simm.s32 @!p0 $0xEB00;
	s22 =	sadd.s32 @!p0 $0x320, s22;
	[tilespmem:v13+s15+$0x0] =	vst.idx.add.f32.msk $0xffff, v2  }
0x86: {  	[tilespmem:s24], [sflag:$0x1] =	stream.linear.gather @!p0 [hbm4b:s22+s23], $0xC80, $0x38;
	[tilespmem:$0x10400] =	vst v63  }
0x87: {  	_ =	swait.ge [sflag:s16], $0xC80  }
0x88: {  	[sflag:s16] =	ssyncset.done $0x0  }
0x89: {  	s30 =	simm.s32 $0xF7A0;
	[sflag:s16] =	ssyncadd.s32 $0xFFFFF380  }
0x8a: {  	v1 =	vld [tilespmem:s30+$0x10];
	_ =	sdelay $0x2  }
0x8b: {  	v2 =	vld [tilespmem:s30+$0xFFFFFFE0]  }
0x8c: {  	v3 =	vld [tilespmem:s30+$0xFFFFFFF0]  }
0x8d: {  	v4 =	vld [tilespmem:s30+$0x0];
	v5 =	vshra.s32 v1, $0xE;
	_ =	sdelay $0x2  }
0x8e: {  	v6 =	vshra.s32 v2, $0xE  }
0x8f: {  	v7 =	vshra.s32 v3, $0xE  }
0x90: {  	v8 =	vshra.s32 v4, $0xE;
	v9 =	vld.idx.msk [tilespmem:v5+s2+$0x0], $0xffff  }
0x91: {  	v1 =	vand.u32 $0x3FFF, v1  }
0x92: {  	v10 =	vadd.s32 $0x2710, v1  }
0x93: {  	v11 =	vld.idx.msk [tilespmem:v6+s2+$0x0], $0xffff  }
0x94: {  	v5 =	vadd.s32 $0x2710, v5;
	v12 =	vld.idx.msk [tilespmem:v7+s2+$0x0], $0xffff  }
0x95: {  	v2 =	vand.u32 $0x3FFF, v2;
	v14 =	vld.idx.msk [tilespmem:v8+s2+$0x0], $0xffff;
	v15 =	vand.u32 $0xFFFF0000, v9  }
0x96: {  	v13 =	vadd.s32 $0x2710, v2;
	v9 =	vshll.u32 v9, $0x10;
	[tilespmem:v1+s15+$0x0] =	vst.idx.add.f32.msk $0xffff, v15  }
0x97: {  	s31 =	simm.s32 $0xF7E0;
	v3 =	vand.u32 $0x3FFF, v3;
	[tilespmem:v10+s15+$0x0] =	vst.idx.add.f32.msk $0xffff, v9  }
0x98: {  	v15 =	vadd.s32 $0x2710, v3;
	v9 =	vand.u32 $0xFFFF0000, v11;
	v10 =	vshll.u32 v11, $0x10;
	v11 =	vld [tilespmem:s31+$0x10]  }
0x99: {  	v4 =	vand.u32 $0x3FFF, v4;
	v5 =	vld.idx.msk [tilespmem:v5+s2+$0x0], $0xffff  }
0x9a: {  	[tilespmem:v2+s15+$0x0] =	vst.idx.add.f32.msk $0xffff, v9  }
0x9b: {  	v9 =	vand.u32 $0xFFFF0000, v12;
	[tilespmem:v13+s15+$0x0] =	vst.idx.add.f32.msk $0xffff, v10  }
0x9c: {  	v10 =	vshll.u32 v12, $0x10;
	[tilespmem:v3+s15+$0x0] =	vst.idx.add.f32.msk $0xffff, v9  }
0x9d: {  	v9 =	vand.u32 $0xFFFF0000, v14;
	[tilespmem:v15+s15+$0x0] =	vst.idx.add.f32.msk $0xffff, v10;
	v10 =	vadd.s32 $0x2710, v4  }
0x9e: {  	[tilespmem:v4+s15+$0x0] =	vst.idx.add.f32.msk $0xffff, v9;
	v9 =	vadd.s32 $0x4E20, v1  }
0x9f: {  	v7 =	vadd.s32 $0x2710, v7;
	v15 =	vld [tilespmem:s31+$0xFFFFFFE0]  }
0xa0: {  	v12 =	vld [tilespmem:s31+$0xFFFFFFF0];
	v1 =	vadd.s32 $0x7530, v1  }
0xa1: {  	v6 =	vadd.s32 $0x2710, v6;
	v13 =	vld [tilespmem:s31+$0x0];
	v14 =	vshll.u32 v14, $0x10  }
0xa2: {  	v8 =	vadd.s32 $0x2710, v8;
	[tilespmem:v10+s15+$0x0] =	vst.idx.add.f32.msk $0xffff, v14;
	v10 =	vand.u32 $0xFFFF0000, v5  }
0xa3: {  	[tilespmem:v9+s15+$0x0] =	vst.idx.add.f32.msk $0xffff, v10;
	v9 =	vshra.s32 v11, $0xE  }
0xa4: {  	v5 =	vshll.u32 v5, $0x10;
	v10 =	vld.idx.msk [tilespmem:v7+s2+$0x0], $0xffff;
	v7 =	vshra.s32 v15, $0xE  }
0xa5: {  	[tilespmem:v1+s15+$0x0] =	vst.idx.add.f32.msk $0xffff, v5;
	v5 =	vshra.s32 v12, $0xE  }
0xa6: {  	v1 =	vld.idx.msk [tilespmem:v6+s2+$0x0], $0xffff;
	v6 =	vshra.s32 v13, $0xE  }
0xa7: {  	v14 =	vadd.s32 $0x4E20, v2;
	v16 =	vld.idx.msk [tilespmem:v8+s2+$0x0], $0xffff  }
0xa8: {  	v2 =	vadd.s32 $0x7530, v2;
	v8 =	vld.idx.msk [tilespmem:v9+s2+$0x0], $0xffff  }
0xa9: {  	v17 =	vadd.s32 $0x4E20, v3;
	v21 =	vld.idx.msk [tilespmem:v7+s2+$0x0], $0xffff  }
0xaa: {  	v11 =	vand.u32 $0x3FFF, v11;
	v18 =	vld.idx.msk [tilespmem:v5+s2+$0x0], $0xffff  }
0xab: {  	v22 =	vadd.s32 $0x2710, v11;
	v19 =	vld.idx.msk [tilespmem:v6+s2+$0x0], $0xffff;
	v20 =	vand.u32 $0xFFFF0000, v1  }
0xac: {  	v1 =	vshll.u32 v1, $0x10;
	[tilespmem:v14+s15+$0x0] =	vst.idx.add.f32.msk $0xffff, v20;
	v14 =	vand.u32 $0x3FFF, v15  }
0xad: {  	v9 =	vadd.s32 $0x2710, v9;
	v15 =	vand.u32 $0xFFFF0000, v10;
	[tilespmem:v2+s15+$0x0] =	vst.idx.add.f32.msk $0xffff, v1  }
0xae: {  	v60 =	vadd.s32 $0x2710, v14;
	[tilespmem:v17+s15+$0x0] =	vst.idx.add.f32.msk $0xffff, v15;
	v1 =	vand.u32 $0xFFFF0000, v8  }
0xaf: {  	v15 =	vand.u32 $0x3FFF, v12;
	v2 =	vshll.u32 v8, $0x10;
	[tilespmem:v11+s15+$0x0] =	vst.idx.add.f32.msk $0xffff, v1  }
0xb0: {  	v12 =	vadd.s32 $0x2710, v15;
	v1 =	vadd.s32 $0x7530, v3;
	v3 =	vand.u32 $0xFFFF0000, v21;
	[tilespmem:v22+s15+$0x0] =	vst.idx.add.f32.msk $0xffff, v2  }
0xb1: {  	v13 =	vand.u32 $0x3FFF, v13;
	[tilespmem:v14+s15+$0x0] =	vst.idx.add.f32.msk $0xffff, v3  }
0xb2: {  	v62 =	vadd.s32 $0x4E20, v11;
	v61 =	vadd.s32 $0x2710, v13;
	v8 =	vshll.u32 v21, $0x10;
	v17 =	vld.idx.msk [tilespmem:v9+s2+$0x0], $0xffff  }
0xb3: {  	v2 =	vadd.s32 $0x4E20, v4;
	v3 =	vadd.s32 $0x7530, v4;
	v4 =	vand.u32 $0xFFFF0000, v18;
	[tilespmem:v60+s15+$0x0] =	vst.idx.add.f32.msk $0xffff, v8  }
0xb4: {  	v63 =	vadd.s32 $0x7530, v11;
	v7 =	vadd.s32 $0x2710, v7;
	v18 =	vshll.u32 v18, $0x10;
	[tilespmem:v15+s15+$0x0] =	vst.idx.add.f32.msk $0xffff, v4  }
0xb5: {  	v11 =	vshll.u32 v10, $0x10;
	v8 =	vadd.s32 $0x2710, v5;
	v5 =	vand.u32 $0xFFFF0000, v19;
	[tilespmem:v12+s15+$0x0] =	vst.idx.add.f32.msk $0xffff, v18  }
0xb6: {  	v10 =	vshll.u32 v16, $0x10;
	v9 =	vadd.s32 $0x2710, v6;
	v6 =	vshll.u32 v19, $0x10;
	[tilespmem:v13+s15+$0x0] =	vst.idx.add.f32.msk $0xffff, v5  }
0xb7: {  	v4 =	vadd.s32 $0x4E20, v14;
	v12 =	vand.u32 $0xFFFF0000, v16;
	[tilespmem:v61+s15+$0x0] =	vst.idx.add.f32.msk $0xffff, v6;
	v16 =	vand.u32 $0xFFFF0000, v17  }
0xb8: {  	v5 =	vadd.s32 $0x4E20, v15;
	v15 =	vadd.s32 $0x7530, v15;
	v17 =	vshll.u32 v17, $0x10;
	[tilespmem:v62+s15+$0x0] =	vst.idx.add.f32.msk $0xffff, v16  }
0xb9: {  	s22 =	simm.s32 $0x4;
	s23 =	simm.s32 $0xF820;
	v6 =	vadd.s32 $0x7530, v14;
	v14 =	vadd.s32 $0x4E20, v13;
	v13 =	vadd.s32 $0x7530, v13;
	[tilespmem:v63+s15+$0x0] =	vst.idx.add.f32.msk $0xffff, v17  }
.LBB2_7:
0xba: {  	v16 =	vld [tilespmem:s23+$0x10]  }
0xbb: {  	v17 =	vld [tilespmem:s23+$0xFFFFFFF0]  }
0xbc: {  	s22 =	sadd.s32 $0x4, s22;
	v18 =	vld [tilespmem:s23+$0x0]  }
0xbd: {  	p1 =	slt.u32 s22, $0xC4;
	v19 =	vld [tilespmem:s23+$0xFFFFFFE0]  }
0xbe: {  	v20 =	vld.idx.msk [tilespmem:v7+s2+$0x0], $0xffff  }
0xbf: {  	v21 =	vshra.s32 v16, $0xE;
	v22 =	vld.idx.msk [tilespmem:v8+s2+$0x0], $0xffff  }
0xc0: {  	v23 =	vshra.s32 v17, $0xE;
	v17 =	vand.u32 $0x3FFF, v17;
	v24 =	vld.idx.msk [tilespmem:v9+s2+$0x0], $0xffff  }
0xc1: {  	v25 =	vadd.s32 $0x2710, v17;
	v26 =	vshra.s32 v18, $0xE;
	v18 =	vand.u32 $0x3FFF, v18;
	[tilespmem:v1+s15+$0x0] =	vst.idx.add.f32.msk $0xffff, v11;
	v1 =	vmovc v15  }
0xc2: {  	v15 =	vshra.s32 v19, $0xE;
	v19 =	vand.u32 $0x3FFF, v19;
	v27 =	vadd.s32 $0x2710, v18;
	[tilespmem:v2+s15+$0x0] =	vst.idx.add.f32.msk $0xffff, v12;
	v2 =	vmovc v14  }
0xc3: {  	v8 =	vadd.s32 $0x2710, v23;
	v28 =	vadd.s32 $0x2710, v19;
	v7 =	vadd.s32 $0x2710, v15;
	[tilespmem:v3+s15+$0x0] =	vst.idx.add.f32.msk $0xffff, v10;
	v3 =	vmovc v13  }
0xc4: {  	v9 =	vadd.s32 $0x2710, v26;
	v13 =	vand.u32 $0xFFFF0000, v20;
	v20 =	vshll.u32 v20, $0x10;
	v29 =	vld.idx.msk [tilespmem:v21+s2+$0x0], $0xffff  }
0xc5: {  	v30 =	vadd.s32 $0x4E20, v19;
	v31 =	vand.u32 $0xFFFF0000, v22;
	v11 =	vshll.u32 v22, $0x10;
	v23 =	vld.idx.msk [tilespmem:v23+s2+$0x0], $0xffff  }
0xc6: {  	v16 =	vand.u32 $0x3FFF, v16;
	v12 =	vand.u32 $0xFFFF0000, v24;
	v10 =	vshll.u32 v24, $0x10;
	v22 =	vld.idx.msk [tilespmem:v26+s2+$0x0], $0xffff  }
0xc7: {  	v33 =	vadd.s32 $0x2710, v16;
	v32 =	vadd.s32 $0x4E20, v17;
	v26 =	vadd.s32 $0x7530, v19;
	v24 =	vld.idx.msk [tilespmem:v15+s2+$0x0], $0xffff  }
0xc8: {  	v14 =	vadd.s32 $0x4E20, v18;
	v21 =	vadd.s32 $0x2710, v21;
	v15 =	vadd.s32 $0x7530, v17;
	[tilespmem:v4+s15+$0x0] =	vst.idx.add.f32.msk $0xffff, v13;
	v4 =	vmovc v30  }
0xc9: {  	v13 =	vadd.s32 $0x7530, v18;
	[tilespmem:v6+s15+$0x0] =	vst.idx.add.f32.msk $0xffff, v20;
	v6 =	vmov v26  }
0xca: {  	v20 =	vand.u32 $0xFFFF0000, v29;
	[tilespmem:v5+s15+$0x0] =	vst.idx.add.f32.msk $0xffff, v31;
	v5 =	vmov v32  }
0xcb: {  	v29 =	vshll.u32 v29, $0x10;
	v26 =	vand.u32 $0xFFFF0000, v23;
	v23 =	vshll.u32 v23, $0x10;
	[tilespmem:v16+s15+$0x0] =	vst.idx.add.f32.msk $0xffff, v20  }
0xcc: {  	v20 =	vand.u32 $0xFFFF0000, v22;
	v22 =	vshll.u32 v22, $0x10;
	[tilespmem:v33+s15+$0x0] =	vst.idx.add.f32.msk $0xffff, v29  }
0xcd: {  	v29 =	vand.u32 $0xFFFF0000, v24;
	v24 =	vshll.u32 v24, $0x10;
	v21 =	vld.idx.msk [tilespmem:v21+s2+$0x0], $0xffff  }
0xce: {  	[tilespmem:v19+s15+$0x0] =	vst.idx.add.f32.msk $0xffff, v29  }
0xcf: {  	v19 =	vadd.s32 $0x4E20, v16;
	[tilespmem:v28+s15+$0x0] =	vst.idx.add.f32.msk $0xffff, v24  }
0xd0: {  	v16 =	vadd.s32 $0x7530, v16;
	[tilespmem:v17+s15+$0x0] =	vst.idx.add.f32.msk $0xffff, v26  }
.Ltmp4:
0xd1: {  	[tilespmem:v25+s15+$0x0] =	vst.idx.add.f32.msk $0xffff, v23;
	(pc) =	sbr.rel @p1 .LBB2_7-.Ltmp4, $4  }
0xd2: {  	[tilespmem:v18+s15+$0x0] =	vst.idx.add.f32.msk $0xffff, v20  }
0xd3: {  	v17 =	vand.u32 $0xFFFF0000, v21;
	[tilespmem:v27+s15+$0x0] =	vst.idx.add.f32.msk $0xffff, v22  }
0xd4: {  	v18 =	vshll.u32 v21, $0x10;
	[tilespmem:v19+s15+$0x0] =	vst.idx.add.f32.msk $0xffff, v17  }
0xd5: {  	s23 =	sadd.s32 $0x40, s23;
	[tilespmem:v16+s15+$0x0] =	vst.idx.add.f32.msk $0xffff, v18  }
0xd6: {  	_ =	sdelay $0x3  }
0xd7: {  	v7 =	vld.idx.msk [tilespmem:v7+s2+$0x0], $0xffff  }
0xd8: {  	v8 =	vld.idx.msk [tilespmem:v8+s2+$0x0], $0xffff  }
0xd9: {  	v9 =	vld.idx.msk [tilespmem:v9+s2+$0x0], $0xffff  }
0xda: {  	[tilespmem:v1+s15+$0x0] =	vst.idx.add.f32.msk $0xffff, v11  }
0xdb: {  	[tilespmem:v2+s15+$0x0] =	vst.idx.add.f32.msk $0xffff, v12  }
0xdc: {  	[tilespmem:v3+s15+$0x0] =	vst.idx.add.f32.msk $0xffff, v10;
	v1 =	vand.u32 $0xFFFF0000, v7  }
0xdd: {  	v2 =	vshll.u32 v7, $0x10;
	[tilespmem:v4+s15+$0x0] =	vst.idx.add.f32.msk $0xffff, v1  }
.Ltmp5:
0xde: {  	v1 =	vand.u32 $0xFFFF0000, v8;
	[tilespmem:v6+s15+$0x0] =	vst.idx.add.f32.msk $0xffff, v2;
	(pc) =	sbr.rel @p0 .LBB2_10-.Ltmp5, $4  }
0xdf: {  	v2 =	vshll.u32 v8, $0x10;
	[tilespmem:v5+s15+$0x0] =	vst.idx.add.f32.msk $0xffff, v1  }
0xe0: {  	v1 =	vand.u32 $0xFFFF0000, v9;
	[tilespmem:v15+s15+$0x0] =	vst.idx.add.f32.msk $0xffff, v2  }
0xe1: {  	v2 =	vshll.u32 v9, $0x10;
	[tilespmem:v14+s15+$0x0] =	vst.idx.add.f32.msk $0xffff, v1  }
0xe2: {  	[tilespmem:v13+s15+$0x0] =	vst.idx.add.f32.msk $0xffff, v2  }
0xe3: {  	s22 =	smul.u32 $0x1900, s21  }
.Ltmp6:
0xe4: {  	_ = 	snop;
	(pc) =	sbr.rel .LBB2_4-.Ltmp6, $4  }
0xe5: {  	s22 =	sshrl.u32 s22, $0x3  }
0xe6: {  	s22 =	sadd.s32 s3, s22  }
0xe7: {  	s21 =	sadd.s32 $0x1, s21;
	s22 =	sadd.s32 $0x4B0, s22  }
0xe8: {  	[tilespmem:s13], [sflag:$0x2] =	stream.linear.gather [hbm4b:s22+s2], $0xC80, $0x38;
	[tilespmem:$0x10400] =	vst v63  }
.LBB2_11:
0xe9: {  	_ =	sfence.sel $0x180000  }
0xea: {  	[bflag:$0x0] =	sbarrier.arrive $0xFFFF  }
0xeb: {  	p0 =	sne.s32 s0, $0x0;
	_ =	strace $0x9000004D  }
0xec: {  	s0 =	sadd.s32 @!p0 $0x100000, s1;
	[bflag:$0x2] =	sbarrier.arrive $0xFFFF  }
0xed: {  	[sflag:s0] =	ssyncadd.tile.s32 @!p0 $0x1;
	_ =	shalt  }
.Lfunc_end2:
_tile_overlayer_lowered:
.L_overlay_start_2:
0xee: {  	(tag) =	ssettag $0x2  }
0xef: {  	s0 =	rddreg [dreg:$0x0];
	s2 =	stileid.u32  }
0xf0: {  	s1 =	rddreg [dreg:$0x1];
	p0 =	sne.s32 s2, $0x0  }
0xf1: {  	s3 =	rddreg [dreg:$0x2];
	[bflag:$0x3] =	sbarrier.arrive $0xFFFF;
	s2 =	simm.s32 @!p0 $0x1C03  }
0xf2: {  	[timem:s3], [sflag:s2] =	dma.local @!p0 [hbm:s0], s1  }
0xf3: {  	s0 =	simm.s32 @!p0 $0x3  }
0xf4: {  	_ =	swait.ge @!p0 [sflag:s0], s1  }
0xf5: {  	s1 =	ssub.s32 @!p0 $0x0, s1;
	[sflag:s0] =	ssyncset.done @!p0 $0x0  }
0xf6: {  	[sflag:s0] =	ssyncadd.s32 @!p0 s1  }
0xf7: {  	[bflag:$0x3] =	sbarrier.arrive $0xFFFF  }
0xf8: {  	_ =	shalt  }

// kernel: kernel.21.cloned.1.call-start
scs
__scs_entry_jumppad:
0x0: {  	(pc) =	sbr.rel $0x88, $3  }
0x1: {  	(tag) =	ssettag $0x0;
	lr =	simm.s32 $0x1  }
0x2: {  	[smem:$0x3F98] =	sst lr;
	_ =	strace $0xD0000000  }
0x3: {  	_ = 	snop  }
0x4: {  	_ = 	snop  }
0x5: {  	_ = 	snop  }
0x6: {  	_ = 	snop  }
0x7: {  	_ = 	snop  }
__scs_overlays_trampoline_lowered:
0x8: {  	[smem:$0x3FA7] =	sst s0  }
0x9: {  	[smem:$0x3FA8] =	sst s1  }
0xa: {  	[smem:$0x3FA9] =	sst s2  }
0xb: {  	[smem:$0x3FAA] =	sst s3  }
0xc: {  	[smem:$0x3FAB] =	sst s4  }
0xd: {  	[smem:$0x3FAC] =	sst s5  }
0xe: {  	[smem:$0x3FAD] =	sst s6  }
0xf: {  	[smem:$0x3FAE] =	sst s7  }
0x10: {  	[smem:$0x3FAF] =	sst s8  }
0x11: {  	[smem:$0x3FB0] =	sst s9;
	s0 =	simm.s32 @!p0 $0x0  }
0x12: {  	s1 =	sld [smem:$0x3F96];
	s0 =	simm.s32 @p0 $0x1  }
0x13: {  	[smem:$0x3FB1] =	sst s0;
	s0 =	simm.s32 @!p1 $0x0  }
0x14: {  	s2 =	sld [smem:$0x3F95];
	s0 =	simm.s32 @p1 $0x1  }
0x15: {  	[smem:$0x3FB2] =	sst s0;
	s0 =	simm.s32 @!p2 $0x0  }
0x16: {  	s3 =	sld [smem:$0x3FDB];
	s0 =	simm.s32 @p2 $0x1  }
0x17: {  	s4 =	simm.s32 $0x1BF5;
	[smem:$0x3FB4] =	sst s0  }
0x18: {  	s0 =	sld [smem:$0x3F97];
	_ =	swait.ge [sflag:s4], $0x0  }
0x19: {  	s7 =	sld [smem:$0x3F98]  }
0x1a: {  	s8 =	sadd.s32 $0xFFFFE003, lr  }
0x1b: {  	s9 =	sadd.s32 $0xFFFFFEF7, lr;
	s5 =	simm.s32 $0xFFFFFFFF;
	p2 =	slt.u32 s8, $0xFFFFF086  }
0x1c: {  	p1 =	slt.u32 s9, $0xF7A;
	s5 =	simm.s32 @!p2 $0x0  }
0x1d: {  	s5 =	simm.s32 @p1 $0x1;
	p0 =	seq.s32 s7, s2  }
0x1e: {  	s7 =	smul.u32 @!p0 $0xF7A, s2;
	p2 =	seq.s32 @!p0 s5, $0x0  }
0x1f: {  	s9 =	smul.u32 $0xF7A, s1;
	s8 =	simm.s32 @!p0 $0x1BF5;
	p2 =	por !p2, p0  }
0x20: {  	[sflag:s8] =	ssyncset.s32 @!p0 $0xFFFFF086;
	s6 =	sadd.s32 @!p0 s3, s7;
	s7 =	simm.s32 @!p0 $0x108  }
0x21: {  	s3 =	sadd.s32 s3, s9;
	s6 =	sadd.s32 @!p0 $0x88, s6;
	s7 =	simm.s32 @p2 $0x1082  }
0x22: {  	[simem:s7], [sflag:s8] =	dma.local @!p0 [hbm:s6], $0xF7A  }
0x23: {  	s9 =	sor.u32 $0xD0000000, s2;
	s6 =	simm.s32 $0x108;
	_ =	swait.ge @!p0 [sflag:s8], $0x0  }
0x24: {  	s3 =	sadd.s32 $0x88, s3;
	s6 =	simm.s32 @!p1 $0x1082;
	[sflag:s4] =	ssyncset.s32 $0xFFFFF086  }
0x25: {  	[simem:s6], [sflag:s4] =	dma.local [hbm:s3], $0xF7A  }
0x26: {  	[smem:$0x3F98] =	sst s1;
	(tag) =	ssettag s2;
	_ =	strace s9  }
0x27: {  	s1 =	sld [smem:$0x3FA8]  }
0x28: {  	s2 =	sld [smem:$0x3FA9]  }
0x29: {  	s4 =	sld [smem:$0x3FAB]  }
0x2a: {  	p0 =	seq.s32 s5, $0x0;
	s5 =	sld [smem:$0x3FAC]  }
0x2b: {  	s6 =	sld [smem:$0x3FAD]  }
0x2c: {  	s7 =	sld [smem:$0x3FAE]  }
0x2d: {  	s3 =	simm.s32 $0x108;
	s8 =	sld [smem:$0x3FAF]  }
0x2e: {  	s3 =	simm.s32 @!p0 $0x1082;
	s9 =	sld [smem:$0x3FB0]  }
0x2f: {  	lr =	sadd.s32 s0, s3;
	s0 =	sld [smem:$0x3FA7]  }
0x30: {  	s3 =	sld [smem:$0x3FAA]  }
0x31: {  	[smem:$0x3FB3] =	sst s10  }
0x32: {  	s10 =	sld [smem:$0x3FB1];
	_ =	sdelay $0x3  }
0x33: {  	p0 =	seq.s32 s10, $0x1;
	s10 =	sld [smem:$0x3FB3];
	_ =	sdelay $0x3  }
0x34: {  	[smem:$0x3FB3] =	sst s10  }
0x35: {  	s10 =	sld [smem:$0x3FB2];
	_ =	sdelay $0x3  }
0x36: {  	p1 =	seq.s32 s10, $0x1;
	s10 =	sld [smem:$0x3FB3];
	_ =	sdelay $0x3  }
0x37: {  	[smem:$0x3FB3] =	sst s10  }
0x38: {  	s10 =	sld [smem:$0x3FB4]  }
0x39: {  	_ = 	snop;
	(pc) =	sbr.ind lr, $3  }
0x3a: {  	_ = 	snop  }
0x3b: {  	_ = 	snop  }
0x3c: {  	p2 =	seq.s32 s10, $0x1;
	s10 =	sld [smem:$0x3FB3]  }
0x3d: {  	_ =	shalt  }
0x3e: {  	_ =	shalt  }
0x3f: {  	_ =	shalt  }
0x40: {  	_ =	shalt  }
0x41: {  	_ =	shalt  }
0x42: {  	_ =	shalt  }
0x43: {  	_ =	shalt  }
0x44: {  	_ =	shalt  }
0x45: {  	_ =	shalt  }
0x46: {  	_ =	shalt  }
0x47: {  	_ =	shalt  }
0x48: {  	_ =	shalt  }
0x49: {  	_ =	shalt  }
0x4a: {  	_ =	shalt  }
0x4b: {  	_ =	shalt  }
0x4c: {  	_ =	shalt  }
0x4d: {  	_ =	shalt  }
0x4e: {  	_ =	shalt  }
0x4f: {  	_ =	shalt  }
0x50: {  	_ =	shalt  }
0x51: {  	_ =	shalt  }
0x52: {  	_ =	shalt  }
0x53: {  	_ =	shalt  }
0x54: {  	_ =	shalt  }
0x55: {  	_ =	shalt  }
0x56: {  	_ =	shalt  }
0x57: {  	_ =	shalt  }
0x58: {  	_ =	shalt  }
0x59: {  	_ =	shalt  }
0x5a: {  	_ =	shalt  }
0x5b: {  	_ =	shalt  }
0x5c: {  	_ =	shalt  }
0x5d: {  	_ =	shalt  }
0x5e: {  	_ =	shalt  }
0x5f: {  	_ =	shalt  }
0x60: {  	_ =	shalt  }
0x61: {  	_ =	shalt  }
0x62: {  	_ =	shalt  }
0x63: {  	_ =	shalt  }
0x64: {  	_ =	shalt  }
0x65: {  	_ =	shalt  }
0x66: {  	_ =	shalt  }
0x67: {  	_ =	shalt  }
0x68: {  	_ =	shalt  }
0x69: {  	_ =	shalt  }
0x6a: {  	_ =	shalt  }
0x6b: {  	_ =	shalt  }
0x6c: {  	_ =	shalt  }
0x6d: {  	_ =	shalt  }
0x6e: {  	_ =	shalt  }
0x6f: {  	_ =	shalt  }
0x70: {  	_ =	shalt  }
0x71: {  	_ =	shalt  }
0x72: {  	_ =	shalt  }
0x73: {  	_ =	shalt  }
0x74: {  	_ =	shalt  }
0x75: {  	_ =	shalt  }
0x76: {  	_ =	shalt  }
0x77: {  	_ =	shalt  }
0x78: {  	_ =	shalt  }
0x79: {  	_ =	shalt  }
0x7a: {  	_ =	shalt  }
0x7b: {  	_ =	shalt  }
0x7c: {  	_ =	shalt  }
0x7d: {  	_ =	shalt  }
0x7e: {  	_ =	shalt  }
0x7f: {  	_ =	shalt  }
0x80: {  	_ =	shalt  }
0x81: {  	_ =	shalt  }
0x82: {  	_ =	shalt  }
0x83: {  	_ =	shalt  }
0x84: {  	_ =	shalt  }
0x85: {  	_ =	shalt  }
0x86: {  	_ =	shalt  }
0x87: {  	_ =	shalt  }
.Lfunc_end0:
.L_simem_size_0:
called_computation.3_lowered:
.L_overlay_start_0:
0x88: {  	s2 =	sld [smem:$0x3FD9]  }
0x89: {  	s3 =	sld [smem:$0x3FFE];
	_ =	sdelay $0x1  }
0x8a: {  	s1 =	srdreg.scid  }
0x8b: {  	s0 =	sand.u32 $0x1, s1  }
0x8c: {  	s16 =	sshll.u32 s0, $0xA;
	s2 =	sadd.s32 s3, s2  }
0x8d: {  	s2 =	sadd.s32 s2, s16  }
0x8e: {  	[smem:$0x3FBF] =	sst s2  }
0x8f: {  	_ = 	snop  }
0x90: {  	(tm) =	ssettm $0x1  }
0x91: {  	s17 =	sld [smem:$0x3FFB];
	_ =	sdelay $0x3  }
0x92: {  	_ =	strace s17  }
0x93: {  	s2 =	sld [smem:$0x3FFC];
	_ =	sdelay $0x3  }
0x94: {  	_ =	strace s2  }
0x95: {  	s2 =	sld [smem:$0x3FFD];
	_ =	sdelay $0x3  }
0x96: {  	_ =	strace s2  }
0x97: {  	_ =	strace $0x8FFFFFFF  }
0x98: {  	s18 =	sld [smem:$0x3FDB];
	_ =	sdelay $0x1  }
0x99: {  	s19 =	simm.s32 $_scs_section_size  }
0x9a: {  	s4 =	simm.s32 $_size__tile_overlayer_lowered;
	s5 =	simm.s32 $_tile_overlayer_lowered  }
0x9b: {  	s22 =	simm.s32 $0x1BFF;
	s21 =	sshll.u32 s5, $0x1;
	s2 =	sadd.s32 s19, s18  }
0x9c: {  	s6 =	simm.s32 $0x0;
	s20 =	sshll.u32 s4, $0x1;
	s4 =	sadd.s32 s21, s2  }
0x9d: {  	[timem:s6], [sflag:s22] =	dma.local [hbm:s4], s20  }
0x9e: {  	_ =	swait.ge [sflag:s22], s20  }
0x9f: {  	s3 =	ssub.s32 $0x0, s20;
	[sflag:s22] =	ssyncset.done $0x0  }
0xa0: {  	[sflag:s22] =	ssyncadd.s32 s3;
	_ =	sdelay $0x1  }
0xa1: {  	s23 =	simm.s32 $0x1B8B  }
0xa2: {  	_ =	swait.ge [sflag:s23], $0x1  }
0xa3: {  	[sflag:s23] =	ssyncset.done $0x0  }
0xa4: {  	s25 =	simm.s32 $0x1B8E;
	s24 =	sld [smem:$0x3FFE];
	[sflag:s23] =	ssyncadd.s32 $0xFFFFFFFF  }
0xa5: {  	s26 =	simm.s32 $execute0_lowered;
	[smem:$0x3FD2] =	sst s25  }
0xa6: {  	s4 =	sshll.u32 s26, $0x1;
	_ =	strace $0x8000004F;
	[dreg:$0x1] =	wrdreg $0xFFFFFFFF  }
0xa7: {  	s28 =	simm.s32 $_size_execute0_lowered;
	s2 =	sadd.s32 s2, s4;
	[dreg:$0x0] =	wrdreg $0x0  }
0xa8: {  	s4 =	sshll.u32 s28, $0x1;
	[dreg:$0x2] =	wrdreg s2  }
0xa9: {  	[dreg:$0x3] =	wrdreg s4  }
0xaa: {  	[dreg:$0x4] =	wrdreg $0xC0  }
0xab: {  	_ =	task [dreg:s6], $0x5FFFF  }
0xac: {  	[dreg:$0x1] =	wrdreg $0xFFFFFFFF  }
0xad: {  	[dreg:$0x0] =	wrdreg $0x60  }
0xae: {  	[dreg:$0x2] =	wrdreg s24  }
0xaf: {  	[dreg:$0x3] =	wrdreg $0x9  }
0xb0: {  	_ =	task.clear_ibuf [dreg:s6], $0x4FFFF;
	_ =	strace $0x9000004F  }
0xb1: {  	s29 =	simm.s32 $0x9;
	_ =	strace $0x80000051  }
0xb2: {  	_ =	swait.ge [sflag:s29], $0x1  }
0xb3: {  	[sflag:s29] =	ssyncadd.s32 $0xFFFFFFFF  }
0xb4: {  	_ =	strace $0x90000051  }
0xb5: {  	_ =	sfence  }
0xb6: {  	s30 =	sld [smem:$0x0];
	_ =	sdelay $0x2  }
0xb7: {  	s31 =	sshll.u32 s1, $0xD;
	s1 =	sshrl.u32 s1, $0x2  }
0xb8: {  	s3 =	sand.u32 $0x4000, s31;
	s1 =	sadd.s32 s1, s30  }
0xb9: {  	s0 =	sor.u32 s3, s0;
	s1 =	sshll.u32 s1, $0x11  }
0xba: {  	s0 =	sor.u32 s1, s0  }
0xbb: {  	s0 =	sadd.s32 $0x8F2B, s0  }
0xbc: {  	[sflag:s0] =	ssyncadd.remote.s32 $0x1  }
0xbd: {  	_ =	sfence.sel $0xFFFF  }
0xbe: {  	[dreg:$0x0] =	wrdreg $0xFFFFFFFF;
	(pc) =	sbr.abs _section_cstart, $3  }
0xbf: {  	[dreg:$0x1] =	wrdreg $0xFFFFFFFF  }
0xc0: {  	_ =	task.clear_ibuf [dreg:s6], $0x2FFFF;
	_ =	strace $0x9FFFFFFF  }
0xc1: {  	(tm) =	ssettm $0x7FFFFFFF  }
tec
execute0_lowered:
.L_overlay_start_1:
0x0: {  	(tag) =	ssettag $0x1  }
0x1: {  	s1 =	srdreg.scid;
	s0 =	stileid.u32  }
0x2: {  	s5 =	rddreg [dreg:$0x0];
	s2 =	simm.s32 $0x0;
	s12 =	simm.s32 $0xEB00  }
0x3: {  	s13 =	simm.s32 $0xF780;
	s14 =	simm.s32 $0x1;
	s15 =	simm.s32 $0x4E80  }
0x4: {  	s16 =	simm.s32 $0x2;
	s17 =	simm.s32 $0x7590;
	s18 =	simm.s32 $0x9CA0  }
0x5: {  	s19 =	simm.s32 $0xC3B0;
	s3 =	sand.u32 $0x1, s1;
	s4 =	sshll.u32 s0, $0x1  }
0x6: {  	s20 =	simm.s32 $0x0;
	s1 =	rddreg [dreg:$0x1];
	s4 =	sor.u32 s3, s4  }
0x7: {  	[smem:$0x7FF] =	sst s2;
	s10 =	sadd.s32 $0x2B000, s5;
	s6 =	smul.u32 $0x9C4, s4  }
0x8: {  	_ =	strace $0x80000050;
	s7 =	ssub.s32 $0x2, s3;
	s4 =	smul.u32 $0x4E20, s4  }
.Ltmp0:
0x9: {  	s3 =	sadd.s32 $0x21200, s5;
	s9 =	sshrl.u32 s7, $0x1;
	(pc) =	sbr.rel .LBB2_1-.Ltmp0, $4  }
0xa: {  	s11 =	ssub.s32 s7, s9;
	s8 =	sadd.s32 s6, s5;
	s30 =	sshrl.u32 s4, $0x3  }
0xb: {  	s5 =	sadd.s32 $0x21390, s5;
	s6 =	sadd.s32 s10, s6;
	s4 =	sadd.s32 $0x3A00, s8  }
0xc: {  	s31 =	sadd.s32 s10, s30;
	s10 =	smax.u32 s11, $0x1;
	s11 =	simm.s32 $0x3  }
0xd: {  	v0 =	vimm.f32 $0.0e+00;
	s7 =	sadd.s32 $0x13880, s31;
	s8 =	sadd.s32 $0x4E2, s31;
	s9 =	sadd.s32 $0x13D62, s31  }
.LBB2_10:
0xe: {  	[hbm4b:s6+s2] =	stream.linear.scatter [tilespmem:s15], [sflag:$0x3], $0x2710, $0x38;
	[tilespmem:$0x10400] =	vst v63  }
0xf: {  	_ =	swait.ge [sflag:s11], $0x2710  }
0x10: {  	[sflag:s11] =	ssyncset.done $0x0  }
0x11: {  	[sflag:s11] =	ssyncadd.s32 $0xFFFFD8F0  }
0x12: {  	[hbm4b:s7+s2] =	stream.linear.scatter [tilespmem:s17], [sflag:$0x3], $0x2710, $0x38;
	[tilespmem:$0x10400] =	vst v63  }
0x13: {  	_ =	swait.ge [sflag:s11], $0x2710  }
0x14: {  	[sflag:s11] =	ssyncset.done $0x0  }
0x15: {  	[sflag:s11] =	ssyncadd.s32 $0xFFFFD8F0  }
0x16: {  	[hbm4b:s8+s2] =	stream.linear.scatter [tilespmem:s18], [sflag:$0x3], $0x2710, $0x38;
	[tilespmem:$0x10400] =	vst v63  }
0x17: {  	s20 =	sadd.s32 $0x1, s20;
	_ =	swait.ge [sflag:s11], $0x2710  }
0x18: {  	p0 =	sne.s32 s20, s10;
	[sflag:s11] =	ssyncset.done $0x0  }
.Ltmp1:
0x19: {  	[sflag:s11] =	ssyncadd.s32 $0xFFFFD8F0;
	(pc) =	sbr.rel @!p0 .LBB2_11-.Ltmp1, $4  }
0x1a: {  	[hbm4b:s9+s2] =	stream.linear.scatter [tilespmem:s19], [sflag:$0x3], $0x2710, $0x38;
	[tilespmem:$0x10400] =	vst v63  }
0x1b: {  	_ =	swait.ge [sflag:s11], $0x2710  }
0x1c: {  	[sflag:s11] =	ssyncset.done $0x0  }
0x1d: {  	[sflag:s11] =	ssyncadd.s32 $0xFFFFD8F0  }
.LBB2_1:
0x1e: {  	[tilespmem:s2], [sflag:$0x3] =	stream.linear.gather [hbm4b:s4+s2], $0x4E20, $0x38;
	[tilespmem:$0x10400] =	vst v63  }
0x1f: {  	_ =	swait.ge [sflag:s11], $0x4E20  }
0x20: {  	[sflag:s11] =	ssyncset.done $0x0  }
0x21: {  	s21 =	simm.s32 $0x40;
	s22 =	simm.s32 $0x0;
	[sflag:s11] =	ssyncadd.s32 $0xFFFFB1E0  }
.LBB2_2:
0x22: {  	p0 =	sne.s32 s21, $0x270C0;
	[tilespmem:s22+$0x4E80] =	vst v0;
	s22 =	smov.u32 s21;
	s21 =	sadd.s32 $0x40, s21  }
.Ltmp2:
0x23: {  	(pc) =	sbr.rel @p0 .LBB2_2-.Ltmp2, $2  }
0x24: {  	_ =	sdelay $0x2  }
0x25: {  	s22 =	sshra.s32 s22, $0x2  }
0x26: {  	[tilespmem:s22+$0x4E80] =	vst v0;
	s21 =	simm.s32 $0x0  }
0x27: {  	[tilespmem:s12], [sflag:$0x1] =	stream.linear.gather [hbm4b:s3+s21], $0xC80, $0x38;
	[tilespmem:$0x10400] =	vst v63  }
0x28: {  	_ = 	snop  }
0x29: {  	[tilespmem:s13], [sflag:$0x2] =	stream.linear.gather [hbm4b:s5+s21], $0xC80, $0x38;
	[tilespmem:$0x10400] =	vst v63  }
.LBB2_4:
0x2a: {  	_ =	swait.ge [sflag:s14], $0xC80  }
0x2b: {  	[sflag:s14] =	ssyncset.done $0x0  }
0x2c: {  	s22 =	simm.s32 $0xEB20;
	[sflag:s14] =	ssyncadd.s32 $0xFFFFF380  }
0x2d: {  	v1 =	vld [tilespmem:s22+$0x10];
	_ =	sdelay $0x2  }
0x2e: {  	v2 =	vld [tilespmem:s22+$0xFFFFFFE0]  }
0x2f: {  	v3 =	vld [tilespmem:s22+$0xFFFFFFF0]  }
0x30: {  	v4 =	vld [tilespmem:s22+$0x0];
	v5 =	vshra.s32 v1, $0xE;
	_ =	sdelay $0x2  }
0x31: {  	v6 =	vshra.s32 v2, $0xE  }
0x32: {  	v7 =	vshra.s32 v3, $0xE  }
0x33: {  	v8 =	vshra.s32 v4, $0xE;
	v9 =	vld.idx.msk [tilespmem:v5+s2+$0x0], $0xffff  }
0x34: {  	v1 =	vand.u32 $0x3FFF, v1  }
0x35: {  	v10 =	vadd.s32 $0x2710, v1  }
0x36: {  	v11 =	vld.idx.msk [tilespmem:v6+s2+$0x0], $0xffff  }
0x37: {  	v5 =	vadd.s32 $0x2710, v5;
	v12 =	vld.idx.msk [tilespmem:v7+s2+$0x0], $0xffff  }
0x38: {  	v2 =	vand.u32 $0x3FFF, v2;
	v14 =	vld.idx.msk [tilespmem:v8+s2+$0x0], $0xffff;
	v15 =	vand.u32 $0xFFFF0000, v9  }
0x39: {  	v13 =	vadd.s32 $0x2710, v2;
	v9 =	vshll.u32 v9, $0x10;
	[tilespmem:v1+s15+$0x0] =	vst.idx.add.f32.msk $0xffff, v15  }
0x3a: {  	s31 =	simm.s32 $0xEB60;
	v3 =	vand.u32 $0x3FFF, v3;
	[tilespmem:v10+s15+$0x0] =	vst.idx.add.f32.msk $0xffff, v9  }
0x3b: {  	v15 =	vadd.s32 $0x2710, v3;
	v9 =	vand.u32 $0xFFFF0000, v11;
	v10 =	vshll.u32 v11, $0x10;
	v11 =	vld [tilespmem:s31+$0x10]  }
0x3c: {  	v4 =	vand.u32 $0x3FFF, v4;
	v5 =	vld.idx.msk [tilespmem:v5+s2+$0x0], $0xffff  }
0x3d: {  	[tilespmem:v2+s15+$0x0] =	vst.idx.add.f32.msk $0xffff, v9  }
0x3e: {  	v9 =	vand.u32 $0xFFFF0000, v12;
	[tilespmem:v13+s15+$0x0] =	vst.idx.add.f32.msk $0xffff, v10  }
0x3f: {  	v10 =	vshll.u32 v12, $0x10;
	[tilespmem:v3+s15+$0x0] =	vst.idx.add.f32.msk $0xffff, v9  }
0x40: {  	v9 =	vand.u32 $0xFFFF0000, v14;
	[tilespmem:v15+s15+$0x0] =	vst.idx.add.f32.msk $0xffff, v10;
	v10 =	vadd.s32 $0x2710, v4  }
0x41: {  	[tilespmem:v4+s15+$0x0] =	vst.idx.add.f32.msk $0xffff, v9;
	v9 =	vadd.s32 $0x4E20, v1  }
0x42: {  	v7 =	vadd.s32 $0x2710, v7;
	v15 =	vld [tilespmem:s31+$0xFFFFFFE0]  }
0x43: {  	v12 =	vld [tilespmem:s31+$0xFFFFFFF0];
	v1 =	vadd.s32 $0x7530, v1  }
0x44: {  	v6 =	vadd.s32 $0x2710, v6;
	v13 =	vld [tilespmem:s31+$0x0];
	v14 =	vshll.u32 v14, $0x10  }
0x45: {  	v8 =	vadd.s32 $0x2710, v8;
	[tilespmem:v10+s15+$0x0] =	vst.idx.add.f32.msk $0xffff, v14;
	v10 =	vand.u32 $0xFFFF0000, v5  }
0x46: {  	[tilespmem:v9+s15+$0x0] =	vst.idx.add.f32.msk $0xffff, v10;
	v9 =	vshra.s32 v11, $0xE  }
0x47: {  	v5 =	vshll.u32 v5, $0x10;
	v10 =	vld.idx.msk [tilespmem:v7+s2+$0x0], $0xffff;
	v7 =	vshra.s32 v15, $0xE  }
0x48: {  	[tilespmem:v1+s15+$0x0] =	vst.idx.add.f32.msk $0xffff, v5;
	v5 =	vshra.s32 v12, $0xE  }
0x49: {  	v1 =	vld.idx.msk [tilespmem:v6+s2+$0x0], $0xffff;
	v6 =	vshra.s32 v13, $0xE  }
0x4a: {  	v14 =	vadd.s32 $0x4E20, v2;
	v16 =	vld.idx.msk [tilespmem:v8+s2+$0x0], $0xffff  }
0x4b: {  	v2 =	vadd.s32 $0x7530, v2;
	v8 =	vld.idx.msk [tilespmem:v9+s2+$0x0], $0xffff  }
0x4c: {  	v17 =	vadd.s32 $0x4E20, v3;
	v21 =	vld.idx.msk [tilespmem:v7+s2+$0x0], $0xffff  }
0x4d: {  	v11 =	vand.u32 $0x3FFF, v11;
	v18 =	vld.idx.msk [tilespmem:v5+s2+$0x0], $0xffff  }
0x4e: {  	v22 =	vadd.s32 $0x2710, v11;
	v19 =	vld.idx.msk [tilespmem:v6+s2+$0x0], $0xffff;
	v20 =	vand.u32 $0xFFFF0000, v1  }
0x4f: {  	v1 =	vshll.u32 v1, $0x10;
	[tilespmem:v14+s15+$0x0] =	vst.idx.add.f32.msk $0xffff, v20;
	v14 =	vand.u32 $0x3FFF, v15  }
0x50: {  	v9 =	vadd.s32 $0x2710, v9;
	v15 =	vand.u32 $0xFFFF0000, v10;
	[tilespmem:v2+s15+$0x0] =	vst.idx.add.f32.msk $0xffff, v1  }
0x51: {  	v60 =	vadd.s32 $0x2710, v14;
	[tilespmem:v17+s15+$0x0] =	vst.idx.add.f32.msk $0xffff, v15;
	v1 =	vand.u32 $0xFFFF0000, v8  }
0x52: {  	v15 =	vand.u32 $0x3FFF, v12;
	v2 =	vshll.u32 v8, $0x10;
	[tilespmem:v11+s15+$0x0] =	vst.idx.add.f32.msk $0xffff, v1  }
0x53: {  	v12 =	vadd.s32 $0x2710, v15;
	v1 =	vadd.s32 $0x7530, v3;
	v3 =	vand.u32 $0xFFFF0000, v21;
	[tilespmem:v22+s15+$0x0] =	vst.idx.add.f32.msk $0xffff, v2  }
0x54: {  	v13 =	vand.u32 $0x3FFF, v13;
	[tilespmem:v14+s15+$0x0] =	vst.idx.add.f32.msk $0xffff, v3  }
0x55: {  	v62 =	vadd.s32 $0x4E20, v11;
	v61 =	vadd.s32 $0x2710, v13;
	v8 =	vshll.u32 v21, $0x10;
	v17 =	vld.idx.msk [tilespmem:v9+s2+$0x0], $0xffff  }
0x56: {  	v2 =	vadd.s32 $0x4E20, v4;
	v3 =	vadd.s32 $0x7530, v4;
	v4 =	vand.u32 $0xFFFF0000, v18;
	[tilespmem:v60+s15+$0x0] =	vst.idx.add.f32.msk $0xffff, v8  }
0x57: {  	v63 =	vadd.s32 $0x7530, v11;
	v7 =	vadd.s32 $0x2710, v7;
	v18 =	vshll.u32 v18, $0x10;
	[tilespmem:v15+s15+$0x0] =	vst.idx.add.f32.msk $0xffff, v4  }
0x58: {  	v11 =	vshll.u32 v10, $0x10;
	v8 =	vadd.s32 $0x2710, v5;
	v5 =	vand.u32 $0xFFFF0000, v19;
	[tilespmem:v12+s15+$0x0] =	vst.idx.add.f32.msk $0xffff, v18  }
0x59: {  	v10 =	vshll.u32 v16, $0x10;
	v9 =	vadd.s32 $0x2710, v6;
	v6 =	vshll.u32 v19, $0x10;
	[tilespmem:v13+s15+$0x0] =	vst.idx.add.f32.msk $0xffff, v5  }
0x5a: {  	v4 =	vadd.s32 $0x4E20, v14;
	v12 =	vand.u32 $0xFFFF0000, v16;
	[tilespmem:v61+s15+$0x0] =	vst.idx.add.f32.msk $0xffff, v6;
	v16 =	vand.u32 $0xFFFF0000, v17  }
0x5b: {  	v5 =	vadd.s32 $0x4E20, v15;
	v15 =	vadd.s32 $0x7530, v15;
	v17 =	vshll.u32 v17, $0x10;
	[tilespmem:v62+s15+$0x0] =	vst.idx.add.f32.msk $0xffff, v16  }
0x5c: {  	s23 =	simm.s32 $0xEBA0;
	s22 =	simm.s32 $0x4;
	v6 =	vadd.s32 $0x7530, v14;
	v14 =	vadd.s32 $0x4E20, v13;
	v13 =	vadd.s32 $0x7530, v13;
	[tilespmem:v63+s15+$0x0] =	vst.idx.add.f32.msk $0xffff, v17  }
.LBB2_5:
0x5d: {  	v16 =	vld [tilespmem:s23+$0x10]  }
0x5e: {  	v17 =	vld [tilespmem:s23+$0xFFFFFFF0]  }
0x5f: {  	s22 =	sadd.s32 $0x4, s22;
	v18 =	vld [tilespmem:s23+$0x0]  }
0x60: {  	p0 =	slt.u32 s22, $0xC4;
	v19 =	vld [tilespmem:s23+$0xFFFFFFE0]  }
0x61: {  	v20 =	vld.idx.msk [tilespmem:v7+s2+$0x0], $0xffff  }
0x62: {  	v21 =	vshra.s32 v16, $0xE;
	v22 =	vld.idx.msk [tilespmem:v8+s2+$0x0], $0xffff  }
0x63: {  	v23 =	vshra.s32 v17, $0xE;
	v17 =	vand.u32 $0x3FFF, v17;
	v24 =	vld.idx.msk [tilespmem:v9+s2+$0x0], $0xffff  }
0x64: {  	v25 =	vadd.s32 $0x2710, v17;
	v26 =	vshra.s32 v18, $0xE;
	v18 =	vand.u32 $0x3FFF, v18;
	[tilespmem:v1+s15+$0x0] =	vst.idx.add.f32.msk $0xffff, v11;
	v1 =	vmovc v15  }
0x65: {  	v15 =	vshra.s32 v19, $0xE;
	v19 =	vand.u32 $0x3FFF, v19;
	v27 =	vadd.s32 $0x2710, v18;
	[tilespmem:v2+s15+$0x0] =	vst.idx.add.f32.msk $0xffff, v12;
	v2 =	vmovc v14  }
0x66: {  	v8 =	vadd.s32 $0x2710, v23;
	v28 =	vadd.s32 $0x2710, v19;
	v7 =	vadd.s32 $0x2710, v15;
	[tilespmem:v3+s15+$0x0] =	vst.idx.add.f32.msk $0xffff, v10;
	v3 =	vmovc v13  }
0x67: {  	v9 =	vadd.s32 $0x2710, v26;
	v13 =	vand.u32 $0xFFFF0000, v20;
	v20 =	vshll.u32 v20, $0x10;
	v29 =	vld.idx.msk [tilespmem:v21+s2+$0x0], $0xffff  }
0x68: {  	v30 =	vadd.s32 $0x4E20, v19;
	v31 =	vand.u32 $0xFFFF0000, v22;
	v11 =	vshll.u32 v22, $0x10;
	v23 =	vld.idx.msk [tilespmem:v23+s2+$0x0], $0xffff  }
0x69: {  	v16 =	vand.u32 $0x3FFF, v16;
	v12 =	vand.u32 $0xFFFF0000, v24;
	v10 =	vshll.u32 v24, $0x10;
	v22 =	vld.idx.msk [tilespmem:v26+s2+$0x0], $0xffff  }
0x6a: {  	v33 =	vadd.s32 $0x2710, v16;
	v32 =	vadd.s32 $0x4E20, v17;
	v26 =	vadd.s32 $0x7530, v19;
	v24 =	vld.idx.msk [tilespmem:v15+s2+$0x0], $0xffff  }
0x6b: {  	v14 =	vadd.s32 $0x4E20, v18;
	v21 =	vadd.s32 $0x2710, v21;
	v15 =	vadd.s32 $0x7530, v17;
	[tilespmem:v4+s15+$0x0] =	vst.idx.add.f32.msk $0xffff, v13;
	v4 =	vmovc v30  }
0x6c: {  	v13 =	vadd.s32 $0x7530, v18;
	[tilespmem:v6+s15+$0x0] =	vst.idx.add.f32.msk $0xffff, v20;
	v6 =	vmov v26  }
0x6d: {  	v20 =	vand.u32 $0xFFFF0000, v29;
	[tilespmem:v5+s15+$0x0] =	vst.idx.add.f32.msk $0xffff, v31;
	v5 =	vmov v32  }
0x6e: {  	v29 =	vshll.u32 v29, $0x10;
	v26 =	vand.u32 $0xFFFF0000, v23;
	v23 =	vshll.u32 v23, $0x10;
	[tilespmem:v16+s15+$0x0] =	vst.idx.add.f32.msk $0xffff, v20  }
0x6f: {  	v20 =	vand.u32 $0xFFFF0000, v22;
	v22 =	vshll.u32 v22, $0x10;
	[tilespmem:v33+s15+$0x0] =	vst.idx.add.f32.msk $0xffff, v29  }
0x70: {  	v29 =	vand.u32 $0xFFFF0000, v24;
	v24 =	vshll.u32 v24, $0x10;
	v21 =	vld.idx.msk [tilespmem:v21+s2+$0x0], $0xffff  }
0x71: {  	[tilespmem:v19+s15+$0x0] =	vst.idx.add.f32.msk $0xffff, v29  }
0x72: {  	v19 =	vadd.s32 $0x4E20, v16;
	[tilespmem:v28+s15+$0x0] =	vst.idx.add.f32.msk $0xffff, v24  }
0x73: {  	v16 =	vadd.s32 $0x7530, v16;
	[tilespmem:v17+s15+$0x0] =	vst.idx.add.f32.msk $0xffff, v26  }
.Ltmp3:
0x74: {  	[tilespmem:v25+s15+$0x0] =	vst.idx.add.f32.msk $0xffff, v23;
	(pc) =	sbr.rel @p0 .LBB2_5-.Ltmp3, $4  }
0x75: {  	[tilespmem:v18+s15+$0x0] =	vst.idx.add.f32.msk $0xffff, v20  }
0x76: {  	v17 =	vand.u32 $0xFFFF0000, v21;
	[tilespmem:v27+s15+$0x0] =	vst.idx.add.f32.msk $0xffff, v22  }
0x77: {  	v18 =	vshll.u32 v21, $0x10;
	[tilespmem:v19+s15+$0x0] =	vst.idx.add.f32.msk $0xffff, v17  }
0x78: {  	s23 =	sadd.s32 $0x40, s23;
	[tilespmem:v16+s15+$0x0] =	vst.idx.add.f32.msk $0xffff, v18  }
0x79: {  	_ =	sdelay $0x3  }
0x7a: {  	v7 =	vld.idx.msk [tilespmem:v7+s2+$0x0], $0xffff  }
0x7b: {  	v8 =	vld.idx.msk [tilespmem:v8+s2+$0x0], $0xffff  }
0x7c: {  	v9 =	vld.idx.msk [tilespmem:v9+s2+$0x0], $0xffff  }
0x7d: {  	[tilespmem:v1+s15+$0x0] =	vst.idx.add.f32.msk $0xffff, v11  }
0x7e: {  	[tilespmem:v2+s15+$0x0] =	vst.idx.add.f32.msk $0xffff, v12  }
0x7f: {  	[tilespmem:v3+s15+$0x0] =	vst.idx.add.f32.msk $0xffff, v10;
	v1 =	vand.u32 $0xFFFF0000, v7  }
0x80: {  	p0 =	seq.s32 s21, $0x31;
	v2 =	vshll.u32 v7, $0x10;
	[tilespmem:v4+s15+$0x0] =	vst.idx.add.f32.msk $0xffff, v1  }
0x81: {  	s22 =	smul.u32 @!p0 $0x1900, s21;
	v1 =	vand.u32 $0xFFFF0000, v8;
	[tilespmem:v6+s15+$0x0] =	vst.idx.add.f32.msk $0xffff, v2  }
0x82: {  	v2 =	vshll.u32 v8, $0x10;
	[tilespmem:v5+s15+$0x0] =	vst.idx.add.f32.msk $0xffff, v1  }
0x83: {  	s22 =	sshrl.u32 @!p0 s22, $0x3;
	v1 =	vand.u32 $0xFFFF0000, v9;
	[tilespmem:v15+s15+$0x0] =	vst.idx.add.f32.msk $0xffff, v2  }
0x84: {  	s22 =	sadd.s32 @!p0 s3, s22;
	v2 =	vshll.u32 v9, $0x10;
	[tilespmem:v14+s15+$0x0] =	vst.idx.add.f32.msk $0xffff, v1  }
0x85: {  	s23 =	simm.s32 @!p0 $0x0;
	s24 =	simm.s32 @!p0 $0xEB00;
	s22 =	sadd.s32 @!p0 $0x320, s22;
	[tilespmem:v13+s15+$0x0] =	vst.idx.add.f32.msk $0xffff, v2  }
0x86: {  	[tilespmem:s24], [sflag:$0x1] =	stream.linear.gather @!p0 [hbm4b:s22+s23], $0xC80, $0x38;
	[tilespmem:$0x10400] =	vst v63  }
0x87: {  	_ =	swait.ge [sflag:s16], $0xC80  }
0x88: {  	[sflag:s16] =	ssyncset.done $0x0  }
0x89: {  	s30 =	simm.s32 $0xF7A0;
	[sflag:s16] =	ssyncadd.s32 $0xFFFFF380  }
0x8a: {  	v1 =	vld [tilespmem:s30+$0x10];
	_ =	sdelay $0x2  }
0x8b: {  	v2 =	vld [tilespmem:s30+$0xFFFFFFE0]  }
0x8c: {  	v3 =	vld [tilespmem:s30+$0xFFFFFFF0]  }
0x8d: {  	v4 =	vld [tilespmem:s30+$0x0];
	v5 =	vshra.s32 v1, $0xE;
	_ =	sdelay $0x2  }
0x8e: {  	v6 =	vshra.s32 v2, $0xE  }
0x8f: {  	v7 =	vshra.s32 v3, $0xE  }
0x90: {  	v8 =	vshra.s32 v4, $0xE;
	v9 =	vld.idx.msk [tilespmem:v5+s2+$0x0], $0xffff  }
0x91: {  	v1 =	vand.u32 $0x3FFF, v1  }
0x92: {  	v10 =	vadd.s32 $0x2710, v1  }
0x93: {  	v11 =	vld.idx.msk [tilespmem:v6+s2+$0x0], $0xffff  }
0x94: {  	v5 =	vadd.s32 $0x2710, v5;
	v12 =	vld.idx.msk [tilespmem:v7+s2+$0x0], $0xffff  }
0x95: {  	v2 =	vand.u32 $0x3FFF, v2;
	v14 =	vld.idx.msk [tilespmem:v8+s2+$0x0], $0xffff;
	v15 =	vand.u32 $0xFFFF0000, v9  }
0x96: {  	v13 =	vadd.s32 $0x2710, v2;
	v9 =	vshll.u32 v9, $0x10;
	[tilespmem:v1+s15+$0x0] =	vst.idx.add.f32.msk $0xffff, v15  }
0x97: {  	s31 =	simm.s32 $0xF7E0;
	v3 =	vand.u32 $0x3FFF, v3;
	[tilespmem:v10+s15+$0x0] =	vst.idx.add.f32.msk $0xffff, v9  }
0x98: {  	v15 =	vadd.s32 $0x2710, v3;
	v9 =	vand.u32 $0xFFFF0000, v11;
	v10 =	vshll.u32 v11, $0x10;
	v11 =	vld [tilespmem:s31+$0x10]  }
0x99: {  	v4 =	vand.u32 $0x3FFF, v4;
	v5 =	vld.idx.msk [tilespmem:v5+s2+$0x0], $0xffff  }
0x9a: {  	[tilespmem:v2+s15+$0x0] =	vst.idx.add.f32.msk $0xffff, v9  }
0x9b: {  	v9 =	vand.u32 $0xFFFF0000, v12;
	[tilespmem:v13+s15+$0x0] =	vst.idx.add.f32.msk $0xffff, v10  }
0x9c: {  	v10 =	vshll.u32 v12, $0x10;
	[tilespmem:v3+s15+$0x0] =	vst.idx.add.f32.msk $0xffff, v9  }
0x9d: {  	v9 =	vand.u32 $0xFFFF0000, v14;
	[tilespmem:v15+s15+$0x0] =	vst.idx.add.f32.msk $0xffff, v10;
	v10 =	vadd.s32 $0x2710, v4  }
0x9e: {  	[tilespmem:v4+s15+$0x0] =	vst.idx.add.f32.msk $0xffff, v9;
	v9 =	vadd.s32 $0x4E20, v1  }
0x9f: {  	v7 =	vadd.s32 $0x2710, v7;
	v15 =	vld [tilespmem:s31+$0xFFFFFFE0]  }
0xa0: {  	v12 =	vld [tilespmem:s31+$0xFFFFFFF0];
	v1 =	vadd.s32 $0x7530, v1  }
0xa1: {  	v6 =	vadd.s32 $0x2710, v6;
	v13 =	vld [tilespmem:s31+$0x0];
	v14 =	vshll.u32 v14, $0x10  }
0xa2: {  	v8 =	vadd.s32 $0x2710, v8;
	[tilespmem:v10+s15+$0x0] =	vst.idx.add.f32.msk $0xffff, v14;
	v10 =	vand.u32 $0xFFFF0000, v5  }
0xa3: {  	[tilespmem:v9+s15+$0x0] =	vst.idx.add.f32.msk $0xffff, v10;
	v9 =	vshra.s32 v11, $0xE  }
0xa4: {  	v5 =	vshll.u32 v5, $0x10;
	v10 =	vld.idx.msk [tilespmem:v7+s2+$0x0], $0xffff;
	v7 =	vshra.s32 v15, $0xE  }
0xa5: {  	[tilespmem:v1+s15+$0x0] =	vst.idx.add.f32.msk $0xffff, v5;
	v5 =	vshra.s32 v12, $0xE  }
0xa6: {  	v1 =	vld.idx.msk [tilespmem:v6+s2+$0x0], $0xffff;
	v6 =	vshra.s32 v13, $0xE  }
0xa7: {  	v14 =	vadd.s32 $0x4E20, v2;
	v16 =	vld.idx.msk [tilespmem:v8+s2+$0x0], $0xffff  }
0xa8: {  	v2 =	vadd.s32 $0x7530, v2;
	v8 =	vld.idx.msk [tilespmem:v9+s2+$0x0], $0xffff  }
0xa9: {  	v17 =	vadd.s32 $0x4E20, v3;
	v21 =	vld.idx.msk [tilespmem:v7+s2+$0x0], $0xffff  }
0xaa: {  	v11 =	vand.u32 $0x3FFF, v11;
	v18 =	vld.idx.msk [tilespmem:v5+s2+$0x0], $0xffff  }
0xab: {  	v22 =	vadd.s32 $0x2710, v11;
	v19 =	vld.idx.msk [tilespmem:v6+s2+$0x0], $0xffff;
	v20 =	vand.u32 $0xFFFF0000, v1  }
0xac: {  	v1 =	vshll.u32 v1, $0x10;
	[tilespmem:v14+s15+$0x0] =	vst.idx.add.f32.msk $0xffff, v20;
	v14 =	vand.u32 $0x3FFF, v15  }
0xad: {  	v9 =	vadd.s32 $0x2710, v9;
	v15 =	vand.u32 $0xFFFF0000, v10;
	[tilespmem:v2+s15+$0x0] =	vst.idx.add.f32.msk $0xffff, v1  }
0xae: {  	v60 =	vadd.s32 $0x2710, v14;
	[tilespmem:v17+s15+$0x0] =	vst.idx.add.f32.msk $0xffff, v15;
	v1 =	vand.u32 $0xFFFF0000, v8  }
0xaf: {  	v15 =	vand.u32 $0x3FFF, v12;
	v2 =	vshll.u32 v8, $0x10;
	[tilespmem:v11+s15+$0x0] =	vst.idx.add.f32.msk $0xffff, v1  }
0xb0: {  	v12 =	vadd.s32 $0x2710, v15;
	v1 =	vadd.s32 $0x7530, v3;
	v3 =	vand.u32 $0xFFFF0000, v21;
	[tilespmem:v22+s15+$0x0] =	vst.idx.add.f32.msk $0xffff, v2  }
0xb1: {  	v13 =	vand.u32 $0x3FFF, v13;
	[tilespmem:v14+s15+$0x0] =	vst.idx.add.f32.msk $0xffff, v3  }
0xb2: {  	v62 =	vadd.s32 $0x4E20, v11;
	v61 =	vadd.s32 $0x2710, v13;
	v8 =	vshll.u32 v21, $0x10;
	v17 =	vld.idx.msk [tilespmem:v9+s2+$0x0], $0xffff  }
0xb3: {  	v2 =	vadd.s32 $0x4E20, v4;
	v3 =	vadd.s32 $0x7530, v4;
	v4 =	vand.u32 $0xFFFF0000, v18;
	[tilespmem:v60+s15+$0x0] =	vst.idx.add.f32.msk $0xffff, v8  }
0xb4: {  	v63 =	vadd.s32 $0x7530, v11;
	v7 =	vadd.s32 $0x2710, v7;
	v18 =	vshll.u32 v18, $0x10;
	[tilespmem:v15+s15+$0x0] =	vst.idx.add.f32.msk $0xffff, v4  }
0xb5: {  	v11 =	vshll.u32 v10, $0x10;
	v8 =	vadd.s32 $0x2710, v5;
	v5 =	vand.u32 $0xFFFF0000, v19;
	[tilespmem:v12+s15+$0x0] =	vst.idx.add.f32.msk $0xffff, v18  }
0xb6: {  	v10 =	vshll.u32 v16, $0x10;
	v9 =	vadd.s32 $0x2710, v6;
	v6 =	vshll.u32 v19, $0x10;
	[tilespmem:v13+s15+$0x0] =	vst.idx.add.f32.msk $0xffff, v5  }
0xb7: {  	v4 =	vadd.s32 $0x4E20, v14;
	v12 =	vand.u32 $0xFFFF0000, v16;
	[tilespmem:v61+s15+$0x0] =	vst.idx.add.f32.msk $0xffff, v6;
	v16 =	vand.u32 $0xFFFF0000, v17  }
0xb8: {  	v5 =	vadd.s32 $0x4E20, v15;
	v15 =	vadd.s32 $0x7530, v15;
	v17 =	vshll.u32 v17, $0x10;
	[tilespmem:v62+s15+$0x0] =	vst.idx.add.f32.msk $0xffff, v16  }
0xb9: {  	s22 =	simm.s32 $0x4;
	s23 =	simm.s32 $0xF820;
	v6 =	vadd.s32 $0x7530, v14;
	v14 =	vadd.s32 $0x4E20, v13;
	v13 =	vadd.s32 $0x7530, v13;
	[tilespmem:v63+s15+$0x0] =	vst.idx.add.f32.msk $0xffff, v17  }
.LBB2_7:
0xba: {  	v16 =	vld [tilespmem:s23+$0x10]  }
0xbb: {  	v17 =	vld [tilespmem:s23+$0xFFFFFFF0]  }
0xbc: {  	s22 =	sadd.s32 $0x4, s22;
	v18 =	vld [tilespmem:s23+$0x0]  }
0xbd: {  	p1 =	slt.u32 s22, $0xC4;
	v19 =	vld [tilespmem:s23+$0xFFFFFFE0]  }
0xbe: {  	v20 =	vld.idx.msk [tilespmem:v7+s2+$0x0], $0xffff  }
0xbf: {  	v21 =	vshra.s32 v16, $0xE;
	v22 =	vld.idx.msk [tilespmem:v8+s2+$0x0], $0xffff  }
0xc0: {  	v23 =	vshra.s32 v17, $0xE;
	v17 =	vand.u32 $0x3FFF, v17;
	v24 =	vld.idx.msk [tilespmem:v9+s2+$0x0], $0xffff  }
0xc1: {  	v25 =	vadd.s32 $0x2710, v17;
	v26 =	vshra.s32 v18, $0xE;
	v18 =	vand.u32 $0x3FFF, v18;
	[tilespmem:v1+s15+$0x0] =	vst.idx.add.f32.msk $0xffff, v11;
	v1 =	vmovc v15  }
0xc2: {  	v15 =	vshra.s32 v19, $0xE;
	v19 =	vand.u32 $0x3FFF, v19;
	v27 =	vadd.s32 $0x2710, v18;
	[tilespmem:v2+s15+$0x0] =	vst.idx.add.f32.msk $0xffff, v12;
	v2 =	vmovc v14  }
0xc3: {  	v8 =	vadd.s32 $0x2710, v23;
	v28 =	vadd.s32 $0x2710, v19;
	v7 =	vadd.s32 $0x2710, v15;
	[tilespmem:v3+s15+$0x0] =	vst.idx.add.f32.msk $0xffff, v10;
	v3 =	vmovc v13  }
0xc4: {  	v9 =	vadd.s32 $0x2710, v26;
	v13 =	vand.u32 $0xFFFF0000, v20;
	v20 =	vshll.u32 v20, $0x10;
	v29 =	vld.idx.msk [tilespmem:v21+s2+$0x0], $0xffff  }
0xc5: {  	v30 =	vadd.s32 $0x4E20, v19;
	v31 =	vand.u32 $0xFFFF0000, v22;
	v11 =	vshll.u32 v22, $0x10;
	v23 =	vld.idx.msk [tilespmem:v23+s2+$0x0], $0xffff  }
0xc6: {  	v16 =	vand.u32 $0x3FFF, v16;
	v12 =	vand.u32 $0xFFFF0000, v24;
	v10 =	vshll.u32 v24, $0x10;
	v22 =	vld.idx.msk [tilespmem:v26+s2+$0x0], $0xffff  }
0xc7: {  	v33 =	vadd.s32 $0x2710, v16;
	v32 =	vadd.s32 $0x4E20, v17;
	v26 =	vadd.s32 $0x7530, v19;
	v24 =	vld.idx.msk [tilespmem:v15+s2+$0x0], $0xffff  }
0xc8: {  	v14 =	vadd.s32 $0x4E20, v18;
	v21 =	vadd.s32 $0x2710, v21;
	v15 =	vadd.s32 $0x7530, v17;
	[tilespmem:v4+s15+$0x0] =	vst.idx.add.f32.msk $0xffff, v13;
	v4 =	vmovc v30  }
0xc9: {  	v13 =	vadd.s32 $0x7530, v18;
	[tilespmem:v6+s15+$0x0] =	vst.idx.add.f32.msk $0xffff, v20;
	v6 =	vmov v26  }
0xca: {  	v20 =	vand.u32 $0xFFFF0000, v29;
	[tilespmem:v5+s15+$0x0] =	vst.idx.add.f32.msk $0xffff, v31;
	v5 =	vmov v32  }
0xcb: {  	v29 =	vshll.u32 v29, $0x10;
	v26 =	vand.u32 $0xFFFF0000, v23;
	v23 =	vshll.u32 v23, $0x10;
	[tilespmem:v16+s15+$0x0] =	vst.idx.add.f32.msk $0xffff, v20  }
0xcc: {  	v20 =	vand.u32 $0xFFFF0000, v22;
	v22 =	vshll.u32 v22, $0x10;
	[tilespmem:v33+s15+$0x0] =	vst.idx.add.f32.msk $0xffff, v29  }
0xcd: {  	v29 =	vand.u32 $0xFFFF0000, v24;
	v24 =	vshll.u32 v24, $0x10;
	v21 =	vld.idx.msk [tilespmem:v21+s2+$0x0], $0xffff  }
0xce: {  	[tilespmem:v19+s15+$0x0] =	vst.idx.add.f32.msk $0xffff, v29  }
0xcf: {  	v19 =	vadd.s32 $0x4E20, v16;
	[tilespmem:v28+s15+$0x0] =	vst.idx.add.f32.msk $0xffff, v24  }
0xd0: {  	v16 =	vadd.s32 $0x7530, v16;
	[tilespmem:v17+s15+$0x0] =	vst.idx.add.f32.msk $0xffff, v26  }
.Ltmp4:
0xd1: {  	[tilespmem:v25+s15+$0x0] =	vst.idx.add.f32.msk $0xffff, v23;
	(pc) =	sbr.rel @p1 .LBB2_7-.Ltmp4, $4  }
0xd2: {  	[tilespmem:v18+s15+$0x0] =	vst.idx.add.f32.msk $0xffff, v20  }
0xd3: {  	v17 =	vand.u32 $0xFFFF0000, v21;
	[tilespmem:v27+s15+$0x0] =	vst.idx.add.f32.msk $0xffff, v22  }
0xd4: {  	v18 =	vshll.u32 v21, $0x10;
	[tilespmem:v19+s15+$0x0] =	vst.idx.add.f32.msk $0xffff, v17  }
0xd5: {  	s23 =	sadd.s32 $0x40, s23;
	[tilespmem:v16+s15+$0x0] =	vst.idx.add.f32.msk $0xffff, v18  }
0xd6: {  	_ =	sdelay $0x3  }
0xd7: {  	v7 =	vld.idx.msk [tilespmem:v7+s2+$0x0], $0xffff  }
0xd8: {  	v8 =	vld.idx.msk [tilespmem:v8+s2+$0x0], $0xffff  }
0xd9: {  	v9 =	vld.idx.msk [tilespmem:v9+s2+$0x0], $0xffff  }
0xda: {  	[tilespmem:v1+s15+$0x0] =	vst.idx.add.f32.msk $0xffff, v11  }
0xdb: {  	[tilespmem:v2+s15+$0x0] =	vst.idx.add.f32.msk $0xffff, v12  }
0xdc: {  	[tilespmem:v3+s15+$0x0] =	vst.idx.add.f32.msk $0xffff, v10;
	v1 =	vand.u32 $0xFFFF0000, v7  }
0xdd: {  	v2 =	vshll.u32 v7, $0x10;
	[tilespmem:v4+s15+$0x0] =	vst.idx.add.f32.msk $0xffff, v1  }
.Ltmp5:
0xde: {  	v1 =	vand.u32 $0xFFFF0000, v8;
	[tilespmem:v6+s15+$0x0] =	vst.idx.add.f32.msk $0xffff, v2;
	(pc) =	sbr.rel @p0 .LBB2_10-.Ltmp5, $4  }
0xdf: {  	v2 =	vshll.u32 v8, $0x10;
	[tilespmem:v5+s15+$0x0] =	vst.idx.add.f32.msk $0xffff, v1  }
0xe0: {  	v1 =	vand.u32 $0xFFFF0000, v9;
	[tilespmem:v15+s15+$0x0] =	vst.idx.add.f32.msk $0xffff, v2  }
0xe1: {  	v2 =	vshll.u32 v9, $0x10;
	[tilespmem:v14+s15+$0x0] =	vst.idx.add.f32.msk $0xffff, v1  }
0xe2: {  	[tilespmem:v13+s15+$0x0] =	vst.idx.add.f32.msk $0xffff, v2  }
0xe3: {  	s22 =	smul.u32 $0x1900, s21  }
.Ltmp6:
0xe4: {  	_ = 	snop;
	(pc) =	sbr.rel .LBB2_4-.Ltmp6, $4  }
0xe5: {  	s22 =	sshrl.u32 s22, $0x3  }
0xe6: {  	s22 =	sadd.s32 s3, s22  }
0xe7: {  	s21 =	sadd.s32 $0x1, s21;
	s22 =	sadd.s32 $0x4B0, s22  }
0xe8: {  	[tilespmem:s13], [sflag:$0x2] =	stream.linear.gather [hbm4b:s22+s2], $0xC80, $0x38;
	[tilespmem:$0x10400] =	vst v63  }
.LBB2_11:
0xe9: {  	_ =	sfence.sel $0x180000  }
0xea: {  	[bflag:$0x0] =	sbarrier.arrive $0xFFFF  }
0xeb: {  	p0 =	sne.s32 s0, $0x0;
	_ =	strace $0x90000050  }
0xec: {  	s0 =	sadd.s32 @!p0 $0x100000, s1;
	[bflag:$0x2] =	sbarrier.arrive $0xFFFF  }
0xed: {  	[sflag:s0] =	ssyncadd.tile.s32 @!p0 $0x1;
	_ =	shalt  }
.Lfunc_end2:
_tile_overlayer_lowered:
.L_overlay_start_2:
0xee: {  	(tag) =	ssettag $0x2  }
0xef: {  	s0 =	rddreg [dreg:$0x0];
	s2 =	stileid.u32  }
0xf0: {  	s1 =	rddreg [dreg:$0x1];
	p0 =	sne.s32 s2, $0x0  }
0xf1: {  	s3 =	rddreg [dreg:$0x2];
	[bflag:$0x3] =	sbarrier.arrive $0xFFFF;
	s2 =	simm.s32 @!p0 $0x1C03  }
0xf2: {  	[timem:s3], [sflag:s2] =	dma.local @!p0 [hbm:s0], s1  }
0xf3: {  	s0 =	simm.s32 @!p0 $0x3  }
0xf4: {  	_ =	swait.ge @!p0 [sflag:s0], s1  }
0xf5: {  	s1 =	ssub.s32 @!p0 $0x0, s1;
	[sflag:s0] =	ssyncset.done @!p0 $0x0  }
0xf6: {  	[sflag:s0] =	ssyncadd.s32 @!p0 s1  }
0xf7: {  	[bflag:$0x3] =	sbarrier.arrive $0xFFFF  }
0xf8: {  	_ =	shalt  }

// kernel: kernel.24.cloned.1.call-start
scs
__scs_entry_jumppad:
0x0: {  	(pc) =	sbr.rel $0x88, $3  }
0x1: {  	(tag) =	ssettag $0x0;
	lr =	simm.s32 $0x1  }
0x2: {  	[smem:$0x3F98] =	sst lr;
	_ =	strace $0xD0000000  }
0x3: {  	_ = 	snop  }
0x4: {  	_ = 	snop  }
0x5: {  	_ = 	snop  }
0x6: {  	_ = 	snop  }
0x7: {  	_ = 	snop  }
__scs_overlays_trampoline_lowered:
0x8: {  	[smem:$0x3FA7] =	sst s0  }
0x9: {  	[smem:$0x3FA8] =	sst s1  }
0xa: {  	[smem:$0x3FA9] =	sst s2  }
0xb: {  	[smem:$0x3FAA] =	sst s3  }
0xc: {  	[smem:$0x3FAB] =	sst s4  }
0xd: {  	[smem:$0x3FAC] =	sst s5  }
0xe: {  	[smem:$0x3FAD] =	sst s6  }
0xf: {  	[smem:$0x3FAE] =	sst s7  }
0x10: {  	[smem:$0x3FAF] =	sst s8  }
0x11: {  	[smem:$0x3FB0] =	sst s9;
	s0 =	simm.s32 @!p0 $0x0  }
0x12: {  	s1 =	sld [smem:$0x3F96];
	s0 =	simm.s32 @p0 $0x1  }
0x13: {  	[smem:$0x3FB1] =	sst s0;
	s0 =	simm.s32 @!p1 $0x0  }
0x14: {  	s2 =	sld [smem:$0x3F95];
	s0 =	simm.s32 @p1 $0x1  }
0x15: {  	[smem:$0x3FB2] =	sst s0;
	s0 =	simm.s32 @!p2 $0x0  }
0x16: {  	s3 =	sld [smem:$0x3FDB];
	s0 =	simm.s32 @p2 $0x1  }
0x17: {  	s4 =	simm.s32 $0x1BF5;
	[smem:$0x3FB4] =	sst s0  }
0x18: {  	s0 =	sld [smem:$0x3F97];
	_ =	swait.ge [sflag:s4], $0x0  }
0x19: {  	s7 =	sld [smem:$0x3F98]  }
0x1a: {  	s8 =	sadd.s32 $0xFFFFE003, lr  }
0x1b: {  	s9 =	sadd.s32 $0xFFFFFEF7, lr;
	s5 =	simm.s32 $0xFFFFFFFF;
	p2 =	slt.u32 s8, $0xFFFFF086  }
0x1c: {  	p1 =	slt.u32 s9, $0xF7A;
	s5 =	simm.s32 @!p2 $0x0  }
0x1d: {  	s5 =	simm.s32 @p1 $0x1;
	p0 =	seq.s32 s7, s2  }
0x1e: {  	s7 =	smul.u32 @!p0 $0xF7A, s2;
	p2 =	seq.s32 @!p0 s5, $0x0  }
0x1f: {  	s9 =	smul.u32 $0xF7A, s1;
	s8 =	simm.s32 @!p0 $0x1BF5;
	p2 =	por !p2, p0  }
0x20: {  	[sflag:s8] =	ssyncset.s32 @!p0 $0xFFFFF086;
	s6 =	sadd.s32 @!p0 s3, s7;
	s7 =	simm.s32 @!p0 $0x108  }
0x21: {  	s3 =	sadd.s32 s3, s9;
	s6 =	sadd.s32 @!p0 $0x88, s6;
	s7 =	simm.s32 @p2 $0x1082  }
0x22: {  	[simem:s7], [sflag:s8] =	dma.local @!p0 [hbm:s6], $0xF7A  }
0x23: {  	s9 =	sor.u32 $0xD0000000, s2;
	s6 =	simm.s32 $0x108;
	_ =	swait.ge @!p0 [sflag:s8], $0x0  }
0x24: {  	s3 =	sadd.s32 $0x88, s3;
	s6 =	simm.s32 @!p1 $0x1082;
	[sflag:s4] =	ssyncset.s32 $0xFFFFF086  }
0x25: {  	[simem:s6], [sflag:s4] =	dma.local [hbm:s3], $0xF7A  }
0x26: {  	[smem:$0x3F98] =	sst s1;
	(tag) =	ssettag s2;
	_ =	strace s9  }
0x27: {  	s1 =	sld [smem:$0x3FA8]  }
0x28: {  	s2 =	sld [smem:$0x3FA9]  }
0x29: {  	s4 =	sld [smem:$0x3FAB]  }
0x2a: {  	p0 =	seq.s32 s5, $0x0;
	s5 =	sld [smem:$0x3FAC]  }
0x2b: {  	s6 =	sld [smem:$0x3FAD]  }
0x2c: {  	s7 =	sld [smem:$0x3FAE]  }
0x2d: {  	s3 =	simm.s32 $0x108;
	s8 =	sld [smem:$0x3FAF]  }
0x2e: {  	s3 =	simm.s32 @!p0 $0x1082;
	s9 =	sld [smem:$0x3FB0]  }
0x2f: {  	lr =	sadd.s32 s0, s3;
	s0 =	sld [smem:$0x3FA7]  }
0x30: {  	s3 =	sld [smem:$0x3FAA]  }
0x31: {  	[smem:$0x3FB3] =	sst s10  }
0x32: {  	s10 =	sld [smem:$0x3FB1];
	_ =	sdelay $0x3  }
0x33: {  	p0 =	seq.s32 s10, $0x1;
	s10 =	sld [smem:$0x3FB3];
	_ =	sdelay $0x3  }
0x34: {  	[smem:$0x3FB3] =	sst s10  }
0x35: {  	s10 =	sld [smem:$0x3FB2];
	_ =	sdelay $0x3  }
0x36: {  	p1 =	seq.s32 s10, $0x1;
	s10 =	sld [smem:$0x3FB3];
	_ =	sdelay $0x3  }
0x37: {  	[smem:$0x3FB3] =	sst s10  }
0x38: {  	s10 =	sld [smem:$0x3FB4]  }
0x39: {  	_ = 	snop;
	(pc) =	sbr.ind lr, $3  }
0x3a: {  	_ = 	snop  }
0x3b: {  	_ = 	snop  }
0x3c: {  	p2 =	seq.s32 s10, $0x1;
	s10 =	sld [smem:$0x3FB3]  }
0x3d: {  	_ =	shalt  }
0x3e: {  	_ =	shalt  }
0x3f: {  	_ =	shalt  }
0x40: {  	_ =	shalt  }
0x41: {  	_ =	shalt  }
0x42: {  	_ =	shalt  }
0x43: {  	_ =	shalt  }
0x44: {  	_ =	shalt  }
0x45: {  	_ =	shalt  }
0x46: {  	_ =	shalt  }
0x47: {  	_ =	shalt  }
0x48: {  	_ =	shalt  }
0x49: {  	_ =	shalt  }
0x4a: {  	_ =	shalt  }
0x4b: {  	_ =	shalt  }
0x4c: {  	_ =	shalt  }
0x4d: {  	_ =	shalt  }
0x4e: {  	_ =	shalt  }
0x4f: {  	_ =	shalt  }
0x50: {  	_ =	shalt  }
0x51: {  	_ =	shalt  }
0x52: {  	_ =	shalt  }
0x53: {  	_ =	shalt  }
0x54: {  	_ =	shalt  }
0x55: {  	_ =	shalt  }
0x56: {  	_ =	shalt  }
0x57: {  	_ =	shalt  }
0x58: {  	_ =	shalt  }
0x59: {  	_ =	shalt  }
0x5a: {  	_ =	shalt  }
0x5b: {  	_ =	shalt  }
0x5c: {  	_ =	shalt  }
0x5d: {  	_ =	shalt  }
0x5e: {  	_ =	shalt  }
0x5f: {  	_ =	shalt  }
0x60: {  	_ =	shalt  }
0x61: {  	_ =	shalt  }
0x62: {  	_ =	shalt  }
0x63: {  	_ =	shalt  }
0x64: {  	_ =	shalt  }
0x65: {  	_ =	shalt  }
0x66: {  	_ =	shalt  }
0x67: {  	_ =	shalt  }
0x68: {  	_ =	shalt  }
0x69: {  	_ =	shalt  }
0x6a: {  	_ =	shalt  }
0x6b: {  	_ =	shalt  }
0x6c: {  	_ =	shalt  }
0x6d: {  	_ =	shalt  }
0x6e: {  	_ =	shalt  }
0x6f: {  	_ =	shalt  }
0x70: {  	_ =	shalt  }
0x71: {  	_ =	shalt  }
0x72: {  	_ =	shalt  }
0x73: {  	_ =	shalt  }
0x74: {  	_ =	shalt  }
0x75: {  	_ =	shalt  }
0x76: {  	_ =	shalt  }
0x77: {  	_ =	shalt  }
0x78: {  	_ =	shalt  }
0x79: {  	_ =	shalt  }
0x7a: {  	_ =	shalt  }
0x7b: {  	_ =	shalt  }
0x7c: {  	_ =	shalt  }
0x7d: {  	_ =	shalt  }
0x7e: {  	_ =	shalt  }
0x7f: {  	_ =	shalt  }
0x80: {  	_ =	shalt  }
0x81: {  	_ =	shalt  }
0x82: {  	_ =	shalt  }
0x83: {  	_ =	shalt  }
0x84: {  	_ =	shalt  }
0x85: {  	_ =	shalt  }
0x86: {  	_ =	shalt  }
0x87: {  	_ =	shalt  }
.Lfunc_end0:
.L_simem_size_0:
called_computation.4_lowered:
.L_overlay_start_0:
0x88: {  	s2 =	sld [smem:$0x3FD9]  }
0x89: {  	s3 =	sld [smem:$0x3FFE];
	_ =	sdelay $0x1  }
0x8a: {  	s1 =	srdreg.scid  }
0x8b: {  	s0 =	sand.u32 $0x1, s1  }
0x8c: {  	s16 =	sshll.u32 s0, $0xA;
	s2 =	sadd.s32 s3, s2  }
0x8d: {  	s2 =	sadd.s32 s2, s16  }
0x8e: {  	[smem:$0x3FBF] =	sst s2  }
0x8f: {  	_ = 	snop  }
0x90: {  	(tm) =	ssettm $0x1  }
0x91: {  	s17 =	sld [smem:$0x3FFB];
	_ =	sdelay $0x3  }
0x92: {  	_ =	strace s17  }
0x93: {  	s2 =	sld [smem:$0x3FFC];
	_ =	sdelay $0x3  }
0x94: {  	_ =	strace s2  }
0x95: {  	s2 =	sld [smem:$0x3FFD];
	_ =	sdelay $0x3  }
0x96: {  	_ =	strace s2  }
0x97: {  	_ =	strace $0x8FFFFFFF  }
0x98: {  	s18 =	sld [smem:$0x3FDB];
	_ =	sdelay $0x1  }
0x99: {  	s19 =	simm.s32 $_scs_section_size  }
0x9a: {  	s4 =	simm.s32 $_size__tile_overlayer_lowered;
	s5 =	simm.s32 $_tile_overlayer_lowered  }
0x9b: {  	s22 =	simm.s32 $0x1BFF;
	s21 =	sshll.u32 s5, $0x1;
	s2 =	sadd.s32 s19, s18  }
0x9c: {  	s6 =	simm.s32 $0x0;
	s20 =	sshll.u32 s4, $0x1;
	s4 =	sadd.s32 s21, s2  }
0x9d: {  	[timem:s6], [sflag:s22] =	dma.local [hbm:s4], s20  }
0x9e: {  	_ =	swait.ge [sflag:s22], s20  }
0x9f: {  	s3 =	ssub.s32 $0x0, s20;
	[sflag:s22] =	ssyncset.done $0x0  }
0xa0: {  	[sflag:s22] =	ssyncadd.s32 s3;
	_ =	sdelay $0x1  }
0xa1: {  	s23 =	simm.s32 $0x1B8B  }
0xa2: {  	_ =	swait.ge [sflag:s23], $0x1  }
0xa3: {  	[sflag:s23] =	ssyncset.done $0x0  }
0xa4: {  	s25 =	simm.s32 $0x1B8E;
	s24 =	sld [smem:$0x3FFE];
	[sflag:s23] =	ssyncadd.s32 $0xFFFFFFFF  }
0xa5: {  	s26 =	simm.s32 $execute0_lowered;
	[smem:$0x3FD2] =	sst s25  }
0xa6: {  	s4 =	sshll.u32 s26, $0x1;
	_ =	strace $0x80000052;
	[dreg:$0x1] =	wrdreg $0xFFFFFFFF  }
0xa7: {  	s28 =	simm.s32 $_size_execute0_lowered;
	s2 =	sadd.s32 s2, s4;
	[dreg:$0x0] =	wrdreg $0x0  }
0xa8: {  	s4 =	sshll.u32 s28, $0x1;
	[dreg:$0x2] =	wrdreg s2  }
0xa9: {  	[dreg:$0x3] =	wrdreg s4  }
0xaa: {  	[dreg:$0x4] =	wrdreg $0xC0  }
0xab: {  	_ =	task [dreg:s6], $0x5FFFF  }
0xac: {  	[dreg:$0x1] =	wrdreg $0xFFFFFFFF  }
0xad: {  	[dreg:$0x0] =	wrdreg $0x60  }
0xae: {  	[dreg:$0x2] =	wrdreg s24  }
0xaf: {  	[dreg:$0x3] =	wrdreg $0x9  }
0xb0: {  	_ =	task.clear_ibuf [dreg:s6], $0x4FFFF;
	_ =	strace $0x90000052  }
0xb1: {  	s29 =	simm.s32 $0x9;
	_ =	strace $0x80000054  }
0xb2: {  	_ =	swait.ge [sflag:s29], $0x1  }
0xb3: {  	[sflag:s29] =	ssyncadd.s32 $0xFFFFFFFF  }
0xb4: {  	_ =	strace $0x90000054  }
0xb5: {  	_ =	sfence  }
0xb6: {  	s30 =	sld [smem:$0x0];
	_ =	sdelay $0x2  }
0xb7: {  	s31 =	sshll.u32 s1, $0xD;
	s1 =	sshrl.u32 s1, $0x2  }
0xb8: {  	s3 =	sand.u32 $0x4000, s31;
	s1 =	sadd.s32 s1, s30  }
0xb9: {  	s0 =	sor.u32 s3, s0;
	s1 =	sshll.u32 s1, $0x11  }
0xba: {  	s0 =	sor.u32 s1, s0  }
0xbb: {  	s0 =	sadd.s32 $0x8F2B, s0  }
0xbc: {  	[sflag:s0] =	ssyncadd.remote.s32 $0x1  }
0xbd: {  	_ =	sfence.sel $0xFFFF  }
0xbe: {  	[dreg:$0x0] =	wrdreg $0xFFFFFFFF;
	(pc) =	sbr.abs _section_cstart, $3  }
0xbf: {  	[dreg:$0x1] =	wrdreg $0xFFFFFFFF  }
0xc0: {  	_ =	task.clear_ibuf [dreg:s6], $0x2FFFF;
	_ =	strace $0x9FFFFFFF  }
0xc1: {  	(tm) =	ssettm $0x7FFFFFFF  }
tec
execute0_lowered:
.L_overlay_start_1:
0x0: {  	(tag) =	ssettag $0x1  }
0x1: {  	s1 =	srdreg.scid;
	s0 =	stileid.u32  }
0x2: {  	s5 =	rddreg [dreg:$0x0];
	s2 =	simm.s32 $0x0;
	s12 =	simm.s32 $0xEB00  }
0x3: {  	s13 =	simm.s32 $0xF780;
	s14 =	simm.s32 $0x1;
	s15 =	simm.s32 $0x4E80  }
0x4: {  	s16 =	simm.s32 $0x2;
	s17 =	simm.s32 $0x7590;
	s18 =	simm.s32 $0x9CA0  }
0x5: {  	s19 =	simm.s32 $0xC3B0;
	s3 =	sand.u32 $0x1, s1;
	s4 =	sshll.u32 s0, $0x1  }
0x6: {  	s20 =	simm.s32 $0x0;
	s1 =	rddreg [dreg:$0x1];
	s4 =	sor.u32 s3, s4  }
0x7: {  	[smem:$0x7FF] =	sst s2;
	s10 =	sadd.s32 $0x2B000, s5;
	s6 =	smul.u32 $0x9C4, s4  }
0x8: {  	_ =	strace $0x80000053;
	s7 =	ssub.s32 $0x2, s3;
	s4 =	smul.u32 $0x4E20, s4  }
.Ltmp0:
0x9: {  	s3 =	sadd.s32 $0x21200, s5;
	s9 =	sshrl.u32 s7, $0x1;
	(pc) =	sbr.rel .LBB2_1-.Ltmp0, $4  }
0xa: {  	s11 =	ssub.s32 s7, s9;
	s8 =	sadd.s32 s6, s5;
	s30 =	sshrl.u32 s4, $0x3  }
0xb: {  	s5 =	sadd.s32 $0x21390, s5;
	s6 =	sadd.s32 s10, s6;
	s4 =	sadd.s32 $0x3A00, s8  }
0xc: {  	s31 =	sadd.s32 s10, s30;
	s10 =	smax.u32 s11, $0x1;
	s11 =	simm.s32 $0x3  }
0xd: {  	v0 =	vimm.f32 $0.0e+00;
	s7 =	sadd.s32 $0x13880, s31;
	s8 =	sadd.s32 $0x4E2, s31;
	s9 =	sadd.s32 $0x13D62, s31  }
.LBB2_10:
0xe: {  	[hbm4b:s6+s2] =	stream.linear.scatter [tilespmem:s15], [sflag:$0x3], $0x2710, $0x38;
	[tilespmem:$0x10400] =	vst v63  }
0xf: {  	_ =	swait.ge [sflag:s11], $0x2710  }
0x10: {  	[sflag:s11] =	ssyncset.done $0x0  }
0x11: {  	[sflag:s11] =	ssyncadd.s32 $0xFFFFD8F0  }
0x12: {  	[hbm4b:s7+s2] =	stream.linear.scatter [tilespmem:s17], [sflag:$0x3], $0x2710, $0x38;
	[tilespmem:$0x10400] =	vst v63  }
0x13: {  	_ =	swait.ge [sflag:s11], $0x2710  }
0x14: {  	[sflag:s11] =	ssyncset.done $0x0  }
0x15: {  	[sflag:s11] =	ssyncadd.s32 $0xFFFFD8F0  }
0x16: {  	[hbm4b:s8+s2] =	stream.linear.scatter [tilespmem:s18], [sflag:$0x3], $0x2710, $0x38;
	[tilespmem:$0x10400] =	vst v63  }
0x17: {  	s20 =	sadd.s32 $0x1, s20;
	_ =	swait.ge [sflag:s11], $0x2710  }
0x18: {  	p0 =	sne.s32 s20, s10;
	[sflag:s11] =	ssyncset.done $0x0  }
.Ltmp1:
0x19: {  	[sflag:s11] =	ssyncadd.s32 $0xFFFFD8F0;
	(pc) =	sbr.rel @!p0 .LBB2_11-.Ltmp1, $4  }
0x1a: {  	[hbm4b:s9+s2] =	stream.linear.scatter [tilespmem:s19], [sflag:$0x3], $0x2710, $0x38;
	[tilespmem:$0x10400] =	vst v63  }
0x1b: {  	_ =	swait.ge [sflag:s11], $0x2710  }
0x1c: {  	[sflag:s11] =	ssyncset.done $0x0  }
0x1d: {  	[sflag:s11] =	ssyncadd.s32 $0xFFFFD8F0  }
.LBB2_1:
0x1e: {  	[tilespmem:s2], [sflag:$0x3] =	stream.linear.gather [hbm4b:s4+s2], $0x4E20, $0x38;
	[tilespmem:$0x10400] =	vst v63  }
0x1f: {  	_ =	swait.ge [sflag:s11], $0x4E20  }
0x20: {  	[sflag:s11] =	ssyncset.done $0x0  }
0x21: {  	s21 =	simm.s32 $0x40;
	s22 =	simm.s32 $0x0;
	[sflag:s11] =	ssyncadd.s32 $0xFFFFB1E0  }
.LBB2_2:
0x22: {  	p0 =	sne.s32 s21, $0x270C0;
	[tilespmem:s22+$0x4E80] =	vst v0;
	s22 =	smov.u32 s21;
	s21 =	sadd.s32 $0x40, s21  }
.Ltmp2:
0x23: {  	(pc) =	sbr.rel @p0 .LBB2_2-.Ltmp2, $2  }
0x24: {  	_ =	sdelay $0x2  }
0x25: {  	s22 =	sshra.s32 s22, $0x2  }
0x26: {  	[tilespmem:s22+$0x4E80] =	vst v0;
	s21 =	simm.s32 $0x0  }
0x27: {  	[tilespmem:s12], [sflag:$0x1] =	stream.linear.gather [hbm4b:s3+s21], $0xC80, $0x38;
	[tilespmem:$0x10400] =	vst v63  }
0x28: {  	_ = 	snop  }
0x29: {  	[tilespmem:s13], [sflag:$0x2] =	stream.linear.gather [hbm4b:s5+s21], $0xC80, $0x38;
	[tilespmem:$0x10400] =	vst v63  }
.LBB2_4:
0x2a: {  	_ =	swait.ge [sflag:s14], $0xC80  }
0x2b: {  	[sflag:s14] =	ssyncset.done $0x0  }
0x2c: {  	s22 =	simm.s32 $0xEB20;
	[sflag:s14] =	ssyncadd.s32 $0xFFFFF380  }
0x2d: {  	v1 =	vld [tilespmem:s22+$0x10];
	_ =	sdelay $0x2  }
0x2e: {  	v2 =	vld [tilespmem:s22+$0xFFFFFFE0]  }
0x2f: {  	v3 =	vld [tilespmem:s22+$0xFFFFFFF0]  }
0x30: {  	v4 =	vld [tilespmem:s22+$0x0];
	v5 =	vshra.s32 v1, $0xE;
	_ =	sdelay $0x2  }
0x31: {  	v6 =	vshra.s32 v2, $0xE  }
0x32: {  	v7 =	vshra.s32 v3, $0xE  }
0x33: {  	v8 =	vshra.s32 v4, $0xE;
	v9 =	vld.idx.msk [tilespmem:v5+s2+$0x0], $0xffff  }
0x34: {  	v1 =	vand.u32 $0x3FFF, v1  }
0x35: {  	v10 =	vadd.s32 $0x2710, v1  }
0x36: {  	v11 =	vld.idx.msk [tilespmem:v6+s2+$0x0], $0xffff  }
0x37: {  	v5 =	vadd.s32 $0x2710, v5;
	v12 =	vld.idx.msk [tilespmem:v7+s2+$0x0], $0xffff  }
0x38: {  	v2 =	vand.u32 $0x3FFF, v2;
	v14 =	vld.idx.msk [tilespmem:v8+s2+$0x0], $0xffff;
	v15 =	vand.u32 $0xFFFF0000, v9  }
0x39: {  	v13 =	vadd.s32 $0x2710, v2;
	v9 =	vshll.u32 v9, $0x10;
	[tilespmem:v1+s15+$0x0] =	vst.idx.add.f32.msk $0xffff, v15  }
0x3a: {  	s31 =	simm.s32 $0xEB60;
	v3 =	vand.u32 $0x3FFF, v3;
	[tilespmem:v10+s15+$0x0] =	vst.idx.add.f32.msk $0xffff, v9  }
0x3b: {  	v15 =	vadd.s32 $0x2710, v3;
	v9 =	vand.u32 $0xFFFF0000, v11;
	v10 =	vshll.u32 v11, $0x10;
	v11 =	vld [tilespmem:s31+$0x10]  }
0x3c: {  	v4 =	vand.u32 $0x3FFF, v4;
	v5 =	vld.idx.msk [tilespmem:v5+s2+$0x0], $0xffff  }
0x3d: {  	[tilespmem:v2+s15+$0x0] =	vst.idx.add.f32.msk $0xffff, v9  }
0x3e: {  	v9 =	vand.u32 $0xFFFF0000, v12;
	[tilespmem:v13+s15+$0x0] =	vst.idx.add.f32.msk $0xffff, v10  }
0x3f: {  	v10 =	vshll.u32 v12, $0x10;
	[tilespmem:v3+s15+$0x0] =	vst.idx.add.f32.msk $0xffff, v9  }
0x40: {  	v9 =	vand.u32 $0xFFFF0000, v14;
	[tilespmem:v15+s15+$0x0] =	vst.idx.add.f32.msk $0xffff, v10;
	v10 =	vadd.s32 $0x2710, v4  }
0x41: {  	[tilespmem:v4+s15+$0x0] =	vst.idx.add.f32.msk $0xffff, v9;
	v9 =	vadd.s32 $0x4E20, v1  }
0x42: {  	v7 =	vadd.s32 $0x2710, v7;
	v15 =	vld [tilespmem:s31+$0xFFFFFFE0]  }
0x43: {  	v12 =	vld [tilespmem:s31+$0xFFFFFFF0];
	v1 =	vadd.s32 $0x7530, v1  }
0x44: {  	v6 =	vadd.s32 $0x2710, v6;
	v13 =	vld [tilespmem:s31+$0x0];
	v14 =	vshll.u32 v14, $0x10  }
0x45: {  	v8 =	vadd.s32 $0x2710, v8;
	[tilespmem:v10+s15+$0x0] =	vst.idx.add.f32.msk $0xffff, v14;
	v10 =	vand.u32 $0xFFFF0000, v5  }
0x46: {  	[tilespmem:v9+s15+$0x0] =	vst.idx.add.f32.msk $0xffff, v10;
	v9 =	vshra.s32 v11, $0xE  }
0x47: {  	v5 =	vshll.u32 v5, $0x10;
	v10 =	vld.idx.msk [tilespmem:v7+s2+$0x0], $0xffff;
	v7 =	vshra.s32 v15, $0xE  }
0x48: {  	[tilespmem:v1+s15+$0x0] =	vst.idx.add.f32.msk $0xffff, v5;
	v5 =	vshra.s32 v12, $0xE  }
0x49: {  	v1 =	vld.idx.msk [tilespmem:v6+s2+$0x0], $0xffff;
	v6 =	vshra.s32 v13, $0xE  }
0x4a: {  	v14 =	vadd.s32 $0x4E20, v2;
	v16 =	vld.idx.msk [tilespmem:v8+s2+$0x0], $0xffff  }
0x4b: {  	v2 =	vadd.s32 $0x7530, v2;
	v8 =	vld.idx.msk [tilespmem:v9+s2+$0x0], $0xffff  }
0x4c: {  	v17 =	vadd.s32 $0x4E20, v3;
	v21 =	vld.idx.msk [tilespmem:v7+s2+$0x0], $0xffff  }
0x4d: {  	v11 =	vand.u32 $0x3FFF, v11;
	v18 =	vld.idx.msk [tilespmem:v5+s2+$0x0], $0xffff  }
0x4e: {  	v22 =	vadd.s32 $0x2710, v11;
	v19 =	vld.idx.msk [tilespmem:v6+s2+$0x0], $0xffff;
	v20 =	vand.u32 $0xFFFF0000, v1  }
0x4f: {  	v1 =	vshll.u32 v1, $0x10;
	[tilespmem:v14+s15+$0x0] =	vst.idx.add.f32.msk $0xffff, v20;
	v14 =	vand.u32 $0x3FFF, v15  }
0x50: {  	v9 =	vadd.s32 $0x2710, v9;
	v15 =	vand.u32 $0xFFFF0000, v10;
	[tilespmem:v2+s15+$0x0] =	vst.idx.add.f32.msk $0xffff, v1  }
0x51: {  	v60 =	vadd.s32 $0x2710, v14;
	[tilespmem:v17+s15+$0x0] =	vst.idx.add.f32.msk $0xffff, v15;
	v1 =	vand.u32 $0xFFFF0000, v8  }
0x52: {  	v15 =	vand.u32 $0x3FFF, v12;
	v2 =	vshll.u32 v8, $0x10;
	[tilespmem:v11+s15+$0x0] =	vst.idx.add.f32.msk $0xffff, v1  }
0x53: {  	v12 =	vadd.s32 $0x2710, v15;
	v1 =	vadd.s32 $0x7530, v3;
	v3 =	vand.u32 $0xFFFF0000, v21;
	[tilespmem:v22+s15+$0x0] =	vst.idx.add.f32.msk $0xffff, v2  }
0x54: {  	v13 =	vand.u32 $0x3FFF, v13;
	[tilespmem:v14+s15+$0x0] =	vst.idx.add.f32.msk $0xffff, v3  }
0x55: {  	v62 =	vadd.s32 $0x4E20, v11;
	v61 =	vadd.s32 $0x2710, v13;
	v8 =	vshll.u32 v21, $0x10;
	v17 =	vld.idx.msk [tilespmem:v9+s2+$0x0], $0xffff  }
0x56: {  	v2 =	vadd.s32 $0x4E20, v4;
	v3 =	vadd.s32 $0x7530, v4;
	v4 =	vand.u32 $0xFFFF0000, v18;
	[tilespmem:v60+s15+$0x0] =	vst.idx.add.f32.msk $0xffff, v8  }
0x57: {  	v63 =	vadd.s32 $0x7530, v11;
	v7 =	vadd.s32 $0x2710, v7;
	v18 =	vshll.u32 v18, $0x10;
	[tilespmem:v15+s15+$0x0] =	vst.idx.add.f32.msk $0xffff, v4  }
0x58: {  	v11 =	vshll.u32 v10, $0x10;
	v8 =	vadd.s32 $0x2710, v5;
	v5 =	vand.u32 $0xFFFF0000, v19;
	[tilespmem:v12+s15+$0x0] =	vst.idx.add.f32.msk $0xffff, v18  }
0x59: {  	v10 =	vshll.u32 v16, $0x10;
	v9 =	vadd.s32 $0x2710, v6;
	v6 =	vshll.u32 v19, $0x10;
	[tilespmem:v13+s15+$0x0] =	vst.idx.add.f32.msk $0xffff, v5  }
0x5a: {  	v4 =	vadd.s32 $0x4E20, v14;
	v12 =	vand.u32 $0xFFFF0000, v16;
	[tilespmem:v61+s15+$0x0] =	vst.idx.add.f32.msk $0xffff, v6;
	v16 =	vand.u32 $0xFFFF0000, v17  }
0x5b: {  	v5 =	vadd.s32 $0x4E20, v15;
	v15 =	vadd.s32 $0x7530, v15;
	v17 =	vshll.u32 v17, $0x10;
	[tilespmem:v62+s15+$0x0] =	vst.idx.add.f32.msk $0xffff, v16  }
0x5c: {  	s23 =	simm.s32 $0xEBA0;
	s22 =	simm.s32 $0x4;
	v6 =	vadd.s32 $0x7530, v14;
	v14 =	vadd.s32 $0x4E20, v13;
	v13 =	vadd.s32 $0x7530, v13;
	[tilespmem:v63+s15+$0x0] =	vst.idx.add.f32.msk $0xffff, v17  }
.LBB2_5:
0x5d: {  	v16 =	vld [tilespmem:s23+$0x10]  }
0x5e: {  	v17 =	vld [tilespmem:s23+$0xFFFFFFF0]  }
0x5f: {  	s22 =	sadd.s32 $0x4, s22;
	v18 =	vld [tilespmem:s23+$0x0]  }
0x60: {  	p0 =	slt.u32 s22, $0xC4;
	v19 =	vld [tilespmem:s23+$0xFFFFFFE0]  }
0x61: {  	v20 =	vld.idx.msk [tilespmem:v7+s2+$0x0], $0xffff  }
0x62: {  	v21 =	vshra.s32 v16, $0xE;
	v22 =	vld.idx.msk [tilespmem:v8+s2+$0x0], $0xffff  }
0x63: {  	v23 =	vshra.s32 v17, $0xE;
	v17 =	vand.u32 $0x3FFF, v17;
	v24 =	vld.idx.msk [tilespmem:v9+s2+$0x0], $0xffff  }
0x64: {  	v25 =	vadd.s32 $0x2710, v17;
	v26 =	vshra.s32 v18, $0xE;
	v18 =	vand.u32 $0x3FFF, v18;
	[tilespmem:v1+s15+$0x0] =	vst.idx.add.f32.msk $0xffff, v11;
	v1 =	vmovc v15  }
0x65: {  	v15 =	vshra.s32 v19, $0xE;
	v19 =	vand.u32 $0x3FFF, v19;
	v27 =	vadd.s32 $0x2710, v18;
	[tilespmem:v2+s15+$0x0] =	vst.idx.add.f32.msk $0xffff, v12;
	v2 =	vmovc v14  }
0x66: {  	v8 =	vadd.s32 $0x2710, v23;
	v28 =	vadd.s32 $0x2710, v19;
	v7 =	vadd.s32 $0x2710, v15;
	[tilespmem:v3+s15+$0x0] =	vst.idx.add.f32.msk $0xffff, v10;
	v3 =	vmovc v13  }
0x67: {  	v9 =	vadd.s32 $0x2710, v26;
	v13 =	vand.u32 $0xFFFF0000, v20;
	v20 =	vshll.u32 v20, $0x10;
	v29 =	vld.idx.msk [tilespmem:v21+s2+$0x0], $0xffff  }
0x68: {  	v30 =	vadd.s32 $0x4E20, v19;
	v31 =	vand.u32 $0xFFFF0000, v22;
	v11 =	vshll.u32 v22, $0x10;
	v23 =	vld.idx.msk [tilespmem:v23+s2+$0x0], $0xffff  }
0x69: {  	v16 =	vand.u32 $0x3FFF, v16;
	v12 =	vand.u32 $0xFFFF0000, v24;
	v10 =	vshll.u32 v24, $0x10;
	v22 =	vld.idx.msk [tilespmem:v26+s2+$0x0], $0xffff  }
0x6a: {  	v33 =	vadd.s32 $0x2710, v16;
	v32 =	vadd.s32 $0x4E20, v17;
	v26 =	vadd.s32 $0x7530, v19;
	v24 =	vld.idx.msk [tilespmem:v15+s2+$0x0], $0xffff  }
0x6b: {  	v14 =	vadd.s32 $0x4E20, v18;
	v21 =	vadd.s32 $0x2710, v21;
	v15 =	vadd.s32 $0x7530, v17;
	[tilespmem:v4+s15+$0x0] =	vst.idx.add.f32.msk $0xffff, v13;
	v4 =	vmovc v30  }
0x6c: {  	v13 =	vadd.s32 $0x7530, v18;
	[tilespmem:v6+s15+$0x0] =	vst.idx.add.f32.msk $0xffff, v20;
	v6 =	vmov v26  }
0x6d: {  	v20 =	vand.u32 $0xFFFF0000, v29;
	[tilespmem:v5+s15+$0x0] =	vst.idx.add.f32.msk $0xffff, v31;
	v5 =	vmov v32  }
0x6e: {  	v29 =	vshll.u32 v29, $0x10;
	v26 =	vand.u32 $0xFFFF0000, v23;
	v23 =	vshll.u32 v23, $0x10;
	[tilespmem:v16+s15+$0x0] =	vst.idx.add.f32.msk $0xffff, v20  }
0x6f: {  	v20 =	vand.u32 $0xFFFF0000, v22;
	v22 =	vshll.u32 v22, $0x10;
	[tilespmem:v33+s15+$0x0] =	vst.idx.add.f32.msk $0xffff, v29  }
0x70: {  	v29 =	vand.u32 $0xFFFF0000, v24;
	v24 =	vshll.u32 v24, $0x10;
	v21 =	vld.idx.msk [tilespmem:v21+s2+$0x0], $0xffff  }
0x71: {  	[tilespmem:v19+s15+$0x0] =	vst.idx.add.f32.msk $0xffff, v29  }
0x72: {  	v19 =	vadd.s32 $0x4E20, v16;
	[tilespmem:v28+s15+$0x0] =	vst.idx.add.f32.msk $0xffff, v24  }
0x73: {  	v16 =	vadd.s32 $0x7530, v16;
	[tilespmem:v17+s15+$0x0] =	vst.idx.add.f32.msk $0xffff, v26  }
.Ltmp3:
0x74: {  	[tilespmem:v25+s15+$0x0] =	vst.idx.add.f32.msk $0xffff, v23;
	(pc) =	sbr.rel @p0 .LBB2_5-.Ltmp3, $4  }
0x75: {  	[tilespmem:v18+s15+$0x0] =	vst.idx.add.f32.msk $0xffff, v20  }
0x76: {  	v17 =	vand.u32 $0xFFFF0000, v21;
	[tilespmem:v27+s15+$0x0] =	vst.idx.add.f32.msk $0xffff, v22  }
0x77: {  	v18 =	vshll.u32 v21, $0x10;
	[tilespmem:v19+s15+$0x0] =	vst.idx.add.f32.msk $0xffff, v17  }
0x78: {  	s23 =	sadd.s32 $0x40, s23;
	[tilespmem:v16+s15+$0x0] =	vst.idx.add.f32.msk $0xffff, v18  }
0x79: {  	_ =	sdelay $0x3  }
0x7a: {  	v7 =	vld.idx.msk [tilespmem:v7+s2+$0x0], $0xffff  }
0x7b: {  	v8 =	vld.idx.msk [tilespmem:v8+s2+$0x0], $0xffff  }
0x7c: {  	v9 =	vld.idx.msk [tilespmem:v9+s2+$0x0], $0xffff  }
0x7d: {  	[tilespmem:v1+s15+$0x0] =	vst.idx.add.f32.msk $0xffff, v11  }
0x7e: {  	[tilespmem:v2+s15+$0x0] =	vst.idx.add.f32.msk $0xffff, v12  }
0x7f: {  	[tilespmem:v3+s15+$0x0] =	vst.idx.add.f32.msk $0xffff, v10;
	v1 =	vand.u32 $0xFFFF0000, v7  }
0x80: {  	p0 =	seq.s32 s21, $0x31;
	v2 =	vshll.u32 v7, $0x10;
	[tilespmem:v4+s15+$0x0] =	vst.idx.add.f32.msk $0xffff, v1  }
0x81: {  	s22 =	smul.u32 @!p0 $0x1900, s21;
	v1 =	vand.u32 $0xFFFF0000, v8;
	[tilespmem:v6+s15+$0x0] =	vst.idx.add.f32.msk $0xffff, v2  }
0x82: {  	v2 =	vshll.u32 v8, $0x10;
	[tilespmem:v5+s15+$0x0] =	vst.idx.add.f32.msk $0xffff, v1  }
0x83: {  	s22 =	sshrl.u32 @!p0 s22, $0x3;
	v1 =	vand.u32 $0xFFFF0000, v9;
	[tilespmem:v15+s15+$0x0] =	vst.idx.add.f32.msk $0xffff, v2  }
0x84: {  	s22 =	sadd.s32 @!p0 s3, s22;
	v2 =	vshll.u32 v9, $0x10;
	[tilespmem:v14+s15+$0x0] =	vst.idx.add.f32.msk $0xffff, v1  }
0x85: {  	s23 =	simm.s32 @!p0 $0x0;
	s24 =	simm.s32 @!p0 $0xEB00;
	s22 =	sadd.s32 @!p0 $0x320, s22;
	[tilespmem:v13+s15+$0x0] =	vst.idx.add.f32.msk $0xffff, v2  }
0x86: {  	[tilespmem:s24], [sflag:$0x1] =	stream.linear.gather @!p0 [hbm4b:s22+s23], $0xC80, $0x38;
	[tilespmem:$0x10400] =	vst v63  }
0x87: {  	_ =	swait.ge [sflag:s16], $0xC80  }
0x88: {  	[sflag:s16] =	ssyncset.done $0x0  }
0x89: {  	s30 =	simm.s32 $0xF7A0;
	[sflag:s16] =	ssyncadd.s32 $0xFFFFF380  }
0x8a: {  	v1 =	vld [tilespmem:s30+$0x10];
	_ =	sdelay $0x2  }
0x8b: {  	v2 =	vld [tilespmem:s30+$0xFFFFFFE0]  }
0x8c: {  	v3 =	vld [tilespmem:s30+$0xFFFFFFF0]  }
0x8d: {  	v4 =	vld [tilespmem:s30+$0x0];
	v5 =	vshra.s32 v1, $0xE;
	_ =	sdelay $0x2  }
0x8e: {  	v6 =	vshra.s32 v2, $0xE  }
0x8f: {  	v7 =	vshra.s32 v3, $0xE  }
0x90: {  	v8 =	vshra.s32 v4, $0xE;
	v9 =	vld.idx.msk [tilespmem:v5+s2+$0x0], $0xffff  }
0x91: {  	v1 =	vand.u32 $0x3FFF, v1  }
0x92: {  	v10 =	vadd.s32 $0x2710, v1  }
0x93: {  	v11 =	vld.idx.msk [tilespmem:v6+s2+$0x0], $0xffff  }
0x94: {  	v5 =	vadd.s32 $0x2710, v5;
	v12 =	vld.idx.msk [tilespmem:v7+s2+$0x0], $0xffff  }
0x95: {  	v2 =	vand.u32 $0x3FFF, v2;
	v14 =	vld.idx.msk [tilespmem:v8+s2+$0x0], $0xffff;
	v15 =	vand.u32 $0xFFFF0000, v9  }
0x96: {  	v13 =	vadd.s32 $0x2710, v2;
	v9 =	vshll.u32 v9, $0x10;
	[tilespmem:v1+s15+$0x0] =	vst.idx.add.f32.msk $0xffff, v15  }
0x97: {  	s31 =	simm.s32 $0xF7E0;
	v3 =	vand.u32 $0x3FFF, v3;
	[tilespmem:v10+s15+$0x0] =	vst.idx.add.f32.msk $0xffff, v9  }
0x98: {  	v15 =	vadd.s32 $0x2710, v3;
	v9 =	vand.u32 $0xFFFF0000, v11;
	v10 =	vshll.u32 v11, $0x10;
	v11 =	vld [tilespmem:s31+$0x10]  }
0x99: {  	v4 =	vand.u32 $0x3FFF, v4;
	v5 =	vld.idx.msk [tilespmem:v5+s2+$0x0], $0xffff  }
0x9a: {  	[tilespmem:v2+s15+$0x0] =	vst.idx.add.f32.msk $0xffff, v9  }
0x9b: {  	v9 =	vand.u32 $0xFFFF0000, v12;
	[tilespmem:v13+s15+$0x0] =	vst.idx.add.f32.msk $0xffff, v10  }
0x9c: {  	v10 =	vshll.u32 v12, $0x10;
	[tilespmem:v3+s15+$0x0] =	vst.idx.add.f32.msk $0xffff, v9  }
0x9d: {  	v9 =	vand.u32 $0xFFFF0000, v14;
	[tilespmem:v15+s15+$0x0] =	vst.idx.add.f32.msk $0xffff, v10;
	v10 =	vadd.s32 $0x2710, v4  }
0x9e: {  	[tilespmem:v4+s15+$0x0] =	vst.idx.add.f32.msk $0xffff, v9;
	v9 =	vadd.s32 $0x4E20, v1  }
0x9f: {  	v7 =	vadd.s32 $0x2710, v7;
	v15 =	vld [tilespmem:s31+$0xFFFFFFE0]  }
0xa0: {  	v12 =	vld [tilespmem:s31+$0xFFFFFFF0];
	v1 =	vadd.s32 $0x7530, v1  }
0xa1: {  	v6 =	vadd.s32 $0x2710, v6;
	v13 =	vld [tilespmem:s31+$0x0];
	v14 =	vshll.u32 v14, $0x10  }
0xa2: {  	v8 =	vadd.s32 $0x2710, v8;
	[tilespmem:v10+s15+$0x0] =	vst.idx.add.f32.msk $0xffff, v14;
	v10 =	vand.u32 $0xFFFF0000, v5  }
0xa3: {  	[tilespmem:v9+s15+$0x0] =	vst.idx.add.f32.msk $0xffff, v10;
	v9 =	vshra.s32 v11, $0xE  }
0xa4: {  	v5 =	vshll.u32 v5, $0x10;
	v10 =	vld.idx.msk [tilespmem:v7+s2+$0x0], $0xffff;
	v7 =	vshra.s32 v15, $0xE  }
0xa5: {  	[tilespmem:v1+s15+$0x0] =	vst.idx.add.f32.msk $0xffff, v5;
	v5 =	vshra.s32 v12, $0xE  }
0xa6: {  	v1 =	vld.idx.msk [tilespmem:v6+s2+$0x0], $0xffff;
	v6 =	vshra.s32 v13, $0xE  }
0xa7: {  	v14 =	vadd.s32 $0x4E20, v2;
	v16 =	vld.idx.msk [tilespmem:v8+s2+$0x0], $0xffff  }
0xa8: {  	v2 =	vadd.s32 $0x7530, v2;
	v8 =	vld.idx.msk [tilespmem:v9+s2+$0x0], $0xffff  }
0xa9: {  	v17 =	vadd.s32 $0x4E20, v3;
	v21 =	vld.idx.msk [tilespmem:v7+s2+$0x0], $0xffff  }
0xaa: {  	v11 =	vand.u32 $0x3FFF, v11;
	v18 =	vld.idx.msk [tilespmem:v5+s2+$0x0], $0xffff  }
0xab: {  	v22 =	vadd.s32 $0x2710, v11;
	v19 =	vld.idx.msk [tilespmem:v6+s2+$0x0], $0xffff;
	v20 =	vand.u32 $0xFFFF0000, v1  }
0xac: {  	v1 =	vshll.u32 v1, $0x10;
	[tilespmem:v14+s15+$0x0] =	vst.idx.add.f32.msk $0xffff, v20;
	v14 =	vand.u32 $0x3FFF, v15  }
0xad: {  	v9 =	vadd.s32 $0x2710, v9;
	v15 =	vand.u32 $0xFFFF0000, v10;
	[tilespmem:v2+s15+$0x0] =	vst.idx.add.f32.msk $0xffff, v1  }
0xae: {  	v60 =	vadd.s32 $0x2710, v14;
	[tilespmem:v17+s15+$0x0] =	vst.idx.add.f32.msk $0xffff, v15;
	v1 =	vand.u32 $0xFFFF0000, v8  }
0xaf: {  	v15 =	vand.u32 $0x3FFF, v12;
	v2 =	vshll.u32 v8, $0x10;
	[tilespmem:v11+s15+$0x0] =	vst.idx.add.f32.msk $0xffff, v1  }
0xb0: {  	v12 =	vadd.s32 $0x2710, v15;
	v1 =	vadd.s32 $0x7530, v3;
	v3 =	vand.u32 $0xFFFF0000, v21;
	[tilespmem:v22+s15+$0x0] =	vst.idx.add.f32.msk $0xffff, v2  }
0xb1: {  	v13 =	vand.u32 $0x3FFF, v13;
	[tilespmem:v14+s15+$0x0] =	vst.idx.add.f32.msk $0xffff, v3  }
0xb2: {  	v62 =	vadd.s32 $0x4E20, v11;
	v61 =	vadd.s32 $0x2710, v13;
	v8 =	vshll.u32 v21, $0x10;
	v17 =	vld.idx.msk [tilespmem:v9+s2+$0x0], $0xffff  }
0xb3: {  	v2 =	vadd.s32 $0x4E20, v4;
	v3 =	vadd.s32 $0x7530, v4;
	v4 =	vand.u32 $0xFFFF0000, v18;
	[tilespmem:v60+s15+$0x0] =	vst.idx.add.f32.msk $0xffff, v8  }
0xb4: {  	v63 =	vadd.s32 $0x7530, v11;
	v7 =	vadd.s32 $0x2710, v7;
	v18 =	vshll.u32 v18, $0x10;
	[tilespmem:v15+s15+$0x0] =	vst.idx.add.f32.msk $0xffff, v4  }
0xb5: {  	v11 =	vshll.u32 v10, $0x10;
	v8 =	vadd.s32 $0x2710, v5;
	v5 =	vand.u32 $0xFFFF0000, v19;
	[tilespmem:v12+s15+$0x0] =	vst.idx.add.f32.msk $0xffff, v18  }
0xb6: {  	v10 =	vshll.u32 v16, $0x10;
	v9 =	vadd.s32 $0x2710, v6;
	v6 =	vshll.u32 v19, $0x10;
	[tilespmem:v13+s15+$0x0] =	vst.idx.add.f32.msk $0xffff, v5  }
0xb7: {  	v4 =	vadd.s32 $0x4E20, v14;
	v12 =	vand.u32 $0xFFFF0000, v16;
	[tilespmem:v61+s15+$0x0] =	vst.idx.add.f32.msk $0xffff, v6;
	v16 =	vand.u32 $0xFFFF0000, v17  }
0xb8: {  	v5 =	vadd.s32 $0x4E20, v15;
	v15 =	vadd.s32 $0x7530, v15;
	v17 =	vshll.u32 v17, $0x10;
	[tilespmem:v62+s15+$0x0] =	vst.idx.add.f32.msk $0xffff, v16  }
0xb9: {  	s22 =	simm.s32 $0x4;
	s23 =	simm.s32 $0xF820;
	v6 =	vadd.s32 $0x7530, v14;
	v14 =	vadd.s32 $0x4E20, v13;
	v13 =	vadd.s32 $0x7530, v13;
	[tilespmem:v63+s15+$0x0] =	vst.idx.add.f32.msk $0xffff, v17  }
.LBB2_7:
0xba: {  	v16 =	vld [tilespmem:s23+$0x10]  }
0xbb: {  	v17 =	vld [tilespmem:s23+$0xFFFFFFF0]  }
0xbc: {  	s22 =	sadd.s32 $0x4, s22;
	v18 =	vld [tilespmem:s23+$0x0]  }
0xbd: {  	p1 =	slt.u32 s22, $0xC4;
	v19 =	vld [tilespmem:s23+$0xFFFFFFE0]  }
0xbe: {  	v20 =	vld.idx.msk [tilespmem:v7+s2+$0x0], $0xffff  }
0xbf: {  	v21 =	vshra.s32 v16, $0xE;
	v22 =	vld.idx.msk [tilespmem:v8+s2+$0x0], $0xffff  }
0xc0: {  	v23 =	vshra.s32 v17, $0xE;
	v17 =	vand.u32 $0x3FFF, v17;
	v24 =	vld.idx.msk [tilespmem:v9+s2+$0x0], $0xffff  }
0xc1: {  	v25 =	vadd.s32 $0x2710, v17;
	v26 =	vshra.s32 v18, $0xE;
	v18 =	vand.u32 $0x3FFF, v18;
	[tilespmem:v1+s15+$0x0] =	vst.idx.add.f32.msk $0xffff, v11;
	v1 =	vmovc v15  }
0xc2: {  	v15 =	vshra.s32 v19, $0xE;
	v19 =	vand.u32 $0x3FFF, v19;
	v27 =	vadd.s32 $0x2710, v18;
	[tilespmem:v2+s15+$0x0] =	vst.idx.add.f32.msk $0xffff, v12;
	v2 =	vmovc v14  }
0xc3: {  	v8 =	vadd.s32 $0x2710, v23;
	v28 =	vadd.s32 $0x2710, v19;
	v7 =	vadd.s32 $0x2710, v15;
	[tilespmem:v3+s15+$0x0] =	vst.idx.add.f32.msk $0xffff, v10;
	v3 =	vmovc v13  }
0xc4: {  	v9 =	vadd.s32 $0x2710, v26;
	v13 =	vand.u32 $0xFFFF0000, v20;
	v20 =	vshll.u32 v20, $0x10;
	v29 =	vld.idx.msk [tilespmem:v21+s2+$0x0], $0xffff  }
0xc5: {  	v30 =	vadd.s32 $0x4E20, v19;
	v31 =	vand.u32 $0xFFFF0000, v22;
	v11 =	vshll.u32 v22, $0x10;
	v23 =	vld.idx.msk [tilespmem:v23+s2+$0x0], $0xffff  }
0xc6: {  	v16 =	vand.u32 $0x3FFF, v16;
	v12 =	vand.u32 $0xFFFF0000, v24;
	v10 =	vshll.u32 v24, $0x10;
	v22 =	vld.idx.msk [tilespmem:v26+s2+$0x0], $0xffff  }
0xc7: {  	v33 =	vadd.s32 $0x2710, v16;
	v32 =	vadd.s32 $0x4E20, v17;
	v26 =	vadd.s32 $0x7530, v19;
	v24 =	vld.idx.msk [tilespmem:v15+s2+$0x0], $0xffff  }
0xc8: {  	v14 =	vadd.s32 $0x4E20, v18;
	v21 =	vadd.s32 $0x2710, v21;
	v15 =	vadd.s32 $0x7530, v17;
	[tilespmem:v4+s15+$0x0] =	vst.idx.add.f32.msk $0xffff, v13;
	v4 =	vmovc v30  }
0xc9: {  	v13 =	vadd.s32 $0x7530, v18;
	[tilespmem:v6+s15+$0x0] =	vst.idx.add.f32.msk $0xffff, v20;
	v6 =	vmov v26  }
0xca: {  	v20 =	vand.u32 $0xFFFF0000, v29;
	[tilespmem:v5+s15+$0x0] =	vst.idx.add.f32.msk $0xffff, v31;
	v5 =	vmov v32  }
0xcb: {  	v29 =	vshll.u32 v29, $0x10;
	v26 =	vand.u32 $0xFFFF0000, v23;
	v23 =	vshll.u32 v23, $0x10;
	[tilespmem:v16+s15+$0x0] =	vst.idx.add.f32.msk $0xffff, v20  }
0xcc: {  	v20 =	vand.u32 $0xFFFF0000, v22;
	v22 =	vshll.u32 v22, $0x10;
	[tilespmem:v33+s15+$0x0] =	vst.idx.add.f32.msk $0xffff, v29  }
0xcd: {  	v29 =	vand.u32 $0xFFFF0000, v24;
	v24 =	vshll.u32 v24, $0x10;
	v21 =	vld.idx.msk [tilespmem:v21+s2+$0x0], $0xffff  }
0xce: {  	[tilespmem:v19+s15+$0x0] =	vst.idx.add.f32.msk $0xffff, v29  }
0xcf: {  	v19 =	vadd.s32 $0x4E20, v16;
	[tilespmem:v28+s15+$0x0] =	vst.idx.add.f32.msk $0xffff, v24  }
0xd0: {  	v16 =	vadd.s32 $0x7530, v16;
	[tilespmem:v17+s15+$0x0] =	vst.idx.add.f32.msk $0xffff, v26  }
.Ltmp4:
0xd1: {  	[tilespmem:v25+s15+$0x0] =	vst.idx.add.f32.msk $0xffff, v23;
	(pc) =	sbr.rel @p1 .LBB2_7-.Ltmp4, $4  }
0xd2: {  	[tilespmem:v18+s15+$0x0] =	vst.idx.add.f32.msk $0xffff, v20  }
0xd3: {  	v17 =	vand.u32 $0xFFFF0000, v21;
	[tilespmem:v27+s15+$0x0] =	vst.idx.add.f32.msk $0xffff, v22  }
0xd4: {  	v18 =	vshll.u32 v21, $0x10;
	[tilespmem:v19+s15+$0x0] =	vst.idx.add.f32.msk $0xffff, v17  }
0xd5: {  	s23 =	sadd.s32 $0x40, s23;
	[tilespmem:v16+s15+$0x0] =	vst.idx.add.f32.msk $0xffff, v18  }
0xd6: {  	_ =	sdelay $0x3  }
0xd7: {  	v7 =	vld.idx.msk [tilespmem:v7+s2+$0x0], $0xffff  }
0xd8: {  	v8 =	vld.idx.msk [tilespmem:v8+s2+$0x0], $0xffff  }
0xd9: {  	v9 =	vld.idx.msk [tilespmem:v9+s2+$0x0], $0xffff  }
0xda: {  	[tilespmem:v1+s15+$0x0] =	vst.idx.add.f32.msk $0xffff, v11  }
0xdb: {  	[tilespmem:v2+s15+$0x0] =	vst.idx.add.f32.msk $0xffff, v12  }
0xdc: {  	[tilespmem:v3+s15+$0x0] =	vst.idx.add.f32.msk $0xffff, v10;
	v1 =	vand.u32 $0xFFFF0000, v7  }
0xdd: {  	v2 =	vshll.u32 v7, $0x10;
	[tilespmem:v4+s15+$0x0] =	vst.idx.add.f32.msk $0xffff, v1  }
.Ltmp5:
0xde: {  	v1 =	vand.u32 $0xFFFF0000, v8;
	[tilespmem:v6+s15+$0x0] =	vst.idx.add.f32.msk $0xffff, v2;
	(pc) =	sbr.rel @p0 .LBB2_10-.Ltmp5, $4  }
0xdf: {  	v2 =	vshll.u32 v8, $0x10;
	[tilespmem:v5+s15+$0x0] =	vst.idx.add.f32.msk $0xffff, v1  }
0xe0: {  	v1 =	vand.u32 $0xFFFF0000, v9;
	[tilespmem:v15+s15+$0x0] =	vst.idx.add.f32.msk $0xffff, v2  }
0xe1: {  	v2 =	vshll.u32 v9, $0x10;
	[tilespmem:v14+s15+$0x0] =	vst.idx.add.f32.msk $0xffff, v1  }
0xe2: {  	[tilespmem:v13+s15+$0x0] =	vst.idx.add.f32.msk $0xffff, v2  }
0xe3: {  	s22 =	smul.u32 $0x1900, s21  }
.Ltmp6:
0xe4: {  	_ = 	snop;
	(pc) =	sbr.rel .LBB2_4-.Ltmp6, $4  }
0xe5: {  	s22 =	sshrl.u32 s22, $0x3  }
0xe6: {  	s22 =	sadd.s32 s3, s22  }
0xe7: {  	s21 =	sadd.s32 $0x1, s21;
	s22 =	sadd.s32 $0x4B0, s22  }
0xe8: {  	[tilespmem:s13], [sflag:$0x2] =	stream.linear.gather [hbm4b:s22+s2], $0xC80, $0x38;
	[tilespmem:$0x10400] =	vst v63  }
.LBB2_11:
0xe9: {  	_ =	sfence.sel $0x180000  }
0xea: {  	[bflag:$0x0] =	sbarrier.arrive $0xFFFF  }
0xeb: {  	p0 =	sne.s32 s0, $0x0;
	_ =	strace $0x90000053  }
0xec: {  	s0 =	sadd.s32 @!p0 $0x100000, s1;
	[bflag:$0x2] =	sbarrier.arrive $0xFFFF  }
0xed: {  	[sflag:s0] =	ssyncadd.tile.s32 @!p0 $0x1;
	_ =	shalt  }
.Lfunc_end2:
_tile_overlayer_lowered:
.L_overlay_start_2:
0xee: {  	(tag) =	ssettag $0x2  }
0xef: {  	s0 =	rddreg [dreg:$0x0];
	s2 =	stileid.u32  }
0xf0: {  	s1 =	rddreg [dreg:$0x1];
	p0 =	sne.s32 s2, $0x0  }
0xf1: {  	s3 =	rddreg [dreg:$0x2];
	[bflag:$0x3] =	sbarrier.arrive $0xFFFF;
	s2 =	simm.s32 @!p0 $0x1C03  }
0xf2: {  	[timem:s3], [sflag:s2] =	dma.local @!p0 [hbm:s0], s1  }
0xf3: {  	s0 =	simm.s32 @!p0 $0x3  }
0xf4: {  	_ =	swait.ge @!p0 [sflag:s0], s1  }
0xf5: {  	s1 =	ssub.s32 @!p0 $0x0, s1;
	[sflag:s0] =	ssyncset.done @!p0 $0x0  }
0xf6: {  	[sflag:s0] =	ssyncadd.s32 @!p0 s1  }
0xf7: {  	[bflag:$0x3] =	sbarrier.arrive $0xFFFF  }
0xf8: {  	_ =	shalt  }

</sc_bundles>
